<compile_context>
chip_gen: v7x
topology: tpu7x:2x2x1
jax: 0.10.2.dev20260603
libtpu: 0.0.44.dev20260713+nightly
codegen_flags: <defaults>
</compile_context>

<pallas_src>
import jax
import jax.numpy as jnp
from jax import lax
from jax.experimental import pallas as pl
from jax.experimental.pallas import tpu as pltpu
from jax.experimental.pallas import tpu_sc as plsc

D = 32
NC = 2
NS = 16
NW = NC * NS
SUB = 128
SPC = 4
CH = SUB * SPC
GRP = 16


def _mf_body(ut, st, P, Q, Pb, Qb, out,
             uid_v, sid_v,
             p0, q0, pb0, qb0, o0,
             p1, q1, pb1, qb1, o1,
             g0, g1, os0, os1):
    L = ut.shape[0]
    nch = L // SPC
    wid = lax.axis_index("s") * NC + lax.axis_index("c")
    iota = lax.iota(jnp.int32, GRP)
    bufs = ((p0, q0, pb0, qb0, o0, g0, os0),
            (p1, q1, pb1, qb1, o1, g1, os1))

    pltpu.sync_copy(ut.at[pl.ds(0, L), pl.ds(wid * SUB, SUB)], uid_v)
    pltpu.sync_copy(st.at[pl.ds(0, L), pl.ds(wid * SUB, SUB)], sid_v)

    def fire(cc, k):
        p_v, q_v, pb_v, qb_v, _, gsem, _ = bufs[k]
        for j in range(SPC):
            row = cc * SPC + j
            dst = pl.ds(j * SUB, SUB)
            pltpu.async_copy(P.at[uid_v.at[row]], p_v.at[dst], gsem)
            pltpu.async_copy(Q.at[sid_v.at[row]], q_v.at[dst], gsem)
            pltpu.async_copy(Pb.at[uid_v.at[row]], pb_v.at[dst], gsem)
            pltpu.async_copy(Qb.at[sid_v.at[row]], qb_v.at[dst], gsem)

    def drain_gathers(cc, k):
        p_v, q_v, pb_v, qb_v, _, gsem, _ = bufs[k]
        for j in range(SPC):
            row = cc * SPC + j
            dst = pl.ds(j * SUB, SUB)
            pltpu.make_async_copy(P.at[uid_v.at[row]], p_v.at[dst], gsem).wait()
            pltpu.make_async_copy(Q.at[sid_v.at[row]], q_v.at[dst], gsem).wait()
            pltpu.make_async_copy(Pb.at[uid_v.at[row]], pb_v.at[dst],
                                  gsem).wait()
            pltpu.make_async_copy(Qb.at[sid_v.at[row]], qb_v.at[dst],
                                  gsem).wait()

    def drain_out(k):
        _, _, _, _, o_v, _, osem = bufs[k]
        pltpu.make_async_copy(
            o_v, out.at[pl.ds(0, SPC), pl.ds(0, SUB)], osem).wait()

    def compute(cc, k):
        p_v, q_v, pb_v, qb_v, o_v, _, _ = bufs[k]

        def grp_body(g, carry):
            hs = []
            for r in range(GRP):
                i = g * GRP + r
                p1 = p_v[i, pl.ds(0, GRP)]
                p2 = p_v[i, pl.ds(GRP, GRP)]
                q1 = q_v[i, pl.ds(0, GRP)]
                q2 = q_v[i, pl.ds(GRP, GRP)]
                hs.append(p1 * q1 + p2 * q2)
            for dist in (1, 2, 4, 8):
                perm = jnp.bitwise_xor(iota, dist)
                lmask = (iota & dist) == 0
                nxt = []
                for m in range(0, len(hs), 2):
                    pa = hs[m] + hs[m].at[perm].get(mode="promise_in_bounds")
                    pb_ = hs[m + 1] + hs[m + 1].at[perm].get(
                        mode="promise_in_bounds")
                    nxt.append(jnp.where(lmask, pa, pb_))
                hs = nxt
            acc = hs[0]
            pb = pb_v[pl.ds(g * GRP, GRP)]
            qb = qb_v[pl.ds(g * GRP, GRP)]
            idrow = cc * SPC + (g // 8)
            idoff = (g % 8) * GRP
            uu = uid_v[idrow, pl.ds(idoff, GRP)]
            ss = sid_v[idrow, pl.ds(idoff, GRP)]
            pmask = uu != 0
            qmask = ss != 0
            x = (jnp.where(pmask & qmask, acc, 0.0)
                 + jnp.where(pmask, pb, 0.0)
                 + jnp.where(qmask, qb, 0.0))
            o_v[g // 8, pl.ds(idoff, GRP)] = 1.0 / (1.0 + jnp.exp(-x))
            return carry

        lax.fori_loop(0, CH // GRP, grp_body, 0)

    fire(0, 0)
    fire(1, 1)

    @pl.loop(0, nch, step=2)
    def _loop(c):
        for k in range(2):
            cc = c + k
            _, _, _, _, o_v, _, osem = bufs[k]
            drain_gathers(cc, k)

            @pl.when(cc >= 2)
            def _():
                drain_out(k)

            compute(cc, k)
            pltpu.async_copy(
                o_v,
                out.at[pl.ds(cc * SPC, SPC), pl.ds(wid * SUB, SUB)],
                osem)

            @pl.when(cc + 2 < nch)
            def _():
                fire(cc + 2, k)

    drain_out(0)
    drain_out(1)


def kernel(user_id_sequence, skill_id_sequence, P, Q, P_bias, Q_bias):
    B, L = user_id_sequence.shape
    ut = user_id_sequence.T.astype(jnp.int32)
    st = skill_id_sequence.T.astype(jnp.int32)
    mesh = plsc.VectorSubcoreMesh(core_axis_name="c", subcore_axis_name="s")
    dbuf = []
    for _ in range(2):
        dbuf += [
            pltpu.VMEM((CH, D), jnp.float32),
            pltpu.VMEM((CH, D), jnp.float32),
            pltpu.VMEM((CH,), jnp.float32),
            pltpu.VMEM((CH,), jnp.float32),
            pltpu.VMEM((SPC, SUB), jnp.float32),
        ]
    kfn = pl.kernel(
        _mf_body,
        out_type=jax.ShapeDtypeStruct((L, B), jnp.float32),
        mesh=mesh,
        compiler_params=pltpu.CompilerParams(
            needs_layout_passes=False, use_tc_tiling_on_sc=False),
        scratch_types=[
            pltpu.VMEM((L, SUB), jnp.int32),
            pltpu.VMEM((L, SUB), jnp.int32),
        ] + dbuf + [
            pltpu.SemaphoreType.DMA,
            pltpu.SemaphoreType.DMA,
            pltpu.SemaphoreType.DMA,
            pltpu.SemaphoreType.DMA,
        ],
    )
    out2d = kfn(ut, st, P, Q, P_bias.reshape(-1), Q_bias.reshape(-1))
    return out2d.T[:, :, None]

# --- scband reference (transcript-rebuilt; emitter-appended) ---
"""Pipeline reference for scband-mf-18013092839819 (READ-ONLY COPY).

The authoritative reference and input builder live on the scoring server;
editing this copy changes nothing except your own understanding.
"""

import jax, jax.numpy as jnp
import numpy as np

USER_NUM = 1000000
SKILL_NUM = 100000
D = 32
B = 4096
L = 200


def setup_inputs(seed: int = 0) -> dict:
    key = jax.random.key(seed)
    ks = jax.random.split(key, 6)
    user_id_sequence = jax.random.randint(ks[0], (B, L), 0, USER_NUM)
    skill_id_sequence = jax.random.randint(ks[1], (B, L), 0, SKILL_NUM)
    P = jax.random.normal(ks[2], (USER_NUM + 1, D), dtype=jnp.float32) * 0.02
    Q = jax.random.normal(ks[3], (SKILL_NUM + 1, D), dtype=jnp.float32) * 0.02
    P_bias = jax.random.normal(ks[4], (USER_NUM + 1, 1), dtype=jnp.float32) * 0.02
    Q_bias = jax.random.normal(ks[5], (SKILL_NUM + 1, 1), dtype=jnp.float32) * 0.02
    return {
        "user_id_sequence": user_id_sequence,
        "skill_id_sequence": skill_id_sequence,
        "P": P,
        "Q": Q,
        "P_bias": P_bias,
        "Q_bias": Q_bias,
    }


def reference(user_id_sequence, skill_id_sequence, P, Q, P_bias, Q_bias):
    # emulate padding_idx=0: row 0 of every table is zero
    P = P.at[0].set(0.0)
    Q = Q.at[0].set(0.0)
    P_bias = P_bias.at[0].set(0.0)
    Q_bias = Q_bias.at[0].set(0.0)
    p = jnp.take(P, user_id_sequence, axis=0)          # [B, L, D]
    q = jnp.take(Q, skill_id_sequence, axis=0)         # [B, L, D]
    pb = jnp.take(P_bias, user_id_sequence, axis=0)    # [B, L, 1]
    qb = jnp.take(Q_bias, skill_id_sequence, axis=0)   # [B, L, 1]
    out = jnp.sum(p * q, axis=2, keepdims=True) + pb + qb
    return jax.nn.sigmoid(out)

if __name__ == "__main__":
    import jax
    _d = setup_inputs()
    print(jax.jit(kernel)(*tuple(_d.values())))

</pallas_src>

<mosaic_0001>
#map = affine_map<(d0, d1) -> (0, 0)>
#map1 = affine_map<(d0, d1) -> (0)>
module attributes {stable_mosaic.version = 14 : i64} {
  func.func @_mf_body(%arg0: i32, %arg1: i32, %arg2: memref<200x4096xi32, #tpu.memory_space<hbm>>, %arg3: memref<200x4096xi32, #tpu.memory_space<hbm>>, %arg4: memref<1000001x32xf32, #tpu.memory_space<hbm>>, %arg5: memref<100001x32xf32, #tpu.memory_space<hbm>>, %arg6: memref<1000001xf32, #tpu.memory_space<hbm>>, %arg7: memref<100001xf32, #tpu.memory_space<hbm>>, %arg8: memref<200x4096xf32, #tpu.memory_space<hbm>>, %arg9: memref<200x128xi32, #tpu.memory_space<vmem>>, %arg10: memref<200x128xi32, #tpu.memory_space<vmem>>, %arg11: memref<512x32xf32, #tpu.memory_space<vmem>>, %arg12: memref<512x32xf32, #tpu.memory_space<vmem>>, %arg13: memref<512xf32, #tpu.memory_space<vmem>>, %arg14: memref<512xf32, #tpu.memory_space<vmem>>, %arg15: memref<4x128xf32, #tpu.memory_space<vmem>>, %arg16: memref<512x32xf32, #tpu.memory_space<vmem>>, %arg17: memref<512x32xf32, #tpu.memory_space<vmem>>, %arg18: memref<512xf32, #tpu.memory_space<vmem>>, %arg19: memref<512xf32, #tpu.memory_space<vmem>>, %arg20: memref<4x128xf32, #tpu.memory_space<vmem>>, %arg21: memref<!tpu.dma_semaphore, #tpu.memory_space<semaphore_mem>>, %arg22: memref<!tpu.dma_semaphore, #tpu.memory_space<semaphore_mem>>, %arg23: memref<!tpu.dma_semaphore, #tpu.memory_space<semaphore_mem>>, %arg24: memref<!tpu.dma_semaphore, #tpu.memory_space<semaphore_mem>>) attributes {dimension_semantics = [#tpu.dimension_semantics<core_parallel>, #tpu.dimension_semantics<subcore_parallel>], iteration_bounds = array<i64: 2, 16>, scalar_prefetch = 0 : i64, scratch_operands = 16 : i64, tpu.core_type = #tpu.core_type<sc_vector_subcore>, window_params = [{transform_indices = #map}, {transform_indices = #map}, {transform_indices = #map}, {transform_indices = #map}, {transform_indices = #map1}, {transform_indices = #map1}, {transform_indices = #map}]} {
    %mul3A = arith.constant 2 : i32
    %mul3A_0 = arith.muli %arg1, %mul3A : i32
    %add3A = arith.addi %mul3A_0, %arg0 : i32
    %iota3A = tpu.iota {dimensions = array<i32: 0>} : vector<16xi32>
    %mul3A_1 = arith.constant 128 : i32
    %mul3A_2 = arith.muli %add3A, %mul3A_1 : i32
    "tpu.region"() ({
      %run_scoped3A = tpu.sem_alloc : memref<!tpu.dma_semaphore, #tpu.memory_space<semaphore_mem>>
      %dma_start3A_307 = arith.constant 0 : i32
      %dma_start3A_308 = tpu.memref_slice %arg2[%dma_start3A_307, %mul3A_2] : memref<200x4096xi32, #tpu.memory_space<hbm>> -> memref<200x128xi32, #tpu.memory_space<hbm>>
      %dma_start3A_309 = arith.constant 0 : i32
      %dma_start3A_310 = tpu.memref_slice %arg2[%dma_start3A_309, %mul3A_2] : memref<200x4096xi32, #tpu.memory_space<hbm>> -> memref<200x128xi32, #tpu.memory_space<hbm>>
      tpu.enqueue_dma source(%dma_start3A_310 : memref<200x128xi32, #tpu.memory_space<hbm>>) target(%arg9 : memref<200x128xi32, #tpu.memory_space<vmem>>) target_semaphore(%run_scoped3A : memref<!tpu.dma_semaphore, #tpu.memory_space<semaphore_mem>>)
      %dma_wait3A_311 = arith.constant 0 : i32
      %dma_wait3A_312 = tpu.memref_slice %arg2[%dma_wait3A_311, %mul3A_2] : memref<200x4096xi32, #tpu.memory_space<hbm>> -> memref<200x128xi32, #tpu.memory_space<hbm>>
      %dma_wait3A_313 = arith.constant 0 : i32
      %dma_wait3A_314 = tpu.memref_slice %arg2[%dma_wait3A_313, %mul3A_2] : memref<200x4096xi32, #tpu.memory_space<hbm>> -> memref<200x128xi32, #tpu.memory_space<hbm>>
      tpu.wait_dma2 semaphore(%run_scoped3A : memref<!tpu.dma_semaphore, #tpu.memory_space<semaphore_mem>>) src(%dma_wait3A_314 : memref<200x128xi32, #tpu.memory_space<hbm>>) dst(%arg9 : memref<200x128xi32, #tpu.memory_space<vmem>>)
      tpu.yield
    }) : () -> ()
    %mul3A_3 = arith.constant 128 : i32
    %mul3A_4 = arith.muli %add3A, %mul3A_3 : i32
    "tpu.region"() ({
      %run_scoped3A = tpu.sem_alloc : memref<!tpu.dma_semaphore, #tpu.memory_space<semaphore_mem>>
      %dma_start3A_307 = arith.constant 0 : i32
      %dma_start3A_308 = tpu.memref_slice %arg3[%dma_start3A_307, %mul3A_4] : memref<200x4096xi32, #tpu.memory_space<hbm>> -> memref<200x128xi32, #tpu.memory_space<hbm>>
      %dma_start3A_309 = arith.constant 0 : i32
      %dma_start3A_310 = tpu.memref_slice %arg3[%dma_start3A_309, %mul3A_4] : memref<200x4096xi32, #tpu.memory_space<hbm>> -> memref<200x128xi32, #tpu.memory_space<hbm>>
      tpu.enqueue_dma source(%dma_start3A_310 : memref<200x128xi32, #tpu.memory_space<hbm>>) target(%arg10 : memref<200x128xi32, #tpu.memory_space<vmem>>) target_semaphore(%run_scoped3A : memref<!tpu.dma_semaphore, #tpu.memory_space<semaphore_mem>>)
      %dma_wait3A_311 = arith.constant 0 : i32
      %dma_wait3A_312 = tpu.memref_slice %arg3[%dma_wait3A_311, %mul3A_4] : memref<200x4096xi32, #tpu.memory_space<hbm>> -> memref<200x128xi32, #tpu.memory_space<hbm>>
      %dma_wait3A_313 = arith.constant 0 : i32
      %dma_wait3A_314 = tpu.memref_slice %arg3[%dma_wait3A_313, %mul3A_4] : memref<200x4096xi32, #tpu.memory_space<hbm>> -> memref<200x128xi32, #tpu.memory_space<hbm>>
      tpu.wait_dma2 semaphore(%run_scoped3A : memref<!tpu.dma_semaphore, #tpu.memory_space<semaphore_mem>>) src(%dma_wait3A_314 : memref<200x128xi32, #tpu.memory_space<hbm>>) dst(%arg10 : memref<200x128xi32, #tpu.memory_space<vmem>>)
      tpu.yield
    }) : () -> ()
    %dma_start3A = arith.constant 0 : i32
    %dma_start3A_5 = arith.constant 0 : i32
    %dma_start3A_6 = arith.constant 0 : i32
    %dma_start3A_7 = tpu.memref_slice %arg11[%dma_start3A_5, %dma_start3A_6] : memref<512x32xf32, #tpu.memory_space<vmem>> -> memref<128x32xf32, #tpu.memory_space<vmem>>
    %dma_start3A_8 = arith.constant 0 : i32
    %dma_start3A_9 = tpu.memref_slice %arg9[%dma_start3A, %dma_start3A_8] : memref<200x128xi32, #tpu.memory_space<vmem>> -> memref<1x128xi32, #tpu.memory_space<vmem>>
    %dma_start3A_10 = tpu.memref_squeeze %dma_start3A_9 : memref<1x128xi32, #tpu.memory_space<vmem>> -> memref<128xi32, #tpu.memory_space<vmem>>
    %dma_start3A_11 = arith.constant 0 : i32
    %dma_start3A_12 = arith.constant 0 : i32
    %dma_start3A_13 = tpu.memref_slice %arg4[%dma_start3A_11, %dma_start3A_12] : memref<1000001x32xf32, #tpu.memory_space<hbm>> -> memref<1000001x32xf32, #tpu.memory_space<hbm>>
    tpu.enqueue_indirect_dma source(%dma_start3A_13 : memref<1000001x32xf32, #tpu.memory_space<hbm>>) target(%dma_start3A_7 : memref<128x32xf32, #tpu.memory_space<vmem>>) offsets(%dma_start3A_10 : memref<128xi32, #tpu.memory_space<vmem>>) semaphore(%arg21 : memref<!tpu.dma_semaphore, #tpu.memory_space<semaphore_mem>>)
    %dma_start3A_14 = arith.constant 0 : i32
    %dma_start3A_15 = arith.constant 0 : i32
    %dma_start3A_16 = arith.constant 0 : i32
    %dma_start3A_17 = tpu.memref_slice %arg12[%dma_start3A_15, %dma_start3A_16] : memref<512x32xf32, #tpu.memory_space<vmem>> -> memref<128x32xf32, #tpu.memory_space<vmem>>
    %dma_start3A_18 = arith.constant 0 : i32
    %dma_start3A_19 = tpu.memref_slice %arg10[%dma_start3A_14, %dma_start3A_18] : memref<200x128xi32, #tpu.memory_space<vmem>> -> memref<1x128xi32, #tpu.memory_space<vmem>>
    %dma_start3A_20 = tpu.memref_squeeze %dma_start3A_19 : memref<1x128xi32, #tpu.memory_space<vmem>> -> memref<128xi32, #tpu.memory_space<vmem>>
    %dma_start3A_21 = arith.constant 0 : i32
    %dma_start3A_22 = arith.constant 0 : i32
    %dma_start3A_23 = tpu.memref_slice %arg5[%dma_start3A_21, %dma_start3A_22] : memref<100001x32xf32, #tpu.memory_space<hbm>> -> memref<100001x32xf32, #tpu.memory_space<hbm>>
    tpu.enqueue_indirect_dma source(%dma_start3A_23 : memref<100001x32xf32, #tpu.memory_space<hbm>>) target(%dma_start3A_17 : memref<128x32xf32, #tpu.memory_space<vmem>>) offsets(%dma_start3A_20 : memref<128xi32, #tpu.memory_space<vmem>>) semaphore(%arg21 : memref<!tpu.dma_semaphore, #tpu.memory_space<semaphore_mem>>)
    %dma_start3A_24 = arith.constant 0 : i32
    %dma_start3A_25 = arith.constant 0 : i32
    %dma_start3A_26 = tpu.memref_slice %arg13[%dma_start3A_25] : memref<512xf32, #tpu.memory_space<vmem>> -> memref<128xf32, #tpu.memory_space<vmem>>
    %dma_start3A_27 = arith.constant 0 : i32
    %dma_start3A_28 = tpu.memref_slice %arg9[%dma_start3A_24, %dma_start3A_27] : memref<200x128xi32, #tpu.memory_space<vmem>> -> memref<1x128xi32, #tpu.memory_space<vmem>>
    %dma_start3A_29 = tpu.memref_squeeze %dma_start3A_28 : memref<1x128xi32, #tpu.memory_space<vmem>> -> memref<128xi32, #tpu.memory_space<vmem>>
    %dma_start3A_30 = arith.constant 0 : i32
    %dma_start3A_31 = tpu.memref_slice %arg6[%dma_start3A_30] : memref<1000001xf32, #tpu.memory_space<hbm>> -> memref<1000001xf32, #tpu.memory_space<hbm>>
    tpu.enqueue_indirect_dma source(%dma_start3A_31 : memref<1000001xf32, #tpu.memory_space<hbm>>) target(%dma_start3A_26 : memref<128xf32, #tpu.memory_space<vmem>>) offsets(%dma_start3A_29 : memref<128xi32, #tpu.memory_space<vmem>>) semaphore(%arg21 : memref<!tpu.dma_semaphore, #tpu.memory_space<semaphore_mem>>)
    %dma_start3A_32 = arith.constant 0 : i32
    %dma_start3A_33 = arith.constant 0 : i32
    %dma_start3A_34 = tpu.memref_slice %arg14[%dma_start3A_33] : memref<512xf32, #tpu.memory_space<vmem>> -> memref<128xf32, #tpu.memory_space<vmem>>
    %dma_start3A_35 = arith.constant 0 : i32
    %dma_start3A_36 = tpu.memref_slice %arg10[%dma_start3A_32, %dma_start3A_35] : memref<200x128xi32, #tpu.memory_space<vmem>> -> memref<1x128xi32, #tpu.memory_space<vmem>>
    %dma_start3A_37 = tpu.memref_squeeze %dma_start3A_36 : memref<1x128xi32, #tpu.memory_space<vmem>> -> memref<128xi32, #tpu.memory_space<vmem>>
    %dma_start3A_38 = arith.constant 0 : i32
    %dma_start3A_39 = tpu.memref_slice %arg7[%dma_start3A_38] : memref<100001xf32, #tpu.memory_space<hbm>> -> memref<100001xf32, #tpu.memory_space<hbm>>
    tpu.enqueue_indirect_dma source(%dma_start3A_39 : memref<100001xf32, #tpu.memory_space<hbm>>) target(%dma_start3A_34 : memref<128xf32, #tpu.memory_space<vmem>>) offsets(%dma_start3A_37 : memref<128xi32, #tpu.memory_space<vmem>>) semaphore(%arg21 : memref<!tpu.dma_semaphore, #tpu.memory_space<semaphore_mem>>)
    %dma_start3A_40 = arith.constant 1 : i32
    %dma_start3A_41 = arith.constant 128 : i32
    %dma_start3A_42 = arith.constant 0 : i32
    %dma_start3A_43 = tpu.memref_slice %arg11[%dma_start3A_41, %dma_start3A_42] : memref<512x32xf32, #tpu.memory_space<vmem>> -> memref<128x32xf32, #tpu.memory_space<vmem>>
    %dma_start3A_44 = arith.constant 0 : i32
    %dma_start3A_45 = tpu.memref_slice %arg9[%dma_start3A_40, %dma_start3A_44] : memref<200x128xi32, #tpu.memory_space<vmem>> -> memref<1x128xi32, #tpu.memory_space<vmem>>
    %dma_start3A_46 = tpu.memref_squeeze %dma_start3A_45 : memref<1x128xi32, #tpu.memory_space<vmem>> -> memref<128xi32, #tpu.memory_space<vmem>>
    %dma_start3A_47 = arith.constant 0 : i32
    %dma_start3A_48 = arith.constant 0 : i32
    %dma_start3A_49 = tpu.memref_slice %arg4[%dma_start3A_47, %dma_start3A_48] : memref<1000001x32xf32, #tpu.memory_space<hbm>> -> memref<1000001x32xf32, #tpu.memory_space<hbm>>
    tpu.enqueue_indirect_dma source(%dma_start3A_49 : memref<1000001x32xf32, #tpu.memory_space<hbm>>) target(%dma_start3A_43 : memref<128x32xf32, #tpu.memory_space<vmem>>) offsets(%dma_start3A_46 : memref<128xi32, #tpu.memory_space<vmem>>) semaphore(%arg21 : memref<!tpu.dma_semaphore, #tpu.memory_space<semaphore_mem>>)
    %dma_start3A_50 = arith.constant 1 : i32
    %dma_start3A_51 = arith.constant 128 : i32
    %dma_start3A_52 = arith.constant 0 : i32
    %dma_start3A_53 = tpu.memref_slice %arg12[%dma_start3A_51, %dma_start3A_52] : memref<512x32xf32, #tpu.memory_space<vmem>> -> memref<128x32xf32, #tpu.memory_space<vmem>>
    %dma_start3A_54 = arith.constant 0 : i32
    %dma_start3A_55 = tpu.memref_slice %arg10[%dma_start3A_50, %dma_start3A_54] : memref<200x128xi32, #tpu.memory_space<vmem>> -> memref<1x128xi32, #tpu.memory_space<vmem>>
    %dma_start3A_56 = tpu.memref_squeeze %dma_start3A_55 : memref<1x128xi32, #tpu.memory_space<vmem>> -> memref<128xi32, #tpu.memory_space<vmem>>
    %dma_start3A_57 = arith.constant 0 : i32
    %dma_start3A_58 = arith.constant 0 : i32
    %dma_start3A_59 = tpu.memref_slice %arg5[%dma_start3A_57, %dma_start3A_58] : memref<100001x32xf32, #tpu.memory_space<hbm>> -> memref<100001x32xf32, #tpu.memory_space<hbm>>
    tpu.enqueue_indirect_dma source(%dma_start3A_59 : memref<100001x32xf32, #tpu.memory_space<hbm>>) target(%dma_start3A_53 : memref<128x32xf32, #tpu.memory_space<vmem>>) offsets(%dma_start3A_56 : memref<128xi32, #tpu.memory_space<vmem>>) semaphore(%arg21 : memref<!tpu.dma_semaphore, #tpu.memory_space<semaphore_mem>>)
    %dma_start3A_60 = arith.constant 1 : i32
    %dma_start3A_61 = arith.constant 128 : i32
    %dma_start3A_62 = tpu.memref_slice %arg13[%dma_start3A_61] : memref<512xf32, #tpu.memory_space<vmem>> -> memref<128xf32, #tpu.memory_space<vmem>>
    %dma_start3A_63 = arith.constant 0 : i32
    %dma_start3A_64 = tpu.memref_slice %arg9[%dma_start3A_60, %dma_start3A_63] : memref<200x128xi32, #tpu.memory_space<vmem>> -> memref<1x128xi32, #tpu.memory_space<vmem>>
    %dma_start3A_65 = tpu.memref_squeeze %dma_start3A_64 : memref<1x128xi32, #tpu.memory_space<vmem>> -> memref<128xi32, #tpu.memory_space<vmem>>
    %dma_start3A_66 = arith.constant 0 : i32
    %dma_start3A_67 = tpu.memref_slice %arg6[%dma_start3A_66] : memref<1000001xf32, #tpu.memory_space<hbm>> -> memref<1000001xf32, #tpu.memory_space<hbm>>
    tpu.enqueue_indirect_dma source(%dma_start3A_67 : memref<1000001xf32, #tpu.memory_space<hbm>>) target(%dma_start3A_62 : memref<128xf32, #tpu.memory_space<vmem>>) offsets(%dma_start3A_65 : memref<128xi32, #tpu.memory_space<vmem>>) semaphore(%arg21 : memref<!tpu.dma_semaphore, #tpu.memory_space<semaphore_mem>>)
    %dma_start3A_68 = arith.constant 1 : i32
    %dma_start3A_69 = arith.constant 128 : i32
    %dma_start3A_70 = tpu.memref_slice %arg14[%dma_start3A_69] : memref<512xf32, #tpu.memory_space<vmem>> -> memref<128xf32, #tpu.memory_space<vmem>>
    %dma_start3A_71 = arith.constant 0 : i32
    %dma_start3A_72 = tpu.memref_slice %arg10[%dma_start3A_68, %dma_start3A_71] : memref<200x128xi32, #tpu.memory_space<vmem>> -> memref<1x128xi32, #tpu.memory_space<vmem>>
    %dma_start3A_73 = tpu.memref_squeeze %dma_start3A_72 : memref<1x128xi32, #tpu.memory_space<vmem>> -> memref<128xi32, #tpu.memory_space<vmem>>
    %dma_start3A_74 = arith.constant 0 : i32
    %dma_start3A_75 = tpu.memref_slice %arg7[%dma_start3A_74] : memref<100001xf32, #tpu.memory_space<hbm>> -> memref<100001xf32, #tpu.memory_space<hbm>>
    tpu.enqueue_indirect_dma source(%dma_start3A_75 : memref<100001xf32, #tpu.memory_space<hbm>>) target(%dma_start3A_70 : memref<128xf32, #tpu.memory_space<vmem>>) offsets(%dma_start3A_73 : memref<128xi32, #tpu.memory_space<vmem>>) semaphore(%arg21 : memref<!tpu.dma_semaphore, #tpu.memory_space<semaphore_mem>>)
    %dma_start3A_76 = arith.constant 2 : i32
    %dma_start3A_77 = arith.constant 256 : i32
    %dma_start3A_78 = arith.constant 0 : i32
    %dma_start3A_79 = tpu.memref_slice %arg11[%dma_start3A_77, %dma_start3A_78] : memref<512x32xf32, #tpu.memory_space<vmem>> -> memref<128x32xf32, #tpu.memory_space<vmem>>
    %dma_start3A_80 = arith.constant 0 : i32
    %dma_start3A_81 = tpu.memref_slice %arg9[%dma_start3A_76, %dma_start3A_80] : memref<200x128xi32, #tpu.memory_space<vmem>> -> memref<1x128xi32, #tpu.memory_space<vmem>>
    %dma_start3A_82 = tpu.memref_squeeze %dma_start3A_81 : memref<1x128xi32, #tpu.memory_space<vmem>> -> memref<128xi32, #tpu.memory_space<vmem>>
    %dma_start3A_83 = arith.constant 0 : i32
    %dma_start3A_84 = arith.constant 0 : i32
    %dma_start3A_85 = tpu.memref_slice %arg4[%dma_start3A_83, %dma_start3A_84] : memref<1000001x32xf32, #tpu.memory_space<hbm>> -> memref<1000001x32xf32, #tpu.memory_space<hbm>>
    tpu.enqueue_indirect_dma source(%dma_start3A_85 : memref<1000001x32xf32, #tpu.memory_space<hbm>>) target(%dma_start3A_79 : memref<128x32xf32, #tpu.memory_space<vmem>>) offsets(%dma_start3A_82 : memref<128xi32, #tpu.memory_space<vmem>>) semaphore(%arg21 : memref<!tpu.dma_semaphore, #tpu.memory_space<semaphore_mem>>)
    %dma_start3A_86 = arith.constant 2 : i32
    %dma_start3A_87 = arith.constant 256 : i32
    %dma_start3A_88 = arith.constant 0 : i32
    %dma_start3A_89 = tpu.memref_slice %arg12[%dma_start3A_87, %dma_start3A_88] : memref<512x32xf32, #tpu.memory_space<vmem>> -> memref<128x32xf32, #tpu.memory_space<vmem>>
    %dma_start3A_90 = arith.constant 0 : i32
    %dma_start3A_91 = tpu.memref_slice %arg10[%dma_start3A_86, %dma_start3A_90] : memref<200x128xi32, #tpu.memory_space<vmem>> -> memref<1x128xi32, #tpu.memory_space<vmem>>
    %dma_start3A_92 = tpu.memref_squeeze %dma_start3A_91 : memref<1x128xi32, #tpu.memory_space<vmem>> -> memref<128xi32, #tpu.memory_space<vmem>>
    %dma_start3A_93 = arith.constant 0 : i32
    %dma_start3A_94 = arith.constant 0 : i32
    %dma_start3A_95 = tpu.memref_slice %arg5[%dma_start3A_93, %dma_start3A_94] : memref<100001x32xf32, #tpu.memory_space<hbm>> -> memref<100001x32xf32, #tpu.memory_space<hbm>>
    tpu.enqueue_indirect_dma source(%dma_start3A_95 : memref<100001x32xf32, #tpu.memory_space<hbm>>) target(%dma_start3A_89 : memref<128x32xf32, #tpu.memory_space<vmem>>) offsets(%dma_start3A_92 : memref<128xi32, #tpu.memory_space<vmem>>) semaphore(%arg21 : memref<!tpu.dma_semaphore, #tpu.memory_space<semaphore_mem>>)
    %dma_start3A_96 = arith.constant 2 : i32
    %dma_start3A_97 = arith.constant 256 : i32
    %dma_start3A_98 = tpu.memref_slice %arg13[%dma_start3A_97] : memref<512xf32, #tpu.memory_space<vmem>> -> memref<128xf32, #tpu.memory_space<vmem>>
    %dma_start3A_99 = arith.constant 0 : i32
    %dma_start3A_100 = tpu.memref_slice %arg9[%dma_start3A_96, %dma_start3A_99] : memref<200x128xi32, #tpu.memory_space<vmem>> -> memref<1x128xi32, #tpu.memory_space<vmem>>
    %dma_start3A_101 = tpu.memref_squeeze %dma_start3A_100 : memref<1x128xi32, #tpu.memory_space<vmem>> -> memref<128xi32, #tpu.memory_space<vmem>>
    %dma_start3A_102 = arith.constant 0 : i32
    %dma_start3A_103 = tpu.memref_slice %arg6[%dma_start3A_102] : memref<1000001xf32, #tpu.memory_space<hbm>> -> memref<1000001xf32, #tpu.memory_space<hbm>>
    tpu.enqueue_indirect_dma source(%dma_start3A_103 : memref<1000001xf32, #tpu.memory_space<hbm>>) target(%dma_start3A_98 : memref<128xf32, #tpu.memory_space<vmem>>) offsets(%dma_start3A_101 : memref<128xi32, #tpu.memory_space<vmem>>) semaphore(%arg21 : memref<!tpu.dma_semaphore, #tpu.memory_space<semaphore_mem>>)
    %dma_start3A_104 = arith.constant 2 : i32
    %dma_start3A_105 = arith.constant 256 : i32
    %dma_start3A_106 = tpu.memref_slice %arg14[%dma_start3A_105] : memref<512xf32, #tpu.memory_space<vmem>> -> memref<128xf32, #tpu.memory_space<vmem>>
    %dma_start3A_107 = arith.constant 0 : i32
    %dma_start3A_108 = tpu.memref_slice %arg10[%dma_start3A_104, %dma_start3A_107] : memref<200x128xi32, #tpu.memory_space<vmem>> -> memref<1x128xi32, #tpu.memory_space<vmem>>
    %dma_start3A_109 = tpu.memref_squeeze %dma_start3A_108 : memref<1x128xi32, #tpu.memory_space<vmem>> -> memref<128xi32, #tpu.memory_space<vmem>>
    %dma_start3A_110 = arith.constant 0 : i32
    %dma_start3A_111 = tpu.memref_slice %arg7[%dma_start3A_110] : memref<100001xf32, #tpu.memory_space<hbm>> -> memref<100001xf32, #tpu.memory_space<hbm>>
    tpu.enqueue_indirect_dma source(%dma_start3A_111 : memref<100001xf32, #tpu.memory_space<hbm>>) target(%dma_start3A_106 : memref<128xf32, #tpu.memory_space<vmem>>) offsets(%dma_start3A_109 : memref<128xi32, #tpu.memory_space<vmem>>) semaphore(%arg21 : memref<!tpu.dma_semaphore, #tpu.memory_space<semaphore_mem>>)
    %dma_start3A_112 = arith.constant 3 : i32
    %dma_start3A_113 = arith.constant 384 : i32
    %dma_start3A_114 = arith.constant 0 : i32
    %dma_start3A_115 = tpu.memref_slice %arg11[%dma_start3A_113, %dma_start3A_114] : memref<512x32xf32, #tpu.memory_space<vmem>> -> memref<128x32xf32, #tpu.memory_space<vmem>>
    %dma_start3A_116 = arith.constant 0 : i32
    %dma_start3A_117 = tpu.memref_slice %arg9[%dma_start3A_112, %dma_start3A_116] : memref<200x128xi32, #tpu.memory_space<vmem>> -> memref<1x128xi32, #tpu.memory_space<vmem>>
    %dma_start3A_118 = tpu.memref_squeeze %dma_start3A_117 : memref<1x128xi32, #tpu.memory_space<vmem>> -> memref<128xi32, #tpu.memory_space<vmem>>
    %dma_start3A_119 = arith.constant 0 : i32
    %dma_start3A_120 = arith.constant 0 : i32
    %dma_start3A_121 = tpu.memref_slice %arg4[%dma_start3A_119, %dma_start3A_120] : memref<1000001x32xf32, #tpu.memory_space<hbm>> -> memref<1000001x32xf32, #tpu.memory_space<hbm>>
    tpu.enqueue_indirect_dma source(%dma_start3A_121 : memref<1000001x32xf32, #tpu.memory_space<hbm>>) target(%dma_start3A_115 : memref<128x32xf32, #tpu.memory_space<vmem>>) offsets(%dma_start3A_118 : memref<128xi32, #tpu.memory_space<vmem>>) semaphore(%arg21 : memref<!tpu.dma_semaphore, #tpu.memory_space<semaphore_mem>>)
    %dma_start3A_122 = arith.constant 3 : i32
    %dma_start3A_123 = arith.constant 384 : i32
    %dma_start3A_124 = arith.constant 0 : i32
    %dma_start3A_125 = tpu.memref_slice %arg12[%dma_start3A_123, %dma_start3A_124] : memref<512x32xf32, #tpu.memory_space<vmem>> -> memref<128x32xf32, #tpu.memory_space<vmem>>
    %dma_start3A_126 = arith.constant 0 : i32
    %dma_start3A_127 = tpu.memref_slice %arg10[%dma_start3A_122, %dma_start3A_126] : memref<200x128xi32, #tpu.memory_space<vmem>> -> memref<1x128xi32, #tpu.memory_space<vmem>>
    %dma_start3A_128 = tpu.memref_squeeze %dma_start3A_127 : memref<1x128xi32, #tpu.memory_space<vmem>> -> memref<128xi32, #tpu.memory_space<vmem>>
    %dma_start3A_129 = arith.constant 0 : i32
    %dma_start3A_130 = arith.constant 0 : i32
    %dma_start3A_131 = tpu.memref_slice %arg5[%dma_start3A_129, %dma_start3A_130] : memref<100001x32xf32, #tpu.memory_space<hbm>> -> memref<100001x32xf32, #tpu.memory_space<hbm>>
    tpu.enqueue_indirect_dma source(%dma_start3A_131 : memref<100001x32xf32, #tpu.memory_space<hbm>>) target(%dma_start3A_125 : memref<128x32xf32, #tpu.memory_space<vmem>>) offsets(%dma_start3A_128 : memref<128xi32, #tpu.memory_space<vmem>>) semaphore(%arg21 : memref<!tpu.dma_semaphore, #tpu.memory_space<semaphore_mem>>)
    %dma_start3A_132 = arith.constant 3 : i32
    %dma_start3A_133 = arith.constant 384 : i32
    %dma_start3A_134 = tpu.memref_slice %arg13[%dma_start3A_133] : memref<512xf32, #tpu.memory_space<vmem>> -> memref<128xf32, #tpu.memory_space<vmem>>
    %dma_start3A_135 = arith.constant 0 : i32
    %dma_start3A_136 = tpu.memref_slice %arg9[%dma_start3A_132, %dma_start3A_135] : memref<200x128xi32, #tpu.memory_space<vmem>> -> memref<1x128xi32, #tpu.memory_space<vmem>>
    %dma_start3A_137 = tpu.memref_squeeze %dma_start3A_136 : memref<1x128xi32, #tpu.memory_space<vmem>> -> memref<128xi32, #tpu.memory_space<vmem>>
    %dma_start3A_138 = arith.constant 0 : i32
    %dma_start3A_139 = tpu.memref_slice %arg6[%dma_start3A_138] : memref<1000001xf32, #tpu.memory_space<hbm>> -> memref<1000001xf32, #tpu.memory_space<hbm>>
    tpu.enqueue_indirect_dma source(%dma_start3A_139 : memref<1000001xf32, #tpu.memory_space<hbm>>) target(%dma_start3A_134 : memref<128xf32, #tpu.memory_space<vmem>>) offsets(%dma_start3A_137 : memref<128xi32, #tpu.memory_space<vmem>>) semaphore(%arg21 : memref<!tpu.dma_semaphore, #tpu.memory_space<semaphore_mem>>)
    %dma_start3A_140 = arith.constant 3 : i32
    %dma_start3A_141 = arith.constant 384 : i32
    %dma_start3A_142 = tpu.memref_slice %arg14[%dma_start3A_141] : memref<512xf32, #tpu.memory_space<vmem>> -> memref<128xf32, #tpu.memory_space<vmem>>
    %dma_start3A_143 = arith.constant 0 : i32
    %dma_start3A_144 = tpu.memref_slice %arg10[%dma_start3A_140, %dma_start3A_143] : memref<200x128xi32, #tpu.memory_space<vmem>> -> memref<1x128xi32, #tpu.memory_space<vmem>>
    %dma_start3A_145 = tpu.memref_squeeze %dma_start3A_144 : memref<1x128xi32, #tpu.memory_space<vmem>> -> memref<128xi32, #tpu.memory_space<vmem>>
    %dma_start3A_146 = arith.constant 0 : i32
    %dma_start3A_147 = tpu.memref_slice %arg7[%dma_start3A_146] : memref<100001xf32, #tpu.memory_space<hbm>> -> memref<100001xf32, #tpu.memory_space<hbm>>
    tpu.enqueue_indirect_dma source(%dma_start3A_147 : memref<100001xf32, #tpu.memory_space<hbm>>) target(%dma_start3A_142 : memref<128xf32, #tpu.memory_space<vmem>>) offsets(%dma_start3A_145 : memref<128xi32, #tpu.memory_space<vmem>>) semaphore(%arg21 : memref<!tpu.dma_semaphore, #tpu.memory_space<semaphore_mem>>)
    %dma_start3A_148 = arith.constant 4 : i32
    %dma_start3A_149 = arith.constant 0 : i32
    %dma_start3A_150 = arith.constant 0 : i32
    %dma_start3A_151 = tpu.memref_slice %arg16[%dma_start3A_149, %dma_start3A_150] : memref<512x32xf32, #tpu.memory_space<vmem>> -> memref<128x32xf32, #tpu.memory_space<vmem>>
    %dma_start3A_152 = arith.constant 0 : i32
    %dma_start3A_153 = tpu.memref_slice %arg9[%dma_start3A_148, %dma_start3A_152] : memref<200x128xi32, #tpu.memory_space<vmem>> -> memref<1x128xi32, #tpu.memory_space<vmem>>
    %dma_start3A_154 = tpu.memref_squeeze %dma_start3A_153 : memref<1x128xi32, #tpu.memory_space<vmem>> -> memref<128xi32, #tpu.memory_space<vmem>>
    %dma_start3A_155 = arith.constant 0 : i32
    %dma_start3A_156 = arith.constant 0 : i32
    %dma_start3A_157 = tpu.memref_slice %arg4[%dma_start3A_155, %dma_start3A_156] : memref<1000001x32xf32, #tpu.memory_space<hbm>> -> memref<1000001x32xf32, #tpu.memory_space<hbm>>
    tpu.enqueue_indirect_dma source(%dma_start3A_157 : memref<1000001x32xf32, #tpu.memory_space<hbm>>) target(%dma_start3A_151 : memref<128x32xf32, #tpu.memory_space<vmem>>) offsets(%dma_start3A_154 : memref<128xi32, #tpu.memory_space<vmem>>) semaphore(%arg22 : memref<!tpu.dma_semaphore, #tpu.memory_space<semaphore_mem>>)
    %dma_start3A_158 = arith.constant 4 : i32
    %dma_start3A_159 = arith.constant 0 : i32
    %dma_start3A_160 = arith.constant 0 : i32
    %dma_start3A_161 = tpu.memref_slice %arg17[%dma_start3A_159, %dma_start3A_160] : memref<512x32xf32, #tpu.memory_space<vmem>> -> memref<128x32xf32, #tpu.memory_space<vmem>>
    %dma_start3A_162 = arith.constant 0 : i32
    %dma_start3A_163 = tpu.memref_slice %arg10[%dma_start3A_158, %dma_start3A_162] : memref<200x128xi32, #tpu.memory_space<vmem>> -> memref<1x128xi32, #tpu.memory_space<vmem>>
    %dma_start3A_164 = tpu.memref_squeeze %dma_start3A_163 : memref<1x128xi32, #tpu.memory_space<vmem>> -> memref<128xi32, #tpu.memory_space<vmem>>
    %dma_start3A_165 = arith.constant 0 : i32
    %dma_start3A_166 = arith.constant 0 : i32
    %dma_start3A_167 = tpu.memref_slice %arg5[%dma_start3A_165, %dma_start3A_166] : memref<100001x32xf32, #tpu.memory_space<hbm>> -> memref<100001x32xf32, #tpu.memory_space<hbm>>
    tpu.enqueue_indirect_dma source(%dma_start3A_167 : memref<100001x32xf32, #tpu.memory_space<hbm>>) target(%dma_start3A_161 : memref<128x32xf32, #tpu.memory_space<vmem>>) offsets(%dma_start3A_164 : memref<128xi32, #tpu.memory_space<vmem>>) semaphore(%arg22 : memref<!tpu.dma_semaphore, #tpu.memory_space<semaphore_mem>>)
    %dma_start3A_168 = arith.constant 4 : i32
    %dma_start3A_169 = arith.constant 0 : i32
    %dma_start3A_170 = tpu.memref_slice %arg18[%dma_start3A_169] : memref<512xf32, #tpu.memory_space<vmem>> -> memref<128xf32, #tpu.memory_space<vmem>>
    %dma_start3A_171 = arith.constant 0 : i32
    %dma_start3A_172 = tpu.memref_slice %arg9[%dma_start3A_168, %dma_start3A_171] : memref<200x128xi32, #tpu.memory_space<vmem>> -> memref<1x128xi32, #tpu.memory_space<vmem>>
    %dma_start3A_173 = tpu.memref_squeeze %dma_start3A_172 : memref<1x128xi32, #tpu.memory_space<vmem>> -> memref<128xi32, #tpu.memory_space<vmem>>
    %dma_start3A_174 = arith.constant 0 : i32
    %dma_start3A_175 = tpu.memref_slice %arg6[%dma_start3A_174] : memref<1000001xf32, #tpu.memory_space<hbm>> -> memref<1000001xf32, #tpu.memory_space<hbm>>
    tpu.enqueue_indirect_dma source(%dma_start3A_175 : memref<1000001xf32, #tpu.memory_space<hbm>>) target(%dma_start3A_170 : memref<128xf32, #tpu.memory_space<vmem>>) offsets(%dma_start3A_173 : memref<128xi32, #tpu.memory_space<vmem>>) semaphore(%arg22 : memref<!tpu.dma_semaphore, #tpu.memory_space<semaphore_mem>>)
    %dma_start3A_176 = arith.constant 4 : i32
    %dma_start3A_177 = arith.constant 0 : i32
    %dma_start3A_178 = tpu.memref_slice %arg19[%dma_start3A_177] : memref<512xf32, #tpu.memory_space<vmem>> -> memref<128xf32, #tpu.memory_space<vmem>>
    %dma_start3A_179 = arith.constant 0 : i32
    %dma_start3A_180 = tpu.memref_slice %arg10[%dma_start3A_176, %dma_start3A_179] : memref<200x128xi32, #tpu.memory_space<vmem>> -> memref<1x128xi32, #tpu.memory_space<vmem>>
    %dma_start3A_181 = tpu.memref_squeeze %dma_start3A_180 : memref<1x128xi32, #tpu.memory_space<vmem>> -> memref<128xi32, #tpu.memory_space<vmem>>
    %dma_start3A_182 = arith.constant 0 : i32
    %dma_start3A_183 = tpu.memref_slice %arg7[%dma_start3A_182] : memref<100001xf32, #tpu.memory_space<hbm>> -> memref<100001xf32, #tpu.memory_space<hbm>>
    tpu.enqueue_indirect_dma source(%dma_start3A_183 : memref<100001xf32, #tpu.memory_space<hbm>>) target(%dma_start3A_178 : memref<128xf32, #tpu.memory_space<vmem>>) offsets(%dma_start3A_181 : memref<128xi32, #tpu.memory_space<vmem>>) semaphore(%arg22 : memref<!tpu.dma_semaphore, #tpu.memory_space<semaphore_mem>>)
    %dma_start3A_184 = arith.constant 5 : i32
    %dma_start3A_185 = arith.constant 128 : i32
    %dma_start3A_186 = arith.constant 0 : i32
    %dma_start3A_187 = tpu.memref_slice %arg16[%dma_start3A_185, %dma_start3A_186] : memref<512x32xf32, #tpu.memory_space<vmem>> -> memref<128x32xf32, #tpu.memory_space<vmem>>
    %dma_start3A_188 = arith.constant 0 : i32
    %dma_start3A_189 = tpu.memref_slice %arg9[%dma_start3A_184, %dma_start3A_188] : memref<200x128xi32, #tpu.memory_space<vmem>> -> memref<1x128xi32, #tpu.memory_space<vmem>>
    %dma_start3A_190 = tpu.memref_squeeze %dma_start3A_189 : memref<1x128xi32, #tpu.memory_space<vmem>> -> memref<128xi32, #tpu.memory_space<vmem>>
    %dma_start3A_191 = arith.constant 0 : i32
    %dma_start3A_192 = arith.constant 0 : i32
    %dma_start3A_193 = tpu.memref_slice %arg4[%dma_start3A_191, %dma_start3A_192] : memref<1000001x32xf32, #tpu.memory_space<hbm>> -> memref<1000001x32xf32, #tpu.memory_space<hbm>>
    tpu.enqueue_indirect_dma source(%dma_start3A_193 : memref<1000001x32xf32, #tpu.memory_space<hbm>>) target(%dma_start3A_187 : memref<128x32xf32, #tpu.memory_space<vmem>>) offsets(%dma_start3A_190 : memref<128xi32, #tpu.memory_space<vmem>>) semaphore(%arg22 : memref<!tpu.dma_semaphore, #tpu.memory_space<semaphore_mem>>)
    %dma_start3A_194 = arith.constant 5 : i32
    %dma_start3A_195 = arith.constant 128 : i32
    %dma_start3A_196 = arith.constant 0 : i32
    %dma_start3A_197 = tpu.memref_slice %arg17[%dma_start3A_195, %dma_start3A_196] : memref<512x32xf32, #tpu.memory_space<vmem>> -> memref<128x32xf32, #tpu.memory_space<vmem>>
    %dma_start3A_198 = arith.constant 0 : i32
    %dma_start3A_199 = tpu.memref_slice %arg10[%dma_start3A_194, %dma_start3A_198] : memref<200x128xi32, #tpu.memory_space<vmem>> -> memref<1x128xi32, #tpu.memory_space<vmem>>
    %dma_start3A_200 = tpu.memref_squeeze %dma_start3A_199 : memref<1x128xi32, #tpu.memory_space<vmem>> -> memref<128xi32, #tpu.memory_space<vmem>>
    %dma_start3A_201 = arith.constant 0 : i32
    %dma_start3A_202 = arith.constant 0 : i32
    %dma_start3A_203 = tpu.memref_slice %arg5[%dma_start3A_201, %dma_start3A_202] : memref<100001x32xf32, #tpu.memory_space<hbm>> -> memref<100001x32xf32, #tpu.memory_space<hbm>>
    tpu.enqueue_indirect_dma source(%dma_start3A_203 : memref<100001x32xf32, #tpu.memory_space<hbm>>) target(%dma_start3A_197 : memref<128x32xf32, #tpu.memory_space<vmem>>) offsets(%dma_start3A_200 : memref<128xi32, #tpu.memory_space<vmem>>) semaphore(%arg22 : memref<!tpu.dma_semaphore, #tpu.memory_space<semaphore_mem>>)
    %dma_start3A_204 = arith.constant 5 : i32
    %dma_start3A_205 = arith.constant 128 : i32
    %dma_start3A_206 = tpu.memref_slice %arg18[%dma_start3A_205] : memref<512xf32, #tpu.memory_space<vmem>> -> memref<128xf32, #tpu.memory_space<vmem>>
    %dma_start3A_207 = arith.constant 0 : i32
    %dma_start3A_208 = tpu.memref_slice %arg9[%dma_start3A_204, %dma_start3A_207] : memref<200x128xi32, #tpu.memory_space<vmem>> -> memref<1x128xi32, #tpu.memory_space<vmem>>
    %dma_start3A_209 = tpu.memref_squeeze %dma_start3A_208 : memref<1x128xi32, #tpu.memory_space<vmem>> -> memref<128xi32, #tpu.memory_space<vmem>>
    %dma_start3A_210 = arith.constant 0 : i32
    %dma_start3A_211 = tpu.memref_slice %arg6[%dma_start3A_210] : memref<1000001xf32, #tpu.memory_space<hbm>> -> memref<1000001xf32, #tpu.memory_space<hbm>>
    tpu.enqueue_indirect_dma source(%dma_start3A_211 : memref<1000001xf32, #tpu.memory_space<hbm>>) target(%dma_start3A_206 : memref<128xf32, #tpu.memory_space<vmem>>) offsets(%dma_start3A_209 : memref<128xi32, #tpu.memory_space<vmem>>) semaphore(%arg22 : memref<!tpu.dma_semaphore, #tpu.memory_space<semaphore_mem>>)
    %dma_start3A_212 = arith.constant 5 : i32
    %dma_start3A_213 = arith.constant 128 : i32
    %dma_start3A_214 = tpu.memref_slice %arg19[%dma_start3A_213] : memref<512xf32, #tpu.memory_space<vmem>> -> memref<128xf32, #tpu.memory_space<vmem>>
    %dma_start3A_215 = arith.constant 0 : i32
    %dma_start3A_216 = tpu.memref_slice %arg10[%dma_start3A_212, %dma_start3A_215] : memref<200x128xi32, #tpu.memory_space<vmem>> -> memref<1x128xi32, #tpu.memory_space<vmem>>
    %dma_start3A_217 = tpu.memref_squeeze %dma_start3A_216 : memref<1x128xi32, #tpu.memory_space<vmem>> -> memref<128xi32, #tpu.memory_space<vmem>>
    %dma_start3A_218 = arith.constant 0 : i32
    %dma_start3A_219 = tpu.memref_slice %arg7[%dma_start3A_218] : memref<100001xf32, #tpu.memory_space<hbm>> -> memref<100001xf32, #tpu.memory_space<hbm>>
    tpu.enqueue_indirect_dma source(%dma_start3A_219 : memref<100001xf32, #tpu.memory_space<hbm>>) target(%dma_start3A_214 : memref<128xf32, #tpu.memory_space<vmem>>) offsets(%dma_start3A_217 : memref<128xi32, #tpu.memory_space<vmem>>) semaphore(%arg22 : memref<!tpu.dma_semaphore, #tpu.memory_space<semaphore_mem>>)
    %dma_start3A_220 = arith.constant 6 : i32
    %dma_start3A_221 = arith.constant 256 : i32
    %dma_start3A_222 = arith.constant 0 : i32
    %dma_start3A_223 = tpu.memref_slice %arg16[%dma_start3A_221, %dma_start3A_222] : memref<512x32xf32, #tpu.memory_space<vmem>> -> memref<128x32xf32, #tpu.memory_space<vmem>>
    %dma_start3A_224 = arith.constant 0 : i32
    %dma_start3A_225 = tpu.memref_slice %arg9[%dma_start3A_220, %dma_start3A_224] : memref<200x128xi32, #tpu.memory_space<vmem>> -> memref<1x128xi32, #tpu.memory_space<vmem>>
    %dma_start3A_226 = tpu.memref_squeeze %dma_start3A_225 : memref<1x128xi32, #tpu.memory_space<vmem>> -> memref<128xi32, #tpu.memory_space<vmem>>
    %dma_start3A_227 = arith.constant 0 : i32
    %dma_start3A_228 = arith.constant 0 : i32
    %dma_start3A_229 = tpu.memref_slice %arg4[%dma_start3A_227, %dma_start3A_228] : memref<1000001x32xf32, #tpu.memory_space<hbm>> -> memref<1000001x32xf32, #tpu.memory_space<hbm>>
    tpu.enqueue_indirect_dma source(%dma_start3A_229 : memref<1000001x32xf32, #tpu.memory_space<hbm>>) target(%dma_start3A_223 : memref<128x32xf32, #tpu.memory_space<vmem>>) offsets(%dma_start3A_226 : memref<128xi32, #tpu.memory_space<vmem>>) semaphore(%arg22 : memref<!tpu.dma_semaphore, #tpu.memory_space<semaphore_mem>>)
    %dma_start3A_230 = arith.constant 6 : i32
    %dma_start3A_231 = arith.constant 256 : i32
    %dma_start3A_232 = arith.constant 0 : i32
    %dma_start3A_233 = tpu.memref_slice %arg17[%dma_start3A_231, %dma_start3A_232] : memref<512x32xf32, #tpu.memory_space<vmem>> -> memref<128x32xf32, #tpu.memory_space<vmem>>
    %dma_start3A_234 = arith.constant 0 : i32
    %dma_start3A_235 = tpu.memref_slice %arg10[%dma_start3A_230, %dma_start3A_234] : memref<200x128xi32, #tpu.memory_space<vmem>> -> memref<1x128xi32, #tpu.memory_space<vmem>>
    %dma_start3A_236 = tpu.memref_squeeze %dma_start3A_235 : memref<1x128xi32, #tpu.memory_space<vmem>> -> memref<128xi32, #tpu.memory_space<vmem>>
    %dma_start3A_237 = arith.constant 0 : i32
    %dma_start3A_238 = arith.constant 0 : i32
    %dma_start3A_239 = tpu.memref_slice %arg5[%dma_start3A_237, %dma_start3A_238] : memref<100001x32xf32, #tpu.memory_space<hbm>> -> memref<100001x32xf32, #tpu.memory_space<hbm>>
    tpu.enqueue_indirect_dma source(%dma_start3A_239 : memref<100001x32xf32, #tpu.memory_space<hbm>>) target(%dma_start3A_233 : memref<128x32xf32, #tpu.memory_space<vmem>>) offsets(%dma_start3A_236 : memref<128xi32, #tpu.memory_space<vmem>>) semaphore(%arg22 : memref<!tpu.dma_semaphore, #tpu.memory_space<semaphore_mem>>)
    %dma_start3A_240 = arith.constant 6 : i32
    %dma_start3A_241 = arith.constant 256 : i32
    %dma_start3A_242 = tpu.memref_slice %arg18[%dma_start3A_241] : memref<512xf32, #tpu.memory_space<vmem>> -> memref<128xf32, #tpu.memory_space<vmem>>
    %dma_start3A_243 = arith.constant 0 : i32
    %dma_start3A_244 = tpu.memref_slice %arg9[%dma_start3A_240, %dma_start3A_243] : memref<200x128xi32, #tpu.memory_space<vmem>> -> memref<1x128xi32, #tpu.memory_space<vmem>>
    %dma_start3A_245 = tpu.memref_squeeze %dma_start3A_244 : memref<1x128xi32, #tpu.memory_space<vmem>> -> memref<128xi32, #tpu.memory_space<vmem>>
    %dma_start3A_246 = arith.constant 0 : i32
    %dma_start3A_247 = tpu.memref_slice %arg6[%dma_start3A_246] : memref<1000001xf32, #tpu.memory_space<hbm>> -> memref<1000001xf32, #tpu.memory_space<hbm>>
    tpu.enqueue_indirect_dma source(%dma_start3A_247 : memref<1000001xf32, #tpu.memory_space<hbm>>) target(%dma_start3A_242 : memref<128xf32, #tpu.memory_space<vmem>>) offsets(%dma_start3A_245 : memref<128xi32, #tpu.memory_space<vmem>>) semaphore(%arg22 : memref<!tpu.dma_semaphore, #tpu.memory_space<semaphore_mem>>)
    %dma_start3A_248 = arith.constant 6 : i32
    %dma_start3A_249 = arith.constant 256 : i32
    %dma_start3A_250 = tpu.memref_slice %arg19[%dma_start3A_249] : memref<512xf32, #tpu.memory_space<vmem>> -> memref<128xf32, #tpu.memory_space<vmem>>
    %dma_start3A_251 = arith.constant 0 : i32
    %dma_start3A_252 = tpu.memref_slice %arg10[%dma_start3A_248, %dma_start3A_251] : memref<200x128xi32, #tpu.memory_space<vmem>> -> memref<1x128xi32, #tpu.memory_space<vmem>>
    %dma_start3A_253 = tpu.memref_squeeze %dma_start3A_252 : memref<1x128xi32, #tpu.memory_space<vmem>> -> memref<128xi32, #tpu.memory_space<vmem>>
    %dma_start3A_254 = arith.constant 0 : i32
    %dma_start3A_255 = tpu.memref_slice %arg7[%dma_start3A_254] : memref<100001xf32, #tpu.memory_space<hbm>> -> memref<100001xf32, #tpu.memory_space<hbm>>
    tpu.enqueue_indirect_dma source(%dma_start3A_255 : memref<100001xf32, #tpu.memory_space<hbm>>) target(%dma_start3A_250 : memref<128xf32, #tpu.memory_space<vmem>>) offsets(%dma_start3A_253 : memref<128xi32, #tpu.memory_space<vmem>>) semaphore(%arg22 : memref<!tpu.dma_semaphore, #tpu.memory_space<semaphore_mem>>)
    %dma_start3A_256 = arith.constant 7 : i32
    %dma_start3A_257 = arith.constant 384 : i32
    %dma_start3A_258 = arith.constant 0 : i32
    %dma_start3A_259 = tpu.memref_slice %arg16[%dma_start3A_257, %dma_start3A_258] : memref<512x32xf32, #tpu.memory_space<vmem>> -> memref<128x32xf32, #tpu.memory_space<vmem>>
    %dma_start3A_260 = arith.constant 0 : i32
    %dma_start3A_261 = tpu.memref_slice %arg9[%dma_start3A_256, %dma_start3A_260] : memref<200x128xi32, #tpu.memory_space<vmem>> -> memref<1x128xi32, #tpu.memory_space<vmem>>
    %dma_start3A_262 = tpu.memref_squeeze %dma_start3A_261 : memref<1x128xi32, #tpu.memory_space<vmem>> -> memref<128xi32, #tpu.memory_space<vmem>>
    %dma_start3A_263 = arith.constant 0 : i32
    %dma_start3A_264 = arith.constant 0 : i32
    %dma_start3A_265 = tpu.memref_slice %arg4[%dma_start3A_263, %dma_start3A_264] : memref<1000001x32xf32, #tpu.memory_space<hbm>> -> memref<1000001x32xf32, #tpu.memory_space<hbm>>
    tpu.enqueue_indirect_dma source(%dma_start3A_265 : memref<1000001x32xf32, #tpu.memory_space<hbm>>) target(%dma_start3A_259 : memref<128x32xf32, #tpu.memory_space<vmem>>) offsets(%dma_start3A_262 : memref<128xi32, #tpu.memory_space<vmem>>) semaphore(%arg22 : memref<!tpu.dma_semaphore, #tpu.memory_space<semaphore_mem>>)
    %dma_start3A_266 = arith.constant 7 : i32
    %dma_start3A_267 = arith.constant 384 : i32
    %dma_start3A_268 = arith.constant 0 : i32
    %dma_start3A_269 = tpu.memref_slice %arg17[%dma_start3A_267, %dma_start3A_268] : memref<512x32xf32, #tpu.memory_space<vmem>> -> memref<128x32xf32, #tpu.memory_space<vmem>>
    %dma_start3A_270 = arith.constant 0 : i32
    %dma_start3A_271 = tpu.memref_slice %arg10[%dma_start3A_266, %dma_start3A_270] : memref<200x128xi32, #tpu.memory_space<vmem>> -> memref<1x128xi32, #tpu.memory_space<vmem>>
    %dma_start3A_272 = tpu.memref_squeeze %dma_start3A_271 : memref<1x128xi32, #tpu.memory_space<vmem>> -> memref<128xi32, #tpu.memory_space<vmem>>
    %dma_start3A_273 = arith.constant 0 : i32
    %dma_start3A_274 = arith.constant 0 : i32
    %dma_start3A_275 = tpu.memref_slice %arg5[%dma_start3A_273, %dma_start3A_274] : memref<100001x32xf32, #tpu.memory_space<hbm>> -> memref<100001x32xf32, #tpu.memory_space<hbm>>
    tpu.enqueue_indirect_dma source(%dma_start3A_275 : memref<100001x32xf32, #tpu.memory_space<hbm>>) target(%dma_start3A_269 : memref<128x32xf32, #tpu.memory_space<vmem>>) offsets(%dma_start3A_272 : memref<128xi32, #tpu.memory_space<vmem>>) semaphore(%arg22 : memref<!tpu.dma_semaphore, #tpu.memory_space<semaphore_mem>>)
    %dma_start3A_276 = arith.constant 7 : i32
    %dma_start3A_277 = arith.constant 384 : i32
    %dma_start3A_278 = tpu.memref_slice %arg18[%dma_start3A_277] : memref<512xf32, #tpu.memory_space<vmem>> -> memref<128xf32, #tpu.memory_space<vmem>>
    %dma_start3A_279 = arith.constant 0 : i32
    %dma_start3A_280 = tpu.memref_slice %arg9[%dma_start3A_276, %dma_start3A_279] : memref<200x128xi32, #tpu.memory_space<vmem>> -> memref<1x128xi32, #tpu.memory_space<vmem>>
    %dma_start3A_281 = tpu.memref_squeeze %dma_start3A_280 : memref<1x128xi32, #tpu.memory_space<vmem>> -> memref<128xi32, #tpu.memory_space<vmem>>
    %dma_start3A_282 = arith.constant 0 : i32
    %dma_start3A_283 = tpu.memref_slice %arg6[%dma_start3A_282] : memref<1000001xf32, #tpu.memory_space<hbm>> -> memref<1000001xf32, #tpu.memory_space<hbm>>
    tpu.enqueue_indirect_dma source(%dma_start3A_283 : memref<1000001xf32, #tpu.memory_space<hbm>>) target(%dma_start3A_278 : memref<128xf32, #tpu.memory_space<vmem>>) offsets(%dma_start3A_281 : memref<128xi32, #tpu.memory_space<vmem>>) semaphore(%arg22 : memref<!tpu.dma_semaphore, #tpu.memory_space<semaphore_mem>>)
    %dma_start3A_284 = arith.constant 7 : i32
    %dma_start3A_285 = arith.constant 384 : i32
    %dma_start3A_286 = tpu.memref_slice %arg19[%dma_start3A_285] : memref<512xf32, #tpu.memory_space<vmem>> -> memref<128xf32, #tpu.memory_space<vmem>>
    %dma_start3A_287 = arith.constant 0 : i32
    %dma_start3A_288 = tpu.memref_slice %arg10[%dma_start3A_284, %dma_start3A_287] : memref<200x128xi32, #tpu.memory_space<vmem>> -> memref<1x128xi32, #tpu.memory_space<vmem>>
    %dma_start3A_289 = tpu.memref_squeeze %dma_start3A_288 : memref<1x128xi32, #tpu.memory_space<vmem>> -> memref<128xi32, #tpu.memory_space<vmem>>
    %dma_start3A_290 = arith.constant 0 : i32
    %dma_start3A_291 = tpu.memref_slice %arg7[%dma_start3A_290] : memref<100001xf32, #tpu.memory_space<hbm>> -> memref<100001xf32, #tpu.memory_space<hbm>>
    tpu.enqueue_indirect_dma source(%dma_start3A_291 : memref<100001xf32, #tpu.memory_space<hbm>>) target(%dma_start3A_286 : memref<128xf32, #tpu.memory_space<vmem>>) offsets(%dma_start3A_289 : memref<128xi32, #tpu.memory_space<vmem>>) semaphore(%arg22 : memref<!tpu.dma_semaphore, #tpu.memory_space<semaphore_mem>>)
    %scan3A = arith.constant 0 : i32
    %scan3A_292 = arith.constant 25 : i32
    %scan3A_293 = arith.addi %scan3A, %scan3A_292 : i32
    %scan3A_294 = arith.constant 1 : i32
    scf.for %scan3A_307 = %scan3A to %scan3A_293 step %scan3A_294  : i32 {
      %mul3A_308 = arith.constant 2 : i32
      %mul3A_309 = arith.muli %scan3A_307, %mul3A_308 : i32
      %add3A_310 = arith.constant 0 : i32
      %add3A_311 = arith.addi %add3A_310, %mul3A_309 : i32
      %add3A_312 = arith.constant 0 : i32
      %add3A_313 = arith.addi %add3A_311, %add3A_312 : i32
      %mul3A_314 = arith.constant 4 : i32
      %mul3A_315 = arith.muli %add3A_313, %mul3A_314 : i32
      %add3A_316 = arith.constant 0 : i32
      %add3A_317 = arith.addi %mul3A_315, %add3A_316 : i32
      %dma_wait3A_318 = arith.constant 0 : i32
      %dma_wait3A_319 = arith.constant 0 : i32
      %dma_wait3A_320 = tpu.memref_slice %arg11[%dma_wait3A_318, %dma_wait3A_319] : memref<512x32xf32, #tpu.memory_space<vmem>> -> memref<128x32xf32, #tpu.memory_space<vmem>>
      %dma_wait3A_321 = arith.constant 0 : i32
      %dma_wait3A_322 = tpu.memref_slice %arg9[%add3A_317, %dma_wait3A_321] : memref<200x128xi32, #tpu.memory_space<vmem>> -> memref<1x128xi32, #tpu.memory_space<vmem>>
      %dma_wait3A_323 = tpu.memref_squeeze %dma_wait3A_322 : memref<1x128xi32, #tpu.memory_space<vmem>> -> memref<128xi32, #tpu.memory_space<vmem>>
      %dma_wait3A_324 = arith.constant 0 : i32
      %dma_wait3A_325 = arith.constant 0 : i32
      %dma_wait3A_326 = tpu.memref_slice %arg4[%dma_wait3A_324, %dma_wait3A_325] : memref<1000001x32xf32, #tpu.memory_space<hbm>> -> memref<1000001x32xf32, #tpu.memory_space<hbm>>
      tpu.wait_indirect_dma semaphore(%arg21 : memref<!tpu.dma_semaphore, #tpu.memory_space<semaphore_mem>>) src(%dma_wait3A_326 : memref<1000001x32xf32, #tpu.memory_space<hbm>>) dst(%dma_wait3A_320 : memref<128x32xf32, #tpu.memory_space<vmem>>)
      %dma_wait3A_327 = arith.constant 0 : i32
      %dma_wait3A_328 = arith.constant 0 : i32
      %dma_wait3A_329 = tpu.memref_slice %arg12[%dma_wait3A_327, %dma_wait3A_328] : memref<512x32xf32, #tpu.memory_space<vmem>> -> memref<128x32xf32, #tpu.memory_space<vmem>>
      %dma_wait3A_330 = arith.constant 0 : i32
      %dma_wait3A_331 = tpu.memref_slice %arg10[%add3A_317, %dma_wait3A_330] : memref<200x128xi32, #tpu.memory_space<vmem>> -> memref<1x128xi32, #tpu.memory_space<vmem>>
      %dma_wait3A_332 = tpu.memref_squeeze %dma_wait3A_331 : memref<1x128xi32, #tpu.memory_space<vmem>> -> memref<128xi32, #tpu.memory_space<vmem>>
      %dma_wait3A_333 = arith.constant 0 : i32
      %dma_wait3A_334 = arith.constant 0 : i32
      %dma_wait3A_335 = tpu.memref_slice %arg5[%dma_wait3A_333, %dma_wait3A_334] : memref<100001x32xf32, #tpu.memory_space<hbm>> -> memref<100001x32xf32, #tpu.memory_space<hbm>>
      tpu.wait_indirect_dma semaphore(%arg21 : memref<!tpu.dma_semaphore, #tpu.memory_space<semaphore_mem>>) src(%dma_wait3A_335 : memref<100001x32xf32, #tpu.memory_space<hbm>>) dst(%dma_wait3A_329 : memref<128x32xf32, #tpu.memory_space<vmem>>)
      %dma_wait3A_336 = arith.constant 0 : i32
      %dma_wait3A_337 = tpu.memref_slice %arg13[%dma_wait3A_336] : memref<512xf32, #tpu.memory_space<vmem>> -> memref<128xf32, #tpu.memory_space<vmem>>
      %dma_wait3A_338 = arith.constant 0 : i32
      %dma_wait3A_339 = tpu.memref_slice %arg9[%add3A_317, %dma_wait3A_338] : memref<200x128xi32, #tpu.memory_space<vmem>> -> memref<1x128xi32, #tpu.memory_space<vmem>>
      %dma_wait3A_340 = tpu.memref_squeeze %dma_wait3A_339 : memref<1x128xi32, #tpu.memory_space<vmem>> -> memref<128xi32, #tpu.memory_space<vmem>>
      %dma_wait3A_341 = arith.constant 0 : i32
      %dma_wait3A_342 = tpu.memref_slice %arg6[%dma_wait3A_341] : memref<1000001xf32, #tpu.memory_space<hbm>> -> memref<1000001xf32, #tpu.memory_space<hbm>>
      tpu.wait_indirect_dma semaphore(%arg21 : memref<!tpu.dma_semaphore, #tpu.memory_space<semaphore_mem>>) src(%dma_wait3A_342 : memref<1000001xf32, #tpu.memory_space<hbm>>) dst(%dma_wait3A_337 : memref<128xf32, #tpu.memory_space<vmem>>)
      %dma_wait3A_343 = arith.constant 0 : i32
      %dma_wait3A_344 = tpu.memref_slice %arg14[%dma_wait3A_343] : memref<512xf32, #tpu.memory_space<vmem>> -> memref<128xf32, #tpu.memory_space<vmem>>
      %dma_wait3A_345 = arith.constant 0 : i32
      %dma_wait3A_346 = tpu.memref_slice %arg10[%add3A_317, %dma_wait3A_345] : memref<200x128xi32, #tpu.memory_space<vmem>> -> memref<1x128xi32, #tpu.memory_space<vmem>>
      %dma_wait3A_347 = tpu.memref_squeeze %dma_wait3A_346 : memref<1x128xi32, #tpu.memory_space<vmem>> -> memref<128xi32, #tpu.memory_space<vmem>>
      %dma_wait3A_348 = arith.constant 0 : i32
      %dma_wait3A_349 = tpu.memref_slice %arg7[%dma_wait3A_348] : memref<100001xf32, #tpu.memory_space<hbm>> -> memref<100001xf32, #tpu.memory_space<hbm>>
      tpu.wait_indirect_dma semaphore(%arg21 : memref<!tpu.dma_semaphore, #tpu.memory_space<semaphore_mem>>) src(%dma_wait3A_349 : memref<100001xf32, #tpu.memory_space<hbm>>) dst(%dma_wait3A_344 : memref<128xf32, #tpu.memory_space<vmem>>)
      %mul3A_350 = arith.constant 4 : i32
      %mul3A_351 = arith.muli %add3A_313, %mul3A_350 : i32
      %add3A_352 = arith.constant 1 : i32
      %add3A_353 = arith.addi %mul3A_351, %add3A_352 : i32
      %dma_wait3A_354 = arith.constant 128 : i32
      %dma_wait3A_355 = arith.constant 0 : i32
      %dma_wait3A_356 = tpu.memref_slice %arg11[%dma_wait3A_354, %dma_wait3A_355] : memref<512x32xf32, #tpu.memory_space<vmem>> -> memref<128x32xf32, #tpu.memory_space<vmem>>
      %dma_wait3A_357 = arith.constant 0 : i32
      %dma_wait3A_358 = tpu.memref_slice %arg9[%add3A_353, %dma_wait3A_357] : memref<200x128xi32, #tpu.memory_space<vmem>> -> memref<1x128xi32, #tpu.memory_space<vmem>>
      %dma_wait3A_359 = tpu.memref_squeeze %dma_wait3A_358 : memref<1x128xi32, #tpu.memory_space<vmem>> -> memref<128xi32, #tpu.memory_space<vmem>>
      %dma_wait3A_360 = arith.constant 0 : i32
      %dma_wait3A_361 = arith.constant 0 : i32
      %dma_wait3A_362 = tpu.memref_slice %arg4[%dma_wait3A_360, %dma_wait3A_361] : memref<1000001x32xf32, #tpu.memory_space<hbm>> -> memref<1000001x32xf32, #tpu.memory_space<hbm>>
      tpu.wait_indirect_dma semaphore(%arg21 : memref<!tpu.dma_semaphore, #tpu.memory_space<semaphore_mem>>) src(%dma_wait3A_362 : memref<1000001x32xf32, #tpu.memory_space<hbm>>) dst(%dma_wait3A_356 : memref<128x32xf32, #tpu.memory_space<vmem>>)
      %dma_wait3A_363 = arith.constant 128 : i32
      %dma_wait3A_364 = arith.constant 0 : i32
      %dma_wait3A_365 = tpu.memref_slice %arg12[%dma_wait3A_363, %dma_wait3A_364] : memref<512x32xf32, #tpu.memory_space<vmem>> -> memref<128x32xf32, #tpu.memory_space<vmem>>
      %dma_wait3A_366 = arith.constant 0 : i32
      %dma_wait3A_367 = tpu.memref_slice %arg10[%add3A_353, %dma_wait3A_366] : memref<200x128xi32, #tpu.memory_space<vmem>> -> memref<1x128xi32, #tpu.memory_space<vmem>>
      %dma_wait3A_368 = tpu.memref_squeeze %dma_wait3A_367 : memref<1x128xi32, #tpu.memory_space<vmem>> -> memref<128xi32, #tpu.memory_space<vmem>>
      %dma_wait3A_369 = arith.constant 0 : i32
      %dma_wait3A_370 = arith.constant 0 : i32
      %dma_wait3A_371 = tpu.memref_slice %arg5[%dma_wait3A_369, %dma_wait3A_370] : memref<100001x32xf32, #tpu.memory_space<hbm>> -> memref<100001x32xf32, #tpu.memory_space<hbm>>
      tpu.wait_indirect_dma semaphore(%arg21 : memref<!tpu.dma_semaphore, #tpu.memory_space<semaphore_mem>>) src(%dma_wait3A_371 : memref<100001x32xf32, #tpu.memory_space<hbm>>) dst(%dma_wait3A_365 : memref<128x32xf32, #tpu.memory_space<vmem>>)
      %dma_wait3A_372 = arith.constant 128 : i32
      %dma_wait3A_373 = tpu.memref_slice %arg13[%dma_wait3A_372] : memref<512xf32, #tpu.memory_space<vmem>> -> memref<128xf32, #tpu.memory_space<vmem>>
      %dma_wait3A_374 = arith.constant 0 : i32
      %dma_wait3A_375 = tpu.memref_slice %arg9[%add3A_353, %dma_wait3A_374] : memref<200x128xi32, #tpu.memory_space<vmem>> -> memref<1x128xi32, #tpu.memory_space<vmem>>
      %dma_wait3A_376 = tpu.memref_squeeze %dma_wait3A_375 : memref<1x128xi32, #tpu.memory_space<vmem>> -> memref<128xi32, #tpu.memory_space<vmem>>
      %dma_wait3A_377 = arith.constant 0 : i32
      %dma_wait3A_378 = tpu.memref_slice %arg6[%dma_wait3A_377] : memref<1000001xf32, #tpu.memory_space<hbm>> -> memref<1000001xf32, #tpu.memory_space<hbm>>
      tpu.wait_indirect_dma semaphore(%arg21 : memref<!tpu.dma_semaphore, #tpu.memory_space<semaphore_mem>>) src(%dma_wait3A_378 : memref<1000001xf32, #tpu.memory_space<hbm>>) dst(%dma_wait3A_373 : memref<128xf32, #tpu.memory_space<vmem>>)
      %dma_wait3A_379 = arith.constant 128 : i32
      %dma_wait3A_380 = tpu.memref_slice %arg14[%dma_wait3A_379] : memref<512xf32, #tpu.memory_space<vmem>> -> memref<128xf32, #tpu.memory_space<vmem>>
      %dma_wait3A_381 = arith.constant 0 : i32
      %dma_wait3A_382 = tpu.memref_slice %arg10[%add3A_353, %dma_wait3A_381] : memref<200x128xi32, #tpu.memory_space<vmem>> -> memref<1x128xi32, #tpu.memory_space<vmem>>
      %dma_wait3A_383 = tpu.memref_squeeze %dma_wait3A_382 : memref<1x128xi32, #tpu.memory_space<vmem>> -> memref<128xi32, #tpu.memory_space<vmem>>
      %dma_wait3A_384 = arith.constant 0 : i32
      %dma_wait3A_385 = tpu.memref_slice %arg7[%dma_wait3A_384] : memref<100001xf32, #tpu.memory_space<hbm>> -> memref<100001xf32, #tpu.memory_space<hbm>>
      tpu.wait_indirect_dma semaphore(%arg21 : memref<!tpu.dma_semaphore, #tpu.memory_space<semaphore_mem>>) src(%dma_wait3A_385 : memref<100001xf32, #tpu.memory_space<hbm>>) dst(%dma_wait3A_380 : memref<128xf32, #tpu.memory_space<vmem>>)
      %mul3A_386 = arith.constant 4 : i32
      %mul3A_387 = arith.muli %add3A_313, %mul3A_386 : i32
      %add3A_388 = arith.constant 2 : i32
      %add3A_389 = arith.addi %mul3A_387, %add3A_388 : i32
      %dma_wait3A_390 = arith.constant 256 : i32
      %dma_wait3A_391 = arith.constant 0 : i32
      %dma_wait3A_392 = tpu.memref_slice %arg11[%dma_wait3A_390, %dma_wait3A_391] : memref<512x32xf32, #tpu.memory_space<vmem>> -> memref<128x32xf32, #tpu.memory_space<vmem>>
      %dma_wait3A_393 = arith.constant 0 : i32
      %dma_wait3A_394 = tpu.memref_slice %arg9[%add3A_389, %dma_wait3A_393] : memref<200x128xi32, #tpu.memory_space<vmem>> -> memref<1x128xi32, #tpu.memory_space<vmem>>
      %dma_wait3A_395 = tpu.memref_squeeze %dma_wait3A_394 : memref<1x128xi32, #tpu.memory_space<vmem>> -> memref<128xi32, #tpu.memory_space<vmem>>
      %dma_wait3A_396 = arith.constant 0 : i32
      %dma_wait3A_397 = arith.constant 0 : i32
      %dma_wait3A_398 = tpu.memref_slice %arg4[%dma_wait3A_396, %dma_wait3A_397] : memref<1000001x32xf32, #tpu.memory_space<hbm>> -> memref<1000001x32xf32, #tpu.memory_space<hbm>>
      tpu.wait_indirect_dma semaphore(%arg21 : memref<!tpu.dma_semaphore, #tpu.memory_space<semaphore_mem>>) src(%dma_wait3A_398 : memref<1000001x32xf32, #tpu.memory_space<hbm>>) dst(%dma_wait3A_392 : memref<128x32xf32, #tpu.memory_space<vmem>>)
      %dma_wait3A_399 = arith.constant 256 : i32
      %dma_wait3A_400 = arith.constant 0 : i32
      %dma_wait3A_401 = tpu.memref_slice %arg12[%dma_wait3A_399, %dma_wait3A_400] : memref<512x32xf32, #tpu.memory_space<vmem>> -> memref<128x32xf32, #tpu.memory_space<vmem>>
      %dma_wait3A_402 = arith.constant 0 : i32
      %dma_wait3A_403 = tpu.memref_slice %arg10[%add3A_389, %dma_wait3A_402] : memref<200x128xi32, #tpu.memory_space<vmem>> -> memref<1x128xi32, #tpu.memory_space<vmem>>
      %dma_wait3A_404 = tpu.memref_squeeze %dma_wait3A_403 : memref<1x128xi32, #tpu.memory_space<vmem>> -> memref<128xi32, #tpu.memory_space<vmem>>
      %dma_wait3A_405 = arith.constant 0 : i32
      %dma_wait3A_406 = arith.constant 0 : i32
      %dma_wait3A_407 = tpu.memref_slice %arg5[%dma_wait3A_405, %dma_wait3A_406] : memref<100001x32xf32, #tpu.memory_space<hbm>> -> memref<100001x32xf32, #tpu.memory_space<hbm>>
      tpu.wait_indirect_dma semaphore(%arg21 : memref<!tpu.dma_semaphore, #tpu.memory_space<semaphore_mem>>) src(%dma_wait3A_407 : memref<100001x32xf32, #tpu.memory_space<hbm>>) dst(%dma_wait3A_401 : memref<128x32xf32, #tpu.memory_space<vmem>>)
      %dma_wait3A_408 = arith.constant 256 : i32
      %dma_wait3A_409 = tpu.memref_slice %arg13[%dma_wait3A_408] : memref<512xf32, #tpu.memory_space<vmem>> -> memref<128xf32, #tpu.memory_space<vmem>>
      %dma_wait3A_410 = arith.constant 0 : i32
      %dma_wait3A_411 = tpu.memref_slice %arg9[%add3A_389, %dma_wait3A_410] : memref<200x128xi32, #tpu.memory_space<vmem>> -> memref<1x128xi32, #tpu.memory_space<vmem>>
      %dma_wait3A_412 = tpu.memref_squeeze %dma_wait3A_411 : memref<1x128xi32, #tpu.memory_space<vmem>> -> memref<128xi32, #tpu.memory_space<vmem>>
      %dma_wait3A_413 = arith.constant 0 : i32
      %dma_wait3A_414 = tpu.memref_slice %arg6[%dma_wait3A_413] : memref<1000001xf32, #tpu.memory_space<hbm>> -> memref<1000001xf32, #tpu.memory_space<hbm>>
      tpu.wait_indirect_dma semaphore(%arg21 : memref<!tpu.dma_semaphore, #tpu.memory_space<semaphore_mem>>) src(%dma_wait3A_414 : memref<1000001xf32, #tpu.memory_space<hbm>>) dst(%dma_wait3A_409 : memref<128xf32, #tpu.memory_space<vmem>>)
      %dma_wait3A_415 = arith.constant 256 : i32
      %dma_wait3A_416 = tpu.memref_slice %arg14[%dma_wait3A_415] : memref<512xf32, #tpu.memory_space<vmem>> -> memref<128xf32, #tpu.memory_space<vmem>>
      %dma_wait3A_417 = arith.constant 0 : i32
      %dma_wait3A_418 = tpu.memref_slice %arg10[%add3A_389, %dma_wait3A_417] : memref<200x128xi32, #tpu.memory_space<vmem>> -> memref<1x128xi32, #tpu.memory_space<vmem>>
      %dma_wait3A_419 = tpu.memref_squeeze %dma_wait3A_418 : memref<1x128xi32, #tpu.memory_space<vmem>> -> memref<128xi32, #tpu.memory_space<vmem>>
      %dma_wait3A_420 = arith.constant 0 : i32
      %dma_wait3A_421 = tpu.memref_slice %arg7[%dma_wait3A_420] : memref<100001xf32, #tpu.memory_space<hbm>> -> memref<100001xf32, #tpu.memory_space<hbm>>
      tpu.wait_indirect_dma semaphore(%arg21 : memref<!tpu.dma_semaphore, #tpu.memory_space<semaphore_mem>>) src(%dma_wait3A_421 : memref<100001xf32, #tpu.memory_space<hbm>>) dst(%dma_wait3A_416 : memref<128xf32, #tpu.memory_space<vmem>>)
      %mul3A_422 = arith.constant 4 : i32
      %mul3A_423 = arith.muli %add3A_313, %mul3A_422 : i32
      %add3A_424 = arith.constant 3 : i32
      %add3A_425 = arith.addi %mul3A_423, %add3A_424 : i32
      %dma_wait3A_426 = arith.constant 384 : i32
      %dma_wait3A_427 = arith.constant 0 : i32
      %dma_wait3A_428 = tpu.memref_slice %arg11[%dma_wait3A_426, %dma_wait3A_427] : memref<512x32xf32, #tpu.memory_space<vmem>> -> memref<128x32xf32, #tpu.memory_space<vmem>>
      %dma_wait3A_429 = arith.constant 0 : i32
      %dma_wait3A_430 = tpu.memref_slice %arg9[%add3A_425, %dma_wait3A_429] : memref<200x128xi32, #tpu.memory_space<vmem>> -> memref<1x128xi32, #tpu.memory_space<vmem>>
      %dma_wait3A_431 = tpu.memref_squeeze %dma_wait3A_430 : memref<1x128xi32, #tpu.memory_space<vmem>> -> memref<128xi32, #tpu.memory_space<vmem>>
      %dma_wait3A_432 = arith.constant 0 : i32
      %dma_wait3A_433 = arith.constant 0 : i32
      %dma_wait3A_434 = tpu.memref_slice %arg4[%dma_wait3A_432, %dma_wait3A_433] : memref<1000001x32xf32, #tpu.memory_space<hbm>> -> memref<1000001x32xf32, #tpu.memory_space<hbm>>
      tpu.wait_indirect_dma semaphore(%arg21 : memref<!tpu.dma_semaphore, #tpu.memory_space<semaphore_mem>>) src(%dma_wait3A_434 : memref<1000001x32xf32, #tpu.memory_space<hbm>>) dst(%dma_wait3A_428 : memref<128x32xf32, #tpu.memory_space<vmem>>)
      %dma_wait3A_435 = arith.constant 384 : i32
      %dma_wait3A_436 = arith.constant 0 : i32
      %dma_wait3A_437 = tpu.memref_slice %arg12[%dma_wait3A_435, %dma_wait3A_436] : memref<512x32xf32, #tpu.memory_space<vmem>> -> memref<128x32xf32, #tpu.memory_space<vmem>>
      %dma_wait3A_438 = arith.constant 0 : i32
      %dma_wait3A_439 = tpu.memref_slice %arg10[%add3A_425, %dma_wait3A_438] : memref<200x128xi32, #tpu.memory_space<vmem>> -> memref<1x128xi32, #tpu.memory_space<vmem>>
      %dma_wait3A_440 = tpu.memref_squeeze %dma_wait3A_439 : memref<1x128xi32, #tpu.memory_space<vmem>> -> memref<128xi32, #tpu.memory_space<vmem>>
      %dma_wait3A_441 = arith.constant 0 : i32
      %dma_wait3A_442 = arith.constant 0 : i32
      %dma_wait3A_443 = tpu.memref_slice %arg5[%dma_wait3A_441, %dma_wait3A_442] : memref<100001x32xf32, #tpu.memory_space<hbm>> -> memref<100001x32xf32, #tpu.memory_space<hbm>>
      tpu.wait_indirect_dma semaphore(%arg21 : memref<!tpu.dma_semaphore, #tpu.memory_space<semaphore_mem>>) src(%dma_wait3A_443 : memref<100001x32xf32, #tpu.memory_space<hbm>>) dst(%dma_wait3A_437 : memref<128x32xf32, #tpu.memory_space<vmem>>)
      %dma_wait3A_444 = arith.constant 384 : i32
      %dma_wait3A_445 = tpu.memref_slice %arg13[%dma_wait3A_444] : memref<512xf32, #tpu.memory_space<vmem>> -> memref<128xf32, #tpu.memory_space<vmem>>
      %dma_wait3A_446 = arith.constant 0 : i32
      %dma_wait3A_447 = tpu.memref_slice %arg9[%add3A_425, %dma_wait3A_446] : memref<200x128xi32, #tpu.memory_space<vmem>> -> memref<1x128xi32, #tpu.memory_space<vmem>>
      %dma_wait3A_448 = tpu.memref_squeeze %dma_wait3A_447 : memref<1x128xi32, #tpu.memory_space<vmem>> -> memref<128xi32, #tpu.memory_space<vmem>>
      %dma_wait3A_449 = arith.constant 0 : i32
      %dma_wait3A_450 = tpu.memref_slice %arg6[%dma_wait3A_449] : memref<1000001xf32, #tpu.memory_space<hbm>> -> memref<1000001xf32, #tpu.memory_space<hbm>>
      tpu.wait_indirect_dma semaphore(%arg21 : memref<!tpu.dma_semaphore, #tpu.memory_space<semaphore_mem>>) src(%dma_wait3A_450 : memref<1000001xf32, #tpu.memory_space<hbm>>) dst(%dma_wait3A_445 : memref<128xf32, #tpu.memory_space<vmem>>)
      %dma_wait3A_451 = arith.constant 384 : i32
      %dma_wait3A_452 = tpu.memref_slice %arg14[%dma_wait3A_451] : memref<512xf32, #tpu.memory_space<vmem>> -> memref<128xf32, #tpu.memory_space<vmem>>
      %dma_wait3A_453 = arith.constant 0 : i32
      %dma_wait3A_454 = tpu.memref_slice %arg10[%add3A_425, %dma_wait3A_453] : memref<200x128xi32, #tpu.memory_space<vmem>> -> memref<1x128xi32, #tpu.memory_space<vmem>>
      %dma_wait3A_455 = tpu.memref_squeeze %dma_wait3A_454 : memref<1x128xi32, #tpu.memory_space<vmem>> -> memref<128xi32, #tpu.memory_space<vmem>>
      %dma_wait3A_456 = arith.constant 0 : i32
      %dma_wait3A_457 = tpu.memref_slice %arg7[%dma_wait3A_456] : memref<100001xf32, #tpu.memory_space<hbm>> -> memref<100001xf32, #tpu.memory_space<hbm>>
      tpu.wait_indirect_dma semaphore(%arg21 : memref<!tpu.dma_semaphore, #tpu.memory_space<semaphore_mem>>) src(%dma_wait3A_457 : memref<100001xf32, #tpu.memory_space<hbm>>) dst(%dma_wait3A_452 : memref<128xf32, #tpu.memory_space<vmem>>)
      %ge3A = arith.constant 2 : i32
      %ge3A_458 = arith.cmpi sge, %add3A_313, %ge3A : i32
      %convert_element_type3A = arith.extui %ge3A_458 : i1 to i32
      %cond3A = arith.constant 0 : i32
      %cond3A_459 = arith.cmpi ne, %convert_element_type3A, %cond3A : i32
      scf.if %cond3A_459 {
        %dma_wait3A_648 = arith.constant 0 : i32
        %dma_wait3A_649 = arith.constant 0 : i32
        %dma_wait3A_650 = tpu.memref_slice %arg8[%dma_wait3A_648, %dma_wait3A_649] : memref<200x4096xf32, #tpu.memory_space<hbm>> -> memref<4x128xf32, #tpu.memory_space<hbm>>
        %dma_wait3A_651 = arith.constant 0 : i32
        %dma_wait3A_652 = arith.constant 0 : i32
        %dma_wait3A_653 = tpu.memref_slice %arg8[%dma_wait3A_651, %dma_wait3A_652] : memref<200x4096xf32, #tpu.memory_space<hbm>> -> memref<4x128xf32, #tpu.memory_space<hbm>>
        tpu.wait_dma2 semaphore(%arg23 : memref<!tpu.dma_semaphore, #tpu.memory_space<semaphore_mem>>) src(%arg15 : memref<4x128xf32, #tpu.memory_space<vmem>>) dst(%dma_wait3A_653 : memref<4x128xf32, #tpu.memory_space<hbm>>)
      } else {
      }
      %scan3A_460 = arith.constant 0 : i32
      %scan3A_461 = arith.constant 0 : i32
      %scan3A_462 = arith.constant 32 : i32
      %scan3A_463 = arith.addi %scan3A_461, %scan3A_462 : i32
      %scan3A_464 = arith.constant 1 : i32
      scf.for %scan3A_648 = %scan3A_461 to %scan3A_463 step %scan3A_464  : i32 {
        %mul3A_649 = arith.constant 16 : i32
        %mul3A_650 = arith.muli %scan3A_648, %mul3A_649 : i32
        %add3A_651 = arith.constant 0 : i32
        %add3A_652 = arith.addi %mul3A_650, %add3A_651 : i32
        %get3A = arith.index_cast %add3A_652 : i32 to index
        %get3A_653 = arith.constant 0 : index
        %get3A_654 = tpu.vector_load %arg11[%get3A, %get3A_653] {strides = array<i32>} : memref<512x32xf32, #tpu.memory_space<vmem>>, vector<16xf32>,
        %get3A_655 = arith.index_cast %add3A_652 : i32 to index
        %get3A_656 = arith.constant 16 : index
        %get3A_657 = tpu.vector_load %arg11[%get3A_655, %get3A_656] {strides = array<i32>} : memref<512x32xf32, #tpu.memory_space<vmem>>, vector<16xf32>,
        %get3A_658 = arith.index_cast %add3A_652 : i32 to index
        %get3A_659 = arith.constant 0 : index
        %get3A_660 = tpu.vector_load %arg12[%get3A_658, %get3A_659] {strides = array<i32>} : memref<512x32xf32, #tpu.memory_space<vmem>>, vector<16xf32>,
        %get3A_661 = arith.index_cast %add3A_652 : i32 to index
        %get3A_662 = arith.constant 16 : index
        %get3A_663 = tpu.vector_load %arg12[%get3A_661, %get3A_662] {strides = array<i32>} : memref<512x32xf32, #tpu.memory_space<vmem>>, vector<16xf32>,
        %mul3A_664 = arith.mulf %get3A_654, %get3A_660 : vector<16xf32>
        %mul3A_665 = arith.mulf %get3A_657, %get3A_663 : vector<16xf32>
        %add3A_666 = arith.addf %mul3A_664, %mul3A_665 : vector<16xf32>
        %mul3A_667 = arith.constant 16 : i32
        %mul3A_668 = arith.muli %scan3A_648, %mul3A_667 : i32
        %add3A_669 = arith.constant 1 : i32
        %add3A_670 = arith.addi %mul3A_668, %add3A_669 : i32
        %get3A_671 = arith.index_cast %add3A_670 : i32 to index
        %get3A_672 = arith.constant 0 : index
        %get3A_673 = tpu.vector_load %arg11[%get3A_671, %get3A_672] {strides = array<i32>} : memref<512x32xf32, #tpu.memory_space<vmem>>, vector<16xf32>,
        %get3A_674 = arith.index_cast %add3A_670 : i32 to index
        %get3A_675 = arith.constant 16 : index
        %get3A_676 = tpu.vector_load %arg11[%get3A_674, %get3A_675] {strides = array<i32>} : memref<512x32xf32, #tpu.memory_space<vmem>>, vector<16xf32>,
        %get3A_677 = arith.index_cast %add3A_670 : i32 to index
        %get3A_678 = arith.constant 0 : index
        %get3A_679 = tpu.vector_load %arg12[%get3A_677, %get3A_678] {strides = array<i32>} : memref<512x32xf32, #tpu.memory_space<vmem>>, vector<16xf32>,
        %get3A_680 = arith.index_cast %add3A_670 : i32 to index
        %get3A_681 = arith.constant 16 : index
        %get3A_682 = tpu.vector_load %arg12[%get3A_680, %get3A_681] {strides = array<i32>} : memref<512x32xf32, #tpu.memory_space<vmem>>, vector<16xf32>,
        %mul3A_683 = arith.mulf %get3A_673, %get3A_679 : vector<16xf32>
        %mul3A_684 = arith.mulf %get3A_676, %get3A_682 : vector<16xf32>
        %add3A_685 = arith.addf %mul3A_683, %mul3A_684 : vector<16xf32>
        %mul3A_686 = arith.constant 16 : i32
        %mul3A_687 = arith.muli %scan3A_648, %mul3A_686 : i32
        %add3A_688 = arith.constant 2 : i32
        %add3A_689 = arith.addi %mul3A_687, %add3A_688 : i32
        %get3A_690 = arith.index_cast %add3A_689 : i32 to index
        %get3A_691 = arith.constant 0 : index
        %get3A_692 = tpu.vector_load %arg11[%get3A_690, %get3A_691] {strides = array<i32>} : memref<512x32xf32, #tpu.memory_space<vmem>>, vector<16xf32>,
        %get3A_693 = arith.index_cast %add3A_689 : i32 to index
        %get3A_694 = arith.constant 16 : index
        %get3A_695 = tpu.vector_load %arg11[%get3A_693, %get3A_694] {strides = array<i32>} : memref<512x32xf32, #tpu.memory_space<vmem>>, vector<16xf32>,
        %get3A_696 = arith.index_cast %add3A_689 : i32 to index
        %get3A_697 = arith.constant 0 : index
        %get3A_698 = tpu.vector_load %arg12[%get3A_696, %get3A_697] {strides = array<i32>} : memref<512x32xf32, #tpu.memory_space<vmem>>, vector<16xf32>,
        %get3A_699 = arith.index_cast %add3A_689 : i32 to index
        %get3A_700 = arith.constant 16 : index
        %get3A_701 = tpu.vector_load %arg12[%get3A_699, %get3A_700] {strides = array<i32>} : memref<512x32xf32, #tpu.memory_space<vmem>>, vector<16xf32>,
        %mul3A_702 = arith.mulf %get3A_692, %get3A_698 : vector<16xf32>
        %mul3A_703 = arith.mulf %get3A_695, %get3A_701 : vector<16xf32>
        %add3A_704 = arith.addf %mul3A_702, %mul3A_703 : vector<16xf32>
        %mul3A_705 = arith.constant 16 : i32
        %mul3A_706 = arith.muli %scan3A_648, %mul3A_705 : i32
        %add3A_707 = arith.constant 3 : i32
        %add3A_708 = arith.addi %mul3A_706, %add3A_707 : i32
        %get3A_709 = arith.index_cast %add3A_708 : i32 to index
        %get3A_710 = arith.constant 0 : index
        %get3A_711 = tpu.vector_load %arg11[%get3A_709, %get3A_710] {strides = array<i32>} : memref<512x32xf32, #tpu.memory_space<vmem>>, vector<16xf32>,
        %get3A_712 = arith.index_cast %add3A_708 : i32 to index
        %get3A_713 = arith.constant 16 : index
        %get3A_714 = tpu.vector_load %arg11[%get3A_712, %get3A_713] {strides = array<i32>} : memref<512x32xf32, #tpu.memory_space<vmem>>, vector<16xf32>,
        %get3A_715 = arith.index_cast %add3A_708 : i32 to index
        %get3A_716 = arith.constant 0 : index
        %get3A_717 = tpu.vector_load %arg12[%get3A_715, %get3A_716] {strides = array<i32>} : memref<512x32xf32, #tpu.memory_space<vmem>>, vector<16xf32>,
        %get3A_718 = arith.index_cast %add3A_708 : i32 to index
        %get3A_719 = arith.constant 16 : index
        %get3A_720 = tpu.vector_load %arg12[%get3A_718, %get3A_719] {strides = array<i32>} : memref<512x32xf32, #tpu.memory_space<vmem>>, vector<16xf32>,
        %mul3A_721 = arith.mulf %get3A_711, %get3A_717 : vector<16xf32>
        %mul3A_722 = arith.mulf %get3A_714, %get3A_720 : vector<16xf32>
        %add3A_723 = arith.addf %mul3A_721, %mul3A_722 : vector<16xf32>
        %mul3A_724 = arith.constant 16 : i32
        %mul3A_725 = arith.muli %scan3A_648, %mul3A_724 : i32
        %add3A_726 = arith.constant 4 : i32
        %add3A_727 = arith.addi %mul3A_725, %add3A_726 : i32
        %get3A_728 = arith.index_cast %add3A_727 : i32 to index
        %get3A_729 = arith.constant 0 : index
        %get3A_730 = tpu.vector_load %arg11[%get3A_728, %get3A_729] {strides = array<i32>} : memref<512x32xf32, #tpu.memory_space<vmem>>, vector<16xf32>,
        %get3A_731 = arith.index_cast %add3A_727 : i32 to index
        %get3A_732 = arith.constant 16 : index
        %get3A_733 = tpu.vector_load %arg11[%get3A_731, %get3A_732] {strides = array<i32>} : memref<512x32xf32, #tpu.memory_space<vmem>>, vector<16xf32>,
        %get3A_734 = arith.index_cast %add3A_727 : i32 to index
        %get3A_735 = arith.constant 0 : index
        %get3A_736 = tpu.vector_load %arg12[%get3A_734, %get3A_735] {strides = array<i32>} : memref<512x32xf32, #tpu.memory_space<vmem>>, vector<16xf32>,
        %get3A_737 = arith.index_cast %add3A_727 : i32 to index
        %get3A_738 = arith.constant 16 : index
        %get3A_739 = tpu.vector_load %arg12[%get3A_737, %get3A_738] {strides = array<i32>} : memref<512x32xf32, #tpu.memory_space<vmem>>, vector<16xf32>,
        %mul3A_740 = arith.mulf %get3A_730, %get3A_736 : vector<16xf32>
        %mul3A_741 = arith.mulf %get3A_733, %get3A_739 : vector<16xf32>
        %add3A_742 = arith.addf %mul3A_740, %mul3A_741 : vector<16xf32>
        %mul3A_743 = arith.constant 16 : i32
        %mul3A_744 = arith.muli %scan3A_648, %mul3A_743 : i32
        %add3A_745 = arith.constant 5 : i32
        %add3A_746 = arith.addi %mul3A_744, %add3A_745 : i32
        %get3A_747 = arith.index_cast %add3A_746 : i32 to index
        %get3A_748 = arith.constant 0 : index
        %get3A_749 = tpu.vector_load %arg11[%get3A_747, %get3A_748] {strides = array<i32>} : memref<512x32xf32, #tpu.memory_space<vmem>>, vector<16xf32>,
        %get3A_750 = arith.index_cast %add3A_746 : i32 to index
        %get3A_751 = arith.constant 16 : index
        %get3A_752 = tpu.vector_load %arg11[%get3A_750, %get3A_751] {strides = array<i32>} : memref<512x32xf32, #tpu.memory_space<vmem>>, vector<16xf32>,
        %get3A_753 = arith.index_cast %add3A_746 : i32 to index
        %get3A_754 = arith.constant 0 : index
        %get3A_755 = tpu.vector_load %arg12[%get3A_753, %get3A_754] {strides = array<i32>} : memref<512x32xf32, #tpu.memory_space<vmem>>, vector<16xf32>,
        %get3A_756 = arith.index_cast %add3A_746 : i32 to index
        %get3A_757 = arith.constant 16 : index
        %get3A_758 = tpu.vector_load %arg12[%get3A_756, %get3A_757] {strides = array<i32>} : memref<512x32xf32, #tpu.memory_space<vmem>>, vector<16xf32>,
        %mul3A_759 = arith.mulf %get3A_749, %get3A_755 : vector<16xf32>
        %mul3A_760 = arith.mulf %get3A_752, %get3A_758 : vector<16xf32>
        %add3A_761 = arith.addf %mul3A_759, %mul3A_760 : vector<16xf32>
        %mul3A_762 = arith.constant 16 : i32
        %mul3A_763 = arith.muli %scan3A_648, %mul3A_762 : i32
        %add3A_764 = arith.constant 6 : i32
        %add3A_765 = arith.addi %mul3A_763, %add3A_764 : i32
        %get3A_766 = arith.index_cast %add3A_765 : i32 to index
        %get3A_767 = arith.constant 0 : index
        %get3A_768 = tpu.vector_load %arg11[%get3A_766, %get3A_767] {strides = array<i32>} : memref<512x32xf32, #tpu.memory_space<vmem>>, vector<16xf32>,
        %get3A_769 = arith.index_cast %add3A_765 : i32 to index
        %get3A_770 = arith.constant 16 : index
        %get3A_771 = tpu.vector_load %arg11[%get3A_769, %get3A_770] {strides = array<i32>} : memref<512x32xf32, #tpu.memory_space<vmem>>, vector<16xf32>,
        %get3A_772 = arith.index_cast %add3A_765 : i32 to index
        %get3A_773 = arith.constant 0 : index
        %get3A_774 = tpu.vector_load %arg12[%get3A_772, %get3A_773] {strides = array<i32>} : memref<512x32xf32, #tpu.memory_space<vmem>>, vector<16xf32>,
        %get3A_775 = arith.index_cast %add3A_765 : i32 to index
        %get3A_776 = arith.constant 16 : index
        %get3A_777 = tpu.vector_load %arg12[%get3A_775, %get3A_776] {strides = array<i32>} : memref<512x32xf32, #tpu.memory_space<vmem>>, vector<16xf32>,
        %mul3A_778 = arith.mulf %get3A_768, %get3A_774 : vector<16xf32>
        %mul3A_779 = arith.mulf %get3A_771, %get3A_777 : vector<16xf32>
        %add3A_780 = arith.addf %mul3A_778, %mul3A_779 : vector<16xf32>
        %mul3A_781 = arith.constant 16 : i32
        %mul3A_782 = arith.muli %scan3A_648, %mul3A_781 : i32
        %add3A_783 = arith.constant 7 : i32
        %add3A_784 = arith.addi %mul3A_782, %add3A_783 : i32
        %get3A_785 = arith.index_cast %add3A_784 : i32 to index
        %get3A_786 = arith.constant 0 : index
        %get3A_787 = tpu.vector_load %arg11[%get3A_785, %get3A_786] {strides = array<i32>} : memref<512x32xf32, #tpu.memory_space<vmem>>, vector<16xf32>,
        %get3A_788 = arith.index_cast %add3A_784 : i32 to index
        %get3A_789 = arith.constant 16 : index
        %get3A_790 = tpu.vector_load %arg11[%get3A_788, %get3A_789] {strides = array<i32>} : memref<512x32xf32, #tpu.memory_space<vmem>>, vector<16xf32>,
        %get3A_791 = arith.index_cast %add3A_784 : i32 to index
        %get3A_792 = arith.constant 0 : index
        %get3A_793 = tpu.vector_load %arg12[%get3A_791, %get3A_792] {strides = array<i32>} : memref<512x32xf32, #tpu.memory_space<vmem>>, vector<16xf32>,
        %get3A_794 = arith.index_cast %add3A_784 : i32 to index
        %get3A_795 = arith.constant 16 : index
        %get3A_796 = tpu.vector_load %arg12[%get3A_794, %get3A_795] {strides = array<i32>} : memref<512x32xf32, #tpu.memory_space<vmem>>, vector<16xf32>,
        %mul3A_797 = arith.mulf %get3A_787, %get3A_793 : vector<16xf32>
        %mul3A_798 = arith.mulf %get3A_790, %get3A_796 : vector<16xf32>
        %add3A_799 = arith.addf %mul3A_797, %mul3A_798 : vector<16xf32>
        %mul3A_800 = arith.constant 16 : i32
        %mul3A_801 = arith.muli %scan3A_648, %mul3A_800 : i32
        %add3A_802 = arith.constant 8 : i32
        %add3A_803 = arith.addi %mul3A_801, %add3A_802 : i32
        %get3A_804 = arith.index_cast %add3A_803 : i32 to index
        %get3A_805 = arith.constant 0 : index
        %get3A_806 = tpu.vector_load %arg11[%get3A_804, %get3A_805] {strides = array<i32>} : memref<512x32xf32, #tpu.memory_space<vmem>>, vector<16xf32>,
        %get3A_807 = arith.index_cast %add3A_803 : i32 to index
        %get3A_808 = arith.constant 16 : index
        %get3A_809 = tpu.vector_load %arg11[%get3A_807, %get3A_808] {strides = array<i32>} : memref<512x32xf32, #tpu.memory_space<vmem>>, vector<16xf32>,
        %get3A_810 = arith.index_cast %add3A_803 : i32 to index
        %get3A_811 = arith.constant 0 : index
        %get3A_812 = tpu.vector_load %arg12[%get3A_810, %get3A_811] {strides = array<i32>} : memref<512x32xf32, #tpu.memory_space<vmem>>, vector<16xf32>,
        %get3A_813 = arith.index_cast %add3A_803 : i32 to index
        %get3A_814 = arith.constant 16 : index
        %get3A_815 = tpu.vector_load %arg12[%get3A_813, %get3A_814] {strides = array<i32>} : memref<512x32xf32, #tpu.memory_space<vmem>>, vector<16xf32>,
        %mul3A_816 = arith.mulf %get3A_806, %get3A_812 : vector<16xf32>
        %mul3A_817 = arith.mulf %get3A_809, %get3A_815 : vector<16xf32>
        %add3A_818 = arith.addf %mul3A_816, %mul3A_817 : vector<16xf32>
        %mul3A_819 = arith.constant 16 : i32
        %mul3A_820 = arith.muli %scan3A_648, %mul3A_819 : i32
        %add3A_821 = arith.constant 9 : i32
        %add3A_822 = arith.addi %mul3A_820, %add3A_821 : i32
        %get3A_823 = arith.index_cast %add3A_822 : i32 to index
        %get3A_824 = arith.constant 0 : index
        %get3A_825 = tpu.vector_load %arg11[%get3A_823, %get3A_824] {strides = array<i32>} : memref<512x32xf32, #tpu.memory_space<vmem>>, vector<16xf32>,
        %get3A_826 = arith.index_cast %add3A_822 : i32 to index
        %get3A_827 = arith.constant 16 : index
        %get3A_828 = tpu.vector_load %arg11[%get3A_826, %get3A_827] {strides = array<i32>} : memref<512x32xf32, #tpu.memory_space<vmem>>, vector<16xf32>,
        %get3A_829 = arith.index_cast %add3A_822 : i32 to index
        %get3A_830 = arith.constant 0 : index
        %get3A_831 = tpu.vector_load %arg12[%get3A_829, %get3A_830] {strides = array<i32>} : memref<512x32xf32, #tpu.memory_space<vmem>>, vector<16xf32>,
        %get3A_832 = arith.index_cast %add3A_822 : i32 to index
        %get3A_833 = arith.constant 16 : index
        %get3A_834 = tpu.vector_load %arg12[%get3A_832, %get3A_833] {strides = array<i32>} : memref<512x32xf32, #tpu.memory_space<vmem>>, vector<16xf32>,
        %mul3A_835 = arith.mulf %get3A_825, %get3A_831 : vector<16xf32>
        %mul3A_836 = arith.mulf %get3A_828, %get3A_834 : vector<16xf32>
        %add3A_837 = arith.addf %mul3A_835, %mul3A_836 : vector<16xf32>
        %mul3A_838 = arith.constant 16 : i32
        %mul3A_839 = arith.muli %scan3A_648, %mul3A_838 : i32
        %add3A_840 = arith.constant 10 : i32
        %add3A_841 = arith.addi %mul3A_839, %add3A_840 : i32
        %get3A_842 = arith.index_cast %add3A_841 : i32 to index
        %get3A_843 = arith.constant 0 : index
        %get3A_844 = tpu.vector_load %arg11[%get3A_842, %get3A_843] {strides = array<i32>} : memref<512x32xf32, #tpu.memory_space<vmem>>, vector<16xf32>,
        %get3A_845 = arith.index_cast %add3A_841 : i32 to index
        %get3A_846 = arith.constant 16 : index
        %get3A_847 = tpu.vector_load %arg11[%get3A_845, %get3A_846] {strides = array<i32>} : memref<512x32xf32, #tpu.memory_space<vmem>>, vector<16xf32>,
        %get3A_848 = arith.index_cast %add3A_841 : i32 to index
        %get3A_849 = arith.constant 0 : index
        %get3A_850 = tpu.vector_load %arg12[%get3A_848, %get3A_849] {strides = array<i32>} : memref<512x32xf32, #tpu.memory_space<vmem>>, vector<16xf32>,
        %get3A_851 = arith.index_cast %add3A_841 : i32 to index
        %get3A_852 = arith.constant 16 : index
        %get3A_853 = tpu.vector_load %arg12[%get3A_851, %get3A_852] {strides = array<i32>} : memref<512x32xf32, #tpu.memory_space<vmem>>, vector<16xf32>,
        %mul3A_854 = arith.mulf %get3A_844, %get3A_850 : vector<16xf32>
        %mul3A_855 = arith.mulf %get3A_847, %get3A_853 : vector<16xf32>
        %add3A_856 = arith.addf %mul3A_854, %mul3A_855 : vector<16xf32>
        %mul3A_857 = arith.constant 16 : i32
        %mul3A_858 = arith.muli %scan3A_648, %mul3A_857 : i32
        %add3A_859 = arith.constant 11 : i32
        %add3A_860 = arith.addi %mul3A_858, %add3A_859 : i32
        %get3A_861 = arith.index_cast %add3A_860 : i32 to index
        %get3A_862 = arith.constant 0 : index
        %get3A_863 = tpu.vector_load %arg11[%get3A_861, %get3A_862] {strides = array<i32>} : memref<512x32xf32, #tpu.memory_space<vmem>>, vector<16xf32>,
        %get3A_864 = arith.index_cast %add3A_860 : i32 to index
        %get3A_865 = arith.constant 16 : index
        %get3A_866 = tpu.vector_load %arg11[%get3A_864, %get3A_865] {strides = array<i32>} : memref<512x32xf32, #tpu.memory_space<vmem>>, vector<16xf32>,
        %get3A_867 = arith.index_cast %add3A_860 : i32 to index
        %get3A_868 = arith.constant 0 : index
        %get3A_869 = tpu.vector_load %arg12[%get3A_867, %get3A_868] {strides = array<i32>} : memref<512x32xf32, #tpu.memory_space<vmem>>, vector<16xf32>,
        %get3A_870 = arith.index_cast %add3A_860 : i32 to index
        %get3A_871 = arith.constant 16 : index
        %get3A_872 = tpu.vector_load %arg12[%get3A_870, %get3A_871] {strides = array<i32>} : memref<512x32xf32, #tpu.memory_space<vmem>>, vector<16xf32>,
        %mul3A_873 = arith.mulf %get3A_863, %get3A_869 : vector<16xf32>
        %mul3A_874 = arith.mulf %get3A_866, %get3A_872 : vector<16xf32>
        %add3A_875 = arith.addf %mul3A_873, %mul3A_874 : vector<16xf32>
        %mul3A_876 = arith.constant 16 : i32
        %mul3A_877 = arith.muli %scan3A_648, %mul3A_876 : i32
        %add3A_878 = arith.constant 12 : i32
        %add3A_879 = arith.addi %mul3A_877, %add3A_878 : i32
        %get3A_880 = arith.index_cast %add3A_879 : i32 to index
        %get3A_881 = arith.constant 0 : index
        %get3A_882 = tpu.vector_load %arg11[%get3A_880, %get3A_881] {strides = array<i32>} : memref<512x32xf32, #tpu.memory_space<vmem>>, vector<16xf32>,
        %get3A_883 = arith.index_cast %add3A_879 : i32 to index
        %get3A_884 = arith.constant 16 : index
        %get3A_885 = tpu.vector_load %arg11[%get3A_883, %get3A_884] {strides = array<i32>} : memref<512x32xf32, #tpu.memory_space<vmem>>, vector<16xf32>,
        %get3A_886 = arith.index_cast %add3A_879 : i32 to index
        %get3A_887 = arith.constant 0 : index
        %get3A_888 = tpu.vector_load %arg12[%get3A_886, %get3A_887] {strides = array<i32>} : memref<512x32xf32, #tpu.memory_space<vmem>>, vector<16xf32>,
        %get3A_889 = arith.index_cast %add3A_879 : i32 to index
        %get3A_890 = arith.constant 16 : index
        %get3A_891 = tpu.vector_load %arg12[%get3A_889, %get3A_890] {strides = array<i32>} : memref<512x32xf32, #tpu.memory_space<vmem>>, vector<16xf32>,
        %mul3A_892 = arith.mulf %get3A_882, %get3A_888 : vector<16xf32>
        %mul3A_893 = arith.mulf %get3A_885, %get3A_891 : vector<16xf32>
        %add3A_894 = arith.addf %mul3A_892, %mul3A_893 : vector<16xf32>
        %mul3A_895 = arith.constant 16 : i32
        %mul3A_896 = arith.muli %scan3A_648, %mul3A_895 : i32
        %add3A_897 = arith.constant 13 : i32
        %add3A_898 = arith.addi %mul3A_896, %add3A_897 : i32
        %get3A_899 = arith.index_cast %add3A_898 : i32 to index
        %get3A_900 = arith.constant 0 : index
        %get3A_901 = tpu.vector_load %arg11[%get3A_899, %get3A_900] {strides = array<i32>} : memref<512x32xf32, #tpu.memory_space<vmem>>, vector<16xf32>,
        %get3A_902 = arith.index_cast %add3A_898 : i32 to index
        %get3A_903 = arith.constant 16 : index
        %get3A_904 = tpu.vector_load %arg11[%get3A_902, %get3A_903] {strides = array<i32>} : memref<512x32xf32, #tpu.memory_space<vmem>>, vector<16xf32>,
        %get3A_905 = arith.index_cast %add3A_898 : i32 to index
        %get3A_906 = arith.constant 0 : index
        %get3A_907 = tpu.vector_load %arg12[%get3A_905, %get3A_906] {strides = array<i32>} : memref<512x32xf32, #tpu.memory_space<vmem>>, vector<16xf32>,
        %get3A_908 = arith.index_cast %add3A_898 : i32 to index
        %get3A_909 = arith.constant 16 : index
        %get3A_910 = tpu.vector_load %arg12[%get3A_908, %get3A_909] {strides = array<i32>} : memref<512x32xf32, #tpu.memory_space<vmem>>, vector<16xf32>,
        %mul3A_911 = arith.mulf %get3A_901, %get3A_907 : vector<16xf32>
        %mul3A_912 = arith.mulf %get3A_904, %get3A_910 : vector<16xf32>
        %add3A_913 = arith.addf %mul3A_911, %mul3A_912 : vector<16xf32>
        %mul3A_914 = arith.constant 16 : i32
        %mul3A_915 = arith.muli %scan3A_648, %mul3A_914 : i32
        %add3A_916 = arith.constant 14 : i32
        %add3A_917 = arith.addi %mul3A_915, %add3A_916 : i32
        %get3A_918 = arith.index_cast %add3A_917 : i32 to index
        %get3A_919 = arith.constant 0 : index
        %get3A_920 = tpu.vector_load %arg11[%get3A_918, %get3A_919] {strides = array<i32>} : memref<512x32xf32, #tpu.memory_space<vmem>>, vector<16xf32>,
        %get3A_921 = arith.index_cast %add3A_917 : i32 to index
        %get3A_922 = arith.constant 16 : index
        %get3A_923 = tpu.vector_load %arg11[%get3A_921, %get3A_922] {strides = array<i32>} : memref<512x32xf32, #tpu.memory_space<vmem>>, vector<16xf32>,
        %get3A_924 = arith.index_cast %add3A_917 : i32 to index
        %get3A_925 = arith.constant 0 : index
        %get3A_926 = tpu.vector_load %arg12[%get3A_924, %get3A_925] {strides = array<i32>} : memref<512x32xf32, #tpu.memory_space<vmem>>, vector<16xf32>,
        %get3A_927 = arith.index_cast %add3A_917 : i32 to index
        %get3A_928 = arith.constant 16 : index
        %get3A_929 = tpu.vector_load %arg12[%get3A_927, %get3A_928] {strides = array<i32>} : memref<512x32xf32, #tpu.memory_space<vmem>>, vector<16xf32>,
        %mul3A_930 = arith.mulf %get3A_920, %get3A_926 : vector<16xf32>
        %mul3A_931 = arith.mulf %get3A_923, %get3A_929 : vector<16xf32>
        %add3A_932 = arith.addf %mul3A_930, %mul3A_931 : vector<16xf32>
        %mul3A_933 = arith.constant 16 : i32
        %mul3A_934 = arith.muli %scan3A_648, %mul3A_933 : i32
        %add3A_935 = arith.constant 15 : i32
        %add3A_936 = arith.addi %mul3A_934, %add3A_935 : i32
        %get3A_937 = arith.index_cast %add3A_936 : i32 to index
        %get3A_938 = arith.constant 0 : index
        %get3A_939 = tpu.vector_load %arg11[%get3A_937, %get3A_938] {strides = array<i32>} : memref<512x32xf32, #tpu.memory_space<vmem>>, vector<16xf32>,
        %get3A_940 = arith.index_cast %add3A_936 : i32 to index
        %get3A_941 = arith.constant 16 : index
        %get3A_942 = tpu.vector_load %arg11[%get3A_940, %get3A_941] {strides = array<i32>} : memref<512x32xf32, #tpu.memory_space<vmem>>, vector<16xf32>,
        %get3A_943 = arith.index_cast %add3A_936 : i32 to index
        %get3A_944 = arith.constant 0 : index
        %get3A_945 = tpu.vector_load %arg12[%get3A_943, %get3A_944] {strides = array<i32>} : memref<512x32xf32, #tpu.memory_space<vmem>>, vector<16xf32>,
        %get3A_946 = arith.index_cast %add3A_936 : i32 to index
        %get3A_947 = arith.constant 16 : index
        %get3A_948 = tpu.vector_load %arg12[%get3A_946, %get3A_947] {strides = array<i32>} : memref<512x32xf32, #tpu.memory_space<vmem>>, vector<16xf32>,
        %mul3A_949 = arith.mulf %get3A_939, %get3A_945 : vector<16xf32>
        %mul3A_950 = arith.mulf %get3A_942, %get3A_948 : vector<16xf32>
        %add3A_951 = arith.addf %mul3A_949, %mul3A_950 : vector<16xf32>
        %xor3A = arith.constant 1 : i32
        %xor3A_952 = vector.broadcast %xor3A : i32 to vector<16xi32>
        %xor3A_953 = arith.xori %iota3A, %xor3A_952 : vector<16xi32>
        %and3A = arith.constant 1 : i32
        %and3A_954 = vector.broadcast %and3A : i32 to vector<16xi32>
        %and3A_955 = arith.andi %iota3A, %and3A_954 : vector<16xi32>
        %eq3A = arith.constant 0 : i32
        %eq3A_956 = vector.broadcast %eq3A : i32 to vector<16xi32>
        %eq3A_957 = arith.cmpi eq, %and3A_955, %eq3A_956 : vector<16xi32>
        %lt3A_958 = arith.constant 0 : i32
        %lt3A_959 = vector.broadcast %lt3A_958 : i32 to vector<16xi32>
        %lt3A_960 = arith.cmpi slt, %xor3A_953, %lt3A_959 : vector<16xi32>
        %add3A_961 = arith.constant 16 : i32
        %add3A_962 = vector.broadcast %add3A_961 : i32 to vector<16xi32>
        %add3A_963 = arith.addi %xor3A_953, %add3A_962 : vector<16xi32>
        %select_n3A = arith.select %lt3A_960, %add3A_963, %xor3A_953 : vector<16xi1>, vector<16xi32>
        %broadcast_in_dim3A = vector.shape_cast %select_n3A : vector<16xi32> to vector<16x1xi32>
        %gather3A = vector.shape_cast %broadcast_in_dim3A : vector<16x1xi32> to vector<16xi32>
        %gather3A_964 = tpu.dynamic_gather %add3A_666[%gather3A] in [0] : vector<16xf32>, vector<16xi32> -> vector<16xf32>
        %add3A_965 = arith.addf %add3A_666, %gather3A_964 : vector<16xf32>
        %lt3A_966 = arith.constant 0 : i32
        %lt3A_967 = vector.broadcast %lt3A_966 : i32 to vector<16xi32>
        %lt3A_968 = arith.cmpi slt, %xor3A_953, %lt3A_967 : vector<16xi32>
        %add3A_969 = arith.constant 16 : i32
        %add3A_970 = vector.broadcast %add3A_969 : i32 to vector<16xi32>
        %add3A_971 = arith.addi %xor3A_953, %add3A_970 : vector<16xi32>
        %select_n3A_972 = arith.select %lt3A_968, %add3A_971, %xor3A_953 : vector<16xi1>, vector<16xi32>
        %broadcast_in_dim3A_973 = vector.shape_cast %select_n3A_972 : vector<16xi32> to vector<16x1xi32>
        %gather3A_974 = vector.shape_cast %broadcast_in_dim3A_973 : vector<16x1xi32> to vector<16xi32>
        %gather3A_975 = tpu.dynamic_gather %add3A_685[%gather3A_974] in [0] : vector<16xf32>, vector<16xi32> -> vector<16xf32>
        %add3A_976 = arith.addf %add3A_685, %gather3A_975 : vector<16xf32>
        %select_n3A_977 = arith.select %eq3A_957, %add3A_965, %add3A_976 : vector<16xi1>, vector<16xf32>
        %lt3A_978 = arith.constant 0 : i32
        %lt3A_979 = vector.broadcast %lt3A_978 : i32 to vector<16xi32>
        %lt3A_980 = arith.cmpi slt, %xor3A_953, %lt3A_979 : vector<16xi32>
        %add3A_981 = arith.constant 16 : i32
        %add3A_982 = vector.broadcast %add3A_981 : i32 to vector<16xi32>
        %add3A_983 = arith.addi %xor3A_953, %add3A_982 : vector<16xi32>
        %select_n3A_984 = arith.select %lt3A_980, %add3A_983, %xor3A_953 : vector<16xi1>, vector<16xi32>
        %broadcast_in_dim3A_985 = vector.shape_cast %select_n3A_984 : vector<16xi32> to vector<16x1xi32>
        %gather3A_986 = vector.shape_cast %broadcast_in_dim3A_985 : vector<16x1xi32> to vector<16xi32>
        %gather3A_987 = tpu.dynamic_gather %add3A_704[%gather3A_986] in [0] : vector<16xf32>, vector<16xi32> -> vector<16xf32>
        %add3A_988 = arith.addf %add3A_704, %gather3A_987 : vector<16xf32>
        %lt3A_989 = arith.constant 0 : i32
        %lt3A_990 = vector.broadcast %lt3A_989 : i32 to vector<16xi32>
        %lt3A_991 = arith.cmpi slt, %xor3A_953, %lt3A_990 : vector<16xi32>
        %add3A_992 = arith.constant 16 : i32
        %add3A_993 = vector.broadcast %add3A_992 : i32 to vector<16xi32>
        %add3A_994 = arith.addi %xor3A_953, %add3A_993 : vector<16xi32>
        %select_n3A_995 = arith.select %lt3A_991, %add3A_994, %xor3A_953 : vector<16xi1>, vector<16xi32>
        %broadcast_in_dim3A_996 = vector.shape_cast %select_n3A_995 : vector<16xi32> to vector<16x1xi32>
        %gather3A_997 = vector.shape_cast %broadcast_in_dim3A_996 : vector<16x1xi32> to vector<16xi32>
        %gather3A_998 = tpu.dynamic_gather %add3A_723[%gather3A_997] in [0] : vector<16xf32>, vector<16xi32> -> vector<16xf32>
        %add3A_999 = arith.addf %add3A_723, %gather3A_998 : vector<16xf32>
        %select_n3A_1000 = arith.select %eq3A_957, %add3A_988, %add3A_999 : vector<16xi1>, vector<16xf32>
        %lt3A_1001 = arith.constant 0 : i32
        %lt3A_1002 = vector.broadcast %lt3A_1001 : i32 to vector<16xi32>
        %lt3A_1003 = arith.cmpi slt, %xor3A_953, %lt3A_1002 : vector<16xi32>
        %add3A_1004 = arith.constant 16 : i32
        %add3A_1005 = vector.broadcast %add3A_1004 : i32 to vector<16xi32>
        %add3A_1006 = arith.addi %xor3A_953, %add3A_1005 : vector<16xi32>
        %select_n3A_1007 = arith.select %lt3A_1003, %add3A_1006, %xor3A_953 : vector<16xi1>, vector<16xi32>
        %broadcast_in_dim3A_1008 = vector.shape_cast %select_n3A_1007 : vector<16xi32> to vector<16x1xi32>
        %gather3A_1009 = vector.shape_cast %broadcast_in_dim3A_1008 : vector<16x1xi32> to vector<16xi32>
        %gather3A_1010 = tpu.dynamic_gather %add3A_742[%gather3A_1009] in [0] : vector<16xf32>, vector<16xi32> -> vector<16xf32>
        %add3A_1011 = arith.addf %add3A_742, %gather3A_1010 : vector<16xf32>
        %lt3A_1012 = arith.constant 0 : i32
        %lt3A_1013 = vector.broadcast %lt3A_1012 : i32 to vector<16xi32>
        %lt3A_1014 = arith.cmpi slt, %xor3A_953, %lt3A_1013 : vector<16xi32>
        %add3A_1015 = arith.constant 16 : i32
        %add3A_1016 = vector.broadcast %add3A_1015 : i32 to vector<16xi32>
        %add3A_1017 = arith.addi %xor3A_953, %add3A_1016 : vector<16xi32>
        %select_n3A_1018 = arith.select %lt3A_1014, %add3A_1017, %xor3A_953 : vector<16xi1>, vector<16xi32>
        %broadcast_in_dim3A_1019 = vector.shape_cast %select_n3A_1018 : vector<16xi32> to vector<16x1xi32>
        %gather3A_1020 = vector.shape_cast %broadcast_in_dim3A_1019 : vector<16x1xi32> to vector<16xi32>
        %gather3A_1021 = tpu.dynamic_gather %add3A_761[%gather3A_1020] in [0] : vector<16xf32>, vector<16xi32> -> vector<16xf32>
        %add3A_1022 = arith.addf %add3A_761, %gather3A_1021 : vector<16xf32>
        %select_n3A_1023 = arith.select %eq3A_957, %add3A_1011, %add3A_1022 : vector<16xi1>, vector<16xf32>
        %lt3A_1024 = arith.constant 0 : i32
        %lt3A_1025 = vector.broadcast %lt3A_1024 : i32 to vector<16xi32>
        %lt3A_1026 = arith.cmpi slt, %xor3A_953, %lt3A_1025 : vector<16xi32>
        %add3A_1027 = arith.constant 16 : i32
        %add3A_1028 = vector.broadcast %add3A_1027 : i32 to vector<16xi32>
        %add3A_1029 = arith.addi %xor3A_953, %add3A_1028 : vector<16xi32>
        %select_n3A_1030 = arith.select %lt3A_1026, %add3A_1029, %xor3A_953 : vector<16xi1>, vector<16xi32>
        %broadcast_in_dim3A_1031 = vector.shape_cast %select_n3A_1030 : vector<16xi32> to vector<16x1xi32>
        %gather3A_1032 = vector.shape_cast %broadcast_in_dim3A_1031 : vector<16x1xi32> to vector<16xi32>
        %gather3A_1033 = tpu.dynamic_gather %add3A_780[%gather3A_1032] in [0] : vector<16xf32>, vector<16xi32> -> vector<16xf32>
        %add3A_1034 = arith.addf %add3A_780, %gather3A_1033 : vector<16xf32>
        %lt3A_1035 = arith.constant 0 : i32
        %lt3A_1036 = vector.broadcast %lt3A_1035 : i32 to vector<16xi32>
        %lt3A_1037 = arith.cmpi slt, %xor3A_953, %lt3A_1036 : vector<16xi32>
        %add3A_1038 = arith.constant 16 : i32
        %add3A_1039 = vector.broadcast %add3A_1038 : i32 to vector<16xi32>
        %add3A_1040 = arith.addi %xor3A_953, %add3A_1039 : vector<16xi32>
        %select_n3A_1041 = arith.select %lt3A_1037, %add3A_1040, %xor3A_953 : vector<16xi1>, vector<16xi32>
        %broadcast_in_dim3A_1042 = vector.shape_cast %select_n3A_1041 : vector<16xi32> to vector<16x1xi32>
        %gather3A_1043 = vector.shape_cast %broadcast_in_dim3A_1042 : vector<16x1xi32> to vector<16xi32>
        %gather3A_1044 = tpu.dynamic_gather %add3A_799[%gather3A_1043] in [0] : vector<16xf32>, vector<16xi32> -> vector<16xf32>
        %add3A_1045 = arith.addf %add3A_799, %gather3A_1044 : vector<16xf32>
        %select_n3A_1046 = arith.select %eq3A_957, %add3A_1034, %add3A_1045 : vector<16xi1>, vector<16xf32>
        %lt3A_1047 = arith.constant 0 : i32
        %lt3A_1048 = vector.broadcast %lt3A_1047 : i32 to vector<16xi32>
        %lt3A_1049 = arith.cmpi slt, %xor3A_953, %lt3A_1048 : vector<16xi32>
        %add3A_1050 = arith.constant 16 : i32
        %add3A_1051 = vector.broadcast %add3A_1050 : i32 to vector<16xi32>
        %add3A_1052 = arith.addi %xor3A_953, %add3A_1051 : vector<16xi32>
        %select_n3A_1053 = arith.select %lt3A_1049, %add3A_1052, %xor3A_953 : vector<16xi1>, vector<16xi32>
        %broadcast_in_dim3A_1054 = vector.shape_cast %select_n3A_1053 : vector<16xi32> to vector<16x1xi32>
        %gather3A_1055 = vector.shape_cast %broadcast_in_dim3A_1054 : vector<16x1xi32> to vector<16xi32>
        %gather3A_1056 = tpu.dynamic_gather %add3A_818[%gather3A_1055] in [0] : vector<16xf32>, vector<16xi32> -> vector<16xf32>
        %add3A_1057 = arith.addf %add3A_818, %gather3A_1056 : vector<16xf32>
        %lt3A_1058 = arith.constant 0 : i32
        %lt3A_1059 = vector.broadcast %lt3A_1058 : i32 to vector<16xi32>
        %lt3A_1060 = arith.cmpi slt, %xor3A_953, %lt3A_1059 : vector<16xi32>
        %add3A_1061 = arith.constant 16 : i32
        %add3A_1062 = vector.broadcast %add3A_1061 : i32 to vector<16xi32>
        %add3A_1063 = arith.addi %xor3A_953, %add3A_1062 : vector<16xi32>
        %select_n3A_1064 = arith.select %lt3A_1060, %add3A_1063, %xor3A_953 : vector<16xi1>, vector<16xi32>
        %broadcast_in_dim3A_1065 = vector.shape_cast %select_n3A_1064 : vector<16xi32> to vector<16x1xi32>
        %gather3A_1066 = vector.shape_cast %broadcast_in_dim3A_1065 : vector<16x1xi32> to vector<16xi32>
        %gather3A_1067 = tpu.dynamic_gather %add3A_837[%gather3A_1066] in [0] : vector<16xf32>, vector<16xi32> -> vector<16xf32>
        %add3A_1068 = arith.addf %add3A_837, %gather3A_1067 : vector<16xf32>
        %select_n3A_1069 = arith.select %eq3A_957, %add3A_1057, %add3A_1068 : vector<16xi1>, vector<16xf32>
        %lt3A_1070 = arith.constant 0 : i32
        %lt3A_1071 = vector.broadcast %lt3A_1070 : i32 to vector<16xi32>
        %lt3A_1072 = arith.cmpi slt, %xor3A_953, %lt3A_1071 : vector<16xi32>
        %add3A_1073 = arith.constant 16 : i32
        %add3A_1074 = vector.broadcast %add3A_1073 : i32 to vector<16xi32>
        %add3A_1075 = arith.addi %xor3A_953, %add3A_1074 : vector<16xi32>
        %select_n3A_1076 = arith.select %lt3A_1072, %add3A_1075, %xor3A_953 : vector<16xi1>, vector<16xi32>
        %broadcast_in_dim3A_1077 = vector.shape_cast %select_n3A_1076 : vector<16xi32> to vector<16x1xi32>
        %gather3A_1078 = vector.shape_cast %broadcast_in_dim3A_1077 : vector<16x1xi32> to vector<16xi32>
        %gather3A_1079 = tpu.dynamic_gather %add3A_856[%gather3A_1078] in [0] : vector<16xf32>, vector<16xi32> -> vector<16xf32>
        %add3A_1080 = arith.addf %add3A_856, %gather3A_1079 : vector<16xf32>
        %lt3A_1081 = arith.constant 0 : i32
        %lt3A_1082 = vector.broadcast %lt3A_1081 : i32 to vector<16xi32>
        %lt3A_1083 = arith.cmpi slt, %xor3A_953, %lt3A_1082 : vector<16xi32>
        %add3A_1084 = arith.constant 16 : i32
        %add3A_1085 = vector.broadcast %add3A_1084 : i32 to vector<16xi32>
        %add3A_1086 = arith.addi %xor3A_953, %add3A_1085 : vector<16xi32>
        %select_n3A_1087 = arith.select %lt3A_1083, %add3A_1086, %xor3A_953 : vector<16xi1>, vector<16xi32>
        %broadcast_in_dim3A_1088 = vector.shape_cast %select_n3A_1087 : vector<16xi32> to vector<16x1xi32>
        %gather3A_1089 = vector.shape_cast %broadcast_in_dim3A_1088 : vector<16x1xi32> to vector<16xi32>
        %gather3A_1090 = tpu.dynamic_gather %add3A_875[%gather3A_1089] in [0] : vector<16xf32>, vector<16xi32> -> vector<16xf32>
        %add3A_1091 = arith.addf %add3A_875, %gather3A_1090 : vector<16xf32>
        %select_n3A_1092 = arith.select %eq3A_957, %add3A_1080, %add3A_1091 : vector<16xi1>, vector<16xf32>
        %lt3A_1093 = arith.constant 0 : i32
        %lt3A_1094 = vector.broadcast %lt3A_1093 : i32 to vector<16xi32>
        %lt3A_1095 = arith.cmpi slt, %xor3A_953, %lt3A_1094 : vector<16xi32>
        %add3A_1096 = arith.constant 16 : i32
        %add3A_1097 = vector.broadcast %add3A_1096 : i32 to vector<16xi32>
        %add3A_1098 = arith.addi %xor3A_953, %add3A_1097 : vector<16xi32>
        %select_n3A_1099 = arith.select %lt3A_1095, %add3A_1098, %xor3A_953 : vector<16xi1>, vector<16xi32>
        %broadcast_in_dim3A_1100 = vector.shape_cast %select_n3A_1099 : vector<16xi32> to vector<16x1xi32>
        %gather3A_1101 = vector.shape_cast %broadcast_in_dim3A_1100 : vector<16x1xi32> to vector<16xi32>
        %gather3A_1102 = tpu.dynamic_gather %add3A_894[%gather3A_1101] in [0] : vector<16xf32>, vector<16xi32> -> vector<16xf32>
        %add3A_1103 = arith.addf %add3A_894, %gather3A_1102 : vector<16xf32>
        %lt3A_1104 = arith.constant 0 : i32
        %lt3A_1105 = vector.broadcast %lt3A_1104 : i32 to vector<16xi32>
        %lt3A_1106 = arith.cmpi slt, %xor3A_953, %lt3A_1105 : vector<16xi32>
        %add3A_1107 = arith.constant 16 : i32
        %add3A_1108 = vector.broadcast %add3A_1107 : i32 to vector<16xi32>
        %add3A_1109 = arith.addi %xor3A_953, %add3A_1108 : vector<16xi32>
        %select_n3A_1110 = arith.select %lt3A_1106, %add3A_1109, %xor3A_953 : vector<16xi1>, vector<16xi32>
        %broadcast_in_dim3A_1111 = vector.shape_cast %select_n3A_1110 : vector<16xi32> to vector<16x1xi32>
        %gather3A_1112 = vector.shape_cast %broadcast_in_dim3A_1111 : vector<16x1xi32> to vector<16xi32>
        %gather3A_1113 = tpu.dynamic_gather %add3A_913[%gather3A_1112] in [0] : vector<16xf32>, vector<16xi32> -> vector<16xf32>
        %add3A_1114 = arith.addf %add3A_913, %gather3A_1113 : vector<16xf32>
        %select_n3A_1115 = arith.select %eq3A_957, %add3A_1103, %add3A_1114 : vector<16xi1>, vector<16xf32>
        %lt3A_1116 = arith.constant 0 : i32
        %lt3A_1117 = vector.broadcast %lt3A_1116 : i32 to vector<16xi32>
        %lt3A_1118 = arith.cmpi slt, %xor3A_953, %lt3A_1117 : vector<16xi32>
        %add3A_1119 = arith.constant 16 : i32
        %add3A_1120 = vector.broadcast %add3A_1119 : i32 to vector<16xi32>
        %add3A_1121 = arith.addi %xor3A_953, %add3A_1120 : vector<16xi32>
        %select_n3A_1122 = arith.select %lt3A_1118, %add3A_1121, %xor3A_953 : vector<16xi1>, vector<16xi32>
        %broadcast_in_dim3A_1123 = vector.shape_cast %select_n3A_1122 : vector<16xi32> to vector<16x1xi32>
        %gather3A_1124 = vector.shape_cast %broadcast_in_dim3A_1123 : vector<16x1xi32> to vector<16xi32>
        %gather3A_1125 = tpu.dynamic_gather %add3A_932[%gather3A_1124] in [0] : vector<16xf32>, vector<16xi32> -> vector<16xf32>
        %add3A_1126 = arith.addf %add3A_932, %gather3A_1125 : vector<16xf32>
        %lt3A_1127 = arith.constant 0 : i32
        %lt3A_1128 = vector.broadcast %lt3A_1127 : i32 to vector<16xi32>
        %lt3A_1129 = arith.cmpi slt, %xor3A_953, %lt3A_1128 : vector<16xi32>
        %add3A_1130 = arith.constant 16 : i32
        %add3A_1131 = vector.broadcast %add3A_1130 : i32 to vector<16xi32>
        %add3A_1132 = arith.addi %xor3A_953, %add3A_1131 : vector<16xi32>
        %select_n3A_1133 = arith.select %lt3A_1129, %add3A_1132, %xor3A_953 : vector<16xi1>, vector<16xi32>
        %broadcast_in_dim3A_1134 = vector.shape_cast %select_n3A_1133 : vector<16xi32> to vector<16x1xi32>
        %gather3A_1135 = vector.shape_cast %broadcast_in_dim3A_1134 : vector<16x1xi32> to vector<16xi32>
        %gather3A_1136 = tpu.dynamic_gather %add3A_951[%gather3A_1135] in [0] : vector<16xf32>, vector<16xi32> -> vector<16xf32>
        %add3A_1137 = arith.addf %add3A_951, %gather3A_1136 : vector<16xf32>
        %select_n3A_1138 = arith.select %eq3A_957, %add3A_1126, %add3A_1137 : vector<16xi1>, vector<16xf32>
        %xor3A_1139 = arith.constant 2 : i32
        %xor3A_1140 = vector.broadcast %xor3A_1139 : i32 to vector<16xi32>
        %xor3A_1141 = arith.xori %iota3A, %xor3A_1140 : vector<16xi32>
        %and3A_1142 = arith.constant 2 : i32
        %and3A_1143 = vector.broadcast %and3A_1142 : i32 to vector<16xi32>
        %and3A_1144 = arith.andi %iota3A, %and3A_1143 : vector<16xi32>
        %eq3A_1145 = arith.constant 0 : i32
        %eq3A_1146 = vector.broadcast %eq3A_1145 : i32 to vector<16xi32>
        %eq3A_1147 = arith.cmpi eq, %and3A_1144, %eq3A_1146 : vector<16xi32>
        %lt3A_1148 = arith.constant 0 : i32
        %lt3A_1149 = vector.broadcast %lt3A_1148 : i32 to vector<16xi32>
        %lt3A_1150 = arith.cmpi slt, %xor3A_1141, %lt3A_1149 : vector<16xi32>
        %add3A_1151 = arith.constant 16 : i32
        %add3A_1152 = vector.broadcast %add3A_1151 : i32 to vector<16xi32>
        %add3A_1153 = arith.addi %xor3A_1141, %add3A_1152 : vector<16xi32>
        %select_n3A_1154 = arith.select %lt3A_1150, %add3A_1153, %xor3A_1141 : vector<16xi1>, vector<16xi32>
        %broadcast_in_dim3A_1155 = vector.shape_cast %select_n3A_1154 : vector<16xi32> to vector<16x1xi32>
        %gather3A_1156 = vector.shape_cast %broadcast_in_dim3A_1155 : vector<16x1xi32> to vector<16xi32>
        %gather3A_1157 = tpu.dynamic_gather %select_n3A_977[%gather3A_1156] in [0] : vector<16xf32>, vector<16xi32> -> vector<16xf32>
        %add3A_1158 = arith.addf %select_n3A_977, %gather3A_1157 : vector<16xf32>
        %lt3A_1159 = arith.constant 0 : i32
        %lt3A_1160 = vector.broadcast %lt3A_1159 : i32 to vector<16xi32>
        %lt3A_1161 = arith.cmpi slt, %xor3A_1141, %lt3A_1160 : vector<16xi32>
        %add3A_1162 = arith.constant 16 : i32
        %add3A_1163 = vector.broadcast %add3A_1162 : i32 to vector<16xi32>
        %add3A_1164 = arith.addi %xor3A_1141, %add3A_1163 : vector<16xi32>
        %select_n3A_1165 = arith.select %lt3A_1161, %add3A_1164, %xor3A_1141 : vector<16xi1>, vector<16xi32>
        %broadcast_in_dim3A_1166 = vector.shape_cast %select_n3A_1165 : vector<16xi32> to vector<16x1xi32>
        %gather3A_1167 = vector.shape_cast %broadcast_in_dim3A_1166 : vector<16x1xi32> to vector<16xi32>
        %gather3A_1168 = tpu.dynamic_gather %select_n3A_1000[%gather3A_1167] in [0] : vector<16xf32>, vector<16xi32> -> vector<16xf32>
        %add3A_1169 = arith.addf %select_n3A_1000, %gather3A_1168 : vector<16xf32>
        %select_n3A_1170 = arith.select %eq3A_1147, %add3A_1158, %add3A_1169 : vector<16xi1>, vector<16xf32>
        %lt3A_1171 = arith.constant 0 : i32
        %lt3A_1172 = vector.broadcast %lt3A_1171 : i32 to vector<16xi32>
        %lt3A_1173 = arith.cmpi slt, %xor3A_1141, %lt3A_1172 : vector<16xi32>
        %add3A_1174 = arith.constant 16 : i32
        %add3A_1175 = vector.broadcast %add3A_1174 : i32 to vector<16xi32>
        %add3A_1176 = arith.addi %xor3A_1141, %add3A_1175 : vector<16xi32>
        %select_n3A_1177 = arith.select %lt3A_1173, %add3A_1176, %xor3A_1141 : vector<16xi1>, vector<16xi32>
        %broadcast_in_dim3A_1178 = vector.shape_cast %select_n3A_1177 : vector<16xi32> to vector<16x1xi32>
        %gather3A_1179 = vector.shape_cast %broadcast_in_dim3A_1178 : vector<16x1xi32> to vector<16xi32>
        %gather3A_1180 = tpu.dynamic_gather %select_n3A_1023[%gather3A_1179] in [0] : vector<16xf32>, vector<16xi32> -> vector<16xf32>
        %add3A_1181 = arith.addf %select_n3A_1023, %gather3A_1180 : vector<16xf32>
        %lt3A_1182 = arith.constant 0 : i32
        %lt3A_1183 = vector.broadcast %lt3A_1182 : i32 to vector<16xi32>
        %lt3A_1184 = arith.cmpi slt, %xor3A_1141, %lt3A_1183 : vector<16xi32>
        %add3A_1185 = arith.constant 16 : i32
        %add3A_1186 = vector.broadcast %add3A_1185 : i32 to vector<16xi32>
        %add3A_1187 = arith.addi %xor3A_1141, %add3A_1186 : vector<16xi32>
        %select_n3A_1188 = arith.select %lt3A_1184, %add3A_1187, %xor3A_1141 : vector<16xi1>, vector<16xi32>
        %broadcast_in_dim3A_1189 = vector.shape_cast %select_n3A_1188 : vector<16xi32> to vector<16x1xi32>
        %gather3A_1190 = vector.shape_cast %broadcast_in_dim3A_1189 : vector<16x1xi32> to vector<16xi32>
        %gather3A_1191 = tpu.dynamic_gather %select_n3A_1046[%gather3A_1190] in [0] : vector<16xf32>, vector<16xi32> -> vector<16xf32>
        %add3A_1192 = arith.addf %select_n3A_1046, %gather3A_1191 : vector<16xf32>
        %select_n3A_1193 = arith.select %eq3A_1147, %add3A_1181, %add3A_1192 : vector<16xi1>, vector<16xf32>
        %lt3A_1194 = arith.constant 0 : i32
        %lt3A_1195 = vector.broadcast %lt3A_1194 : i32 to vector<16xi32>
        %lt3A_1196 = arith.cmpi slt, %xor3A_1141, %lt3A_1195 : vector<16xi32>
        %add3A_1197 = arith.constant 16 : i32
        %add3A_1198 = vector.broadcast %add3A_1197 : i32 to vector<16xi32>
        %add3A_1199 = arith.addi %xor3A_1141, %add3A_1198 : vector<16xi32>
        %select_n3A_1200 = arith.select %lt3A_1196, %add3A_1199, %xor3A_1141 : vector<16xi1>, vector<16xi32>
        %broadcast_in_dim3A_1201 = vector.shape_cast %select_n3A_1200 : vector<16xi32> to vector<16x1xi32>
        %gather3A_1202 = vector.shape_cast %broadcast_in_dim3A_1201 : vector<16x1xi32> to vector<16xi32>
        %gather3A_1203 = tpu.dynamic_gather %select_n3A_1069[%gather3A_1202] in [0] : vector<16xf32>, vector<16xi32> -> vector<16xf32>
        %add3A_1204 = arith.addf %select_n3A_1069, %gather3A_1203 : vector<16xf32>
        %lt3A_1205 = arith.constant 0 : i32
        %lt3A_1206 = vector.broadcast %lt3A_1205 : i32 to vector<16xi32>
        %lt3A_1207 = arith.cmpi slt, %xor3A_1141, %lt3A_1206 : vector<16xi32>
        %add3A_1208 = arith.constant 16 : i32
        %add3A_1209 = vector.broadcast %add3A_1208 : i32 to vector<16xi32>
        %add3A_1210 = arith.addi %xor3A_1141, %add3A_1209 : vector<16xi32>
        %select_n3A_1211 = arith.select %lt3A_1207, %add3A_1210, %xor3A_1141 : vector<16xi1>, vector<16xi32>
        %broadcast_in_dim3A_1212 = vector.shape_cast %select_n3A_1211 : vector<16xi32> to vector<16x1xi32>
        %gather3A_1213 = vector.shape_cast %broadcast_in_dim3A_1212 : vector<16x1xi32> to vector<16xi32>
        %gather3A_1214 = tpu.dynamic_gather %select_n3A_1092[%gather3A_1213] in [0] : vector<16xf32>, vector<16xi32> -> vector<16xf32>
        %add3A_1215 = arith.addf %select_n3A_1092, %gather3A_1214 : vector<16xf32>
        %select_n3A_1216 = arith.select %eq3A_1147, %add3A_1204, %add3A_1215 : vector<16xi1>, vector<16xf32>
        %lt3A_1217 = arith.constant 0 : i32
        %lt3A_1218 = vector.broadcast %lt3A_1217 : i32 to vector<16xi32>
        %lt3A_1219 = arith.cmpi slt, %xor3A_1141, %lt3A_1218 : vector<16xi32>
        %add3A_1220 = arith.constant 16 : i32
        %add3A_1221 = vector.broadcast %add3A_1220 : i32 to vector<16xi32>
        %add3A_1222 = arith.addi %xor3A_1141, %add3A_1221 : vector<16xi32>
        %select_n3A_1223 = arith.select %lt3A_1219, %add3A_1222, %xor3A_1141 : vector<16xi1>, vector<16xi32>
        %broadcast_in_dim3A_1224 = vector.shape_cast %select_n3A_1223 : vector<16xi32> to vector<16x1xi32>
        %gather3A_1225 = vector.shape_cast %broadcast_in_dim3A_1224 : vector<16x1xi32> to vector<16xi32>
        %gather3A_1226 = tpu.dynamic_gather %select_n3A_1115[%gather3A_1225] in [0] : vector<16xf32>, vector<16xi32> -> vector<16xf32>
        %add3A_1227 = arith.addf %select_n3A_1115, %gather3A_1226 : vector<16xf32>
        %lt3A_1228 = arith.constant 0 : i32
        %lt3A_1229 = vector.broadcast %lt3A_1228 : i32 to vector<16xi32>
        %lt3A_1230 = arith.cmpi slt, %xor3A_1141, %lt3A_1229 : vector<16xi32>
        %add3A_1231 = arith.constant 16 : i32
        %add3A_1232 = vector.broadcast %add3A_1231 : i32 to vector<16xi32>
        %add3A_1233 = arith.addi %xor3A_1141, %add3A_1232 : vector<16xi32>
        %select_n3A_1234 = arith.select %lt3A_1230, %add3A_1233, %xor3A_1141 : vector<16xi1>, vector<16xi32>
        %broadcast_in_dim3A_1235 = vector.shape_cast %select_n3A_1234 : vector<16xi32> to vector<16x1xi32>
        %gather3A_1236 = vector.shape_cast %broadcast_in_dim3A_1235 : vector<16x1xi32> to vector<16xi32>
        %gather3A_1237 = tpu.dynamic_gather %select_n3A_1138[%gather3A_1236] in [0] : vector<16xf32>, vector<16xi32> -> vector<16xf32>
        %add3A_1238 = arith.addf %select_n3A_1138, %gather3A_1237 : vector<16xf32>
        %select_n3A_1239 = arith.select %eq3A_1147, %add3A_1227, %add3A_1238 : vector<16xi1>, vector<16xf32>
        %xor3A_1240 = arith.constant 4 : i32
        %xor3A_1241 = vector.broadcast %xor3A_1240 : i32 to vector<16xi32>
        %xor3A_1242 = arith.xori %iota3A, %xor3A_1241 : vector<16xi32>
        %and3A_1243 = arith.constant 4 : i32
        %and3A_1244 = vector.broadcast %and3A_1243 : i32 to vector<16xi32>
        %and3A_1245 = arith.andi %iota3A, %and3A_1244 : vector<16xi32>
        %eq3A_1246 = arith.constant 0 : i32
        %eq3A_1247 = vector.broadcast %eq3A_1246 : i32 to vector<16xi32>
        %eq3A_1248 = arith.cmpi eq, %and3A_1245, %eq3A_1247 : vector<16xi32>
        %lt3A_1249 = arith.constant 0 : i32
        %lt3A_1250 = vector.broadcast %lt3A_1249 : i32 to vector<16xi32>
        %lt3A_1251 = arith.cmpi slt, %xor3A_1242, %lt3A_1250 : vector<16xi32>
        %add3A_1252 = arith.constant 16 : i32
        %add3A_1253 = vector.broadcast %add3A_1252 : i32 to vector<16xi32>
        %add3A_1254 = arith.addi %xor3A_1242, %add3A_1253 : vector<16xi32>
        %select_n3A_1255 = arith.select %lt3A_1251, %add3A_1254, %xor3A_1242 : vector<16xi1>, vector<16xi32>
        %broadcast_in_dim3A_1256 = vector.shape_cast %select_n3A_1255 : vector<16xi32> to vector<16x1xi32>
        %gather3A_1257 = vector.shape_cast %broadcast_in_dim3A_1256 : vector<16x1xi32> to vector<16xi32>
        %gather3A_1258 = tpu.dynamic_gather %select_n3A_1170[%gather3A_1257] in [0] : vector<16xf32>, vector<16xi32> -> vector<16xf32>
        %add3A_1259 = arith.addf %select_n3A_1170, %gather3A_1258 : vector<16xf32>
        %lt3A_1260 = arith.constant 0 : i32
        %lt3A_1261 = vector.broadcast %lt3A_1260 : i32 to vector<16xi32>
        %lt3A_1262 = arith.cmpi slt, %xor3A_1242, %lt3A_1261 : vector<16xi32>
        %add3A_1263 = arith.constant 16 : i32
        %add3A_1264 = vector.broadcast %add3A_1263 : i32 to vector<16xi32>
        %add3A_1265 = arith.addi %xor3A_1242, %add3A_1264 : vector<16xi32>
        %select_n3A_1266 = arith.select %lt3A_1262, %add3A_1265, %xor3A_1242 : vector<16xi1>, vector<16xi32>
        %broadcast_in_dim3A_1267 = vector.shape_cast %select_n3A_1266 : vector<16xi32> to vector<16x1xi32>
        %gather3A_1268 = vector.shape_cast %broadcast_in_dim3A_1267 : vector<16x1xi32> to vector<16xi32>
        %gather3A_1269 = tpu.dynamic_gather %select_n3A_1193[%gather3A_1268] in [0] : vector<16xf32>, vector<16xi32> -> vector<16xf32>
        %add3A_1270 = arith.addf %select_n3A_1193, %gather3A_1269 : vector<16xf32>
        %select_n3A_1271 = arith.select %eq3A_1248, %add3A_1259, %add3A_1270 : vector<16xi1>, vector<16xf32>
        %lt3A_1272 = arith.constant 0 : i32
        %lt3A_1273 = vector.broadcast %lt3A_1272 : i32 to vector<16xi32>
        %lt3A_1274 = arith.cmpi slt, %xor3A_1242, %lt3A_1273 : vector<16xi32>
        %add3A_1275 = arith.constant 16 : i32
        %add3A_1276 = vector.broadcast %add3A_1275 : i32 to vector<16xi32>
        %add3A_1277 = arith.addi %xor3A_1242, %add3A_1276 : vector<16xi32>
        %select_n3A_1278 = arith.select %lt3A_1274, %add3A_1277, %xor3A_1242 : vector<16xi1>, vector<16xi32>
        %broadcast_in_dim3A_1279 = vector.shape_cast %select_n3A_1278 : vector<16xi32> to vector<16x1xi32>
        %gather3A_1280 = vector.shape_cast %broadcast_in_dim3A_1279 : vector<16x1xi32> to vector<16xi32>
        %gather3A_1281 = tpu.dynamic_gather %select_n3A_1216[%gather3A_1280] in [0] : vector<16xf32>, vector<16xi32> -> vector<16xf32>
        %add3A_1282 = arith.addf %select_n3A_1216, %gather3A_1281 : vector<16xf32>
        %lt3A_1283 = arith.constant 0 : i32
        %lt3A_1284 = vector.broadcast %lt3A_1283 : i32 to vector<16xi32>
        %lt3A_1285 = arith.cmpi slt, %xor3A_1242, %lt3A_1284 : vector<16xi32>
        %add3A_1286 = arith.constant 16 : i32
        %add3A_1287 = vector.broadcast %add3A_1286 : i32 to vector<16xi32>
        %add3A_1288 = arith.addi %xor3A_1242, %add3A_1287 : vector<16xi32>
        %select_n3A_1289 = arith.select %lt3A_1285, %add3A_1288, %xor3A_1242 : vector<16xi1>, vector<16xi32>
        %broadcast_in_dim3A_1290 = vector.shape_cast %select_n3A_1289 : vector<16xi32> to vector<16x1xi32>
        %gather3A_1291 = vector.shape_cast %broadcast_in_dim3A_1290 : vector<16x1xi32> to vector<16xi32>
        %gather3A_1292 = tpu.dynamic_gather %select_n3A_1239[%gather3A_1291] in [0] : vector<16xf32>, vector<16xi32> -> vector<16xf32>
        %add3A_1293 = arith.addf %select_n3A_1239, %gather3A_1292 : vector<16xf32>
        %select_n3A_1294 = arith.select %eq3A_1248, %add3A_1282, %add3A_1293 : vector<16xi1>, vector<16xf32>
        %xor3A_1295 = arith.constant 8 : i32
        %xor3A_1296 = vector.broadcast %xor3A_1295 : i32 to vector<16xi32>
        %xor3A_1297 = arith.xori %iota3A, %xor3A_1296 : vector<16xi32>
        %and3A_1298 = arith.constant 8 : i32
        %and3A_1299 = vector.broadcast %and3A_1298 : i32 to vector<16xi32>
        %and3A_1300 = arith.andi %iota3A, %and3A_1299 : vector<16xi32>
        %eq3A_1301 = arith.constant 0 : i32
        %eq3A_1302 = vector.broadcast %eq3A_1301 : i32 to vector<16xi32>
        %eq3A_1303 = arith.cmpi eq, %and3A_1300, %eq3A_1302 : vector<16xi32>
        %lt3A_1304 = arith.constant 0 : i32
        %lt3A_1305 = vector.broadcast %lt3A_1304 : i32 to vector<16xi32>
        %lt3A_1306 = arith.cmpi slt, %xor3A_1297, %lt3A_1305 : vector<16xi32>
        %add3A_1307 = arith.constant 16 : i32
        %add3A_1308 = vector.broadcast %add3A_1307 : i32 to vector<16xi32>
        %add3A_1309 = arith.addi %xor3A_1297, %add3A_1308 : vector<16xi32>
        %select_n3A_1310 = arith.select %lt3A_1306, %add3A_1309, %xor3A_1297 : vector<16xi1>, vector<16xi32>
        %broadcast_in_dim3A_1311 = vector.shape_cast %select_n3A_1310 : vector<16xi32> to vector<16x1xi32>
        %gather3A_1312 = vector.shape_cast %broadcast_in_dim3A_1311 : vector<16x1xi32> to vector<16xi32>
        %gather3A_1313 = tpu.dynamic_gather %select_n3A_1271[%gather3A_1312] in [0] : vector<16xf32>, vector<16xi32> -> vector<16xf32>
        %add3A_1314 = arith.addf %select_n3A_1271, %gather3A_1313 : vector<16xf32>
        %lt3A_1315 = arith.constant 0 : i32
        %lt3A_1316 = vector.broadcast %lt3A_1315 : i32 to vector<16xi32>
        %lt3A_1317 = arith.cmpi slt, %xor3A_1297, %lt3A_1316 : vector<16xi32>
        %add3A_1318 = arith.constant 16 : i32
        %add3A_1319 = vector.broadcast %add3A_1318 : i32 to vector<16xi32>
        %add3A_1320 = arith.addi %xor3A_1297, %add3A_1319 : vector<16xi32>
        %select_n3A_1321 = arith.select %lt3A_1317, %add3A_1320, %xor3A_1297 : vector<16xi1>, vector<16xi32>
        %broadcast_in_dim3A_1322 = vector.shape_cast %select_n3A_1321 : vector<16xi32> to vector<16x1xi32>
        %gather3A_1323 = vector.shape_cast %broadcast_in_dim3A_1322 : vector<16x1xi32> to vector<16xi32>
        %gather3A_1324 = tpu.dynamic_gather %select_n3A_1294[%gather3A_1323] in [0] : vector<16xf32>, vector<16xi32> -> vector<16xf32>
        %add3A_1325 = arith.addf %select_n3A_1294, %gather3A_1324 : vector<16xf32>
        %select_n3A_1326 = arith.select %eq3A_1303, %add3A_1314, %add3A_1325 : vector<16xi1>, vector<16xf32>
        %mul3A_1327 = arith.constant 16 : i32
        %mul3A_1328 = arith.muli %scan3A_648, %mul3A_1327 : i32
        %get3A_1329 = arith.index_cast %mul3A_1328 : i32 to index
        %get3A_1330 = tpu.vector_load %arg13[%get3A_1329] {strides = array<i32>} : memref<512xf32, #tpu.memory_space<vmem>>, vector<16xf32>,
        %mul3A_1331 = arith.constant 16 : i32
        %mul3A_1332 = arith.muli %scan3A_648, %mul3A_1331 : i32
        %get3A_1333 = arith.index_cast %mul3A_1332 : i32 to index
        %get3A_1334 = tpu.vector_load %arg14[%get3A_1333] {strides = array<i32>} : memref<512xf32, #tpu.memory_space<vmem>>, vector<16xf32>,
        %mul3A_1335 = arith.constant 4 : i32
        %mul3A_1336 = arith.muli %add3A_313, %mul3A_1335 : i32
        %jit3A = arith.constant 8 : i32
        %div3A = arith.divsi %scan3A_648, %jit3A : i32
        %sign3A = arith.constant 0 : i32
        %sign3A_1337 = arith.cmpi sgt, %scan3A_648, %sign3A : i32
        %sign3A_1338 = arith.extui %sign3A_1337 : i1 to i32
        %sign3A_1339 = arith.constant 0 : i32
        %sign3A_1340 = arith.cmpi slt, %scan3A_648, %sign3A_1339 : i32
        %sign3A_1341 = arith.extui %sign3A_1340 : i1 to i32
        %sign3A_1342 = arith.subi %sign3A_1338, %sign3A_1341 : i32
        %sign3A_1343 = arith.constant 0 : i32
        %sign3A_1344 = arith.cmpi sgt, %jit3A, %sign3A_1343 : i32
        %sign3A_1345 = arith.extui %sign3A_1344 : i1 to i32
        %sign3A_1346 = arith.constant 0 : i32
        %sign3A_1347 = arith.cmpi slt, %jit3A, %sign3A_1346 : i32
        %sign3A_1348 = arith.extui %sign3A_1347 : i1 to i32
        %sign3A_1349 = arith.subi %sign3A_1345, %sign3A_1348 : i32
        %ne3A = arith.cmpi ne, %sign3A_1342, %sign3A_1349 : i32
        %rem3A = arith.remsi %scan3A_648, %jit3A : i32
        %ne3A_1350 = arith.constant 0 : i32
        %ne3A_1351 = arith.cmpi ne, %rem3A, %ne3A_1350 : i32
        %and3A_1352 = arith.andi %ne3A, %ne3A_1351 : i1
        %sub3A = arith.constant 1 : i32
        %sub3A_1353 = arith.subi %div3A, %sub3A : i32
        %select_n3A_1354 = arith.select %and3A_1352, %sub3A_1353, %div3A : i32
        %add3A_1355 = arith.addi %mul3A_1336, %select_n3A_1354 : i32
        %jit3A_1356 = arith.constant 8 : i32
        %eq3A_1357 = arith.constant 0 : i32
        %eq3A_1358 = arith.cmpi eq, %jit3A_1356, %eq3A_1357 : i32
        %jit3A_1359 = arith.constant 1 : i32
        %select_n3A_1360 = arith.select %eq3A_1358, %jit3A_1359, %jit3A_1356 : i32
        %rem3A_1361 = arith.remsi %scan3A_648, %select_n3A_1360 : i32
        %ne3A_1362 = arith.constant 0 : i32
        %ne3A_1363 = arith.cmpi ne, %rem3A_1361, %ne3A_1362 : i32
        %lt3A_1364 = arith.constant 0 : i32
        %lt3A_1365 = arith.cmpi slt, %rem3A_1361, %lt3A_1364 : i32
        %lt3A_1366 = arith.constant 0 : i32
        %lt3A_1367 = arith.cmpi slt, %select_n3A_1360, %lt3A_1366 : i32
        %ne3A_1368 = arith.xori %lt3A_1365, %lt3A_1367 : i1
        %and3A_1369 = arith.andi %ne3A_1368, %ne3A_1363 : i1
        %add3A_1370 = arith.addi %rem3A_1361, %select_n3A_1360 : i32
        %select_n3A_1371 = arith.select %and3A_1369, %add3A_1370, %rem3A_1361 : i32
        %mul3A_1372 = arith.constant 16 : i32
        %mul3A_1373 = arith.muli %select_n3A_1371, %mul3A_1372 : i32
        %get3A_1374 = arith.index_cast %add3A_1355 : i32 to index
        %get3A_1375 = arith.index_cast %mul3A_1373 : i32 to index
        %get3A_1376 = tpu.vector_load %arg9[%get3A_1374, %get3A_1375] {strides = array<i32>} : memref<200x128xi32, #tpu.memory_space<vmem>>, vector<16xi32>,
        %get3A_1377 = arith.index_cast %add3A_1355 : i32 to index
        %get3A_1378 = arith.index_cast %mul3A_1373 : i32 to index
        %get3A_1379 = tpu.vector_load %arg10[%get3A_1377, %get3A_1378] {strides = array<i32>} : memref<200x128xi32, #tpu.memory_space<vmem>>, vector<16xi32>,
        %ne3A_1380 = arith.constant 0 : i32
        %ne3A_1381 = vector.broadcast %ne3A_1380 : i32 to vector<16xi32>
        %ne3A_1382 = arith.cmpi ne, %get3A_1376, %ne3A_1381 : vector<16xi32>
        %ne3A_1383 = arith.constant 0 : i32
        %ne3A_1384 = vector.broadcast %ne3A_1383 : i32 to vector<16xi32>
        %ne3A_1385 = arith.cmpi ne, %get3A_1379, %ne3A_1384 : vector<16xi32>
        %and3A_1386 = arith.andi %ne3A_1382, %ne3A_1385 : vector<16xi1>
        %jit3A_1387 = arith.constant 0.000000e+00 : f32
        %broadcast_in_dim3A_1388 = vector.broadcast %jit3A_1387 : f32 to vector<16xf32>
        %select_n3A_1389 = arith.select %and3A_1386, %select_n3A_1326, %broadcast_in_dim3A_1388 : vector<16xi1>, vector<16xf32>
        %jit3A_1390 = arith.constant 0.000000e+00 : f32
        %broadcast_in_dim3A_1391 = vector.broadcast %jit3A_1390 : f32 to vector<16xf32>
        %select_n3A_1392 = arith.select %ne3A_1382, %get3A_1330, %broadcast_in_dim3A_1391 : vector<16xi1>, vector<16xf32>
        %add3A_1393 = arith.addf %select_n3A_1389, %select_n3A_1392 : vector<16xf32>
        %jit3A_1394 = arith.constant 0.000000e+00 : f32
        %broadcast_in_dim3A_1395 = vector.broadcast %jit3A_1394 : f32 to vector<16xf32>
        %select_n3A_1396 = arith.select %ne3A_1385, %get3A_1334, %broadcast_in_dim3A_1395 : vector<16xi1>, vector<16xf32>
        %add3A_1397 = arith.addf %add3A_1393, %select_n3A_1396 : vector<16xf32>
        %neg3A = arith.constant 0.000000e+00 : f32
        %neg3A_1398 = vector.broadcast %neg3A : f32 to vector<16xf32>
        %neg3A_1399 = arith.subf %neg3A_1398, %add3A_1397 : vector<16xf32>
        %exp3A = math.exp %neg3A_1399 : vector<16xf32>
        %add3A_1400 = arith.constant 1.000000e+00 : f32
        %add3A_1401 = vector.broadcast %add3A_1400 : f32 to vector<16xf32>
        %add3A_1402 = arith.addf %add3A_1401, %exp3A : vector<16xf32>
        %div3A_1403 = arith.constant 1.000000e+00 : f32
        %div3A_1404 = vector.broadcast %div3A_1403 : f32 to vector<16xf32>
        %div3A_1405 = arith.divf %div3A_1404, %add3A_1402 : vector<16xf32>
        %jit3A_1406 = arith.constant 8 : i32
        %div3A_1407 = arith.divsi %scan3A_648, %jit3A_1406 : i32
        %sign3A_1408 = arith.constant 0 : i32
        %sign3A_1409 = arith.cmpi sgt, %scan3A_648, %sign3A_1408 : i32
        %sign3A_1410 = arith.extui %sign3A_1409 : i1 to i32
        %sign3A_1411 = arith.constant 0 : i32
        %sign3A_1412 = arith.cmpi slt, %scan3A_648, %sign3A_1411 : i32
        %sign3A_1413 = arith.extui %sign3A_1412 : i1 to i32
        %sign3A_1414 = arith.subi %sign3A_1410, %sign3A_1413 : i32
        %sign3A_1415 = arith.constant 0 : i32
        %sign3A_1416 = arith.cmpi sgt, %jit3A_1406, %sign3A_1415 : i32
        %sign3A_1417 = arith.extui %sign3A_1416 : i1 to i32
        %sign3A_1418 = arith.constant 0 : i32
        %sign3A_1419 = arith.cmpi slt, %jit3A_1406, %sign3A_1418 : i32
        %sign3A_1420 = arith.extui %sign3A_1419 : i1 to i32
        %sign3A_1421 = arith.subi %sign3A_1417, %sign3A_1420 : i32
        %ne3A_1422 = arith.cmpi ne, %sign3A_1414, %sign3A_1421 : i32
        %rem3A_1423 = arith.remsi %scan3A_648, %jit3A_1406 : i32
        %ne3A_1424 = arith.constant 0 : i32
        %ne3A_1425 = arith.cmpi ne, %rem3A_1423, %ne3A_1424 : i32
        %and3A_1426 = arith.andi %ne3A_1422, %ne3A_1425 : i1
        %sub3A_1427 = arith.constant 1 : i32
        %sub3A_1428 = arith.subi %div3A_1407, %sub3A_1427 : i32
        %select_n3A_1429 = arith.select %and3A_1426, %sub3A_1428, %div3A_1407 : i32
        %swap3A = arith.index_cast %select_n3A_1429 : i32 to index
        %swap3A_1430 = arith.index_cast %mul3A_1373 : i32 to index
        %swap3A_1431 = tpu.vector_load %arg15[%swap3A, %swap3A_1430] {strides = array<i32>} : memref<4x128xf32, #tpu.memory_space<vmem>>, vector<16xf32>,
        tpu.vector_store %arg15[%swap3A, %swap3A_1430], %div3A_1405 {strides = array<i32>} : memref<4x128xf32, #tpu.memory_space<vmem>>, vector<16xf32>,
      }
      %scan3A_465 = arith.constant 32 : i32
      %mul3A_466 = arith.constant 4 : i32
      %mul3A_467 = arith.muli %add3A_313, %mul3A_466 : i32
      %mul3A_468 = arith.constant 128 : i32
      %mul3A_469 = arith.muli %add3A, %mul3A_468 : i32
      %dma_start3A_470 = tpu.memref_slice %arg8[%mul3A_467, %mul3A_469] : memref<200x4096xf32, #tpu.memory_space<hbm>> -> memref<4x128xf32, #tpu.memory_space<hbm>>
      %dma_start3A_471 = tpu.memref_slice %arg8[%mul3A_467, %mul3A_469] : memref<200x4096xf32, #tpu.memory_space<hbm>> -> memref<4x128xf32, #tpu.memory_space<hbm>>
      tpu.enqueue_dma source(%arg15 : memref<4x128xf32, #tpu.memory_space<vmem>>) target(%dma_start3A_471 : memref<4x128xf32, #tpu.memory_space<hbm>>) target_semaphore(%arg23 : memref<!tpu.dma_semaphore, #tpu.memory_space<semaphore_mem>>)
      %add3A_472 = arith.constant 2 : i32
      %add3A_473 = arith.addi %add3A_313, %add3A_472 : i32
      %lt3A = arith.constant 50 : i32
      %lt3A_474 = arith.cmpi slt, %add3A_473, %lt3A : i32
      %convert_element_type3A_475 = arith.extui %lt3A_474 : i1 to i32
      %cond3A_476 = arith.constant 0 : i32
      %cond3A_477 = arith.cmpi ne, %convert_element_type3A_475, %cond3A_476 : i32
      scf.if %cond3A_477 {
        %add3A_648 = arith.constant 2 : i32
        %add3A_649 = arith.addi %add3A_313, %add3A_648 : i32
        %mul3A_650 = arith.constant 4 : i32
        %mul3A_651 = arith.muli %add3A_649, %mul3A_650 : i32
        %add3A_652 = arith.constant 0 : i32
        %add3A_653 = arith.addi %mul3A_651, %add3A_652 : i32
        %dma_start3A_654 = arith.constant 0 : i32
        %dma_start3A_655 = arith.constant 0 : i32
        %dma_start3A_656 = tpu.memref_slice %arg11[%dma_start3A_654, %dma_start3A_655] : memref<512x32xf32, #tpu.memory_space<vmem>> -> memref<128x32xf32, #tpu.memory_space<vmem>>
        %dma_start3A_657 = arith.constant 0 : i32
        %dma_start3A_658 = tpu.memref_slice %arg9[%add3A_653, %dma_start3A_657] : memref<200x128xi32, #tpu.memory_space<vmem>> -> memref<1x128xi32, #tpu.memory_space<vmem>>
        %dma_start3A_659 = tpu.memref_squeeze %dma_start3A_658 : memref<1x128xi32, #tpu.memory_space<vmem>> -> memref<128xi32, #tpu.memory_space<vmem>>
        %dma_start3A_660 = arith.constant 0 : i32
        %dma_start3A_661 = arith.constant 0 : i32
        %dma_start3A_662 = tpu.memref_slice %arg4[%dma_start3A_660, %dma_start3A_661] : memref<1000001x32xf32, #tpu.memory_space<hbm>> -> memref<1000001x32xf32, #tpu.memory_space<hbm>>
        tpu.enqueue_indirect_dma source(%dma_start3A_662 : memref<1000001x32xf32, #tpu.memory_space<hbm>>) target(%dma_start3A_656 : memref<128x32xf32, #tpu.memory_space<vmem>>) offsets(%dma_start3A_659 : memref<128xi32, #tpu.memory_space<vmem>>) semaphore(%arg21 : memref<!tpu.dma_semaphore, #tpu.memory_space<semaphore_mem>>)
        %dma_start3A_663 = arith.constant 0 : i32
        %dma_start3A_664 = arith.constant 0 : i32
        %dma_start3A_665 = tpu.memref_slice %arg12[%dma_start3A_663, %dma_start3A_664] : memref<512x32xf32, #tpu.memory_space<vmem>> -> memref<128x32xf32, #tpu.memory_space<vmem>>
        %dma_start3A_666 = arith.constant 0 : i32
        %dma_start3A_667 = tpu.memref_slice %arg10[%add3A_653, %dma_start3A_666] : memref<200x128xi32, #tpu.memory_space<vmem>> -> memref<1x128xi32, #tpu.memory_space<vmem>>
        %dma_start3A_668 = tpu.memref_squeeze %dma_start3A_667 : memref<1x128xi32, #tpu.memory_space<vmem>> -> memref<128xi32, #tpu.memory_space<vmem>>
        %dma_start3A_669 = arith.constant 0 : i32
        %dma_start3A_670 = arith.constant 0 : i32
        %dma_start3A_671 = tpu.memref_slice %arg5[%dma_start3A_669, %dma_start3A_670] : memref<100001x32xf32, #tpu.memory_space<hbm>> -> memref<100001x32xf32, #tpu.memory_space<hbm>>
        tpu.enqueue_indirect_dma source(%dma_start3A_671 : memref<100001x32xf32, #tpu.memory_space<hbm>>) target(%dma_start3A_665 : memref<128x32xf32, #tpu.memory_space<vmem>>) offsets(%dma_start3A_668 : memref<128xi32, #tpu.memory_space<vmem>>) semaphore(%arg21 : memref<!tpu.dma_semaphore, #tpu.memory_space<semaphore_mem>>)
        %dma_start3A_672 = arith.constant 0 : i32
        %dma_start3A_673 = tpu.memref_slice %arg13[%dma_start3A_672] : memref<512xf32, #tpu.memory_space<vmem>> -> memref<128xf32, #tpu.memory_space<vmem>>
        %dma_start3A_674 = arith.constant 0 : i32
        %dma_start3A_675 = tpu.memref_slice %arg9[%add3A_653, %dma_start3A_674] : memref<200x128xi32, #tpu.memory_space<vmem>> -> memref<1x128xi32, #tpu.memory_space<vmem>>
        %dma_start3A_676 = tpu.memref_squeeze %dma_start3A_675 : memref<1x128xi32, #tpu.memory_space<vmem>> -> memref<128xi32, #tpu.memory_space<vmem>>
        %dma_start3A_677 = arith.constant 0 : i32
        %dma_start3A_678 = tpu.memref_slice %arg6[%dma_start3A_677] : memref<1000001xf32, #tpu.memory_space<hbm>> -> memref<1000001xf32, #tpu.memory_space<hbm>>
        tpu.enqueue_indirect_dma source(%dma_start3A_678 : memref<1000001xf32, #tpu.memory_space<hbm>>) target(%dma_start3A_673 : memref<128xf32, #tpu.memory_space<vmem>>) offsets(%dma_start3A_676 : memref<128xi32, #tpu.memory_space<vmem>>) semaphore(%arg21 : memref<!tpu.dma_semaphore, #tpu.memory_space<semaphore_mem>>)
        %dma_start3A_679 = arith.constant 0 : i32
        %dma_start3A_680 = tpu.memref_slice %arg14[%dma_start3A_679] : memref<512xf32, #tpu.memory_space<vmem>> -> memref<128xf32, #tpu.memory_space<vmem>>
        %dma_start3A_681 = arith.constant 0 : i32
        %dma_start3A_682 = tpu.memref_slice %arg10[%add3A_653, %dma_start3A_681] : memref<200x128xi32, #tpu.memory_space<vmem>> -> memref<1x128xi32, #tpu.memory_space<vmem>>
        %dma_start3A_683 = tpu.memref_squeeze %dma_start3A_682 : memref<1x128xi32, #tpu.memory_space<vmem>> -> memref<128xi32, #tpu.memory_space<vmem>>
        %dma_start3A_684 = arith.constant 0 : i32
        %dma_start3A_685 = tpu.memref_slice %arg7[%dma_start3A_684] : memref<100001xf32, #tpu.memory_space<hbm>> -> memref<100001xf32, #tpu.memory_space<hbm>>
        tpu.enqueue_indirect_dma source(%dma_start3A_685 : memref<100001xf32, #tpu.memory_space<hbm>>) target(%dma_start3A_680 : memref<128xf32, #tpu.memory_space<vmem>>) offsets(%dma_start3A_683 : memref<128xi32, #tpu.memory_space<vmem>>) semaphore(%arg21 : memref<!tpu.dma_semaphore, #tpu.memory_space<semaphore_mem>>)
        %mul3A_686 = arith.constant 4 : i32
        %mul3A_687 = arith.muli %add3A_649, %mul3A_686 : i32
        %add3A_688 = arith.constant 1 : i32
        %add3A_689 = arith.addi %mul3A_687, %add3A_688 : i32
        %dma_start3A_690 = arith.constant 128 : i32
        %dma_start3A_691 = arith.constant 0 : i32
        %dma_start3A_692 = tpu.memref_slice %arg11[%dma_start3A_690, %dma_start3A_691] : memref<512x32xf32, #tpu.memory_space<vmem>> -> memref<128x32xf32, #tpu.memory_space<vmem>>
        %dma_start3A_693 = arith.constant 0 : i32
        %dma_start3A_694 = tpu.memref_slice %arg9[%add3A_689, %dma_start3A_693] : memref<200x128xi32, #tpu.memory_space<vmem>> -> memref<1x128xi32, #tpu.memory_space<vmem>>
        %dma_start3A_695 = tpu.memref_squeeze %dma_start3A_694 : memref<1x128xi32, #tpu.memory_space<vmem>> -> memref<128xi32, #tpu.memory_space<vmem>>
        %dma_start3A_696 = arith.constant 0 : i32
        %dma_start3A_697 = arith.constant 0 : i32
        %dma_start3A_698 = tpu.memref_slice %arg4[%dma_start3A_696, %dma_start3A_697] : memref<1000001x32xf32, #tpu.memory_space<hbm>> -> memref<1000001x32xf32, #tpu.memory_space<hbm>>
        tpu.enqueue_indirect_dma source(%dma_start3A_698 : memref<1000001x32xf32, #tpu.memory_space<hbm>>) target(%dma_start3A_692 : memref<128x32xf32, #tpu.memory_space<vmem>>) offsets(%dma_start3A_695 : memref<128xi32, #tpu.memory_space<vmem>>) semaphore(%arg21 : memref<!tpu.dma_semaphore, #tpu.memory_space<semaphore_mem>>)
        %dma_start3A_699 = arith.constant 128 : i32
        %dma_start3A_700 = arith.constant 0 : i32
        %dma_start3A_701 = tpu.memref_slice %arg12[%dma_start3A_699, %dma_start3A_700] : memref<512x32xf32, #tpu.memory_space<vmem>> -> memref<128x32xf32, #tpu.memory_space<vmem>>
        %dma_start3A_702 = arith.constant 0 : i32
        %dma_start3A_703 = tpu.memref_slice %arg10[%add3A_689, %dma_start3A_702] : memref<200x128xi32, #tpu.memory_space<vmem>> -> memref<1x128xi32, #tpu.memory_space<vmem>>
        %dma_start3A_704 = tpu.memref_squeeze %dma_start3A_703 : memref<1x128xi32, #tpu.memory_space<vmem>> -> memref<128xi32, #tpu.memory_space<vmem>>
        %dma_start3A_705 = arith.constant 0 : i32
        %dma_start3A_706 = arith.constant 0 : i32
        %dma_start3A_707 = tpu.memref_slice %arg5[%dma_start3A_705, %dma_start3A_706] : memref<100001x32xf32, #tpu.memory_space<hbm>> -> memref<100001x32xf32, #tpu.memory_space<hbm>>
        tpu.enqueue_indirect_dma source(%dma_start3A_707 : memref<100001x32xf32, #tpu.memory_space<hbm>>) target(%dma_start3A_701 : memref<128x32xf32, #tpu.memory_space<vmem>>) offsets(%dma_start3A_704 : memref<128xi32, #tpu.memory_space<vmem>>) semaphore(%arg21 : memref<!tpu.dma_semaphore, #tpu.memory_space<semaphore_mem>>)
        %dma_start3A_708 = arith.constant 128 : i32
        %dma_start3A_709 = tpu.memref_slice %arg13[%dma_start3A_708] : memref<512xf32, #tpu.memory_space<vmem>> -> memref<128xf32, #tpu.memory_space<vmem>>
        %dma_start3A_710 = arith.constant 0 : i32
        %dma_start3A_711 = tpu.memref_slice %arg9[%add3A_689, %dma_start3A_710] : memref<200x128xi32, #tpu.memory_space<vmem>> -> memref<1x128xi32, #tpu.memory_space<vmem>>
        %dma_start3A_712 = tpu.memref_squeeze %dma_start3A_711 : memref<1x128xi32, #tpu.memory_space<vmem>> -> memref<128xi32, #tpu.memory_space<vmem>>
        %dma_start3A_713 = arith.constant 0 : i32
        %dma_start3A_714 = tpu.memref_slice %arg6[%dma_start3A_713] : memref<1000001xf32, #tpu.memory_space<hbm>> -> memref<1000001xf32, #tpu.memory_space<hbm>>
        tpu.enqueue_indirect_dma source(%dma_start3A_714 : memref<1000001xf32, #tpu.memory_space<hbm>>) target(%dma_start3A_709 : memref<128xf32, #tpu.memory_space<vmem>>) offsets(%dma_start3A_712 : memref<128xi32, #tpu.memory_space<vmem>>) semaphore(%arg21 : memref<!tpu.dma_semaphore, #tpu.memory_space<semaphore_mem>>)
        %dma_start3A_715 = arith.constant 128 : i32
        %dma_start3A_716 = tpu.memref_slice %arg14[%dma_start3A_715] : memref<512xf32, #tpu.memory_space<vmem>> -> memref<128xf32, #tpu.memory_space<vmem>>
        %dma_start3A_717 = arith.constant 0 : i32
        %dma_start3A_718 = tpu.memref_slice %arg10[%add3A_689, %dma_start3A_717] : memref<200x128xi32, #tpu.memory_space<vmem>> -> memref<1x128xi32, #tpu.memory_space<vmem>>
        %dma_start3A_719 = tpu.memref_squeeze %dma_start3A_718 : memref<1x128xi32, #tpu.memory_space<vmem>> -> memref<128xi32, #tpu.memory_space<vmem>>
        %dma_start3A_720 = arith.constant 0 : i32
        %dma_start3A_721 = tpu.memref_slice %arg7[%dma_start3A_720] : memref<100001xf32, #tpu.memory_space<hbm>> -> memref<100001xf32, #tpu.memory_space<hbm>>
        tpu.enqueue_indirect_dma source(%dma_start3A_721 : memref<100001xf32, #tpu.memory_space<hbm>>) target(%dma_start3A_716 : memref<128xf32, #tpu.memory_space<vmem>>) offsets(%dma_start3A_719 : memref<128xi32, #tpu.memory_space<vmem>>) semaphore(%arg21 : memref<!tpu.dma_semaphore, #tpu.memory_space<semaphore_mem>>)
        %mul3A_722 = arith.constant 4 : i32
        %mul3A_723 = arith.muli %add3A_649, %mul3A_722 : i32
        %add3A_724 = arith.constant 2 : i32
        %add3A_725 = arith.addi %mul3A_723, %add3A_724 : i32
        %dma_start3A_726 = arith.constant 256 : i32
        %dma_start3A_727 = arith.constant 0 : i32
        %dma_start3A_728 = tpu.memref_slice %arg11[%dma_start3A_726, %dma_start3A_727] : memref<512x32xf32, #tpu.memory_space<vmem>> -> memref<128x32xf32, #tpu.memory_space<vmem>>
        %dma_start3A_729 = arith.constant 0 : i32
        %dma_start3A_730 = tpu.memref_slice %arg9[%add3A_725, %dma_start3A_729] : memref<200x128xi32, #tpu.memory_space<vmem>> -> memref<1x128xi32, #tpu.memory_space<vmem>>
        %dma_start3A_731 = tpu.memref_squeeze %dma_start3A_730 : memref<1x128xi32, #tpu.memory_space<vmem>> -> memref<128xi32, #tpu.memory_space<vmem>>
        %dma_start3A_732 = arith.constant 0 : i32
        %dma_start3A_733 = arith.constant 0 : i32
        %dma_start3A_734 = tpu.memref_slice %arg4[%dma_start3A_732, %dma_start3A_733] : memref<1000001x32xf32, #tpu.memory_space<hbm>> -> memref<1000001x32xf32, #tpu.memory_space<hbm>>
        tpu.enqueue_indirect_dma source(%dma_start3A_734 : memref<1000001x32xf32, #tpu.memory_space<hbm>>) target(%dma_start3A_728 : memref<128x32xf32, #tpu.memory_space<vmem>>) offsets(%dma_start3A_731 : memref<128xi32, #tpu.memory_space<vmem>>) semaphore(%arg21 : memref<!tpu.dma_semaphore, #tpu.memory_space<semaphore_mem>>)
        %dma_start3A_735 = arith.constant 256 : i32
        %dma_start3A_736 = arith.constant 0 : i32
        %dma_start3A_737 = tpu.memref_slice %arg12[%dma_start3A_735, %dma_start3A_736] : memref<512x32xf32, #tpu.memory_space<vmem>> -> memref<128x32xf32, #tpu.memory_space<vmem>>
        %dma_start3A_738 = arith.constant 0 : i32
        %dma_start3A_739 = tpu.memref_slice %arg10[%add3A_725, %dma_start3A_738] : memref<200x128xi32, #tpu.memory_space<vmem>> -> memref<1x128xi32, #tpu.memory_space<vmem>>
        %dma_start3A_740 = tpu.memref_squeeze %dma_start3A_739 : memref<1x128xi32, #tpu.memory_space<vmem>> -> memref<128xi32, #tpu.memory_space<vmem>>
        %dma_start3A_741 = arith.constant 0 : i32
        %dma_start3A_742 = arith.constant 0 : i32
        %dma_start3A_743 = tpu.memref_slice %arg5[%dma_start3A_741, %dma_start3A_742] : memref<100001x32xf32, #tpu.memory_space<hbm>> -> memref<100001x32xf32, #tpu.memory_space<hbm>>
        tpu.enqueue_indirect_dma source(%dma_start3A_743 : memref<100001x32xf32, #tpu.memory_space<hbm>>) target(%dma_start3A_737 : memref<128x32xf32, #tpu.memory_space<vmem>>) offsets(%dma_start3A_740 : memref<128xi32, #tpu.memory_space<vmem>>) semaphore(%arg21 : memref<!tpu.dma_semaphore, #tpu.memory_space<semaphore_mem>>)
        %dma_start3A_744 = arith.constant 256 : i32
        %dma_start3A_745 = tpu.memref_slice %arg13[%dma_start3A_744] : memref<512xf32, #tpu.memory_space<vmem>> -> memref<128xf32, #tpu.memory_space<vmem>>
        %dma_start3A_746 = arith.constant 0 : i32
        %dma_start3A_747 = tpu.memref_slice %arg9[%add3A_725, %dma_start3A_746] : memref<200x128xi32, #tpu.memory_space<vmem>> -> memref<1x128xi32, #tpu.memory_space<vmem>>
        %dma_start3A_748 = tpu.memref_squeeze %dma_start3A_747 : memref<1x128xi32, #tpu.memory_space<vmem>> -> memref<128xi32, #tpu.memory_space<vmem>>
        %dma_start3A_749 = arith.constant 0 : i32
        %dma_start3A_750 = tpu.memref_slice %arg6[%dma_start3A_749] : memref<1000001xf32, #tpu.memory_space<hbm>> -> memref<1000001xf32, #tpu.memory_space<hbm>>
        tpu.enqueue_indirect_dma source(%dma_start3A_750 : memref<1000001xf32, #tpu.memory_space<hbm>>) target(%dma_start3A_745 : memref<128xf32, #tpu.memory_space<vmem>>) offsets(%dma_start3A_748 : memref<128xi32, #tpu.memory_space<vmem>>) semaphore(%arg21 : memref<!tpu.dma_semaphore, #tpu.memory_space<semaphore_mem>>)
        %dma_start3A_751 = arith.constant 256 : i32
        %dma_start3A_752 = tpu.memref_slice %arg14[%dma_start3A_751] : memref<512xf32, #tpu.memory_space<vmem>> -> memref<128xf32, #tpu.memory_space<vmem>>
        %dma_start3A_753 = arith.constant 0 : i32
        %dma_start3A_754 = tpu.memref_slice %arg10[%add3A_725, %dma_start3A_753] : memref<200x128xi32, #tpu.memory_space<vmem>> -> memref<1x128xi32, #tpu.memory_space<vmem>>
        %dma_start3A_755 = tpu.memref_squeeze %dma_start3A_754 : memref<1x128xi32, #tpu.memory_space<vmem>> -> memref<128xi32, #tpu.memory_space<vmem>>
        %dma_start3A_756 = arith.constant 0 : i32
        %dma_start3A_757 = tpu.memref_slice %arg7[%dma_start3A_756] : memref<100001xf32, #tpu.memory_space<hbm>> -> memref<100001xf32, #tpu.memory_space<hbm>>
        tpu.enqueue_indirect_dma source(%dma_start3A_757 : memref<100001xf32, #tpu.memory_space<hbm>>) target(%dma_start3A_752 : memref<128xf32, #tpu.memory_space<vmem>>) offsets(%dma_start3A_755 : memref<128xi32, #tpu.memory_space<vmem>>) semaphore(%arg21 : memref<!tpu.dma_semaphore, #tpu.memory_space<semaphore_mem>>)
        %mul3A_758 = arith.constant 4 : i32
        %mul3A_759 = arith.muli %add3A_649, %mul3A_758 : i32
        %add3A_760 = arith.constant 3 : i32
        %add3A_761 = arith.addi %mul3A_759, %add3A_760 : i32
        %dma_start3A_762 = arith.constant 384 : i32
        %dma_start3A_763 = arith.constant 0 : i32
        %dma_start3A_764 = tpu.memref_slice %arg11[%dma_start3A_762, %dma_start3A_763] : memref<512x32xf32, #tpu.memory_space<vmem>> -> memref<128x32xf32, #tpu.memory_space<vmem>>
        %dma_start3A_765 = arith.constant 0 : i32
        %dma_start3A_766 = tpu.memref_slice %arg9[%add3A_761, %dma_start3A_765] : memref<200x128xi32, #tpu.memory_space<vmem>> -> memref<1x128xi32, #tpu.memory_space<vmem>>
        %dma_start3A_767 = tpu.memref_squeeze %dma_start3A_766 : memref<1x128xi32, #tpu.memory_space<vmem>> -> memref<128xi32, #tpu.memory_space<vmem>>
        %dma_start3A_768 = arith.constant 0 : i32
        %dma_start3A_769 = arith.constant 0 : i32
        %dma_start3A_770 = tpu.memref_slice %arg4[%dma_start3A_768, %dma_start3A_769] : memref<1000001x32xf32, #tpu.memory_space<hbm>> -> memref<1000001x32xf32, #tpu.memory_space<hbm>>
        tpu.enqueue_indirect_dma source(%dma_start3A_770 : memref<1000001x32xf32, #tpu.memory_space<hbm>>) target(%dma_start3A_764 : memref<128x32xf32, #tpu.memory_space<vmem>>) offsets(%dma_start3A_767 : memref<128xi32, #tpu.memory_space<vmem>>) semaphore(%arg21 : memref<!tpu.dma_semaphore, #tpu.memory_space<semaphore_mem>>)
        %dma_start3A_771 = arith.constant 384 : i32
        %dma_start3A_772 = arith.constant 0 : i32
        %dma_start3A_773 = tpu.memref_slice %arg12[%dma_start3A_771, %dma_start3A_772] : memref<512x32xf32, #tpu.memory_space<vmem>> -> memref<128x32xf32, #tpu.memory_space<vmem>>
        %dma_start3A_774 = arith.constant 0 : i32
        %dma_start3A_775 = tpu.memref_slice %arg10[%add3A_761, %dma_start3A_774] : memref<200x128xi32, #tpu.memory_space<vmem>> -> memref<1x128xi32, #tpu.memory_space<vmem>>
        %dma_start3A_776 = tpu.memref_squeeze %dma_start3A_775 : memref<1x128xi32, #tpu.memory_space<vmem>> -> memref<128xi32, #tpu.memory_space<vmem>>
        %dma_start3A_777 = arith.constant 0 : i32
        %dma_start3A_778 = arith.constant 0 : i32
        %dma_start3A_779 = tpu.memref_slice %arg5[%dma_start3A_777, %dma_start3A_778] : memref<100001x32xf32, #tpu.memory_space<hbm>> -> memref<100001x32xf32, #tpu.memory_space<hbm>>
        tpu.enqueue_indirect_dma source(%dma_start3A_779 : memref<100001x32xf32, #tpu.memory_space<hbm>>) target(%dma_start3A_773 : memref<128x32xf32, #tpu.memory_space<vmem>>) offsets(%dma_start3A_776 : memref<128xi32, #tpu.memory_space<vmem>>) semaphore(%arg21 : memref<!tpu.dma_semaphore, #tpu.memory_space<semaphore_mem>>)
        %dma_start3A_780 = arith.constant 384 : i32
        %dma_start3A_781 = tpu.memref_slice %arg13[%dma_start3A_780] : memref<512xf32, #tpu.memory_space<vmem>> -> memref<128xf32, #tpu.memory_space<vmem>>
        %dma_start3A_782 = arith.constant 0 : i32
        %dma_start3A_783 = tpu.memref_slice %arg9[%add3A_761, %dma_start3A_782] : memref<200x128xi32, #tpu.memory_space<vmem>> -> memref<1x128xi32, #tpu.memory_space<vmem>>
        %dma_start3A_784 = tpu.memref_squeeze %dma_start3A_783 : memref<1x128xi32, #tpu.memory_space<vmem>> -> memref<128xi32, #tpu.memory_space<vmem>>
        %dma_start3A_785 = arith.constant 0 : i32
        %dma_start3A_786 = tpu.memref_slice %arg6[%dma_start3A_785] : memref<1000001xf32, #tpu.memory_space<hbm>> -> memref<1000001xf32, #tpu.memory_space<hbm>>
        tpu.enqueue_indirect_dma source(%dma_start3A_786 : memref<1000001xf32, #tpu.memory_space<hbm>>) target(%dma_start3A_781 : memref<128xf32, #tpu.memory_space<vmem>>) offsets(%dma_start3A_784 : memref<128xi32, #tpu.memory_space<vmem>>) semaphore(%arg21 : memref<!tpu.dma_semaphore, #tpu.memory_space<semaphore_mem>>)
        %dma_start3A_787 = arith.constant 384 : i32
        %dma_start3A_788 = tpu.memref_slice %arg14[%dma_start3A_787] : memref<512xf32, #tpu.memory_space<vmem>> -> memref<128xf32, #tpu.memory_space<vmem>>
        %dma_start3A_789 = arith.constant 0 : i32
        %dma_start3A_790 = tpu.memref_slice %arg10[%add3A_761, %dma_start3A_789] : memref<200x128xi32, #tpu.memory_space<vmem>> -> memref<1x128xi32, #tpu.memory_space<vmem>>
        %dma_start3A_791 = tpu.memref_squeeze %dma_start3A_790 : memref<1x128xi32, #tpu.memory_space<vmem>> -> memref<128xi32, #tpu.memory_space<vmem>>
        %dma_start3A_792 = arith.constant 0 : i32
        %dma_start3A_793 = tpu.memref_slice %arg7[%dma_start3A_792] : memref<100001xf32, #tpu.memory_space<hbm>> -> memref<100001xf32, #tpu.memory_space<hbm>>
        tpu.enqueue_indirect_dma source(%dma_start3A_793 : memref<100001xf32, #tpu.memory_space<hbm>>) target(%dma_start3A_788 : memref<128xf32, #tpu.memory_space<vmem>>) offsets(%dma_start3A_791 : memref<128xi32, #tpu.memory_space<vmem>>) semaphore(%arg21 : memref<!tpu.dma_semaphore, #tpu.memory_space<semaphore_mem>>)
      } else {
      }
      %add3A_478 = arith.constant 1 : i32
      %add3A_479 = arith.addi %add3A_311, %add3A_478 : i32
      %mul3A_480 = arith.constant 4 : i32
      %mul3A_481 = arith.muli %add3A_479, %mul3A_480 : i32
      %add3A_482 = arith.constant 0 : i32
      %add3A_483 = arith.addi %mul3A_481, %add3A_482 : i32
      %dma_wait3A_484 = arith.constant 0 : i32
      %dma_wait3A_485 = arith.constant 0 : i32
      %dma_wait3A_486 = tpu.memref_slice %arg16[%dma_wait3A_484, %dma_wait3A_485] : memref<512x32xf32, #tpu.memory_space<vmem>> -> memref<128x32xf32, #tpu.memory_space<vmem>>
      %dma_wait3A_487 = arith.constant 0 : i32
      %dma_wait3A_488 = tpu.memref_slice %arg9[%add3A_483, %dma_wait3A_487] : memref<200x128xi32, #tpu.memory_space<vmem>> -> memref<1x128xi32, #tpu.memory_space<vmem>>
      %dma_wait3A_489 = tpu.memref_squeeze %dma_wait3A_488 : memref<1x128xi32, #tpu.memory_space<vmem>> -> memref<128xi32, #tpu.memory_space<vmem>>
      %dma_wait3A_490 = arith.constant 0 : i32
      %dma_wait3A_491 = arith.constant 0 : i32
      %dma_wait3A_492 = tpu.memref_slice %arg4[%dma_wait3A_490, %dma_wait3A_491] : memref<1000001x32xf32, #tpu.memory_space<hbm>> -> memref<1000001x32xf32, #tpu.memory_space<hbm>>
      tpu.wait_indirect_dma semaphore(%arg22 : memref<!tpu.dma_semaphore, #tpu.memory_space<semaphore_mem>>) src(%dma_wait3A_492 : memref<1000001x32xf32, #tpu.memory_space<hbm>>) dst(%dma_wait3A_486 : memref<128x32xf32, #tpu.memory_space<vmem>>)
      %dma_wait3A_493 = arith.constant 0 : i32
      %dma_wait3A_494 = arith.constant 0 : i32
      %dma_wait3A_495 = tpu.memref_slice %arg17[%dma_wait3A_493, %dma_wait3A_494] : memref<512x32xf32, #tpu.memory_space<vmem>> -> memref<128x32xf32, #tpu.memory_space<vmem>>
      %dma_wait3A_496 = arith.constant 0 : i32
      %dma_wait3A_497 = tpu.memref_slice %arg10[%add3A_483, %dma_wait3A_496] : memref<200x128xi32, #tpu.memory_space<vmem>> -> memref<1x128xi32, #tpu.memory_space<vmem>>
      %dma_wait3A_498 = tpu.memref_squeeze %dma_wait3A_497 : memref<1x128xi32, #tpu.memory_space<vmem>> -> memref<128xi32, #tpu.memory_space<vmem>>
      %dma_wait3A_499 = arith.constant 0 : i32
      %dma_wait3A_500 = arith.constant 0 : i32
      %dma_wait3A_501 = tpu.memref_slice %arg5[%dma_wait3A_499, %dma_wait3A_500] : memref<100001x32xf32, #tpu.memory_space<hbm>> -> memref<100001x32xf32, #tpu.memory_space<hbm>>
      tpu.wait_indirect_dma semaphore(%arg22 : memref<!tpu.dma_semaphore, #tpu.memory_space<semaphore_mem>>) src(%dma_wait3A_501 : memref<100001x32xf32, #tpu.memory_space<hbm>>) dst(%dma_wait3A_495 : memref<128x32xf32, #tpu.memory_space<vmem>>)
      %dma_wait3A_502 = arith.constant 0 : i32
      %dma_wait3A_503 = tpu.memref_slice %arg18[%dma_wait3A_502] : memref<512xf32, #tpu.memory_space<vmem>> -> memref<128xf32, #tpu.memory_space<vmem>>
      %dma_wait3A_504 = arith.constant 0 : i32
      %dma_wait3A_505 = tpu.memref_slice %arg9[%add3A_483, %dma_wait3A_504] : memref<200x128xi32, #tpu.memory_space<vmem>> -> memref<1x128xi32, #tpu.memory_space<vmem>>
      %dma_wait3A_506 = tpu.memref_squeeze %dma_wait3A_505 : memref<1x128xi32, #tpu.memory_space<vmem>> -> memref<128xi32, #tpu.memory_space<vmem>>
      %dma_wait3A_507 = arith.constant 0 : i32
      %dma_wait3A_508 = tpu.memref_slice %arg6[%dma_wait3A_507] : memref<1000001xf32, #tpu.memory_space<hbm>> -> memref<1000001xf32, #tpu.memory_space<hbm>>
      tpu.wait_indirect_dma semaphore(%arg22 : memref<!tpu.dma_semaphore, #tpu.memory_space<semaphore_mem>>) src(%dma_wait3A_508 : memref<1000001xf32, #tpu.memory_space<hbm>>) dst(%dma_wait3A_503 : memref<128xf32, #tpu.memory_space<vmem>>)
      %dma_wait3A_509 = arith.constant 0 : i32
      %dma_wait3A_510 = tpu.memref_slice %arg19[%dma_wait3A_509] : memref<512xf32, #tpu.memory_space<vmem>> -> memref<128xf32, #tpu.memory_space<vmem>>
      %dma_wait3A_511 = arith.constant 0 : i32
      %dma_wait3A_512 = tpu.memref_slice %arg10[%add3A_483, %dma_wait3A_511] : memref<200x128xi32, #tpu.memory_space<vmem>> -> memref<1x128xi32, #tpu.memory_space<vmem>>
      %dma_wait3A_513 = tpu.memref_squeeze %dma_wait3A_512 : memref<1x128xi32, #tpu.memory_space<vmem>> -> memref<128xi32, #tpu.memory_space<vmem>>
      %dma_wait3A_514 = arith.constant 0 : i32
      %dma_wait3A_515 = tpu.memref_slice %arg7[%dma_wait3A_514] : memref<100001xf32, #tpu.memory_space<hbm>> -> memref<100001xf32, #tpu.memory_space<hbm>>
      tpu.wait_indirect_dma semaphore(%arg22 : memref<!tpu.dma_semaphore, #tpu.memory_space<semaphore_mem>>) src(%dma_wait3A_515 : memref<100001xf32, #tpu.memory_space<hbm>>) dst(%dma_wait3A_510 : memref<128xf32, #tpu.memory_space<vmem>>)
      %mul3A_516 = arith.constant 4 : i32
      %mul3A_517 = arith.muli %add3A_479, %mul3A_516 : i32
      %add3A_518 = arith.constant 1 : i32
      %add3A_519 = arith.addi %mul3A_517, %add3A_518 : i32
      %dma_wait3A_520 = arith.constant 128 : i32
      %dma_wait3A_521 = arith.constant 0 : i32
      %dma_wait3A_522 = tpu.memref_slice %arg16[%dma_wait3A_520, %dma_wait3A_521] : memref<512x32xf32, #tpu.memory_space<vmem>> -> memref<128x32xf32, #tpu.memory_space<vmem>>
      %dma_wait3A_523 = arith.constant 0 : i32
      %dma_wait3A_524 = tpu.memref_slice %arg9[%add3A_519, %dma_wait3A_523] : memref<200x128xi32, #tpu.memory_space<vmem>> -> memref<1x128xi32, #tpu.memory_space<vmem>>
      %dma_wait3A_525 = tpu.memref_squeeze %dma_wait3A_524 : memref<1x128xi32, #tpu.memory_space<vmem>> -> memref<128xi32, #tpu.memory_space<vmem>>
      %dma_wait3A_526 = arith.constant 0 : i32
      %dma_wait3A_527 = arith.constant 0 : i32
      %dma_wait3A_528 = tpu.memref_slice %arg4[%dma_wait3A_526, %dma_wait3A_527] : memref<1000001x32xf32, #tpu.memory_space<hbm>> -> memref<1000001x32xf32, #tpu.memory_space<hbm>>
      tpu.wait_indirect_dma semaphore(%arg22 : memref<!tpu.dma_semaphore, #tpu.memory_space<semaphore_mem>>) src(%dma_wait3A_528 : memref<1000001x32xf32, #tpu.memory_space<hbm>>) dst(%dma_wait3A_522 : memref<128x32xf32, #tpu.memory_space<vmem>>)
      %dma_wait3A_529 = arith.constant 128 : i32
      %dma_wait3A_530 = arith.constant 0 : i32
      %dma_wait3A_531 = tpu.memref_slice %arg17[%dma_wait3A_529, %dma_wait3A_530] : memref<512x32xf32, #tpu.memory_space<vmem>> -> memref<128x32xf32, #tpu.memory_space<vmem>>
      %dma_wait3A_532 = arith.constant 0 : i32
      %dma_wait3A_533 = tpu.memref_slice %arg10[%add3A_519, %dma_wait3A_532] : memref<200x128xi32, #tpu.memory_space<vmem>> -> memref<1x128xi32, #tpu.memory_space<vmem>>
      %dma_wait3A_534 = tpu.memref_squeeze %dma_wait3A_533 : memref<1x128xi32, #tpu.memory_space<vmem>> -> memref<128xi32, #tpu.memory_space<vmem>>
      %dma_wait3A_535 = arith.constant 0 : i32
      %dma_wait3A_536 = arith.constant 0 : i32
      %dma_wait3A_537 = tpu.memref_slice %arg5[%dma_wait3A_535, %dma_wait3A_536] : memref<100001x32xf32, #tpu.memory_space<hbm>> -> memref<100001x32xf32, #tpu.memory_space<hbm>>
      tpu.wait_indirect_dma semaphore(%arg22 : memref<!tpu.dma_semaphore, #tpu.memory_space<semaphore_mem>>) src(%dma_wait3A_537 : memref<100001x32xf32, #tpu.memory_space<hbm>>) dst(%dma_wait3A_531 : memref<128x32xf32, #tpu.memory_space<vmem>>)
      %dma_wait3A_538 = arith.constant 128 : i32
      %dma_wait3A_539 = tpu.memref_slice %arg18[%dma_wait3A_538] : memref<512xf32, #tpu.memory_space<vmem>> -> memref<128xf32, #tpu.memory_space<vmem>>
      %dma_wait3A_540 = arith.constant 0 : i32
      %dma_wait3A_541 = tpu.memref_slice %arg9[%add3A_519, %dma_wait3A_540] : memref<200x128xi32, #tpu.memory_space<vmem>> -> memref<1x128xi32, #tpu.memory_space<vmem>>
      %dma_wait3A_542 = tpu.memref_squeeze %dma_wait3A_541 : memref<1x128xi32, #tpu.memory_space<vmem>> -> memref<128xi32, #tpu.memory_space<vmem>>
      %dma_wait3A_543 = arith.constant 0 : i32
      %dma_wait3A_544 = tpu.memref_slice %arg6[%dma_wait3A_543] : memref<1000001xf32, #tpu.memory_space<hbm>> -> memref<1000001xf32, #tpu.memory_space<hbm>>
      tpu.wait_indirect_dma semaphore(%arg22 : memref<!tpu.dma_semaphore, #tpu.memory_space<semaphore_mem>>) src(%dma_wait3A_544 : memref<1000001xf32, #tpu.memory_space<hbm>>) dst(%dma_wait3A_539 : memref<128xf32, #tpu.memory_space<vmem>>)
      %dma_wait3A_545 = arith.constant 128 : i32
      %dma_wait3A_546 = tpu.memref_slice %arg19[%dma_wait3A_545] : memref<512xf32, #tpu.memory_space<vmem>> -> memref<128xf32, #tpu.memory_space<vmem>>
      %dma_wait3A_547 = arith.constant 0 : i32
      %dma_wait3A_548 = tpu.memref_slice %arg10[%add3A_519, %dma_wait3A_547] : memref<200x128xi32, #tpu.memory_space<vmem>> -> memref<1x128xi32, #tpu.memory_space<vmem>>
      %dma_wait3A_549 = tpu.memref_squeeze %dma_wait3A_548 : memref<1x128xi32, #tpu.memory_space<vmem>> -> memref<128xi32, #tpu.memory_space<vmem>>
      %dma_wait3A_550 = arith.constant 0 : i32
      %dma_wait3A_551 = tpu.memref_slice %arg7[%dma_wait3A_550] : memref<100001xf32, #tpu.memory_space<hbm>> -> memref<100001xf32, #tpu.memory_space<hbm>>
      tpu.wait_indirect_dma semaphore(%arg22 : memref<!tpu.dma_semaphore, #tpu.memory_space<semaphore_mem>>) src(%dma_wait3A_551 : memref<100001xf32, #tpu.memory_space<hbm>>) dst(%dma_wait3A_546 : memref<128xf32, #tpu.memory_space<vmem>>)
      %mul3A_552 = arith.constant 4 : i32
      %mul3A_553 = arith.muli %add3A_479, %mul3A_552 : i32
      %add3A_554 = arith.constant 2 : i32
      %add3A_555 = arith.addi %mul3A_553, %add3A_554 : i32
      %dma_wait3A_556 = arith.constant 256 : i32
      %dma_wait3A_557 = arith.constant 0 : i32
      %dma_wait3A_558 = tpu.memref_slice %arg16[%dma_wait3A_556, %dma_wait3A_557] : memref<512x32xf32, #tpu.memory_space<vmem>> -> memref<128x32xf32, #tpu.memory_space<vmem>>
      %dma_wait3A_559 = arith.constant 0 : i32
      %dma_wait3A_560 = tpu.memref_slice %arg9[%add3A_555, %dma_wait3A_559] : memref<200x128xi32, #tpu.memory_space<vmem>> -> memref<1x128xi32, #tpu.memory_space<vmem>>
      %dma_wait3A_561 = tpu.memref_squeeze %dma_wait3A_560 : memref<1x128xi32, #tpu.memory_space<vmem>> -> memref<128xi32, #tpu.memory_space<vmem>>
      %dma_wait3A_562 = arith.constant 0 : i32
      %dma_wait3A_563 = arith.constant 0 : i32
      %dma_wait3A_564 = tpu.memref_slice %arg4[%dma_wait3A_562, %dma_wait3A_563] : memref<1000001x32xf32, #tpu.memory_space<hbm>> -> memref<1000001x32xf32, #tpu.memory_space<hbm>>
      tpu.wait_indirect_dma semaphore(%arg22 : memref<!tpu.dma_semaphore, #tpu.memory_space<semaphore_mem>>) src(%dma_wait3A_564 : memref<1000001x32xf32, #tpu.memory_space<hbm>>) dst(%dma_wait3A_558 : memref<128x32xf32, #tpu.memory_space<vmem>>)
      %dma_wait3A_565 = arith.constant 256 : i32
      %dma_wait3A_566 = arith.constant 0 : i32
      %dma_wait3A_567 = tpu.memref_slice %arg17[%dma_wait3A_565, %dma_wait3A_566] : memref<512x32xf32, #tpu.memory_space<vmem>> -> memref<128x32xf32, #tpu.memory_space<vmem>>
      %dma_wait3A_568 = arith.constant 0 : i32
      %dma_wait3A_569 = tpu.memref_slice %arg10[%add3A_555, %dma_wait3A_568] : memref<200x128xi32, #tpu.memory_space<vmem>> -> memref<1x128xi32, #tpu.memory_space<vmem>>
      %dma_wait3A_570 = tpu.memref_squeeze %dma_wait3A_569 : memref<1x128xi32, #tpu.memory_space<vmem>> -> memref<128xi32, #tpu.memory_space<vmem>>
      %dma_wait3A_571 = arith.constant 0 : i32
      %dma_wait3A_572 = arith.constant 0 : i32
      %dma_wait3A_573 = tpu.memref_slice %arg5[%dma_wait3A_571, %dma_wait3A_572] : memref<100001x32xf32, #tpu.memory_space<hbm>> -> memref<100001x32xf32, #tpu.memory_space<hbm>>
      tpu.wait_indirect_dma semaphore(%arg22 : memref<!tpu.dma_semaphore, #tpu.memory_space<semaphore_mem>>) src(%dma_wait3A_573 : memref<100001x32xf32, #tpu.memory_space<hbm>>) dst(%dma_wait3A_567 : memref<128x32xf32, #tpu.memory_space<vmem>>)
      %dma_wait3A_574 = arith.constant 256 : i32
      %dma_wait3A_575 = tpu.memref_slice %arg18[%dma_wait3A_574] : memref<512xf32, #tpu.memory_space<vmem>> -> memref<128xf32, #tpu.memory_space<vmem>>
      %dma_wait3A_576 = arith.constant 0 : i32
      %dma_wait3A_577 = tpu.memref_slice %arg9[%add3A_555, %dma_wait3A_576] : memref<200x128xi32, #tpu.memory_space<vmem>> -> memref<1x128xi32, #tpu.memory_space<vmem>>
      %dma_wait3A_578 = tpu.memref_squeeze %dma_wait3A_577 : memref<1x128xi32, #tpu.memory_space<vmem>> -> memref<128xi32, #tpu.memory_space<vmem>>
      %dma_wait3A_579 = arith.constant 0 : i32
      %dma_wait3A_580 = tpu.memref_slice %arg6[%dma_wait3A_579] : memref<1000001xf32, #tpu.memory_space<hbm>> -> memref<1000001xf32, #tpu.memory_space<hbm>>
      tpu.wait_indirect_dma semaphore(%arg22 : memref<!tpu.dma_semaphore, #tpu.memory_space<semaphore_mem>>) src(%dma_wait3A_580 : memref<1000001xf32, #tpu.memory_space<hbm>>) dst(%dma_wait3A_575 : memref<128xf32, #tpu.memory_space<vmem>>)
      %dma_wait3A_581 = arith.constant 256 : i32
      %dma_wait3A_582 = tpu.memref_slice %arg19[%dma_wait3A_581] : memref<512xf32, #tpu.memory_space<vmem>> -> memref<128xf32, #tpu.memory_space<vmem>>
      %dma_wait3A_583 = arith.constant 0 : i32
      %dma_wait3A_584 = tpu.memref_slice %arg10[%add3A_555, %dma_wait3A_583] : memref<200x128xi32, #tpu.memory_space<vmem>> -> memref<1x128xi32, #tpu.memory_space<vmem>>
      %dma_wait3A_585 = tpu.memref_squeeze %dma_wait3A_584 : memref<1x128xi32, #tpu.memory_space<vmem>> -> memref<128xi32, #tpu.memory_space<vmem>>
      %dma_wait3A_586 = arith.constant 0 : i32
      %dma_wait3A_587 = tpu.memref_slice %arg7[%dma_wait3A_586] : memref<100001xf32, #tpu.memory_space<hbm>> -> memref<100001xf32, #tpu.memory_space<hbm>>
      tpu.wait_indirect_dma semaphore(%arg22 : memref<!tpu.dma_semaphore, #tpu.memory_space<semaphore_mem>>) src(%dma_wait3A_587 : memref<100001xf32, #tpu.memory_space<hbm>>) dst(%dma_wait3A_582 : memref<128xf32, #tpu.memory_space<vmem>>)
      %mul3A_588 = arith.constant 4 : i32
      %mul3A_589 = arith.muli %add3A_479, %mul3A_588 : i32
      %add3A_590 = arith.constant 3 : i32
      %add3A_591 = arith.addi %mul3A_589, %add3A_590 : i32
      %dma_wait3A_592 = arith.constant 384 : i32
      %dma_wait3A_593 = arith.constant 0 : i32
      %dma_wait3A_594 = tpu.memref_slice %arg16[%dma_wait3A_592, %dma_wait3A_593] : memref<512x32xf32, #tpu.memory_space<vmem>> -> memref<128x32xf32, #tpu.memory_space<vmem>>
      %dma_wait3A_595 = arith.constant 0 : i32
      %dma_wait3A_596 = tpu.memref_slice %arg9[%add3A_591, %dma_wait3A_595] : memref<200x128xi32, #tpu.memory_space<vmem>> -> memref<1x128xi32, #tpu.memory_space<vmem>>
      %dma_wait3A_597 = tpu.memref_squeeze %dma_wait3A_596 : memref<1x128xi32, #tpu.memory_space<vmem>> -> memref<128xi32, #tpu.memory_space<vmem>>
      %dma_wait3A_598 = arith.constant 0 : i32
      %dma_wait3A_599 = arith.constant 0 : i32
      %dma_wait3A_600 = tpu.memref_slice %arg4[%dma_wait3A_598, %dma_wait3A_599] : memref<1000001x32xf32, #tpu.memory_space<hbm>> -> memref<1000001x32xf32, #tpu.memory_space<hbm>>
      tpu.wait_indirect_dma semaphore(%arg22 : memref<!tpu.dma_semaphore, #tpu.memory_space<semaphore_mem>>) src(%dma_wait3A_600 : memref<1000001x32xf32, #tpu.memory_space<hbm>>) dst(%dma_wait3A_594 : memref<128x32xf32, #tpu.memory_space<vmem>>)
      %dma_wait3A_601 = arith.constant 384 : i32
      %dma_wait3A_602 = arith.constant 0 : i32
      %dma_wait3A_603 = tpu.memref_slice %arg17[%dma_wait3A_601, %dma_wait3A_602] : memref<512x32xf32, #tpu.memory_space<vmem>> -> memref<128x32xf32, #tpu.memory_space<vmem>>
      %dma_wait3A_604 = arith.constant 0 : i32
      %dma_wait3A_605 = tpu.memref_slice %arg10[%add3A_591, %dma_wait3A_604] : memref<200x128xi32, #tpu.memory_space<vmem>> -> memref<1x128xi32, #tpu.memory_space<vmem>>
      %dma_wait3A_606 = tpu.memref_squeeze %dma_wait3A_605 : memref<1x128xi32, #tpu.memory_space<vmem>> -> memref<128xi32, #tpu.memory_space<vmem>>
      %dma_wait3A_607 = arith.constant 0 : i32
      %dma_wait3A_608 = arith.constant 0 : i32
      %dma_wait3A_609 = tpu.memref_slice %arg5[%dma_wait3A_607, %dma_wait3A_608] : memref<100001x32xf32, #tpu.memory_space<hbm>> -> memref<100001x32xf32, #tpu.memory_space<hbm>>
      tpu.wait_indirect_dma semaphore(%arg22 : memref<!tpu.dma_semaphore, #tpu.memory_space<semaphore_mem>>) src(%dma_wait3A_609 : memref<100001x32xf32, #tpu.memory_space<hbm>>) dst(%dma_wait3A_603 : memref<128x32xf32, #tpu.memory_space<vmem>>)
      %dma_wait3A_610 = arith.constant 384 : i32
      %dma_wait3A_611 = tpu.memref_slice %arg18[%dma_wait3A_610] : memref<512xf32, #tpu.memory_space<vmem>> -> memref<128xf32, #tpu.memory_space<vmem>>
      %dma_wait3A_612 = arith.constant 0 : i32
      %dma_wait3A_613 = tpu.memref_slice %arg9[%add3A_591, %dma_wait3A_612] : memref<200x128xi32, #tpu.memory_space<vmem>> -> memref<1x128xi32, #tpu.memory_space<vmem>>
      %dma_wait3A_614 = tpu.memref_squeeze %dma_wait3A_613 : memref<1x128xi32, #tpu.memory_space<vmem>> -> memref<128xi32, #tpu.memory_space<vmem>>
      %dma_wait3A_615 = arith.constant 0 : i32
      %dma_wait3A_616 = tpu.memref_slice %arg6[%dma_wait3A_615] : memref<1000001xf32, #tpu.memory_space<hbm>> -> memref<1000001xf32, #tpu.memory_space<hbm>>
      tpu.wait_indirect_dma semaphore(%arg22 : memref<!tpu.dma_semaphore, #tpu.memory_space<semaphore_mem>>) src(%dma_wait3A_616 : memref<1000001xf32, #tpu.memory_space<hbm>>) dst(%dma_wait3A_611 : memref<128xf32, #tpu.memory_space<vmem>>)
      %dma_wait3A_617 = arith.constant 384 : i32
      %dma_wait3A_618 = tpu.memref_slice %arg19[%dma_wait3A_617] : memref<512xf32, #tpu.memory_space<vmem>> -> memref<128xf32, #tpu.memory_space<vmem>>
      %dma_wait3A_619 = arith.constant 0 : i32
      %dma_wait3A_620 = tpu.memref_slice %arg10[%add3A_591, %dma_wait3A_619] : memref<200x128xi32, #tpu.memory_space<vmem>> -> memref<1x128xi32, #tpu.memory_space<vmem>>
      %dma_wait3A_621 = tpu.memref_squeeze %dma_wait3A_620 : memref<1x128xi32, #tpu.memory_space<vmem>> -> memref<128xi32, #tpu.memory_space<vmem>>
      %dma_wait3A_622 = arith.constant 0 : i32
      %dma_wait3A_623 = tpu.memref_slice %arg7[%dma_wait3A_622] : memref<100001xf32, #tpu.memory_space<hbm>> -> memref<100001xf32, #tpu.memory_space<hbm>>
      tpu.wait_indirect_dma semaphore(%arg22 : memref<!tpu.dma_semaphore, #tpu.memory_space<semaphore_mem>>) src(%dma_wait3A_623 : memref<100001xf32, #tpu.memory_space<hbm>>) dst(%dma_wait3A_618 : memref<128xf32, #tpu.memory_space<vmem>>)
      %ge3A_624 = arith.constant 2 : i32
      %ge3A_625 = arith.cmpi sge, %add3A_479, %ge3A_624 : i32
      %convert_element_type3A_626 = arith.extui %ge3A_625 : i1 to i32
      %cond3A_627 = arith.constant 0 : i32
      %cond3A_628 = arith.cmpi ne, %convert_element_type3A_626, %cond3A_627 : i32
      scf.if %cond3A_628 {
        %dma_wait3A_648 = arith.constant 0 : i32
        %dma_wait3A_649 = arith.constant 0 : i32
        %dma_wait3A_650 = tpu.memref_slice %arg8[%dma_wait3A_648, %dma_wait3A_649] : memref<200x4096xf32, #tpu.memory_space<hbm>> -> memref<4x128xf32, #tpu.memory_space<hbm>>
        %dma_wait3A_651 = arith.constant 0 : i32
        %dma_wait3A_652 = arith.constant 0 : i32
        %dma_wait3A_653 = tpu.memref_slice %arg8[%dma_wait3A_651, %dma_wait3A_652] : memref<200x4096xf32, #tpu.memory_space<hbm>> -> memref<4x128xf32, #tpu.memory_space<hbm>>
        tpu.wait_dma2 semaphore(%arg24 : memref<!tpu.dma_semaphore, #tpu.memory_space<semaphore_mem>>) src(%arg20 : memref<4x128xf32, #tpu.memory_space<vmem>>) dst(%dma_wait3A_653 : memref<4x128xf32, #tpu.memory_space<hbm>>)
      } else {
      }
      %scan3A_629 = arith.constant 0 : i32
      %scan3A_630 = arith.constant 0 : i32
      %scan3A_631 = arith.constant 32 : i32
      %scan3A_632 = arith.addi %scan3A_630, %scan3A_631 : i32
      %scan3A_633 = arith.constant 1 : i32
      scf.for %scan3A_648 = %scan3A_630 to %scan3A_632 step %scan3A_633  : i32 {
        %mul3A_649 = arith.constant 16 : i32
        %mul3A_650 = arith.muli %scan3A_648, %mul3A_649 : i32
        %add3A_651 = arith.constant 0 : i32
        %add3A_652 = arith.addi %mul3A_650, %add3A_651 : i32
        %get3A = arith.index_cast %add3A_652 : i32 to index
        %get3A_653 = arith.constant 0 : index
        %get3A_654 = tpu.vector_load %arg16[%get3A, %get3A_653] {strides = array<i32>} : memref<512x32xf32, #tpu.memory_space<vmem>>, vector<16xf32>,
        %get3A_655 = arith.index_cast %add3A_652 : i32 to index
        %get3A_656 = arith.constant 16 : index
        %get3A_657 = tpu.vector_load %arg16[%get3A_655, %get3A_656] {strides = array<i32>} : memref<512x32xf32, #tpu.memory_space<vmem>>, vector<16xf32>,
        %get3A_658 = arith.index_cast %add3A_652 : i32 to index
        %get3A_659 = arith.constant 0 : index
        %get3A_660 = tpu.vector_load %arg17[%get3A_658, %get3A_659] {strides = array<i32>} : memref<512x32xf32, #tpu.memory_space<vmem>>, vector<16xf32>,
        %get3A_661 = arith.index_cast %add3A_652 : i32 to index
        %get3A_662 = arith.constant 16 : index
        %get3A_663 = tpu.vector_load %arg17[%get3A_661, %get3A_662] {strides = array<i32>} : memref<512x32xf32, #tpu.memory_space<vmem>>, vector<16xf32>,
        %mul3A_664 = arith.mulf %get3A_654, %get3A_660 : vector<16xf32>
        %mul3A_665 = arith.mulf %get3A_657, %get3A_663 : vector<16xf32>
        %add3A_666 = arith.addf %mul3A_664, %mul3A_665 : vector<16xf32>
        %mul3A_667 = arith.constant 16 : i32
        %mul3A_668 = arith.muli %scan3A_648, %mul3A_667 : i32
        %add3A_669 = arith.constant 1 : i32
        %add3A_670 = arith.addi %mul3A_668, %add3A_669 : i32
        %get3A_671 = arith.index_cast %add3A_670 : i32 to index
        %get3A_672 = arith.constant 0 : index
        %get3A_673 = tpu.vector_load %arg16[%get3A_671, %get3A_672] {strides = array<i32>} : memref<512x32xf32, #tpu.memory_space<vmem>>, vector<16xf32>,
        %get3A_674 = arith.index_cast %add3A_670 : i32 to index
        %get3A_675 = arith.constant 16 : index
        %get3A_676 = tpu.vector_load %arg16[%get3A_674, %get3A_675] {strides = array<i32>} : memref<512x32xf32, #tpu.memory_space<vmem>>, vector<16xf32>,
        %get3A_677 = arith.index_cast %add3A_670 : i32 to index
        %get3A_678 = arith.constant 0 : index
        %get3A_679 = tpu.vector_load %arg17[%get3A_677, %get3A_678] {strides = array<i32>} : memref<512x32xf32, #tpu.memory_space<vmem>>, vector<16xf32>,
        %get3A_680 = arith.index_cast %add3A_670 : i32 to index
        %get3A_681 = arith.constant 16 : index
        %get3A_682 = tpu.vector_load %arg17[%get3A_680, %get3A_681] {strides = array<i32>} : memref<512x32xf32, #tpu.memory_space<vmem>>, vector<16xf32>,
        %mul3A_683 = arith.mulf %get3A_673, %get3A_679 : vector<16xf32>
        %mul3A_684 = arith.mulf %get3A_676, %get3A_682 : vector<16xf32>
        %add3A_685 = arith.addf %mul3A_683, %mul3A_684 : vector<16xf32>
        %mul3A_686 = arith.constant 16 : i32
        %mul3A_687 = arith.muli %scan3A_648, %mul3A_686 : i32
        %add3A_688 = arith.constant 2 : i32
        %add3A_689 = arith.addi %mul3A_687, %add3A_688 : i32
        %get3A_690 = arith.index_cast %add3A_689 : i32 to index
        %get3A_691 = arith.constant 0 : index
        %get3A_692 = tpu.vector_load %arg16[%get3A_690, %get3A_691] {strides = array<i32>} : memref<512x32xf32, #tpu.memory_space<vmem>>, vector<16xf32>,
        %get3A_693 = arith.index_cast %add3A_689 : i32 to index
        %get3A_694 = arith.constant 16 : index
        %get3A_695 = tpu.vector_load %arg16[%get3A_693, %get3A_694] {strides = array<i32>} : memref<512x32xf32, #tpu.memory_space<vmem>>, vector<16xf32>,
        %get3A_696 = arith.index_cast %add3A_689 : i32 to index
        %get3A_697 = arith.constant 0 : index
        %get3A_698 = tpu.vector_load %arg17[%get3A_696, %get3A_697] {strides = array<i32>} : memref<512x32xf32, #tpu.memory_space<vmem>>, vector<16xf32>,
        %get3A_699 = arith.index_cast %add3A_689 : i32 to index
        %get3A_700 = arith.constant 16 : index
        %get3A_701 = tpu.vector_load %arg17[%get3A_699, %get3A_700] {strides = array<i32>} : memref<512x32xf32, #tpu.memory_space<vmem>>, vector<16xf32>,
        %mul3A_702 = arith.mulf %get3A_692, %get3A_698 : vector<16xf32>
        %mul3A_703 = arith.mulf %get3A_695, %get3A_701 : vector<16xf32>
        %add3A_704 = arith.addf %mul3A_702, %mul3A_703 : vector<16xf32>
        %mul3A_705 = arith.constant 16 : i32
        %mul3A_706 = arith.muli %scan3A_648, %mul3A_705 : i32
        %add3A_707 = arith.constant 3 : i32
        %add3A_708 = arith.addi %mul3A_706, %add3A_707 : i32
        %get3A_709 = arith.index_cast %add3A_708 : i32 to index
        %get3A_710 = arith.constant 0 : index
        %get3A_711 = tpu.vector_load %arg16[%get3A_709, %get3A_710] {strides = array<i32>} : memref<512x32xf32, #tpu.memory_space<vmem>>, vector<16xf32>,
        %get3A_712 = arith.index_cast %add3A_708 : i32 to index
        %get3A_713 = arith.constant 16 : index
        %get3A_714 = tpu.vector_load %arg16[%get3A_712, %get3A_713] {strides = array<i32>} : memref<512x32xf32, #tpu.memory_space<vmem>>, vector<16xf32>,
        %get3A_715 = arith.index_cast %add3A_708 : i32 to index
        %get3A_716 = arith.constant 0 : index
        %get3A_717 = tpu.vector_load %arg17[%get3A_715, %get3A_716] {strides = array<i32>} : memref<512x32xf32, #tpu.memory_space<vmem>>, vector<16xf32>,
        %get3A_718 = arith.index_cast %add3A_708 : i32 to index
        %get3A_719 = arith.constant 16 : index
        %get3A_720 = tpu.vector_load %arg17[%get3A_718, %get3A_719] {strides = array<i32>} : memref<512x32xf32, #tpu.memory_space<vmem>>, vector<16xf32>,
        %mul3A_721 = arith.mulf %get3A_711, %get3A_717 : vector<16xf32>
        %mul3A_722 = arith.mulf %get3A_714, %get3A_720 : vector<16xf32>
        %add3A_723 = arith.addf %mul3A_721, %mul3A_722 : vector<16xf32>
        %mul3A_724 = arith.constant 16 : i32
        %mul3A_725 = arith.muli %scan3A_648, %mul3A_724 : i32
        %add3A_726 = arith.constant 4 : i32
        %add3A_727 = arith.addi %mul3A_725, %add3A_726 : i32
        %get3A_728 = arith.index_cast %add3A_727 : i32 to index
        %get3A_729 = arith.constant 0 : index
        %get3A_730 = tpu.vector_load %arg16[%get3A_728, %get3A_729] {strides = array<i32>} : memref<512x32xf32, #tpu.memory_space<vmem>>, vector<16xf32>,
        %get3A_731 = arith.index_cast %add3A_727 : i32 to index
        %get3A_732 = arith.constant 16 : index
        %get3A_733 = tpu.vector_load %arg16[%get3A_731, %get3A_732] {strides = array<i32>} : memref<512x32xf32, #tpu.memory_space<vmem>>, vector<16xf32>,
        %get3A_734 = arith.index_cast %add3A_727 : i32 to index
        %get3A_735 = arith.constant 0 : index
        %get3A_736 = tpu.vector_load %arg17[%get3A_734, %get3A_735] {strides = array<i32>} : memref<512x32xf32, #tpu.memory_space<vmem>>, vector<16xf32>,
        %get3A_737 = arith.index_cast %add3A_727 : i32 to index
        %get3A_738 = arith.constant 16 : index
        %get3A_739 = tpu.vector_load %arg17[%get3A_737, %get3A_738] {strides = array<i32>} : memref<512x32xf32, #tpu.memory_space<vmem>>, vector<16xf32>,
        %mul3A_740 = arith.mulf %get3A_730, %get3A_736 : vector<16xf32>
        %mul3A_741 = arith.mulf %get3A_733, %get3A_739 : vector<16xf32>
        %add3A_742 = arith.addf %mul3A_740, %mul3A_741 : vector<16xf32>
        %mul3A_743 = arith.constant 16 : i32
        %mul3A_744 = arith.muli %scan3A_648, %mul3A_743 : i32
        %add3A_745 = arith.constant 5 : i32
        %add3A_746 = arith.addi %mul3A_744, %add3A_745 : i32
        %get3A_747 = arith.index_cast %add3A_746 : i32 to index
        %get3A_748 = arith.constant 0 : index
        %get3A_749 = tpu.vector_load %arg16[%get3A_747, %get3A_748] {strides = array<i32>} : memref<512x32xf32, #tpu.memory_space<vmem>>, vector<16xf32>,
        %get3A_750 = arith.index_cast %add3A_746 : i32 to index
        %get3A_751 = arith.constant 16 : index
        %get3A_752 = tpu.vector_load %arg16[%get3A_750, %get3A_751] {strides = array<i32>} : memref<512x32xf32, #tpu.memory_space<vmem>>, vector<16xf32>,
        %get3A_753 = arith.index_cast %add3A_746 : i32 to index
        %get3A_754 = arith.constant 0 : index
        %get3A_755 = tpu.vector_load %arg17[%get3A_753, %get3A_754] {strides = array<i32>} : memref<512x32xf32, #tpu.memory_space<vmem>>, vector<16xf32>,
        %get3A_756 = arith.index_cast %add3A_746 : i32 to index
        %get3A_757 = arith.constant 16 : index
        %get3A_758 = tpu.vector_load %arg17[%get3A_756, %get3A_757] {strides = array<i32>} : memref<512x32xf32, #tpu.memory_space<vmem>>, vector<16xf32>,
        %mul3A_759 = arith.mulf %get3A_749, %get3A_755 : vector<16xf32>
        %mul3A_760 = arith.mulf %get3A_752, %get3A_758 : vector<16xf32>
        %add3A_761 = arith.addf %mul3A_759, %mul3A_760 : vector<16xf32>
        %mul3A_762 = arith.constant 16 : i32
        %mul3A_763 = arith.muli %scan3A_648, %mul3A_762 : i32
        %add3A_764 = arith.constant 6 : i32
        %add3A_765 = arith.addi %mul3A_763, %add3A_764 : i32
        %get3A_766 = arith.index_cast %add3A_765 : i32 to index
        %get3A_767 = arith.constant 0 : index
        %get3A_768 = tpu.vector_load %arg16[%get3A_766, %get3A_767] {strides = array<i32>} : memref<512x32xf32, #tpu.memory_space<vmem>>, vector<16xf32>,
        %get3A_769 = arith.index_cast %add3A_765 : i32 to index
        %get3A_770 = arith.constant 16 : index
        %get3A_771 = tpu.vector_load %arg16[%get3A_769, %get3A_770] {strides = array<i32>} : memref<512x32xf32, #tpu.memory_space<vmem>>, vector<16xf32>,
        %get3A_772 = arith.index_cast %add3A_765 : i32 to index
        %get3A_773 = arith.constant 0 : index
        %get3A_774 = tpu.vector_load %arg17[%get3A_772, %get3A_773] {strides = array<i32>} : memref<512x32xf32, #tpu.memory_space<vmem>>, vector<16xf32>,
        %get3A_775 = arith.index_cast %add3A_765 : i32 to index
        %get3A_776 = arith.constant 16 : index
        %get3A_777 = tpu.vector_load %arg17[%get3A_775, %get3A_776] {strides = array<i32>} : memref<512x32xf32, #tpu.memory_space<vmem>>, vector<16xf32>,
        %mul3A_778 = arith.mulf %get3A_768, %get3A_774 : vector<16xf32>
        %mul3A_779 = arith.mulf %get3A_771, %get3A_777 : vector<16xf32>
        %add3A_780 = arith.addf %mul3A_778, %mul3A_779 : vector<16xf32>
        %mul3A_781 = arith.constant 16 : i32
        %mul3A_782 = arith.muli %scan3A_648, %mul3A_781 : i32
        %add3A_783 = arith.constant 7 : i32
        %add3A_784 = arith.addi %mul3A_782, %add3A_783 : i32
        %get3A_785 = arith.index_cast %add3A_784 : i32 to index
        %get3A_786 = arith.constant 0 : index
        %get3A_787 = tpu.vector_load %arg16[%get3A_785, %get3A_786] {strides = array<i32>} : memref<512x32xf32, #tpu.memory_space<vmem>>, vector<16xf32>,
        %get3A_788 = arith.index_cast %add3A_784 : i32 to index
        %get3A_789 = arith.constant 16 : index
        %get3A_790 = tpu.vector_load %arg16[%get3A_788, %get3A_789] {strides = array<i32>} : memref<512x32xf32, #tpu.memory_space<vmem>>, vector<16xf32>,
        %get3A_791 = arith.index_cast %add3A_784 : i32 to index
        %get3A_792 = arith.constant 0 : index
        %get3A_793 = tpu.vector_load %arg17[%get3A_791, %get3A_792] {strides = array<i32>} : memref<512x32xf32, #tpu.memory_space<vmem>>, vector<16xf32>,
        %get3A_794 = arith.index_cast %add3A_784 : i32 to index
        %get3A_795 = arith.constant 16 : index
        %get3A_796 = tpu.vector_load %arg17[%get3A_794, %get3A_795] {strides = array<i32>} : memref<512x32xf32, #tpu.memory_space<vmem>>, vector<16xf32>,
        %mul3A_797 = arith.mulf %get3A_787, %get3A_793 : vector<16xf32>
        %mul3A_798 = arith.mulf %get3A_790, %get3A_796 : vector<16xf32>
        %add3A_799 = arith.addf %mul3A_797, %mul3A_798 : vector<16xf32>
        %mul3A_800 = arith.constant 16 : i32
        %mul3A_801 = arith.muli %scan3A_648, %mul3A_800 : i32
        %add3A_802 = arith.constant 8 : i32
        %add3A_803 = arith.addi %mul3A_801, %add3A_802 : i32
        %get3A_804 = arith.index_cast %add3A_803 : i32 to index
        %get3A_805 = arith.constant 0 : index
        %get3A_806 = tpu.vector_load %arg16[%get3A_804, %get3A_805] {strides = array<i32>} : memref<512x32xf32, #tpu.memory_space<vmem>>, vector<16xf32>,
        %get3A_807 = arith.index_cast %add3A_803 : i32 to index
        %get3A_808 = arith.constant 16 : index
        %get3A_809 = tpu.vector_load %arg16[%get3A_807, %get3A_808] {strides = array<i32>} : memref<512x32xf32, #tpu.memory_space<vmem>>, vector<16xf32>,
        %get3A_810 = arith.index_cast %add3A_803 : i32 to index
        %get3A_811 = arith.constant 0 : index
        %get3A_812 = tpu.vector_load %arg17[%get3A_810, %get3A_811] {strides = array<i32>} : memref<512x32xf32, #tpu.memory_space<vmem>>, vector<16xf32>,
        %get3A_813 = arith.index_cast %add3A_803 : i32 to index
        %get3A_814 = arith.constant 16 : index
        %get3A_815 = tpu.vector_load %arg17[%get3A_813, %get3A_814] {strides = array<i32>} : memref<512x32xf32, #tpu.memory_space<vmem>>, vector<16xf32>,
        %mul3A_816 = arith.mulf %get3A_806, %get3A_812 : vector<16xf32>
        %mul3A_817 = arith.mulf %get3A_809, %get3A_815 : vector<16xf32>
        %add3A_818 = arith.addf %mul3A_816, %mul3A_817 : vector<16xf32>
        %mul3A_819 = arith.constant 16 : i32
        %mul3A_820 = arith.muli %scan3A_648, %mul3A_819 : i32
        %add3A_821 = arith.constant 9 : i32
        %add3A_822 = arith.addi %mul3A_820, %add3A_821 : i32
        %get3A_823 = arith.index_cast %add3A_822 : i32 to index
        %get3A_824 = arith.constant 0 : index
        %get3A_825 = tpu.vector_load %arg16[%get3A_823, %get3A_824] {strides = array<i32>} : memref<512x32xf32, #tpu.memory_space<vmem>>, vector<16xf32>,
        %get3A_826 = arith.index_cast %add3A_822 : i32 to index
        %get3A_827 = arith.constant 16 : index
        %get3A_828 = tpu.vector_load %arg16[%get3A_826, %get3A_827] {strides = array<i32>} : memref<512x32xf32, #tpu.memory_space<vmem>>, vector<16xf32>,
        %get3A_829 = arith.index_cast %add3A_822 : i32 to index
        %get3A_830 = arith.constant 0 : index
        %get3A_831 = tpu.vector_load %arg17[%get3A_829, %get3A_830] {strides = array<i32>} : memref<512x32xf32, #tpu.memory_space<vmem>>, vector<16xf32>,
        %get3A_832 = arith.index_cast %add3A_822 : i32 to index
        %get3A_833 = arith.constant 16 : index
        %get3A_834 = tpu.vector_load %arg17[%get3A_832, %get3A_833] {strides = array<i32>} : memref<512x32xf32, #tpu.memory_space<vmem>>, vector<16xf32>,
        %mul3A_835 = arith.mulf %get3A_825, %get3A_831 : vector<16xf32>
        %mul3A_836 = arith.mulf %get3A_828, %get3A_834 : vector<16xf32>
        %add3A_837 = arith.addf %mul3A_835, %mul3A_836 : vector<16xf32>
        %mul3A_838 = arith.constant 16 : i32
        %mul3A_839 = arith.muli %scan3A_648, %mul3A_838 : i32
        %add3A_840 = arith.constant 10 : i32
        %add3A_841 = arith.addi %mul3A_839, %add3A_840 : i32
        %get3A_842 = arith.index_cast %add3A_841 : i32 to index
        %get3A_843 = arith.constant 0 : index
        %get3A_844 = tpu.vector_load %arg16[%get3A_842, %get3A_843] {strides = array<i32>} : memref<512x32xf32, #tpu.memory_space<vmem>>, vector<16xf32>,
        %get3A_845 = arith.index_cast %add3A_841 : i32 to index
        %get3A_846 = arith.constant 16 : index
        %get3A_847 = tpu.vector_load %arg16[%get3A_845, %get3A_846] {strides = array<i32>} : memref<512x32xf32, #tpu.memory_space<vmem>>, vector<16xf32>,
        %get3A_848 = arith.index_cast %add3A_841 : i32 to index
        %get3A_849 = arith.constant 0 : index
        %get3A_850 = tpu.vector_load %arg17[%get3A_848, %get3A_849] {strides = array<i32>} : memref<512x32xf32, #tpu.memory_space<vmem>>, vector<16xf32>,
        %get3A_851 = arith.index_cast %add3A_841 : i32 to index
        %get3A_852 = arith.constant 16 : index
        %get3A_853 = tpu.vector_load %arg17[%get3A_851, %get3A_852] {strides = array<i32>} : memref<512x32xf32, #tpu.memory_space<vmem>>, vector<16xf32>,
        %mul3A_854 = arith.mulf %get3A_844, %get3A_850 : vector<16xf32>
        %mul3A_855 = arith.mulf %get3A_847, %get3A_853 : vector<16xf32>
        %add3A_856 = arith.addf %mul3A_854, %mul3A_855 : vector<16xf32>
        %mul3A_857 = arith.constant 16 : i32
        %mul3A_858 = arith.muli %scan3A_648, %mul3A_857 : i32
        %add3A_859 = arith.constant 11 : i32
        %add3A_860 = arith.addi %mul3A_858, %add3A_859 : i32
        %get3A_861 = arith.index_cast %add3A_860 : i32 to index
        %get3A_862 = arith.constant 0 : index
        %get3A_863 = tpu.vector_load %arg16[%get3A_861, %get3A_862] {strides = array<i32>} : memref<512x32xf32, #tpu.memory_space<vmem>>, vector<16xf32>,
        %get3A_864 = arith.index_cast %add3A_860 : i32 to index
        %get3A_865 = arith.constant 16 : index
        %get3A_866 = tpu.vector_load %arg16[%get3A_864, %get3A_865] {strides = array<i32>} : memref<512x32xf32, #tpu.memory_space<vmem>>, vector<16xf32>,
        %get3A_867 = arith.index_cast %add3A_860 : i32 to index
        %get3A_868 = arith.constant 0 : index
        %get3A_869 = tpu.vector_load %arg17[%get3A_867, %get3A_868] {strides = array<i32>} : memref<512x32xf32, #tpu.memory_space<vmem>>, vector<16xf32>,
        %get3A_870 = arith.index_cast %add3A_860 : i32 to index
        %get3A_871 = arith.constant 16 : index
        %get3A_872 = tpu.vector_load %arg17[%get3A_870, %get3A_871] {strides = array<i32>} : memref<512x32xf32, #tpu.memory_space<vmem>>, vector<16xf32>,
        %mul3A_873 = arith.mulf %get3A_863, %get3A_869 : vector<16xf32>
        %mul3A_874 = arith.mulf %get3A_866, %get3A_872 : vector<16xf32>
        %add3A_875 = arith.addf %mul3A_873, %mul3A_874 : vector<16xf32>
        %mul3A_876 = arith.constant 16 : i32
        %mul3A_877 = arith.muli %scan3A_648, %mul3A_876 : i32
        %add3A_878 = arith.constant 12 : i32
        %add3A_879 = arith.addi %mul3A_877, %add3A_878 : i32
        %get3A_880 = arith.index_cast %add3A_879 : i32 to index
        %get3A_881 = arith.constant 0 : index
        %get3A_882 = tpu.vector_load %arg16[%get3A_880, %get3A_881] {strides = array<i32>} : memref<512x32xf32, #tpu.memory_space<vmem>>, vector<16xf32>,
        %get3A_883 = arith.index_cast %add3A_879 : i32 to index
        %get3A_884 = arith.constant 16 : index
        %get3A_885 = tpu.vector_load %arg16[%get3A_883, %get3A_884] {strides = array<i32>} : memref<512x32xf32, #tpu.memory_space<vmem>>, vector<16xf32>,
        %get3A_886 = arith.index_cast %add3A_879 : i32 to index
        %get3A_887 = arith.constant 0 : index
        %get3A_888 = tpu.vector_load %arg17[%get3A_886, %get3A_887] {strides = array<i32>} : memref<512x32xf32, #tpu.memory_space<vmem>>, vector<16xf32>,
        %get3A_889 = arith.index_cast %add3A_879 : i32 to index
        %get3A_890 = arith.constant 16 : index
        %get3A_891 = tpu.vector_load %arg17[%get3A_889, %get3A_890] {strides = array<i32>} : memref<512x32xf32, #tpu.memory_space<vmem>>, vector<16xf32>,
        %mul3A_892 = arith.mulf %get3A_882, %get3A_888 : vector<16xf32>
        %mul3A_893 = arith.mulf %get3A_885, %get3A_891 : vector<16xf32>
        %add3A_894 = arith.addf %mul3A_892, %mul3A_893 : vector<16xf32>
        %mul3A_895 = arith.constant 16 : i32
        %mul3A_896 = arith.muli %scan3A_648, %mul3A_895 : i32
        %add3A_897 = arith.constant 13 : i32
        %add3A_898 = arith.addi %mul3A_896, %add3A_897 : i32
        %get3A_899 = arith.index_cast %add3A_898 : i32 to index
        %get3A_900 = arith.constant 0 : index
        %get3A_901 = tpu.vector_load %arg16[%get3A_899, %get3A_900] {strides = array<i32>} : memref<512x32xf32, #tpu.memory_space<vmem>>, vector<16xf32>,
        %get3A_902 = arith.index_cast %add3A_898 : i32 to index
        %get3A_903 = arith.constant 16 : index
        %get3A_904 = tpu.vector_load %arg16[%get3A_902, %get3A_903] {strides = array<i32>} : memref<512x32xf32, #tpu.memory_space<vmem>>, vector<16xf32>,
        %get3A_905 = arith.index_cast %add3A_898 : i32 to index
        %get3A_906 = arith.constant 0 : index
        %get3A_907 = tpu.vector_load %arg17[%get3A_905, %get3A_906] {strides = array<i32>} : memref<512x32xf32, #tpu.memory_space<vmem>>, vector<16xf32>,
        %get3A_908 = arith.index_cast %add3A_898 : i32 to index
        %get3A_909 = arith.constant 16 : index
        %get3A_910 = tpu.vector_load %arg17[%get3A_908, %get3A_909] {strides = array<i32>} : memref<512x32xf32, #tpu.memory_space<vmem>>, vector<16xf32>,
        %mul3A_911 = arith.mulf %get3A_901, %get3A_907 : vector<16xf32>
        %mul3A_912 = arith.mulf %get3A_904, %get3A_910 : vector<16xf32>
        %add3A_913 = arith.addf %mul3A_911, %mul3A_912 : vector<16xf32>
        %mul3A_914 = arith.constant 16 : i32
        %mul3A_915 = arith.muli %scan3A_648, %mul3A_914 : i32
        %add3A_916 = arith.constant 14 : i32
        %add3A_917 = arith.addi %mul3A_915, %add3A_916 : i32
        %get3A_918 = arith.index_cast %add3A_917 : i32 to index
        %get3A_919 = arith.constant 0 : index
        %get3A_920 = tpu.vector_load %arg16[%get3A_918, %get3A_919] {strides = array<i32>} : memref<512x32xf32, #tpu.memory_space<vmem>>, vector<16xf32>,
        %get3A_921 = arith.index_cast %add3A_917 : i32 to index
        %get3A_922 = arith.constant 16 : index
        %get3A_923 = tpu.vector_load %arg16[%get3A_921, %get3A_922] {strides = array<i32>} : memref<512x32xf32, #tpu.memory_space<vmem>>, vector<16xf32>,
        %get3A_924 = arith.index_cast %add3A_917 : i32 to index
        %get3A_925 = arith.constant 0 : index
        %get3A_926 = tpu.vector_load %arg17[%get3A_924, %get3A_925] {strides = array<i32>} : memref<512x32xf32, #tpu.memory_space<vmem>>, vector<16xf32>,
        %get3A_927 = arith.index_cast %add3A_917 : i32 to index
        %get3A_928 = arith.constant 16 : index
        %get3A_929 = tpu.vector_load %arg17[%get3A_927, %get3A_928] {strides = array<i32>} : memref<512x32xf32, #tpu.memory_space<vmem>>, vector<16xf32>,
        %mul3A_930 = arith.mulf %get3A_920, %get3A_926 : vector<16xf32>
        %mul3A_931 = arith.mulf %get3A_923, %get3A_929 : vector<16xf32>
        %add3A_932 = arith.addf %mul3A_930, %mul3A_931 : vector<16xf32>
        %mul3A_933 = arith.constant 16 : i32
        %mul3A_934 = arith.muli %scan3A_648, %mul3A_933 : i32
        %add3A_935 = arith.constant 15 : i32
        %add3A_936 = arith.addi %mul3A_934, %add3A_935 : i32
        %get3A_937 = arith.index_cast %add3A_936 : i32 to index
        %get3A_938 = arith.constant 0 : index
        %get3A_939 = tpu.vector_load %arg16[%get3A_937, %get3A_938] {strides = array<i32>} : memref<512x32xf32, #tpu.memory_space<vmem>>, vector<16xf32>,
        %get3A_940 = arith.index_cast %add3A_936 : i32 to index
        %get3A_941 = arith.constant 16 : index
        %get3A_942 = tpu.vector_load %arg16[%get3A_940, %get3A_941] {strides = array<i32>} : memref<512x32xf32, #tpu.memory_space<vmem>>, vector<16xf32>,
        %get3A_943 = arith.index_cast %add3A_936 : i32 to index
        %get3A_944 = arith.constant 0 : index
        %get3A_945 = tpu.vector_load %arg17[%get3A_943, %get3A_944] {strides = array<i32>} : memref<512x32xf32, #tpu.memory_space<vmem>>, vector<16xf32>,
        %get3A_946 = arith.index_cast %add3A_936 : i32 to index
        %get3A_947 = arith.constant 16 : index
        %get3A_948 = tpu.vector_load %arg17[%get3A_946, %get3A_947] {strides = array<i32>} : memref<512x32xf32, #tpu.memory_space<vmem>>, vector<16xf32>,
        %mul3A_949 = arith.mulf %get3A_939, %get3A_945 : vector<16xf32>
        %mul3A_950 = arith.mulf %get3A_942, %get3A_948 : vector<16xf32>
        %add3A_951 = arith.addf %mul3A_949, %mul3A_950 : vector<16xf32>
        %xor3A = arith.constant 1 : i32
        %xor3A_952 = vector.broadcast %xor3A : i32 to vector<16xi32>
        %xor3A_953 = arith.xori %iota3A, %xor3A_952 : vector<16xi32>
        %and3A = arith.constant 1 : i32
        %and3A_954 = vector.broadcast %and3A : i32 to vector<16xi32>
        %and3A_955 = arith.andi %iota3A, %and3A_954 : vector<16xi32>
        %eq3A = arith.constant 0 : i32
        %eq3A_956 = vector.broadcast %eq3A : i32 to vector<16xi32>
        %eq3A_957 = arith.cmpi eq, %and3A_955, %eq3A_956 : vector<16xi32>
        %lt3A_958 = arith.constant 0 : i32
        %lt3A_959 = vector.broadcast %lt3A_958 : i32 to vector<16xi32>
        %lt3A_960 = arith.cmpi slt, %xor3A_953, %lt3A_959 : vector<16xi32>
        %add3A_961 = arith.constant 16 : i32
        %add3A_962 = vector.broadcast %add3A_961 : i32 to vector<16xi32>
        %add3A_963 = arith.addi %xor3A_953, %add3A_962 : vector<16xi32>
        %select_n3A = arith.select %lt3A_960, %add3A_963, %xor3A_953 : vector<16xi1>, vector<16xi32>
        %broadcast_in_dim3A = vector.shape_cast %select_n3A : vector<16xi32> to vector<16x1xi32>
        %gather3A = vector.shape_cast %broadcast_in_dim3A : vector<16x1xi32> to vector<16xi32>
        %gather3A_964 = tpu.dynamic_gather %add3A_666[%gather3A] in [0] : vector<16xf32>, vector<16xi32> -> vector<16xf32>
        %add3A_965 = arith.addf %add3A_666, %gather3A_964 : vector<16xf32>
        %lt3A_966 = arith.constant 0 : i32
        %lt3A_967 = vector.broadcast %lt3A_966 : i32 to vector<16xi32>
        %lt3A_968 = arith.cmpi slt, %xor3A_953, %lt3A_967 : vector<16xi32>
        %add3A_969 = arith.constant 16 : i32
        %add3A_970 = vector.broadcast %add3A_969 : i32 to vector<16xi32>
        %add3A_971 = arith.addi %xor3A_953, %add3A_970 : vector<16xi32>
        %select_n3A_972 = arith.select %lt3A_968, %add3A_971, %xor3A_953 : vector<16xi1>, vector<16xi32>
        %broadcast_in_dim3A_973 = vector.shape_cast %select_n3A_972 : vector<16xi32> to vector<16x1xi32>
        %gather3A_974 = vector.shape_cast %broadcast_in_dim3A_973 : vector<16x1xi32> to vector<16xi32>
        %gather3A_975 = tpu.dynamic_gather %add3A_685[%gather3A_974] in [0] : vector<16xf32>, vector<16xi32> -> vector<16xf32>
        %add3A_976 = arith.addf %add3A_685, %gather3A_975 : vector<16xf32>
        %select_n3A_977 = arith.select %eq3A_957, %add3A_965, %add3A_976 : vector<16xi1>, vector<16xf32>
        %lt3A_978 = arith.constant 0 : i32
        %lt3A_979 = vector.broadcast %lt3A_978 : i32 to vector<16xi32>
        %lt3A_980 = arith.cmpi slt, %xor3A_953, %lt3A_979 : vector<16xi32>
        %add3A_981 = arith.constant 16 : i32
        %add3A_982 = vector.broadcast %add3A_981 : i32 to vector<16xi32>
        %add3A_983 = arith.addi %xor3A_953, %add3A_982 : vector<16xi32>
        %select_n3A_984 = arith.select %lt3A_980, %add3A_983, %xor3A_953 : vector<16xi1>, vector<16xi32>
        %broadcast_in_dim3A_985 = vector.shape_cast %select_n3A_984 : vector<16xi32> to vector<16x1xi32>
        %gather3A_986 = vector.shape_cast %broadcast_in_dim3A_985 : vector<16x1xi32> to vector<16xi32>
        %gather3A_987 = tpu.dynamic_gather %add3A_704[%gather3A_986] in [0] : vector<16xf32>, vector<16xi32> -> vector<16xf32>
        %add3A_988 = arith.addf %add3A_704, %gather3A_987 : vector<16xf32>
        %lt3A_989 = arith.constant 0 : i32
        %lt3A_990 = vector.broadcast %lt3A_989 : i32 to vector<16xi32>
        %lt3A_991 = arith.cmpi slt, %xor3A_953, %lt3A_990 : vector<16xi32>
        %add3A_992 = arith.constant 16 : i32
        %add3A_993 = vector.broadcast %add3A_992 : i32 to vector<16xi32>
        %add3A_994 = arith.addi %xor3A_953, %add3A_993 : vector<16xi32>
        %select_n3A_995 = arith.select %lt3A_991, %add3A_994, %xor3A_953 : vector<16xi1>, vector<16xi32>
        %broadcast_in_dim3A_996 = vector.shape_cast %select_n3A_995 : vector<16xi32> to vector<16x1xi32>
        %gather3A_997 = vector.shape_cast %broadcast_in_dim3A_996 : vector<16x1xi32> to vector<16xi32>
        %gather3A_998 = tpu.dynamic_gather %add3A_723[%gather3A_997] in [0] : vector<16xf32>, vector<16xi32> -> vector<16xf32>
        %add3A_999 = arith.addf %add3A_723, %gather3A_998 : vector<16xf32>
        %select_n3A_1000 = arith.select %eq3A_957, %add3A_988, %add3A_999 : vector<16xi1>, vector<16xf32>
        %lt3A_1001 = arith.constant 0 : i32
        %lt3A_1002 = vector.broadcast %lt3A_1001 : i32 to vector<16xi32>
        %lt3A_1003 = arith.cmpi slt, %xor3A_953, %lt3A_1002 : vector<16xi32>
        %add3A_1004 = arith.constant 16 : i32
        %add3A_1005 = vector.broadcast %add3A_1004 : i32 to vector<16xi32>
        %add3A_1006 = arith.addi %xor3A_953, %add3A_1005 : vector<16xi32>
        %select_n3A_1007 = arith.select %lt3A_1003, %add3A_1006, %xor3A_953 : vector<16xi1>, vector<16xi32>
        %broadcast_in_dim3A_1008 = vector.shape_cast %select_n3A_1007 : vector<16xi32> to vector<16x1xi32>
        %gather3A_1009 = vector.shape_cast %broadcast_in_dim3A_1008 : vector<16x1xi32> to vector<16xi32>
        %gather3A_1010 = tpu.dynamic_gather %add3A_742[%gather3A_1009] in [0] : vector<16xf32>, vector<16xi32> -> vector<16xf32>
        %add3A_1011 = arith.addf %add3A_742, %gather3A_1010 : vector<16xf32>
        %lt3A_1012 = arith.constant 0 : i32
        %lt3A_1013 = vector.broadcast %lt3A_1012 : i32 to vector<16xi32>
        %lt3A_1014 = arith.cmpi slt, %xor3A_953, %lt3A_1013 : vector<16xi32>
        %add3A_1015 = arith.constant 16 : i32
        %add3A_1016 = vector.broadcast %add3A_1015 : i32 to vector<16xi32>
        %add3A_1017 = arith.addi %xor3A_953, %add3A_1016 : vector<16xi32>
        %select_n3A_1018 = arith.select %lt3A_1014, %add3A_1017, %xor3A_953 : vector<16xi1>, vector<16xi32>
        %broadcast_in_dim3A_1019 = vector.shape_cast %select_n3A_1018 : vector<16xi32> to vector<16x1xi32>
        %gather3A_1020 = vector.shape_cast %broadcast_in_dim3A_1019 : vector<16x1xi32> to vector<16xi32>
        %gather3A_1021 = tpu.dynamic_gather %add3A_761[%gather3A_1020] in [0] : vector<16xf32>, vector<16xi32> -> vector<16xf32>
        %add3A_1022 = arith.addf %add3A_761, %gather3A_1021 : vector<16xf32>
        %select_n3A_1023 = arith.select %eq3A_957, %add3A_1011, %add3A_1022 : vector<16xi1>, vector<16xf32>
        %lt3A_1024 = arith.constant 0 : i32
        %lt3A_1025 = vector.broadcast %lt3A_1024 : i32 to vector<16xi32>
        %lt3A_1026 = arith.cmpi slt, %xor3A_953, %lt3A_1025 : vector<16xi32>
        %add3A_1027 = arith.constant 16 : i32
        %add3A_1028 = vector.broadcast %add3A_1027 : i32 to vector<16xi32>
        %add3A_1029 = arith.addi %xor3A_953, %add3A_1028 : vector<16xi32>
        %select_n3A_1030 = arith.select %lt3A_1026, %add3A_1029, %xor3A_953 : vector<16xi1>, vector<16xi32>
        %broadcast_in_dim3A_1031 = vector.shape_cast %select_n3A_1030 : vector<16xi32> to vector<16x1xi32>
        %gather3A_1032 = vector.shape_cast %broadcast_in_dim3A_1031 : vector<16x1xi32> to vector<16xi32>
        %gather3A_1033 = tpu.dynamic_gather %add3A_780[%gather3A_1032] in [0] : vector<16xf32>, vector<16xi32> -> vector<16xf32>
        %add3A_1034 = arith.addf %add3A_780, %gather3A_1033 : vector<16xf32>
        %lt3A_1035 = arith.constant 0 : i32
        %lt3A_1036 = vector.broadcast %lt3A_1035 : i32 to vector<16xi32>
        %lt3A_1037 = arith.cmpi slt, %xor3A_953, %lt3A_1036 : vector<16xi32>
        %add3A_1038 = arith.constant 16 : i32
        %add3A_1039 = vector.broadcast %add3A_1038 : i32 to vector<16xi32>
        %add3A_1040 = arith.addi %xor3A_953, %add3A_1039 : vector<16xi32>
        %select_n3A_1041 = arith.select %lt3A_1037, %add3A_1040, %xor3A_953 : vector<16xi1>, vector<16xi32>
        %broadcast_in_dim3A_1042 = vector.shape_cast %select_n3A_1041 : vector<16xi32> to vector<16x1xi32>
        %gather3A_1043 = vector.shape_cast %broadcast_in_dim3A_1042 : vector<16x1xi32> to vector<16xi32>
        %gather3A_1044 = tpu.dynamic_gather %add3A_799[%gather3A_1043] in [0] : vector<16xf32>, vector<16xi32> -> vector<16xf32>
        %add3A_1045 = arith.addf %add3A_799, %gather3A_1044 : vector<16xf32>
        %select_n3A_1046 = arith.select %eq3A_957, %add3A_1034, %add3A_1045 : vector<16xi1>, vector<16xf32>
        %lt3A_1047 = arith.constant 0 : i32
        %lt3A_1048 = vector.broadcast %lt3A_1047 : i32 to vector<16xi32>
        %lt3A_1049 = arith.cmpi slt, %xor3A_953, %lt3A_1048 : vector<16xi32>
        %add3A_1050 = arith.constant 16 : i32
        %add3A_1051 = vector.broadcast %add3A_1050 : i32 to vector<16xi32>
        %add3A_1052 = arith.addi %xor3A_953, %add3A_1051 : vector<16xi32>
        %select_n3A_1053 = arith.select %lt3A_1049, %add3A_1052, %xor3A_953 : vector<16xi1>, vector<16xi32>
        %broadcast_in_dim3A_1054 = vector.shape_cast %select_n3A_1053 : vector<16xi32> to vector<16x1xi32>
        %gather3A_1055 = vector.shape_cast %broadcast_in_dim3A_1054 : vector<16x1xi32> to vector<16xi32>
        %gather3A_1056 = tpu.dynamic_gather %add3A_818[%gather3A_1055] in [0] : vector<16xf32>, vector<16xi32> -> vector<16xf32>
        %add3A_1057 = arith.addf %add3A_818, %gather3A_1056 : vector<16xf32>
        %lt3A_1058 = arith.constant 0 : i32
        %lt3A_1059 = vector.broadcast %lt3A_1058 : i32 to vector<16xi32>
        %lt3A_1060 = arith.cmpi slt, %xor3A_953, %lt3A_1059 : vector<16xi32>
        %add3A_1061 = arith.constant 16 : i32
        %add3A_1062 = vector.broadcast %add3A_1061 : i32 to vector<16xi32>
        %add3A_1063 = arith.addi %xor3A_953, %add3A_1062 : vector<16xi32>
        %select_n3A_1064 = arith.select %lt3A_1060, %add3A_1063, %xor3A_953 : vector<16xi1>, vector<16xi32>
        %broadcast_in_dim3A_1065 = vector.shape_cast %select_n3A_1064 : vector<16xi32> to vector<16x1xi32>
        %gather3A_1066 = vector.shape_cast %broadcast_in_dim3A_1065 : vector<16x1xi32> to vector<16xi32>
        %gather3A_1067 = tpu.dynamic_gather %add3A_837[%gather3A_1066] in [0] : vector<16xf32>, vector<16xi32> -> vector<16xf32>
        %add3A_1068 = arith.addf %add3A_837, %gather3A_1067 : vector<16xf32>
        %select_n3A_1069 = arith.select %eq3A_957, %add3A_1057, %add3A_1068 : vector<16xi1>, vector<16xf32>
        %lt3A_1070 = arith.constant 0 : i32
        %lt3A_1071 = vector.broadcast %lt3A_1070 : i32 to vector<16xi32>
        %lt3A_1072 = arith.cmpi slt, %xor3A_953, %lt3A_1071 : vector<16xi32>
        %add3A_1073 = arith.constant 16 : i32
        %add3A_1074 = vector.broadcast %add3A_1073 : i32 to vector<16xi32>
        %add3A_1075 = arith.addi %xor3A_953, %add3A_1074 : vector<16xi32>
        %select_n3A_1076 = arith.select %lt3A_1072, %add3A_1075, %xor3A_953 : vector<16xi1>, vector<16xi32>
        %broadcast_in_dim3A_1077 = vector.shape_cast %select_n3A_1076 : vector<16xi32> to vector<16x1xi32>
        %gather3A_1078 = vector.shape_cast %broadcast_in_dim3A_1077 : vector<16x1xi32> to vector<16xi32>
        %gather3A_1079 = tpu.dynamic_gather %add3A_856[%gather3A_1078] in [0] : vector<16xf32>, vector<16xi32> -> vector<16xf32>
        %add3A_1080 = arith.addf %add3A_856, %gather3A_1079 : vector<16xf32>
        %lt3A_1081 = arith.constant 0 : i32
        %lt3A_1082 = vector.broadcast %lt3A_1081 : i32 to vector<16xi32>
        %lt3A_1083 = arith.cmpi slt, %xor3A_953, %lt3A_1082 : vector<16xi32>
        %add3A_1084 = arith.constant 16 : i32
        %add3A_1085 = vector.broadcast %add3A_1084 : i32 to vector<16xi32>
        %add3A_1086 = arith.addi %xor3A_953, %add3A_1085 : vector<16xi32>
        %select_n3A_1087 = arith.select %lt3A_1083, %add3A_1086, %xor3A_953 : vector<16xi1>, vector<16xi32>
        %broadcast_in_dim3A_1088 = vector.shape_cast %select_n3A_1087 : vector<16xi32> to vector<16x1xi32>
        %gather3A_1089 = vector.shape_cast %broadcast_in_dim3A_1088 : vector<16x1xi32> to vector<16xi32>
        %gather3A_1090 = tpu.dynamic_gather %add3A_875[%gather3A_1089] in [0] : vector<16xf32>, vector<16xi32> -> vector<16xf32>
        %add3A_1091 = arith.addf %add3A_875, %gather3A_1090 : vector<16xf32>
        %select_n3A_1092 = arith.select %eq3A_957, %add3A_1080, %add3A_1091 : vector<16xi1>, vector<16xf32>
        %lt3A_1093 = arith.constant 0 : i32
        %lt3A_1094 = vector.broadcast %lt3A_1093 : i32 to vector<16xi32>
        %lt3A_1095 = arith.cmpi slt, %xor3A_953, %lt3A_1094 : vector<16xi32>
        %add3A_1096 = arith.constant 16 : i32
        %add3A_1097 = vector.broadcast %add3A_1096 : i32 to vector<16xi32>
        %add3A_1098 = arith.addi %xor3A_953, %add3A_1097 : vector<16xi32>
        %select_n3A_1099 = arith.select %lt3A_1095, %add3A_1098, %xor3A_953 : vector<16xi1>, vector<16xi32>
        %broadcast_in_dim3A_1100 = vector.shape_cast %select_n3A_1099 : vector<16xi32> to vector<16x1xi32>
        %gather3A_1101 = vector.shape_cast %broadcast_in_dim3A_1100 : vector<16x1xi32> to vector<16xi32>
        %gather3A_1102 = tpu.dynamic_gather %add3A_894[%gather3A_1101] in [0] : vector<16xf32>, vector<16xi32> -> vector<16xf32>
        %add3A_1103 = arith.addf %add3A_894, %gather3A_1102 : vector<16xf32>
        %lt3A_1104 = arith.constant 0 : i32
        %lt3A_1105 = vector.broadcast %lt3A_1104 : i32 to vector<16xi32>
        %lt3A_1106 = arith.cmpi slt, %xor3A_953, %lt3A_1105 : vector<16xi32>
        %add3A_1107 = arith.constant 16 : i32
        %add3A_1108 = vector.broadcast %add3A_1107 : i32 to vector<16xi32>
        %add3A_1109 = arith.addi %xor3A_953, %add3A_1108 : vector<16xi32>
        %select_n3A_1110 = arith.select %lt3A_1106, %add3A_1109, %xor3A_953 : vector<16xi1>, vector<16xi32>
        %broadcast_in_dim3A_1111 = vector.shape_cast %select_n3A_1110 : vector<16xi32> to vector<16x1xi32>
        %gather3A_1112 = vector.shape_cast %broadcast_in_dim3A_1111 : vector<16x1xi32> to vector<16xi32>
        %gather3A_1113 = tpu.dynamic_gather %add3A_913[%gather3A_1112] in [0] : vector<16xf32>, vector<16xi32> -> vector<16xf32>
        %add3A_1114 = arith.addf %add3A_913, %gather3A_1113 : vector<16xf32>
        %select_n3A_1115 = arith.select %eq3A_957, %add3A_1103, %add3A_1114 : vector<16xi1>, vector<16xf32>
        %lt3A_1116 = arith.constant 0 : i32
        %lt3A_1117 = vector.broadcast %lt3A_1116 : i32 to vector<16xi32>
        %lt3A_1118 = arith.cmpi slt, %xor3A_953, %lt3A_1117 : vector<16xi32>
        %add3A_1119 = arith.constant 16 : i32
        %add3A_1120 = vector.broadcast %add3A_1119 : i32 to vector<16xi32>
        %add3A_1121 = arith.addi %xor3A_953, %add3A_1120 : vector<16xi32>
        %select_n3A_1122 = arith.select %lt3A_1118, %add3A_1121, %xor3A_953 : vector<16xi1>, vector<16xi32>
        %broadcast_in_dim3A_1123 = vector.shape_cast %select_n3A_1122 : vector<16xi32> to vector<16x1xi32>
        %gather3A_1124 = vector.shape_cast %broadcast_in_dim3A_1123 : vector<16x1xi32> to vector<16xi32>
        %gather3A_1125 = tpu.dynamic_gather %add3A_932[%gather3A_1124] in [0] : vector<16xf32>, vector<16xi32> -> vector<16xf32>
        %add3A_1126 = arith.addf %add3A_932, %gather3A_1125 : vector<16xf32>
        %lt3A_1127 = arith.constant 0 : i32
        %lt3A_1128 = vector.broadcast %lt3A_1127 : i32 to vector<16xi32>
        %lt3A_1129 = arith.cmpi slt, %xor3A_953, %lt3A_1128 : vector<16xi32>
        %add3A_1130 = arith.constant 16 : i32
        %add3A_1131 = vector.broadcast %add3A_1130 : i32 to vector<16xi32>
        %add3A_1132 = arith.addi %xor3A_953, %add3A_1131 : vector<16xi32>
        %select_n3A_1133 = arith.select %lt3A_1129, %add3A_1132, %xor3A_953 : vector<16xi1>, vector<16xi32>
        %broadcast_in_dim3A_1134 = vector.shape_cast %select_n3A_1133 : vector<16xi32> to vector<16x1xi32>
        %gather3A_1135 = vector.shape_cast %broadcast_in_dim3A_1134 : vector<16x1xi32> to vector<16xi32>
        %gather3A_1136 = tpu.dynamic_gather %add3A_951[%gather3A_1135] in [0] : vector<16xf32>, vector<16xi32> -> vector<16xf32>
        %add3A_1137 = arith.addf %add3A_951, %gather3A_1136 : vector<16xf32>
        %select_n3A_1138 = arith.select %eq3A_957, %add3A_1126, %add3A_1137 : vector<16xi1>, vector<16xf32>
        %xor3A_1139 = arith.constant 2 : i32
        %xor3A_1140 = vector.broadcast %xor3A_1139 : i32 to vector<16xi32>
        %xor3A_1141 = arith.xori %iota3A, %xor3A_1140 : vector<16xi32>
        %and3A_1142 = arith.constant 2 : i32
        %and3A_1143 = vector.broadcast %and3A_1142 : i32 to vector<16xi32>
        %and3A_1144 = arith.andi %iota3A, %and3A_1143 : vector<16xi32>
        %eq3A_1145 = arith.constant 0 : i32
        %eq3A_1146 = vector.broadcast %eq3A_1145 : i32 to vector<16xi32>
        %eq3A_1147 = arith.cmpi eq, %and3A_1144, %eq3A_1146 : vector<16xi32>
        %lt3A_1148 = arith.constant 0 : i32
        %lt3A_1149 = vector.broadcast %lt3A_1148 : i32 to vector<16xi32>
        %lt3A_1150 = arith.cmpi slt, %xor3A_1141, %lt3A_1149 : vector<16xi32>
        %add3A_1151 = arith.constant 16 : i32
        %add3A_1152 = vector.broadcast %add3A_1151 : i32 to vector<16xi32>
        %add3A_1153 = arith.addi %xor3A_1141, %add3A_1152 : vector<16xi32>
        %select_n3A_1154 = arith.select %lt3A_1150, %add3A_1153, %xor3A_1141 : vector<16xi1>, vector<16xi32>
        %broadcast_in_dim3A_1155 = vector.shape_cast %select_n3A_1154 : vector<16xi32> to vector<16x1xi32>
        %gather3A_1156 = vector.shape_cast %broadcast_in_dim3A_1155 : vector<16x1xi32> to vector<16xi32>
        %gather3A_1157 = tpu.dynamic_gather %select_n3A_977[%gather3A_1156] in [0] : vector<16xf32>, vector<16xi32> -> vector<16xf32>
        %add3A_1158 = arith.addf %select_n3A_977, %gather3A_1157 : vector<16xf32>
        %lt3A_1159 = arith.constant 0 : i32
        %lt3A_1160 = vector.broadcast %lt3A_1159 : i32 to vector<16xi32>
        %lt3A_1161 = arith.cmpi slt, %xor3A_1141, %lt3A_1160 : vector<16xi32>
        %add3A_1162 = arith.constant 16 : i32
        %add3A_1163 = vector.broadcast %add3A_1162 : i32 to vector<16xi32>
        %add3A_1164 = arith.addi %xor3A_1141, %add3A_1163 : vector<16xi32>
        %select_n3A_1165 = arith.select %lt3A_1161, %add3A_1164, %xor3A_1141 : vector<16xi1>, vector<16xi32>
        %broadcast_in_dim3A_1166 = vector.shape_cast %select_n3A_1165 : vector<16xi32> to vector<16x1xi32>
        %gather3A_1167 = vector.shape_cast %broadcast_in_dim3A_1166 : vector<16x1xi32> to vector<16xi32>
        %gather3A_1168 = tpu.dynamic_gather %select_n3A_1000[%gather3A_1167] in [0] : vector<16xf32>, vector<16xi32> -> vector<16xf32>
        %add3A_1169 = arith.addf %select_n3A_1000, %gather3A_1168 : vector<16xf32>
        %select_n3A_1170 = arith.select %eq3A_1147, %add3A_1158, %add3A_1169 : vector<16xi1>, vector<16xf32>
        %lt3A_1171 = arith.constant 0 : i32
        %lt3A_1172 = vector.broadcast %lt3A_1171 : i32 to vector<16xi32>
        %lt3A_1173 = arith.cmpi slt, %xor3A_1141, %lt3A_1172 : vector<16xi32>
        %add3A_1174 = arith.constant 16 : i32
        %add3A_1175 = vector.broadcast %add3A_1174 : i32 to vector<16xi32>
        %add3A_1176 = arith.addi %xor3A_1141, %add3A_1175 : vector<16xi32>
        %select_n3A_1177 = arith.select %lt3A_1173, %add3A_1176, %xor3A_1141 : vector<16xi1>, vector<16xi32>
        %broadcast_in_dim3A_1178 = vector.shape_cast %select_n3A_1177 : vector<16xi32> to vector<16x1xi32>
        %gather3A_1179 = vector.shape_cast %broadcast_in_dim3A_1178 : vector<16x1xi32> to vector<16xi32>
        %gather3A_1180 = tpu.dynamic_gather %select_n3A_1023[%gather3A_1179] in [0] : vector<16xf32>, vector<16xi32> -> vector<16xf32>
        %add3A_1181 = arith.addf %select_n3A_1023, %gather3A_1180 : vector<16xf32>
        %lt3A_1182 = arith.constant 0 : i32
        %lt3A_1183 = vector.broadcast %lt3A_1182 : i32 to vector<16xi32>
        %lt3A_1184 = arith.cmpi slt, %xor3A_1141, %lt3A_1183 : vector<16xi32>
        %add3A_1185 = arith.constant 16 : i32
        %add3A_1186 = vector.broadcast %add3A_1185 : i32 to vector<16xi32>
        %add3A_1187 = arith.addi %xor3A_1141, %add3A_1186 : vector<16xi32>
        %select_n3A_1188 = arith.select %lt3A_1184, %add3A_1187, %xor3A_1141 : vector<16xi1>, vector<16xi32>
        %broadcast_in_dim3A_1189 = vector.shape_cast %select_n3A_1188 : vector<16xi32> to vector<16x1xi32>
        %gather3A_1190 = vector.shape_cast %broadcast_in_dim3A_1189 : vector<16x1xi32> to vector<16xi32>
        %gather3A_1191 = tpu.dynamic_gather %select_n3A_1046[%gather3A_1190] in [0] : vector<16xf32>, vector<16xi32> -> vector<16xf32>
        %add3A_1192 = arith.addf %select_n3A_1046, %gather3A_1191 : vector<16xf32>
        %select_n3A_1193 = arith.select %eq3A_1147, %add3A_1181, %add3A_1192 : vector<16xi1>, vector<16xf32>
        %lt3A_1194 = arith.constant 0 : i32
        %lt3A_1195 = vector.broadcast %lt3A_1194 : i32 to vector<16xi32>
        %lt3A_1196 = arith.cmpi slt, %xor3A_1141, %lt3A_1195 : vector<16xi32>
        %add3A_1197 = arith.constant 16 : i32
        %add3A_1198 = vector.broadcast %add3A_1197 : i32 to vector<16xi32>
        %add3A_1199 = arith.addi %xor3A_1141, %add3A_1198 : vector<16xi32>
        %select_n3A_1200 = arith.select %lt3A_1196, %add3A_1199, %xor3A_1141 : vector<16xi1>, vector<16xi32>
        %broadcast_in_dim3A_1201 = vector.shape_cast %select_n3A_1200 : vector<16xi32> to vector<16x1xi32>
        %gather3A_1202 = vector.shape_cast %broadcast_in_dim3A_1201 : vector<16x1xi32> to vector<16xi32>
        %gather3A_1203 = tpu.dynamic_gather %select_n3A_1069[%gather3A_1202] in [0] : vector<16xf32>, vector<16xi32> -> vector<16xf32>
        %add3A_1204 = arith.addf %select_n3A_1069, %gather3A_1203 : vector<16xf32>
        %lt3A_1205 = arith.constant 0 : i32
        %lt3A_1206 = vector.broadcast %lt3A_1205 : i32 to vector<16xi32>
        %lt3A_1207 = arith.cmpi slt, %xor3A_1141, %lt3A_1206 : vector<16xi32>
        %add3A_1208 = arith.constant 16 : i32
        %add3A_1209 = vector.broadcast %add3A_1208 : i32 to vector<16xi32>
        %add3A_1210 = arith.addi %xor3A_1141, %add3A_1209 : vector<16xi32>
        %select_n3A_1211 = arith.select %lt3A_1207, %add3A_1210, %xor3A_1141 : vector<16xi1>, vector<16xi32>
        %broadcast_in_dim3A_1212 = vector.shape_cast %select_n3A_1211 : vector<16xi32> to vector<16x1xi32>
        %gather3A_1213 = vector.shape_cast %broadcast_in_dim3A_1212 : vector<16x1xi32> to vector<16xi32>
        %gather3A_1214 = tpu.dynamic_gather %select_n3A_1092[%gather3A_1213] in [0] : vector<16xf32>, vector<16xi32> -> vector<16xf32>
        %add3A_1215 = arith.addf %select_n3A_1092, %gather3A_1214 : vector<16xf32>
        %select_n3A_1216 = arith.select %eq3A_1147, %add3A_1204, %add3A_1215 : vector<16xi1>, vector<16xf32>
        %lt3A_1217 = arith.constant 0 : i32
        %lt3A_1218 = vector.broadcast %lt3A_1217 : i32 to vector<16xi32>
        %lt3A_1219 = arith.cmpi slt, %xor3A_1141, %lt3A_1218 : vector<16xi32>
        %add3A_1220 = arith.constant 16 : i32
        %add3A_1221 = vector.broadcast %add3A_1220 : i32 to vector<16xi32>
        %add3A_1222 = arith.addi %xor3A_1141, %add3A_1221 : vector<16xi32>
        %select_n3A_1223 = arith.select %lt3A_1219, %add3A_1222, %xor3A_1141 : vector<16xi1>, vector<16xi32>
        %broadcast_in_dim3A_1224 = vector.shape_cast %select_n3A_1223 : vector<16xi32> to vector<16x1xi32>
        %gather3A_1225 = vector.shape_cast %broadcast_in_dim3A_1224 : vector<16x1xi32> to vector<16xi32>
        %gather3A_1226 = tpu.dynamic_gather %select_n3A_1115[%gather3A_1225] in [0] : vector<16xf32>, vector<16xi32> -> vector<16xf32>
        %add3A_1227 = arith.addf %select_n3A_1115, %gather3A_1226 : vector<16xf32>
        %lt3A_1228 = arith.constant 0 : i32
        %lt3A_1229 = vector.broadcast %lt3A_1228 : i32 to vector<16xi32>
        %lt3A_1230 = arith.cmpi slt, %xor3A_1141, %lt3A_1229 : vector<16xi32>
        %add3A_1231 = arith.constant 16 : i32
        %add3A_1232 = vector.broadcast %add3A_1231 : i32 to vector<16xi32>
        %add3A_1233 = arith.addi %xor3A_1141, %add3A_1232 : vector<16xi32>
        %select_n3A_1234 = arith.select %lt3A_1230, %add3A_1233, %xor3A_1141 : vector<16xi1>, vector<16xi32>
        %broadcast_in_dim3A_1235 = vector.shape_cast %select_n3A_1234 : vector<16xi32> to vector<16x1xi32>
        %gather3A_1236 = vector.shape_cast %broadcast_in_dim3A_1235 : vector<16x1xi32> to vector<16xi32>
        %gather3A_1237 = tpu.dynamic_gather %select_n3A_1138[%gather3A_1236] in [0] : vector<16xf32>, vector<16xi32> -> vector<16xf32>
        %add3A_1238 = arith.addf %select_n3A_1138, %gather3A_1237 : vector<16xf32>
        %select_n3A_1239 = arith.select %eq3A_1147, %add3A_1227, %add3A_1238 : vector<16xi1>, vector<16xf32>
        %xor3A_1240 = arith.constant 4 : i32
        %xor3A_1241 = vector.broadcast %xor3A_1240 : i32 to vector<16xi32>
        %xor3A_1242 = arith.xori %iota3A, %xor3A_1241 : vector<16xi32>
        %and3A_1243 = arith.constant 4 : i32
        %and3A_1244 = vector.broadcast %and3A_1243 : i32 to vector<16xi32>
        %and3A_1245 = arith.andi %iota3A, %and3A_1244 : vector<16xi32>
        %eq3A_1246 = arith.constant 0 : i32
        %eq3A_1247 = vector.broadcast %eq3A_1246 : i32 to vector<16xi32>
        %eq3A_1248 = arith.cmpi eq, %and3A_1245, %eq3A_1247 : vector<16xi32>
        %lt3A_1249 = arith.constant 0 : i32
        %lt3A_1250 = vector.broadcast %lt3A_1249 : i32 to vector<16xi32>
        %lt3A_1251 = arith.cmpi slt, %xor3A_1242, %lt3A_1250 : vector<16xi32>
        %add3A_1252 = arith.constant 16 : i32
        %add3A_1253 = vector.broadcast %add3A_1252 : i32 to vector<16xi32>
        %add3A_1254 = arith.addi %xor3A_1242, %add3A_1253 : vector<16xi32>
        %select_n3A_1255 = arith.select %lt3A_1251, %add3A_1254, %xor3A_1242 : vector<16xi1>, vector<16xi32>
        %broadcast_in_dim3A_1256 = vector.shape_cast %select_n3A_1255 : vector<16xi32> to vector<16x1xi32>
        %gather3A_1257 = vector.shape_cast %broadcast_in_dim3A_1256 : vector<16x1xi32> to vector<16xi32>
        %gather3A_1258 = tpu.dynamic_gather %select_n3A_1170[%gather3A_1257] in [0] : vector<16xf32>, vector<16xi32> -> vector<16xf32>
        %add3A_1259 = arith.addf %select_n3A_1170, %gather3A_1258 : vector<16xf32>
        %lt3A_1260 = arith.constant 0 : i32
        %lt3A_1261 = vector.broadcast %lt3A_1260 : i32 to vector<16xi32>
        %lt3A_1262 = arith.cmpi slt, %xor3A_1242, %lt3A_1261 : vector<16xi32>
        %add3A_1263 = arith.constant 16 : i32
        %add3A_1264 = vector.broadcast %add3A_1263 : i32 to vector<16xi32>
        %add3A_1265 = arith.addi %xor3A_1242, %add3A_1264 : vector<16xi32>
        %select_n3A_1266 = arith.select %lt3A_1262, %add3A_1265, %xor3A_1242 : vector<16xi1>, vector<16xi32>
        %broadcast_in_dim3A_1267 = vector.shape_cast %select_n3A_1266 : vector<16xi32> to vector<16x1xi32>
        %gather3A_1268 = vector.shape_cast %broadcast_in_dim3A_1267 : vector<16x1xi32> to vector<16xi32>
        %gather3A_1269 = tpu.dynamic_gather %select_n3A_1193[%gather3A_1268] in [0] : vector<16xf32>, vector<16xi32> -> vector<16xf32>
        %add3A_1270 = arith.addf %select_n3A_1193, %gather3A_1269 : vector<16xf32>
        %select_n3A_1271 = arith.select %eq3A_1248, %add3A_1259, %add3A_1270 : vector<16xi1>, vector<16xf32>
        %lt3A_1272 = arith.constant 0 : i32
        %lt3A_1273 = vector.broadcast %lt3A_1272 : i32 to vector<16xi32>
        %lt3A_1274 = arith.cmpi slt, %xor3A_1242, %lt3A_1273 : vector<16xi32>
        %add3A_1275 = arith.constant 16 : i32
        %add3A_1276 = vector.broadcast %add3A_1275 : i32 to vector<16xi32>
        %add3A_1277 = arith.addi %xor3A_1242, %add3A_1276 : vector<16xi32>
        %select_n3A_1278 = arith.select %lt3A_1274, %add3A_1277, %xor3A_1242 : vector<16xi1>, vector<16xi32>
        %broadcast_in_dim3A_1279 = vector.shape_cast %select_n3A_1278 : vector<16xi32> to vector<16x1xi32>
        %gather3A_1280 = vector.shape_cast %broadcast_in_dim3A_1279 : vector<16x1xi32> to vector<16xi32>
        %gather3A_1281 = tpu.dynamic_gather %select_n3A_1216[%gather3A_1280] in [0] : vector<16xf32>, vector<16xi32> -> vector<16xf32>
        %add3A_1282 = arith.addf %select_n3A_1216, %gather3A_1281 : vector<16xf32>
        %lt3A_1283 = arith.constant 0 : i32
        %lt3A_1284 = vector.broadcast %lt3A_1283 : i32 to vector<16xi32>
        %lt3A_1285 = arith.cmpi slt, %xor3A_1242, %lt3A_1284 : vector<16xi32>
        %add3A_1286 = arith.constant 16 : i32
        %add3A_1287 = vector.broadcast %add3A_1286 : i32 to vector<16xi32>
        %add3A_1288 = arith.addi %xor3A_1242, %add3A_1287 : vector<16xi32>
        %select_n3A_1289 = arith.select %lt3A_1285, %add3A_1288, %xor3A_1242 : vector<16xi1>, vector<16xi32>
        %broadcast_in_dim3A_1290 = vector.shape_cast %select_n3A_1289 : vector<16xi32> to vector<16x1xi32>
        %gather3A_1291 = vector.shape_cast %broadcast_in_dim3A_1290 : vector<16x1xi32> to vector<16xi32>
        %gather3A_1292 = tpu.dynamic_gather %select_n3A_1239[%gather3A_1291] in [0] : vector<16xf32>, vector<16xi32> -> vector<16xf32>
        %add3A_1293 = arith.addf %select_n3A_1239, %gather3A_1292 : vector<16xf32>
        %select_n3A_1294 = arith.select %eq3A_1248, %add3A_1282, %add3A_1293 : vector<16xi1>, vector<16xf32>
        %xor3A_1295 = arith.constant 8 : i32
        %xor3A_1296 = vector.broadcast %xor3A_1295 : i32 to vector<16xi32>
        %xor3A_1297 = arith.xori %iota3A, %xor3A_1296 : vector<16xi32>
        %and3A_1298 = arith.constant 8 : i32
        %and3A_1299 = vector.broadcast %and3A_1298 : i32 to vector<16xi32>
        %and3A_1300 = arith.andi %iota3A, %and3A_1299 : vector<16xi32>
        %eq3A_1301 = arith.constant 0 : i32
        %eq3A_1302 = vector.broadcast %eq3A_1301 : i32 to vector<16xi32>
        %eq3A_1303 = arith.cmpi eq, %and3A_1300, %eq3A_1302 : vector<16xi32>
        %lt3A_1304 = arith.constant 0 : i32
        %lt3A_1305 = vector.broadcast %lt3A_1304 : i32 to vector<16xi32>
        %lt3A_1306 = arith.cmpi slt, %xor3A_1297, %lt3A_1305 : vector<16xi32>
        %add3A_1307 = arith.constant 16 : i32
        %add3A_1308 = vector.broadcast %add3A_1307 : i32 to vector<16xi32>
        %add3A_1309 = arith.addi %xor3A_1297, %add3A_1308 : vector<16xi32>
        %select_n3A_1310 = arith.select %lt3A_1306, %add3A_1309, %xor3A_1297 : vector<16xi1>, vector<16xi32>
        %broadcast_in_dim3A_1311 = vector.shape_cast %select_n3A_1310 : vector<16xi32> to vector<16x1xi32>
        %gather3A_1312 = vector.shape_cast %broadcast_in_dim3A_1311 : vector<16x1xi32> to vector<16xi32>
        %gather3A_1313 = tpu.dynamic_gather %select_n3A_1271[%gather3A_1312] in [0] : vector<16xf32>, vector<16xi32> -> vector<16xf32>
        %add3A_1314 = arith.addf %select_n3A_1271, %gather3A_1313 : vector<16xf32>
        %lt3A_1315 = arith.constant 0 : i32
        %lt3A_1316 = vector.broadcast %lt3A_1315 : i32 to vector<16xi32>
        %lt3A_1317 = arith.cmpi slt, %xor3A_1297, %lt3A_1316 : vector<16xi32>
        %add3A_1318 = arith.constant 16 : i32
        %add3A_1319 = vector.broadcast %add3A_1318 : i32 to vector<16xi32>
        %add3A_1320 = arith.addi %xor3A_1297, %add3A_1319 : vector<16xi32>
        %select_n3A_1321 = arith.select %lt3A_1317, %add3A_1320, %xor3A_1297 : vector<16xi1>, vector<16xi32>
        %broadcast_in_dim3A_1322 = vector.shape_cast %select_n3A_1321 : vector<16xi32> to vector<16x1xi32>
        %gather3A_1323 = vector.shape_cast %broadcast_in_dim3A_1322 : vector<16x1xi32> to vector<16xi32>
        %gather3A_1324 = tpu.dynamic_gather %select_n3A_1294[%gather3A_1323] in [0] : vector<16xf32>, vector<16xi32> -> vector<16xf32>
        %add3A_1325 = arith.addf %select_n3A_1294, %gather3A_1324 : vector<16xf32>
        %select_n3A_1326 = arith.select %eq3A_1303, %add3A_1314, %add3A_1325 : vector<16xi1>, vector<16xf32>
        %mul3A_1327 = arith.constant 16 : i32
        %mul3A_1328 = arith.muli %scan3A_648, %mul3A_1327 : i32
        %get3A_1329 = arith.index_cast %mul3A_1328 : i32 to index
        %get3A_1330 = tpu.vector_load %arg18[%get3A_1329] {strides = array<i32>} : memref<512xf32, #tpu.memory_space<vmem>>, vector<16xf32>,
        %mul3A_1331 = arith.constant 16 : i32
        %mul3A_1332 = arith.muli %scan3A_648, %mul3A_1331 : i32
        %get3A_1333 = arith.index_cast %mul3A_1332 : i32 to index
        %get3A_1334 = tpu.vector_load %arg19[%get3A_1333] {strides = array<i32>} : memref<512xf32, #tpu.memory_space<vmem>>, vector<16xf32>,
        %mul3A_1335 = arith.constant 4 : i32
        %mul3A_1336 = arith.muli %add3A_479, %mul3A_1335 : i32
        %jit3A = arith.constant 8 : i32
        %div3A = arith.divsi %scan3A_648, %jit3A : i32
        %sign3A = arith.constant 0 : i32
        %sign3A_1337 = arith.cmpi sgt, %scan3A_648, %sign3A : i32
        %sign3A_1338 = arith.extui %sign3A_1337 : i1 to i32
        %sign3A_1339 = arith.constant 0 : i32
        %sign3A_1340 = arith.cmpi slt, %scan3A_648, %sign3A_1339 : i32
        %sign3A_1341 = arith.extui %sign3A_1340 : i1 to i32
        %sign3A_1342 = arith.subi %sign3A_1338, %sign3A_1341 : i32
        %sign3A_1343 = arith.constant 0 : i32
        %sign3A_1344 = arith.cmpi sgt, %jit3A, %sign3A_1343 : i32
        %sign3A_1345 = arith.extui %sign3A_1344 : i1 to i32
        %sign3A_1346 = arith.constant 0 : i32
        %sign3A_1347 = arith.cmpi slt, %jit3A, %sign3A_1346 : i32
        %sign3A_1348 = arith.extui %sign3A_1347 : i1 to i32
        %sign3A_1349 = arith.subi %sign3A_1345, %sign3A_1348 : i32
        %ne3A = arith.cmpi ne, %sign3A_1342, %sign3A_1349 : i32
        %rem3A = arith.remsi %scan3A_648, %jit3A : i32
        %ne3A_1350 = arith.constant 0 : i32
        %ne3A_1351 = arith.cmpi ne, %rem3A, %ne3A_1350 : i32
        %and3A_1352 = arith.andi %ne3A, %ne3A_1351 : i1
        %sub3A = arith.constant 1 : i32
        %sub3A_1353 = arith.subi %div3A, %sub3A : i32
        %select_n3A_1354 = arith.select %and3A_1352, %sub3A_1353, %div3A : i32
        %add3A_1355 = arith.addi %mul3A_1336, %select_n3A_1354 : i32
        %jit3A_1356 = arith.constant 8 : i32
        %eq3A_1357 = arith.constant 0 : i32
        %eq3A_1358 = arith.cmpi eq, %jit3A_1356, %eq3A_1357 : i32
        %jit3A_1359 = arith.constant 1 : i32
        %select_n3A_1360 = arith.select %eq3A_1358, %jit3A_1359, %jit3A_1356 : i32
        %rem3A_1361 = arith.remsi %scan3A_648, %select_n3A_1360 : i32
        %ne3A_1362 = arith.constant 0 : i32
        %ne3A_1363 = arith.cmpi ne, %rem3A_1361, %ne3A_1362 : i32
        %lt3A_1364 = arith.constant 0 : i32
        %lt3A_1365 = arith.cmpi slt, %rem3A_1361, %lt3A_1364 : i32
        %lt3A_1366 = arith.constant 0 : i32
        %lt3A_1367 = arith.cmpi slt, %select_n3A_1360, %lt3A_1366 : i32
        %ne3A_1368 = arith.xori %lt3A_1365, %lt3A_1367 : i1
        %and3A_1369 = arith.andi %ne3A_1368, %ne3A_1363 : i1
        %add3A_1370 = arith.addi %rem3A_1361, %select_n3A_1360 : i32
        %select_n3A_1371 = arith.select %and3A_1369, %add3A_1370, %rem3A_1361 : i32
        %mul3A_1372 = arith.constant 16 : i32
        %mul3A_1373 = arith.muli %select_n3A_1371, %mul3A_1372 : i32
        %get3A_1374 = arith.index_cast %add3A_1355 : i32 to index
        %get3A_1375 = arith.index_cast %mul3A_1373 : i32 to index
        %get3A_1376 = tpu.vector_load %arg9[%get3A_1374, %get3A_1375] {strides = array<i32>} : memref<200x128xi32, #tpu.memory_space<vmem>>, vector<16xi32>,
        %get3A_1377 = arith.index_cast %add3A_1355 : i32 to index
        %get3A_1378 = arith.index_cast %mul3A_1373 : i32 to index
        %get3A_1379 = tpu.vector_load %arg10[%get3A_1377, %get3A_1378] {strides = array<i32>} : memref<200x128xi32, #tpu.memory_space<vmem>>, vector<16xi32>,
        %ne3A_1380 = arith.constant 0 : i32
        %ne3A_1381 = vector.broadcast %ne3A_1380 : i32 to vector<16xi32>
        %ne3A_1382 = arith.cmpi ne, %get3A_1376, %ne3A_1381 : vector<16xi32>
        %ne3A_1383 = arith.constant 0 : i32
        %ne3A_1384 = vector.broadcast %ne3A_1383 : i32 to vector<16xi32>
        %ne3A_1385 = arith.cmpi ne, %get3A_1379, %ne3A_1384 : vector<16xi32>
        %and3A_1386 = arith.andi %ne3A_1382, %ne3A_1385 : vector<16xi1>
        %jit3A_1387 = arith.constant 0.000000e+00 : f32
        %broadcast_in_dim3A_1388 = vector.broadcast %jit3A_1387 : f32 to vector<16xf32>
        %select_n3A_1389 = arith.select %and3A_1386, %select_n3A_1326, %broadcast_in_dim3A_1388 : vector<16xi1>, vector<16xf32>
        %jit3A_1390 = arith.constant 0.000000e+00 : f32
        %broadcast_in_dim3A_1391 = vector.broadcast %jit3A_1390 : f32 to vector<16xf32>
        %select_n3A_1392 = arith.select %ne3A_1382, %get3A_1330, %broadcast_in_dim3A_1391 : vector<16xi1>, vector<16xf32>
        %add3A_1393 = arith.addf %select_n3A_1389, %select_n3A_1392 : vector<16xf32>
        %jit3A_1394 = arith.constant 0.000000e+00 : f32
        %broadcast_in_dim3A_1395 = vector.broadcast %jit3A_1394 : f32 to vector<16xf32>
        %select_n3A_1396 = arith.select %ne3A_1385, %get3A_1334, %broadcast_in_dim3A_1395 : vector<16xi1>, vector<16xf32>
        %add3A_1397 = arith.addf %add3A_1393, %select_n3A_1396 : vector<16xf32>
        %neg3A = arith.constant 0.000000e+00 : f32
        %neg3A_1398 = vector.broadcast %neg3A : f32 to vector<16xf32>
        %neg3A_1399 = arith.subf %neg3A_1398, %add3A_1397 : vector<16xf32>
        %exp3A = math.exp %neg3A_1399 : vector<16xf32>
        %add3A_1400 = arith.constant 1.000000e+00 : f32
        %add3A_1401 = vector.broadcast %add3A_1400 : f32 to vector<16xf32>
        %add3A_1402 = arith.addf %add3A_1401, %exp3A : vector<16xf32>
        %div3A_1403 = arith.constant 1.000000e+00 : f32
        %div3A_1404 = vector.broadcast %div3A_1403 : f32 to vector<16xf32>
        %div3A_1405 = arith.divf %div3A_1404, %add3A_1402 : vector<16xf32>
        %jit3A_1406 = arith.constant 8 : i32
        %div3A_1407 = arith.divsi %scan3A_648, %jit3A_1406 : i32
        %sign3A_1408 = arith.constant 0 : i32
        %sign3A_1409 = arith.cmpi sgt, %scan3A_648, %sign3A_1408 : i32
        %sign3A_1410 = arith.extui %sign3A_1409 : i1 to i32
        %sign3A_1411 = arith.constant 0 : i32
        %sign3A_1412 = arith.cmpi slt, %scan3A_648, %sign3A_1411 : i32
        %sign3A_1413 = arith.extui %sign3A_1412 : i1 to i32
        %sign3A_1414 = arith.subi %sign3A_1410, %sign3A_1413 : i32
        %sign3A_1415 = arith.constant 0 : i32
        %sign3A_1416 = arith.cmpi sgt, %jit3A_1406, %sign3A_1415 : i32
        %sign3A_1417 = arith.extui %sign3A_1416 : i1 to i32
        %sign3A_1418 = arith.constant 0 : i32
        %sign3A_1419 = arith.cmpi slt, %jit3A_1406, %sign3A_1418 : i32
        %sign3A_1420 = arith.extui %sign3A_1419 : i1 to i32
        %sign3A_1421 = arith.subi %sign3A_1417, %sign3A_1420 : i32
        %ne3A_1422 = arith.cmpi ne, %sign3A_1414, %sign3A_1421 : i32
        %rem3A_1423 = arith.remsi %scan3A_648, %jit3A_1406 : i32
        %ne3A_1424 = arith.constant 0 : i32
        %ne3A_1425 = arith.cmpi ne, %rem3A_1423, %ne3A_1424 : i32
        %and3A_1426 = arith.andi %ne3A_1422, %ne3A_1425 : i1
        %sub3A_1427 = arith.constant 1 : i32
        %sub3A_1428 = arith.subi %div3A_1407, %sub3A_1427 : i32
        %select_n3A_1429 = arith.select %and3A_1426, %sub3A_1428, %div3A_1407 : i32
        %swap3A = arith.index_cast %select_n3A_1429 : i32 to index
        %swap3A_1430 = arith.index_cast %mul3A_1373 : i32 to index
        %swap3A_1431 = tpu.vector_load %arg20[%swap3A, %swap3A_1430] {strides = array<i32>} : memref<4x128xf32, #tpu.memory_space<vmem>>, vector<16xf32>,
        tpu.vector_store %arg20[%swap3A, %swap3A_1430], %div3A_1405 {strides = array<i32>} : memref<4x128xf32, #tpu.memory_space<vmem>>, vector<16xf32>,
      }
      %scan3A_634 = arith.constant 32 : i32
      %mul3A_635 = arith.constant 4 : i32
      %mul3A_636 = arith.muli %add3A_479, %mul3A_635 : i32
      %mul3A_637 = arith.constant 128 : i32
      %mul3A_638 = arith.muli %add3A, %mul3A_637 : i32
      %dma_start3A_639 = tpu.memref_slice %arg8[%mul3A_636, %mul3A_638] : memref<200x4096xf32, #tpu.memory_space<hbm>> -> memref<4x128xf32, #tpu.memory_space<hbm>>
      %dma_start3A_640 = tpu.memref_slice %arg8[%mul3A_636, %mul3A_638] : memref<200x4096xf32, #tpu.memory_space<hbm>> -> memref<4x128xf32, #tpu.memory_space<hbm>>
      tpu.enqueue_dma source(%arg20 : memref<4x128xf32, #tpu.memory_space<vmem>>) target(%dma_start3A_640 : memref<4x128xf32, #tpu.memory_space<hbm>>) target_semaphore(%arg24 : memref<!tpu.dma_semaphore, #tpu.memory_space<semaphore_mem>>)
      %add3A_641 = arith.constant 2 : i32
      %add3A_642 = arith.addi %add3A_479, %add3A_641 : i32
      %lt3A_643 = arith.constant 50 : i32
      %lt3A_644 = arith.cmpi slt, %add3A_642, %lt3A_643 : i32
      %convert_element_type3A_645 = arith.extui %lt3A_644 : i1 to i32
      %cond3A_646 = arith.constant 0 : i32
      %cond3A_647 = arith.cmpi ne, %convert_element_type3A_645, %cond3A_646 : i32
      scf.if %cond3A_647 {
        %add3A_648 = arith.constant 2 : i32
        %add3A_649 = arith.addi %add3A_479, %add3A_648 : i32
        %mul3A_650 = arith.constant 4 : i32
        %mul3A_651 = arith.muli %add3A_649, %mul3A_650 : i32
        %add3A_652 = arith.constant 0 : i32
        %add3A_653 = arith.addi %mul3A_651, %add3A_652 : i32
        %dma_start3A_654 = arith.constant 0 : i32
        %dma_start3A_655 = arith.constant 0 : i32
        %dma_start3A_656 = tpu.memref_slice %arg16[%dma_start3A_654, %dma_start3A_655] : memref<512x32xf32, #tpu.memory_space<vmem>> -> memref<128x32xf32, #tpu.memory_space<vmem>>
        %dma_start3A_657 = arith.constant 0 : i32
        %dma_start3A_658 = tpu.memref_slice %arg9[%add3A_653, %dma_start3A_657] : memref<200x128xi32, #tpu.memory_space<vmem>> -> memref<1x128xi32, #tpu.memory_space<vmem>>
        %dma_start3A_659 = tpu.memref_squeeze %dma_start3A_658 : memref<1x128xi32, #tpu.memory_space<vmem>> -> memref<128xi32, #tpu.memory_space<vmem>>
        %dma_start3A_660 = arith.constant 0 : i32
        %dma_start3A_661 = arith.constant 0 : i32
        %dma_start3A_662 = tpu.memref_slice %arg4[%dma_start3A_660, %dma_start3A_661] : memref<1000001x32xf32, #tpu.memory_space<hbm>> -> memref<1000001x32xf32, #tpu.memory_space<hbm>>
        tpu.enqueue_indirect_dma source(%dma_start3A_662 : memref<1000001x32xf32, #tpu.memory_space<hbm>>) target(%dma_start3A_656 : memref<128x32xf32, #tpu.memory_space<vmem>>) offsets(%dma_start3A_659 : memref<128xi32, #tpu.memory_space<vmem>>) semaphore(%arg22 : memref<!tpu.dma_semaphore, #tpu.memory_space<semaphore_mem>>)
        %dma_start3A_663 = arith.constant 0 : i32
        %dma_start3A_664 = arith.constant 0 : i32
        %dma_start3A_665 = tpu.memref_slice %arg17[%dma_start3A_663, %dma_start3A_664] : memref<512x32xf32, #tpu.memory_space<vmem>> -> memref<128x32xf32, #tpu.memory_space<vmem>>
        %dma_start3A_666 = arith.constant 0 : i32
        %dma_start3A_667 = tpu.memref_slice %arg10[%add3A_653, %dma_start3A_666] : memref<200x128xi32, #tpu.memory_space<vmem>> -> memref<1x128xi32, #tpu.memory_space<vmem>>
        %dma_start3A_668 = tpu.memref_squeeze %dma_start3A_667 : memref<1x128xi32, #tpu.memory_space<vmem>> -> memref<128xi32, #tpu.memory_space<vmem>>
        %dma_start3A_669 = arith.constant 0 : i32
        %dma_start3A_670 = arith.constant 0 : i32
        %dma_start3A_671 = tpu.memref_slice %arg5[%dma_start3A_669, %dma_start3A_670] : memref<100001x32xf32, #tpu.memory_space<hbm>> -> memref<100001x32xf32, #tpu.memory_space<hbm>>
        tpu.enqueue_indirect_dma source(%dma_start3A_671 : memref<100001x32xf32, #tpu.memory_space<hbm>>) target(%dma_start3A_665 : memref<128x32xf32, #tpu.memory_space<vmem>>) offsets(%dma_start3A_668 : memref<128xi32, #tpu.memory_space<vmem>>) semaphore(%arg22 : memref<!tpu.dma_semaphore, #tpu.memory_space<semaphore_mem>>)
        %dma_start3A_672 = arith.constant 0 : i32
        %dma_start3A_673 = tpu.memref_slice %arg18[%dma_start3A_672] : memref<512xf32, #tpu.memory_space<vmem>> -> memref<128xf32, #tpu.memory_space<vmem>>
        %dma_start3A_674 = arith.constant 0 : i32
        %dma_start3A_675 = tpu.memref_slice %arg9[%add3A_653, %dma_start3A_674] : memref<200x128xi32, #tpu.memory_space<vmem>> -> memref<1x128xi32, #tpu.memory_space<vmem>>
        %dma_start3A_676 = tpu.memref_squeeze %dma_start3A_675 : memref<1x128xi32, #tpu.memory_space<vmem>> -> memref<128xi32, #tpu.memory_space<vmem>>
        %dma_start3A_677 = arith.constant 0 : i32
        %dma_start3A_678 = tpu.memref_slice %arg6[%dma_start3A_677] : memref<1000001xf32, #tpu.memory_space<hbm>> -> memref<1000001xf32, #tpu.memory_space<hbm>>
        tpu.enqueue_indirect_dma source(%dma_start3A_678 : memref<1000001xf32, #tpu.memory_space<hbm>>) target(%dma_start3A_673 : memref<128xf32, #tpu.memory_space<vmem>>) offsets(%dma_start3A_676 : memref<128xi32, #tpu.memory_space<vmem>>) semaphore(%arg22 : memref<!tpu.dma_semaphore, #tpu.memory_space<semaphore_mem>>)
        %dma_start3A_679 = arith.constant 0 : i32
        %dma_start3A_680 = tpu.memref_slice %arg19[%dma_start3A_679] : memref<512xf32, #tpu.memory_space<vmem>> -> memref<128xf32, #tpu.memory_space<vmem>>
        %dma_start3A_681 = arith.constant 0 : i32
        %dma_start3A_682 = tpu.memref_slice %arg10[%add3A_653, %dma_start3A_681] : memref<200x128xi32, #tpu.memory_space<vmem>> -> memref<1x128xi32, #tpu.memory_space<vmem>>
        %dma_start3A_683 = tpu.memref_squeeze %dma_start3A_682 : memref<1x128xi32, #tpu.memory_space<vmem>> -> memref<128xi32, #tpu.memory_space<vmem>>
        %dma_start3A_684 = arith.constant 0 : i32
        %dma_start3A_685 = tpu.memref_slice %arg7[%dma_start3A_684] : memref<100001xf32, #tpu.memory_space<hbm>> -> memref<100001xf32, #tpu.memory_space<hbm>>
        tpu.enqueue_indirect_dma source(%dma_start3A_685 : memref<100001xf32, #tpu.memory_space<hbm>>) target(%dma_start3A_680 : memref<128xf32, #tpu.memory_space<vmem>>) offsets(%dma_start3A_683 : memref<128xi32, #tpu.memory_space<vmem>>) semaphore(%arg22 : memref<!tpu.dma_semaphore, #tpu.memory_space<semaphore_mem>>)
        %mul3A_686 = arith.constant 4 : i32
        %mul3A_687 = arith.muli %add3A_649, %mul3A_686 : i32
        %add3A_688 = arith.constant 1 : i32
        %add3A_689 = arith.addi %mul3A_687, %add3A_688 : i32
        %dma_start3A_690 = arith.constant 128 : i32
        %dma_start3A_691 = arith.constant 0 : i32
        %dma_start3A_692 = tpu.memref_slice %arg16[%dma_start3A_690, %dma_start3A_691] : memref<512x32xf32, #tpu.memory_space<vmem>> -> memref<128x32xf32, #tpu.memory_space<vmem>>
        %dma_start3A_693 = arith.constant 0 : i32
        %dma_start3A_694 = tpu.memref_slice %arg9[%add3A_689, %dma_start3A_693] : memref<200x128xi32, #tpu.memory_space<vmem>> -> memref<1x128xi32, #tpu.memory_space<vmem>>
        %dma_start3A_695 = tpu.memref_squeeze %dma_start3A_694 : memref<1x128xi32, #tpu.memory_space<vmem>> -> memref<128xi32, #tpu.memory_space<vmem>>
        %dma_start3A_696 = arith.constant 0 : i32
        %dma_start3A_697 = arith.constant 0 : i32
        %dma_start3A_698 = tpu.memref_slice %arg4[%dma_start3A_696, %dma_start3A_697] : memref<1000001x32xf32, #tpu.memory_space<hbm>> -> memref<1000001x32xf32, #tpu.memory_space<hbm>>
        tpu.enqueue_indirect_dma source(%dma_start3A_698 : memref<1000001x32xf32, #tpu.memory_space<hbm>>) target(%dma_start3A_692 : memref<128x32xf32, #tpu.memory_space<vmem>>) offsets(%dma_start3A_695 : memref<128xi32, #tpu.memory_space<vmem>>) semaphore(%arg22 : memref<!tpu.dma_semaphore, #tpu.memory_space<semaphore_mem>>)
        %dma_start3A_699 = arith.constant 128 : i32
        %dma_start3A_700 = arith.constant 0 : i32
        %dma_start3A_701 = tpu.memref_slice %arg17[%dma_start3A_699, %dma_start3A_700] : memref<512x32xf32, #tpu.memory_space<vmem>> -> memref<128x32xf32, #tpu.memory_space<vmem>>
        %dma_start3A_702 = arith.constant 0 : i32
        %dma_start3A_703 = tpu.memref_slice %arg10[%add3A_689, %dma_start3A_702] : memref<200x128xi32, #tpu.memory_space<vmem>> -> memref<1x128xi32, #tpu.memory_space<vmem>>
        %dma_start3A_704 = tpu.memref_squeeze %dma_start3A_703 : memref<1x128xi32, #tpu.memory_space<vmem>> -> memref<128xi32, #tpu.memory_space<vmem>>
        %dma_start3A_705 = arith.constant 0 : i32
        %dma_start3A_706 = arith.constant 0 : i32
        %dma_start3A_707 = tpu.memref_slice %arg5[%dma_start3A_705, %dma_start3A_706] : memref<100001x32xf32, #tpu.memory_space<hbm>> -> memref<100001x32xf32, #tpu.memory_space<hbm>>
        tpu.enqueue_indirect_dma source(%dma_start3A_707 : memref<100001x32xf32, #tpu.memory_space<hbm>>) target(%dma_start3A_701 : memref<128x32xf32, #tpu.memory_space<vmem>>) offsets(%dma_start3A_704 : memref<128xi32, #tpu.memory_space<vmem>>) semaphore(%arg22 : memref<!tpu.dma_semaphore, #tpu.memory_space<semaphore_mem>>)
        %dma_start3A_708 = arith.constant 128 : i32
        %dma_start3A_709 = tpu.memref_slice %arg18[%dma_start3A_708] : memref<512xf32, #tpu.memory_space<vmem>> -> memref<128xf32, #tpu.memory_space<vmem>>
        %dma_start3A_710 = arith.constant 0 : i32
        %dma_start3A_711 = tpu.memref_slice %arg9[%add3A_689, %dma_start3A_710] : memref<200x128xi32, #tpu.memory_space<vmem>> -> memref<1x128xi32, #tpu.memory_space<vmem>>
        %dma_start3A_712 = tpu.memref_squeeze %dma_start3A_711 : memref<1x128xi32, #tpu.memory_space<vmem>> -> memref<128xi32, #tpu.memory_space<vmem>>
        %dma_start3A_713 = arith.constant 0 : i32
        %dma_start3A_714 = tpu.memref_slice %arg6[%dma_start3A_713] : memref<1000001xf32, #tpu.memory_space<hbm>> -> memref<1000001xf32, #tpu.memory_space<hbm>>
        tpu.enqueue_indirect_dma source(%dma_start3A_714 : memref<1000001xf32, #tpu.memory_space<hbm>>) target(%dma_start3A_709 : memref<128xf32, #tpu.memory_space<vmem>>) offsets(%dma_start3A_712 : memref<128xi32, #tpu.memory_space<vmem>>) semaphore(%arg22 : memref<!tpu.dma_semaphore, #tpu.memory_space<semaphore_mem>>)
        %dma_start3A_715 = arith.constant 128 : i32
        %dma_start3A_716 = tpu.memref_slice %arg19[%dma_start3A_715] : memref<512xf32, #tpu.memory_space<vmem>> -> memref<128xf32, #tpu.memory_space<vmem>>
        %dma_start3A_717 = arith.constant 0 : i32
        %dma_start3A_718 = tpu.memref_slice %arg10[%add3A_689, %dma_start3A_717] : memref<200x128xi32, #tpu.memory_space<vmem>> -> memref<1x128xi32, #tpu.memory_space<vmem>>
        %dma_start3A_719 = tpu.memref_squeeze %dma_start3A_718 : memref<1x128xi32, #tpu.memory_space<vmem>> -> memref<128xi32, #tpu.memory_space<vmem>>
        %dma_start3A_720 = arith.constant 0 : i32
        %dma_start3A_721 = tpu.memref_slice %arg7[%dma_start3A_720] : memref<100001xf32, #tpu.memory_space<hbm>> -> memref<100001xf32, #tpu.memory_space<hbm>>
        tpu.enqueue_indirect_dma source(%dma_start3A_721 : memref<100001xf32, #tpu.memory_space<hbm>>) target(%dma_start3A_716 : memref<128xf32, #tpu.memory_space<vmem>>) offsets(%dma_start3A_719 : memref<128xi32, #tpu.memory_space<vmem>>) semaphore(%arg22 : memref<!tpu.dma_semaphore, #tpu.memory_space<semaphore_mem>>)
        %mul3A_722 = arith.constant 4 : i32
        %mul3A_723 = arith.muli %add3A_649, %mul3A_722 : i32
        %add3A_724 = arith.constant 2 : i32
        %add3A_725 = arith.addi %mul3A_723, %add3A_724 : i32
        %dma_start3A_726 = arith.constant 256 : i32
        %dma_start3A_727 = arith.constant 0 : i32
        %dma_start3A_728 = tpu.memref_slice %arg16[%dma_start3A_726, %dma_start3A_727] : memref<512x32xf32, #tpu.memory_space<vmem>> -> memref<128x32xf32, #tpu.memory_space<vmem>>
        %dma_start3A_729 = arith.constant 0 : i32
        %dma_start3A_730 = tpu.memref_slice %arg9[%add3A_725, %dma_start3A_729] : memref<200x128xi32, #tpu.memory_space<vmem>> -> memref<1x128xi32, #tpu.memory_space<vmem>>
        %dma_start3A_731 = tpu.memref_squeeze %dma_start3A_730 : memref<1x128xi32, #tpu.memory_space<vmem>> -> memref<128xi32, #tpu.memory_space<vmem>>
        %dma_start3A_732 = arith.constant 0 : i32
        %dma_start3A_733 = arith.constant 0 : i32
        %dma_start3A_734 = tpu.memref_slice %arg4[%dma_start3A_732, %dma_start3A_733] : memref<1000001x32xf32, #tpu.memory_space<hbm>> -> memref<1000001x32xf32, #tpu.memory_space<hbm>>
        tpu.enqueue_indirect_dma source(%dma_start3A_734 : memref<1000001x32xf32, #tpu.memory_space<hbm>>) target(%dma_start3A_728 : memref<128x32xf32, #tpu.memory_space<vmem>>) offsets(%dma_start3A_731 : memref<128xi32, #tpu.memory_space<vmem>>) semaphore(%arg22 : memref<!tpu.dma_semaphore, #tpu.memory_space<semaphore_mem>>)
        %dma_start3A_735 = arith.constant 256 : i32
        %dma_start3A_736 = arith.constant 0 : i32
        %dma_start3A_737 = tpu.memref_slice %arg17[%dma_start3A_735, %dma_start3A_736] : memref<512x32xf32, #tpu.memory_space<vmem>> -> memref<128x32xf32, #tpu.memory_space<vmem>>
        %dma_start3A_738 = arith.constant 0 : i32
        %dma_start3A_739 = tpu.memref_slice %arg10[%add3A_725, %dma_start3A_738] : memref<200x128xi32, #tpu.memory_space<vmem>> -> memref<1x128xi32, #tpu.memory_space<vmem>>
        %dma_start3A_740 = tpu.memref_squeeze %dma_start3A_739 : memref<1x128xi32, #tpu.memory_space<vmem>> -> memref<128xi32, #tpu.memory_space<vmem>>
        %dma_start3A_741 = arith.constant 0 : i32
        %dma_start3A_742 = arith.constant 0 : i32
        %dma_start3A_743 = tpu.memref_slice %arg5[%dma_start3A_741, %dma_start3A_742] : memref<100001x32xf32, #tpu.memory_space<hbm>> -> memref<100001x32xf32, #tpu.memory_space<hbm>>
        tpu.enqueue_indirect_dma source(%dma_start3A_743 : memref<100001x32xf32, #tpu.memory_space<hbm>>) target(%dma_start3A_737 : memref<128x32xf32, #tpu.memory_space<vmem>>) offsets(%dma_start3A_740 : memref<128xi32, #tpu.memory_space<vmem>>) semaphore(%arg22 : memref<!tpu.dma_semaphore, #tpu.memory_space<semaphore_mem>>)
        %dma_start3A_744 = arith.constant 256 : i32
        %dma_start3A_745 = tpu.memref_slice %arg18[%dma_start3A_744] : memref<512xf32, #tpu.memory_space<vmem>> -> memref<128xf32, #tpu.memory_space<vmem>>
        %dma_start3A_746 = arith.constant 0 : i32
        %dma_start3A_747 = tpu.memref_slice %arg9[%add3A_725, %dma_start3A_746] : memref<200x128xi32, #tpu.memory_space<vmem>> -> memref<1x128xi32, #tpu.memory_space<vmem>>
        %dma_start3A_748 = tpu.memref_squeeze %dma_start3A_747 : memref<1x128xi32, #tpu.memory_space<vmem>> -> memref<128xi32, #tpu.memory_space<vmem>>
        %dma_start3A_749 = arith.constant 0 : i32
        %dma_start3A_750 = tpu.memref_slice %arg6[%dma_start3A_749] : memref<1000001xf32, #tpu.memory_space<hbm>> -> memref<1000001xf32, #tpu.memory_space<hbm>>
        tpu.enqueue_indirect_dma source(%dma_start3A_750 : memref<1000001xf32, #tpu.memory_space<hbm>>) target(%dma_start3A_745 : memref<128xf32, #tpu.memory_space<vmem>>) offsets(%dma_start3A_748 : memref<128xi32, #tpu.memory_space<vmem>>) semaphore(%arg22 : memref<!tpu.dma_semaphore, #tpu.memory_space<semaphore_mem>>)
        %dma_start3A_751 = arith.constant 256 : i32
        %dma_start3A_752 = tpu.memref_slice %arg19[%dma_start3A_751] : memref<512xf32, #tpu.memory_space<vmem>> -> memref<128xf32, #tpu.memory_space<vmem>>
        %dma_start3A_753 = arith.constant 0 : i32
        %dma_start3A_754 = tpu.memref_slice %arg10[%add3A_725, %dma_start3A_753] : memref<200x128xi32, #tpu.memory_space<vmem>> -> memref<1x128xi32, #tpu.memory_space<vmem>>
        %dma_start3A_755 = tpu.memref_squeeze %dma_start3A_754 : memref<1x128xi32, #tpu.memory_space<vmem>> -> memref<128xi32, #tpu.memory_space<vmem>>
        %dma_start3A_756 = arith.constant 0 : i32
        %dma_start3A_757 = tpu.memref_slice %arg7[%dma_start3A_756] : memref<100001xf32, #tpu.memory_space<hbm>> -> memref<100001xf32, #tpu.memory_space<hbm>>
        tpu.enqueue_indirect_dma source(%dma_start3A_757 : memref<100001xf32, #tpu.memory_space<hbm>>) target(%dma_start3A_752 : memref<128xf32, #tpu.memory_space<vmem>>) offsets(%dma_start3A_755 : memref<128xi32, #tpu.memory_space<vmem>>) semaphore(%arg22 : memref<!tpu.dma_semaphore, #tpu.memory_space<semaphore_mem>>)
        %mul3A_758 = arith.constant 4 : i32
        %mul3A_759 = arith.muli %add3A_649, %mul3A_758 : i32
        %add3A_760 = arith.constant 3 : i32
        %add3A_761 = arith.addi %mul3A_759, %add3A_760 : i32
        %dma_start3A_762 = arith.constant 384 : i32
        %dma_start3A_763 = arith.constant 0 : i32
        %dma_start3A_764 = tpu.memref_slice %arg16[%dma_start3A_762, %dma_start3A_763] : memref<512x32xf32, #tpu.memory_space<vmem>> -> memref<128x32xf32, #tpu.memory_space<vmem>>
        %dma_start3A_765 = arith.constant 0 : i32
        %dma_start3A_766 = tpu.memref_slice %arg9[%add3A_761, %dma_start3A_765] : memref<200x128xi32, #tpu.memory_space<vmem>> -> memref<1x128xi32, #tpu.memory_space<vmem>>
        %dma_start3A_767 = tpu.memref_squeeze %dma_start3A_766 : memref<1x128xi32, #tpu.memory_space<vmem>> -> memref<128xi32, #tpu.memory_space<vmem>>
        %dma_start3A_768 = arith.constant 0 : i32
        %dma_start3A_769 = arith.constant 0 : i32
        %dma_start3A_770 = tpu.memref_slice %arg4[%dma_start3A_768, %dma_start3A_769] : memref<1000001x32xf32, #tpu.memory_space<hbm>> -> memref<1000001x32xf32, #tpu.memory_space<hbm>>
        tpu.enqueue_indirect_dma source(%dma_start3A_770 : memref<1000001x32xf32, #tpu.memory_space<hbm>>) target(%dma_start3A_764 : memref<128x32xf32, #tpu.memory_space<vmem>>) offsets(%dma_start3A_767 : memref<128xi32, #tpu.memory_space<vmem>>) semaphore(%arg22 : memref<!tpu.dma_semaphore, #tpu.memory_space<semaphore_mem>>)
        %dma_start3A_771 = arith.constant 384 : i32
        %dma_start3A_772 = arith.constant 0 : i32
        %dma_start3A_773 = tpu.memref_slice %arg17[%dma_start3A_771, %dma_start3A_772] : memref<512x32xf32, #tpu.memory_space<vmem>> -> memref<128x32xf32, #tpu.memory_space<vmem>>
        %dma_start3A_774 = arith.constant 0 : i32
        %dma_start3A_775 = tpu.memref_slice %arg10[%add3A_761, %dma_start3A_774] : memref<200x128xi32, #tpu.memory_space<vmem>> -> memref<1x128xi32, #tpu.memory_space<vmem>>
        %dma_start3A_776 = tpu.memref_squeeze %dma_start3A_775 : memref<1x128xi32, #tpu.memory_space<vmem>> -> memref<128xi32, #tpu.memory_space<vmem>>
        %dma_start3A_777 = arith.constant 0 : i32
        %dma_start3A_778 = arith.constant 0 : i32
        %dma_start3A_779 = tpu.memref_slice %arg5[%dma_start3A_777, %dma_start3A_778] : memref<100001x32xf32, #tpu.memory_space<hbm>> -> memref<100001x32xf32, #tpu.memory_space<hbm>>
        tpu.enqueue_indirect_dma source(%dma_start3A_779 : memref<100001x32xf32, #tpu.memory_space<hbm>>) target(%dma_start3A_773 : memref<128x32xf32, #tpu.memory_space<vmem>>) offsets(%dma_start3A_776 : memref<128xi32, #tpu.memory_space<vmem>>) semaphore(%arg22 : memref<!tpu.dma_semaphore, #tpu.memory_space<semaphore_mem>>)
        %dma_start3A_780 = arith.constant 384 : i32
        %dma_start3A_781 = tpu.memref_slice %arg18[%dma_start3A_780] : memref<512xf32, #tpu.memory_space<vmem>> -> memref<128xf32, #tpu.memory_space<vmem>>
        %dma_start3A_782 = arith.constant 0 : i32
        %dma_start3A_783 = tpu.memref_slice %arg9[%add3A_761, %dma_start3A_782] : memref<200x128xi32, #tpu.memory_space<vmem>> -> memref<1x128xi32, #tpu.memory_space<vmem>>
        %dma_start3A_784 = tpu.memref_squeeze %dma_start3A_783 : memref<1x128xi32, #tpu.memory_space<vmem>> -> memref<128xi32, #tpu.memory_space<vmem>>
        %dma_start3A_785 = arith.constant 0 : i32
        %dma_start3A_786 = tpu.memref_slice %arg6[%dma_start3A_785] : memref<1000001xf32, #tpu.memory_space<hbm>> -> memref<1000001xf32, #tpu.memory_space<hbm>>
        tpu.enqueue_indirect_dma source(%dma_start3A_786 : memref<1000001xf32, #tpu.memory_space<hbm>>) target(%dma_start3A_781 : memref<128xf32, #tpu.memory_space<vmem>>) offsets(%dma_start3A_784 : memref<128xi32, #tpu.memory_space<vmem>>) semaphore(%arg22 : memref<!tpu.dma_semaphore, #tpu.memory_space<semaphore_mem>>)
        %dma_start3A_787 = arith.constant 384 : i32
        %dma_start3A_788 = tpu.memref_slice %arg19[%dma_start3A_787] : memref<512xf32, #tpu.memory_space<vmem>> -> memref<128xf32, #tpu.memory_space<vmem>>
        %dma_start3A_789 = arith.constant 0 : i32
        %dma_start3A_790 = tpu.memref_slice %arg10[%add3A_761, %dma_start3A_789] : memref<200x128xi32, #tpu.memory_space<vmem>> -> memref<1x128xi32, #tpu.memory_space<vmem>>
        %dma_start3A_791 = tpu.memref_squeeze %dma_start3A_790 : memref<1x128xi32, #tpu.memory_space<vmem>> -> memref<128xi32, #tpu.memory_space<vmem>>
        %dma_start3A_792 = arith.constant 0 : i32
        %dma_start3A_793 = tpu.memref_slice %arg7[%dma_start3A_792] : memref<100001xf32, #tpu.memory_space<hbm>> -> memref<100001xf32, #tpu.memory_space<hbm>>
        tpu.enqueue_indirect_dma source(%dma_start3A_793 : memref<100001xf32, #tpu.memory_space<hbm>>) target(%dma_start3A_788 : memref<128xf32, #tpu.memory_space<vmem>>) offsets(%dma_start3A_791 : memref<128xi32, #tpu.memory_space<vmem>>) semaphore(%arg22 : memref<!tpu.dma_semaphore, #tpu.memory_space<semaphore_mem>>)
      } else {
      }
    }
    %scan3A_295 = arith.constant 25 : i32
    %dma_wait3A = arith.constant 0 : i32
    %dma_wait3A_296 = arith.constant 0 : i32
    %dma_wait3A_297 = tpu.memref_slice %arg8[%dma_wait3A, %dma_wait3A_296] : memref<200x4096xf32, #tpu.memory_space<hbm>> -> memref<4x128xf32, #tpu.memory_space<hbm>>
    %dma_wait3A_298 = arith.constant 0 : i32
    %dma_wait3A_299 = arith.constant 0 : i32
    %dma_wait3A_300 = tpu.memref_slice %arg8[%dma_wait3A_298, %dma_wait3A_299] : memref<200x4096xf32, #tpu.memory_space<hbm>> -> memref<4x128xf32, #tpu.memory_space<hbm>>
    tpu.wait_dma2 semaphore(%arg23 : memref<!tpu.dma_semaphore, #tpu.memory_space<semaphore_mem>>) src(%arg15 : memref<4x128xf32, #tpu.memory_space<vmem>>) dst(%dma_wait3A_300 : memref<4x128xf32, #tpu.memory_space<hbm>>)
    %dma_wait3A_301 = arith.constant 0 : i32
    %dma_wait3A_302 = arith.constant 0 : i32
    %dma_wait3A_303 = tpu.memref_slice %arg8[%dma_wait3A_301, %dma_wait3A_302] : memref<200x4096xf32, #tpu.memory_space<hbm>> -> memref<4x128xf32, #tpu.memory_space<hbm>>
    %dma_wait3A_304 = arith.constant 0 : i32
    %dma_wait3A_305 = arith.constant 0 : i32
    %dma_wait3A_306 = tpu.memref_slice %arg8[%dma_wait3A_304, %dma_wait3A_305] : memref<200x4096xf32, #tpu.memory_space<hbm>> -> memref<4x128xf32, #tpu.memory_space<hbm>>
    tpu.wait_dma2 semaphore(%arg24 : memref<!tpu.dma_semaphore, #tpu.memory_space<semaphore_mem>>) src(%arg20 : memref<4x128xf32, #tpu.memory_space<vmem>>) dst(%dma_wait3A_306 : memref<4x128xf32, #tpu.memory_space<hbm>>)
    return
  }
}

</mosaic_0001>

<sc_bundles>
// kernel: kernel.3.cloned.1.call-start
scs
__scs_entry_jumppad:
0x0: {  	(pc) =	sbr.rel $0x88, $3  }
0x1: {  	(tag) =	ssettag $0x0;
	lr =	simm.s32 $0x1  }
0x2: {  	[smem:$0x3F9B] =	sst lr;
	_ =	strace $0xD0000000  }
0x3: {  	_ = 	snop  }
0x4: {  	_ = 	snop  }
0x5: {  	_ = 	snop  }
0x6: {  	_ = 	snop  }
0x7: {  	_ = 	snop  }
__scs_overlays_trampoline_lowered:
0x8: {  	[smem:$0x3FAA] =	sst s0  }
0x9: {  	[smem:$0x3FAB] =	sst s1  }
0xa: {  	[smem:$0x3FAC] =	sst s2  }
0xb: {  	[smem:$0x3FAD] =	sst s3  }
0xc: {  	[smem:$0x3FAE] =	sst s4  }
0xd: {  	[smem:$0x3FAF] =	sst s5  }
0xe: {  	[smem:$0x3FB0] =	sst s6  }
0xf: {  	[smem:$0x3FB1] =	sst s7  }
0x10: {  	[smem:$0x3FB2] =	sst s8  }
0x11: {  	[smem:$0x3FB3] =	sst s9;
	s0 =	simm.s32 @!p0 $0x0  }
0x12: {  	s1 =	sld [smem:$0x3F99];
	s0 =	simm.s32 @p0 $0x1  }
0x13: {  	[smem:$0x3FB4] =	sst s0;
	s0 =	simm.s32 @!p1 $0x0  }
0x14: {  	s2 =	sld [smem:$0x3F98];
	s0 =	simm.s32 @p1 $0x1  }
0x15: {  	[smem:$0x3FB5] =	sst s0;
	s0 =	simm.s32 @!p2 $0x0  }
0x16: {  	s3 =	sld [smem:$0x3FDB];
	s0 =	simm.s32 @p2 $0x1  }
0x17: {  	s4 =	simm.s32 $0x1BF5;
	[smem:$0x3FB7] =	sst s0  }
0x18: {  	s0 =	sld [smem:$0x3F9A];
	_ =	swait.ge [sflag:s4], $0x0  }
0x19: {  	s7 =	sld [smem:$0x3F9B]  }
0x1a: {  	s8 =	sadd.s32 $0xFFFFE003, lr  }
0x1b: {  	s9 =	sadd.s32 $0xFFFFFEF7, lr;
	s5 =	simm.s32 $0xFFFFFFFF;
	p2 =	slt.u32 s8, $0xFFFFF086  }
0x1c: {  	p1 =	slt.u32 s9, $0xF7A;
	s5 =	simm.s32 @!p2 $0x0  }
0x1d: {  	s5 =	simm.s32 @p1 $0x1;
	p0 =	seq.s32 s7, s2  }
0x1e: {  	s7 =	smul.u32 @!p0 $0xF7A, s2;
	p2 =	seq.s32 @!p0 s5, $0x0  }
0x1f: {  	s9 =	smul.u32 $0xF7A, s1;
	s8 =	simm.s32 @!p0 $0x1BF5;
	p2 =	por !p2, p0  }
0x20: {  	[sflag:s8] =	ssyncset.s32 @!p0 $0xFFFFF086;
	s6 =	sadd.s32 @!p0 s3, s7;
	s7 =	simm.s32 @!p0 $0x108  }
0x21: {  	s3 =	sadd.s32 s3, s9;
	s6 =	sadd.s32 @!p0 $0x88, s6;
	s7 =	simm.s32 @p2 $0x1082  }
0x22: {  	[simem:s7], [sflag:s8] =	dma.local @!p0 [hbm:s6], $0xF7A  }
0x23: {  	s9 =	sor.u32 $0xD0000000, s2;
	s6 =	simm.s32 $0x108;
	_ =	swait.ge @!p0 [sflag:s8], $0x0  }
0x24: {  	s3 =	sadd.s32 $0x88, s3;
	s6 =	simm.s32 @!p1 $0x1082;
	[sflag:s4] =	ssyncset.s32 $0xFFFFF086  }
0x25: {  	[simem:s6], [sflag:s4] =	dma.local [hbm:s3], $0xF7A  }
0x26: {  	[smem:$0x3F9B] =	sst s1;
	(tag) =	ssettag s2;
	_ =	strace s9  }
0x27: {  	s1 =	sld [smem:$0x3FAB]  }
0x28: {  	s2 =	sld [smem:$0x3FAC]  }
0x29: {  	s4 =	sld [smem:$0x3FAE]  }
0x2a: {  	p0 =	seq.s32 s5, $0x0;
	s5 =	sld [smem:$0x3FAF]  }
0x2b: {  	s6 =	sld [smem:$0x3FB0]  }
0x2c: {  	s7 =	sld [smem:$0x3FB1]  }
0x2d: {  	s3 =	simm.s32 $0x108;
	s8 =	sld [smem:$0x3FB2]  }
0x2e: {  	s3 =	simm.s32 @!p0 $0x1082;
	s9 =	sld [smem:$0x3FB3]  }
0x2f: {  	lr =	sadd.s32 s0, s3;
	s0 =	sld [smem:$0x3FAA]  }
0x30: {  	s3 =	sld [smem:$0x3FAD]  }
0x31: {  	[smem:$0x3FB6] =	sst s10  }
0x32: {  	s10 =	sld [smem:$0x3FB4];
	_ =	sdelay $0x3  }
0x33: {  	p0 =	seq.s32 s10, $0x1;
	s10 =	sld [smem:$0x3FB6];
	_ =	sdelay $0x3  }
0x34: {  	[smem:$0x3FB6] =	sst s10  }
0x35: {  	s10 =	sld [smem:$0x3FB5];
	_ =	sdelay $0x3  }
0x36: {  	p1 =	seq.s32 s10, $0x1;
	s10 =	sld [smem:$0x3FB6];
	_ =	sdelay $0x3  }
0x37: {  	[smem:$0x3FB6] =	sst s10  }
0x38: {  	s10 =	sld [smem:$0x3FB7]  }
0x39: {  	_ = 	snop;
	(pc) =	sbr.ind lr, $3  }
0x3a: {  	_ = 	snop  }
0x3b: {  	_ = 	snop  }
0x3c: {  	p2 =	seq.s32 s10, $0x1;
	s10 =	sld [smem:$0x3FB6]  }
0x3d: {  	_ =	shalt  }
0x3e: {  	_ =	shalt  }
0x3f: {  	_ =	shalt  }
0x40: {  	_ =	shalt  }
0x41: {  	_ =	shalt  }
0x42: {  	_ =	shalt  }
0x43: {  	_ =	shalt  }
0x44: {  	_ =	shalt  }
0x45: {  	_ =	shalt  }
0x46: {  	_ =	shalt  }
0x47: {  	_ =	shalt  }
0x48: {  	_ =	shalt  }
0x49: {  	_ =	shalt  }
0x4a: {  	_ =	shalt  }
0x4b: {  	_ =	shalt  }
0x4c: {  	_ =	shalt  }
0x4d: {  	_ =	shalt  }
0x4e: {  	_ =	shalt  }
0x4f: {  	_ =	shalt  }
0x50: {  	_ =	shalt  }
0x51: {  	_ =	shalt  }
0x52: {  	_ =	shalt  }
0x53: {  	_ =	shalt  }
0x54: {  	_ =	shalt  }
0x55: {  	_ =	shalt  }
0x56: {  	_ =	shalt  }
0x57: {  	_ =	shalt  }
0x58: {  	_ =	shalt  }
0x59: {  	_ =	shalt  }
0x5a: {  	_ =	shalt  }
0x5b: {  	_ =	shalt  }
0x5c: {  	_ =	shalt  }
0x5d: {  	_ =	shalt  }
0x5e: {  	_ =	shalt  }
0x5f: {  	_ =	shalt  }
0x60: {  	_ =	shalt  }
0x61: {  	_ =	shalt  }
0x62: {  	_ =	shalt  }
0x63: {  	_ =	shalt  }
0x64: {  	_ =	shalt  }
0x65: {  	_ =	shalt  }
0x66: {  	_ =	shalt  }
0x67: {  	_ =	shalt  }
0x68: {  	_ =	shalt  }
0x69: {  	_ =	shalt  }
0x6a: {  	_ =	shalt  }
0x6b: {  	_ =	shalt  }
0x6c: {  	_ =	shalt  }
0x6d: {  	_ =	shalt  }
0x6e: {  	_ =	shalt  }
0x6f: {  	_ =	shalt  }
0x70: {  	_ =	shalt  }
0x71: {  	_ =	shalt  }
0x72: {  	_ =	shalt  }
0x73: {  	_ =	shalt  }
0x74: {  	_ =	shalt  }
0x75: {  	_ =	shalt  }
0x76: {  	_ =	shalt  }
0x77: {  	_ =	shalt  }
0x78: {  	_ =	shalt  }
0x79: {  	_ =	shalt  }
0x7a: {  	_ =	shalt  }
0x7b: {  	_ =	shalt  }
0x7c: {  	_ =	shalt  }
0x7d: {  	_ =	shalt  }
0x7e: {  	_ =	shalt  }
0x7f: {  	_ =	shalt  }
0x80: {  	_ =	shalt  }
0x81: {  	_ =	shalt  }
0x82: {  	_ =	shalt  }
0x83: {  	_ =	shalt  }
0x84: {  	_ =	shalt  }
0x85: {  	_ =	shalt  }
0x86: {  	_ =	shalt  }
0x87: {  	_ =	shalt  }
.Lfunc_end0:
.L_simem_size_0:
called_computation_lowered:
.L_overlay_start_0:
0x88: {  	s2 =	sld [smem:$0x3FD9]  }
0x89: {  	s3 =	sld [smem:$0x3FFE];
	_ =	sdelay $0x1  }
0x8a: {  	s1 =	srdreg.scid  }
0x8b: {  	s0 =	sand.u32 $0x1, s1  }
0x8c: {  	s17 =	sshll.u32 s0, $0xA;
	s2 =	sadd.s32 s3, s2  }
0x8d: {  	s2 =	sadd.s32 s2, s17  }
0x8e: {  	[smem:$0x3FC2] =	sst s2  }
0x8f: {  	_ = 	snop  }
0x90: {  	s2 =	sld [smem:$0x3FD0];
	(tm) =	ssettm $0x1  }
0x91: {  	s18 =	sld [smem:$0x3FFB];
	_ =	sdelay $0x3  }
0x92: {  	_ =	strace s18  }
0x93: {  	s3 =	sld [smem:$0x3FFC];
	_ =	sdelay $0x3  }
0x94: {  	_ =	strace s3  }
0x95: {  	s3 =	sld [smem:$0x3FFD];
	_ =	sdelay $0x3  }
0x96: {  	_ =	strace s3  }
0x97: {  	_ =	strace $0x8FFFFFFF  }
0x98: {  	s19 =	sld [smem:$0x3FDB];
	_ =	sdelay $0x1  }
0x99: {  	s4 =	simm.s32 $_scs_section_size  }
0x9a: {  	s5 =	simm.s32 $_size__tile_overlayer_lowered;
	s6 =	simm.s32 $_tile_overlayer_lowered  }
0x9b: {  	s22 =	simm.s32 $0x1BFF;
	s21 =	sshll.u32 s6, $0x1;
	s3 =	sadd.s32 s4, s19  }
0x9c: {  	s7 =	simm.s32 $0x0;
	s20 =	sshll.u32 s5, $0x1;
	s5 =	sadd.s32 s21, s3  }
0x9d: {  	[timem:s7], [sflag:s22] =	dma.local [hbm:s5], s20  }
0x9e: {  	_ =	swait.ge [sflag:s22], s20  }
0x9f: {  	s4 =	ssub.s32 $0x0, s20;
	[sflag:s22] =	ssyncset.done $0x0  }
0xa0: {  	[sflag:s22] =	ssyncadd.s32 s4;
	_ =	sdelay $0x1  }
0xa1: {  	s23 =	simm.s32 $0x1B8B  }
0xa2: {  	_ =	swait.ge [sflag:s23], $0x1  }
0xa3: {  	[sflag:s23] =	ssyncset.done $0x0  }
0xa4: {  	s25 =	simm.s32 $0x1B8E;
	s24 =	sld [smem:$0x3FFE];
	[sflag:s23] =	ssyncadd.s32 $0xFFFFFFFF  }
0xa5: {  	s26 =	simm.s32 $execute0_lowered;
	[smem:$0x3FD2] =	sst s25  }
0xa6: {  	s5 =	sshll.u32 s26, $0x1;
	_ =	strace $0x80000046;
	[dreg:$0x1] =	wrdreg $0xFFFFFFFF  }
0xa7: {  	s28 =	simm.s32 $_size_execute0_lowered;
	s3 =	sadd.s32 s3, s5;
	[dreg:$0x0] =	wrdreg $0x0  }
0xa8: {  	s5 =	sshll.u32 s28, $0x1;
	[dreg:$0x2] =	wrdreg s3  }
0xa9: {  	[dreg:$0x3] =	wrdreg s5  }
0xaa: {  	[dreg:$0x4] =	wrdreg $0xC0  }
0xab: {  	_ =	task [dreg:s7], $0x5FFFF  }
0xac: {  	[dreg:$0x1] =	wrdreg $0xFFFFFFFF  }
0xad: {  	[dreg:$0x0] =	wrdreg $0x60  }
0xae: {  	[dreg:$0x2] =	wrdreg s2  }
0xaf: {  	[dreg:$0x3] =	wrdreg s24  }
0xb0: {  	[dreg:$0x4] =	wrdreg $0x9  }
0xb1: {  	_ =	task.clear_ibuf [dreg:s7], $0x5FFFF;
	_ =	strace $0x90000046  }
0xb2: {  	s29 =	simm.s32 $0x9;
	_ =	strace $0x80000048  }
0xb3: {  	_ =	swait.ge [sflag:s29], $0x1  }
0xb4: {  	[sflag:s29] =	ssyncadd.s32 $0xFFFFFFFF  }
0xb5: {  	_ =	strace $0x90000048  }
0xb6: {  	_ =	sfence  }
0xb7: {  	s30 =	sld [smem:$0x0];
	_ =	sdelay $0x2  }
0xb8: {  	s31 =	sshll.u32 s1, $0xD;
	s1 =	sshrl.u32 s1, $0x2  }
0xb9: {  	s3 =	sand.u32 $0x4000, s31;
	s1 =	sadd.s32 s1, s30  }
0xba: {  	s0 =	sor.u32 s3, s0;
	s1 =	sshll.u32 s1, $0x11  }
0xbb: {  	s0 =	sor.u32 s1, s0  }
0xbc: {  	s0 =	sadd.s32 $0x8F2B, s0  }
0xbd: {  	[sflag:s0] =	ssyncadd.remote.s32 $0x1  }
0xbe: {  	_ =	sfence.sel $0xFFFF  }
0xbf: {  	[dreg:$0x0] =	wrdreg $0xFFFFFFFF;
	(pc) =	sbr.abs _section_cstart, $3  }
0xc0: {  	[dreg:$0x1] =	wrdreg $0xFFFFFFFF  }
0xc1: {  	_ =	task.clear_ibuf [dreg:s7], $0x2FFFF;
	_ =	strace $0x9FFFFFFF  }
0xc2: {  	(tm) =	ssettm $0x7FFFFFFF  }
0xc3: {  	_ =	shalt  }
tec
execute0_lowered:
.L_overlay_start_1:
0x0: {  	(tag) =	ssettag $0x1  }
0x1: {  	vm0 =	vcmask $0xB08  }
0x2: {  	vm1 =	vcmask $0x300;
	v0 =	vimm.s32 $0xEFCDAB89;
	v1 =	vimm.s32 $0x67452301  }
0x3: {  	v2 =	vimm.s32 $0xDCFE98BA;
	v3 =	vimm.s32 $0x54761032;
	vm2 =	vcmask $0x700  }
0x4: {  	v4 =	vimm.s32 $0xFEDCBA98;
	v5 =	vimm.s32 $0x76543210;
	vm0 =	vmor vm1, vm0  }
0x5: {  	vm1 =	vcmask $0x1310;
	v0 =	vunpack.c.l.s4.s8 v0;
	v1 =	vunpack.c.l.s4.s8 v1  }
0x6: {  	v2 =	vunpack.c.l.s4.s8 v2;
	v3 =	vunpack.c.l.s4.s8 v3;
	v4 =	vunpack.c.l.s4.s8 v4  }
0x7: {  	s0 =	srdreg.scid;
	s1 =	rddreg [dreg:$0x0];
	v5 =	vunpack.c.l.s4.s8 v5;
	vm0 =	vmor vm0, vm1;
	vm1 =	vcmask $0x1B18  }
0x8: {  	s3 =	stileid.u32;
	s2 =	rddreg [dreg:$0x1];
	vm0 =	vmor vm0, vm1;
	vm1 =	vcmask $0x2320;
	v0 =	vunpack.c.0.s8.s32 v0  }
0x9: {  	s5 =	simm.s32 $0x0;
	s12 =	simm.s32 $0x80;
	s13 =	simm.s32 $0x1000;
	v1 =	vunpack.c.0.s8.s32 v1;
	v2 =	vunpack.c.0.s8.s32 v2;
	v3 =	vunpack.c.0.s8.s32 v3  }
0xa: {  	s28 =	simm.s32 $0x1D100;
	s15 =	simm.s32 $0x17E00;
	s23 =	simm.s32 $0x1BE00;
	v4 =	vunpack.c.0.s8.s32 v4;
	vm0 =	vmor vm0, vm1;
	vm1 =	vcmask $0x2B28  }
0xb: {  	s30 =	simm.s32 $0x1CF80;
	s21 =	simm.s32 $0x1;
	s25 =	simm.s32 $0x14C00;
	vm0 =	vmor vm0, vm1;
	vm1 =	vcmask $0x3330;
	v0 =	vcombine.low v1, v0  }
0xc: {  	s20 =	simm.s32 $0x1D200;
	s0 =	sand.u32 $0x1, s0;
	s3 =	sshll.u32 s3, $0x8;
	v1 =	vcombine.low v3, v2;
	v2 =	vimm.s32 $0xBA98FEDC;
	v3 =	vimm.s32 $0x32107654  }
0xd: {  	[smem:$0x7FF] =	sst s5;
	s5 =	sadd.s32 $0x186E00, s2;
	s6 =	sadd.s32 $0x19200, s2;
	vm0 =	vmor vm0, vm1;
	vm1 =	vcmask $0x3B38;
	v2 =	vunpack.c.l.s4.s8 v2  }
0xe: {  	s7 =	sadd.s32 $0x37C00, s2;
	s8 =	sadd.s32 $0x3AE00, s2;
	s4 =	sshll.u32 s0, $0x7;
	v3 =	vunpack.c.l.s4.s8 v3;
	vm0 =	vmor vm0, vm1;
	vm1 =	vcmask $0x1710  }
0xf: {  	_ =	strace $0x80000047;
	s0 =	ssub.s32 $0x2, s0;
	s3 =	sor.u32 s4, s3;
	vm1 =	vmor vm2, vm1;
	vm2 =	vcmask $0x2720;
	v2 =	vunpack.c.0.s8.s32 v2  }
.Ltmp0:
0x10: {  	s29 =	sshrl.u32 s0, $0x1;
	s9 =	sshrl.u32 s3, $0x3;
	v3 =	vunpack.c.0.s8.s32 v3;
	vm1 =	vmor vm1, vm2;
	vm2 =	vcmask $0x3730;
	(pc) =	sbr.rel .LBB2_1-.Ltmp0, $4  }
0x11: {  	vm3 =	vcmask $0xF00;
	s4 =	sadd.s32 $0xF42800, s2;
	s0 =	ssub.s32 s0, s29;
	s1 =	sadd.s32 s1, s9;
	v4 =	vand.u32 $0xF, v4;
	vm1 =	vmor vm1, vm2  }
0x12: {  	s10 =	sadd.s32 s9, s2;
	s0 =	smax.u32 s0, $0x1;
	[dreg:$0x3] =	wrdreg s1;
	vm2 =	vcmask $0x2F20;
	v2 =	vcombine.low v3, v2;
	v3 =	vunpack.c.0.s8.s32 v5  }
0x13: {  	s31 =	sadd.s32 $0x200, s10;
	[dreg:$0x5] =	wrdreg s0;
	s0 =	simm.s32 $0x1D180;
	v0 =	vand.u32 $0xF, v0;
	v1 =	vand.u32 $0xF, v1;
	vm2 =	vmor vm3, vm2  }
0x14: {  	s1 =	simm.s32 $0x2;
	s10 =	simm.s32 $0x0;
	[dreg:$0x4] =	wrdreg s31;
	vm3 =	vmmov $0xff;
	v2 =	vand.u32 $0xF, v2;
	v3 =	vcombine.low v4, v3  }
.LBB2_8:
0x15: {  	s2 =	simm.s32 $0x3  }
0x16: {  	_ =	swait.ge [sflag:s2], $0x200  }
0x17: {  	[sflag:s2] =	ssyncset.done $0x0  }
0x18: {  	s9 =	simm.s32 $0x4;
	[sflag:s2] =	ssyncadd.s32 $0xFFFFFE00  }
0x19: {  	_ =	swait.ge [sflag:s9], $0x200  }
0x1a: {  	s10 =	rddreg [dreg:$0x6]  }
0x1b: {  	s31 =	rddreg [dreg:$0x5];
	s10 =	sadd.s32 $0x1, s10  }
0x1c: {  	p0 =	sne.s32 s10, s31  }
.Ltmp1:
0x1d: {  	_ = 	snop;
	(pc) =	sbr.rel @!p0 .LBB2_9-.Ltmp1, $3  }
0x1e: {  	_ =	sdelay $0x1  }
0x1f: {  	[sflag:s9] =	ssyncset.done $0x0  }
0x20: {  	[sflag:s9] =	ssyncadd.s32 $0xFFFFFE00  }
.LBB2_1:
0x21: {  	[dreg:$0x6] =	wrdreg s10  }
0x22: {  	s2 =	simm.s32 $0x0;
	s9 =	rddreg [dreg:$0x3];
	s11 =	simm.s32 $0x5  }
0x23: {  	[tilespmem:s2], [sflag:$0x5] =	stream.strided.gather [hbm4b:s9+s12], $0x6400, s13, s12, $0x38;
	[tilespmem:$0x1D400] =	vst v63  }
0x24: {  	_ =	swait.ge [sflag:s11], $0x6400  }
0x25: {  	[sflag:s11] =	ssyncset.done $0x0  }
0x26: {  	s24 =	simm.s32 $0x6400;
	s22 =	rddreg [dreg:$0x4];
	[sflag:s11] =	ssyncadd.s32 $0xFFFF9C00  }
0x27: {  	[tilespmem:s24], [sflag:$0x5] =	stream.strided.gather [hbm4b:s22+s12], $0x6400, s13, s12, $0x38;
	[tilespmem:$0x1D400] =	vst v63  }
0x28: {  	_ =	swait.ge [sflag:s11], $0x6400  }
0x29: {  	[sflag:s11] =	ssyncset.done $0x0  }
0x2a: {  	s26 =	simm.s32 $0xC800;
	[sflag:s11] =	ssyncadd.s32 $0xFFFF9C00  }
0x2b: {  	[tilespmem:s26], [sflag:$0x1] =	stream.indirect.gather [hbm4b:s4+s12], $0x20, s2, s12, $0xb8;
	[tilespmem:$0x1D400] =	vst v63  }
0x2c: {  	s29 =	simm.s32 $0x10800  }
0x2d: {  	[tilespmem:s29], [sflag:$0x1] =	stream.indirect.gather [hbm4b:s5+s12], $0x20, s24, s12, $0xb8;
	[tilespmem:$0x1D400] =	vst v63  }
0x2e: {  	s31 =	simm.s32 $0x14800  }
0x2f: {  	[tilespmem:s31], [sflag:$0x1] =	stream.indirect.gather [hbm4b:s6+s12], $0x1, s2, s12, $0xb8;
	[tilespmem:$0x1D400] =	vst v63  }
0x30: {  	s9 =	simm.s32 $0x14A00  }
0x31: {  	[tilespmem:s9], [sflag:$0x1] =	stream.indirect.gather [hbm4b:s7+s12], $0x1, s24, s12, $0xb8;
	[tilespmem:$0x1D400] =	vst v63  }
0x32: {  	s10 =	simm.s32 $0xD800  }
0x33: {  	[tilespmem:s10], [sflag:$0x1] =	stream.indirect.gather [hbm4b:s4+s12], $0x20, s12, s12, $0xb8;
	[tilespmem:$0x1D400] =	vst v63  }
0x34: {  	s14 =	simm.s32 $0x11800;
	s11 =	simm.s32 $0x6480  }
0x35: {  	[tilespmem:s14], [sflag:$0x1] =	stream.indirect.gather [hbm4b:s5+s12], $0x20, s11, s12, $0xb8;
	[tilespmem:$0x1D400] =	vst v63  }
0x36: {  	s16 =	simm.s32 $0x14880  }
0x37: {  	[tilespmem:s16], [sflag:$0x1] =	stream.indirect.gather [hbm4b:s6+s12], $0x1, s12, s12, $0xb8;
	[tilespmem:$0x1D400] =	vst v63  }
0x38: {  	s17 =	simm.s32 $0x14A80  }
0x39: {  	[tilespmem:s17], [sflag:$0x1] =	stream.indirect.gather [hbm4b:s7+s12], $0x1, s11, s12, $0xb8;
	[tilespmem:$0x1D400] =	vst v63  }
0x3a: {  	s18 =	simm.s32 $0x100;
	s19 =	simm.s32 $0xE800  }
0x3b: {  	[tilespmem:s19], [sflag:$0x1] =	stream.indirect.gather [hbm4b:s4+s12], $0x20, s18, s12, $0xb8;
	[tilespmem:$0x1D400] =	vst v63  }
0x3c: {  	s22 =	simm.s32 $0x6500;
	s24 =	simm.s32 $0x12800  }
0x3d: {  	[tilespmem:s24], [sflag:$0x1] =	stream.indirect.gather [hbm4b:s5+s12], $0x20, s22, s12, $0xb8;
	[tilespmem:$0x1D400] =	vst v63  }
0x3e: {  	s26 =	simm.s32 $0x14900  }
0x3f: {  	[tilespmem:s26], [sflag:$0x1] =	stream.indirect.gather [hbm4b:s6+s12], $0x1, s18, s12, $0xb8;
	[tilespmem:$0x1D400] =	vst v63  }
0x40: {  	s29 =	simm.s32 $0x14B00  }
0x41: {  	[tilespmem:s29], [sflag:$0x1] =	stream.indirect.gather [hbm4b:s7+s12], $0x1, s22, s12, $0xb8;
	[tilespmem:$0x1D400] =	vst v63  }
0x42: {  	s31 =	simm.s32 $0x180;
	s10 =	simm.s32 $0xF800  }
0x43: {  	[tilespmem:s10], [sflag:$0x1] =	stream.indirect.gather [hbm4b:s4+s12], $0x20, s31, s12, $0xb8;
	[tilespmem:$0x1D400] =	vst v63  }
0x44: {  	s14 =	simm.s32 $0x13800;
	s11 =	simm.s32 $0x6580  }
0x45: {  	[tilespmem:s14], [sflag:$0x1] =	stream.indirect.gather [hbm4b:s5+s12], $0x20, s11, s12, $0xb8;
	[tilespmem:$0x1D400] =	vst v63  }
0x46: {  	s16 =	simm.s32 $0x14980  }
0x47: {  	[tilespmem:s16], [sflag:$0x1] =	stream.indirect.gather [hbm4b:s6+s12], $0x1, s31, s12, $0xb8;
	[tilespmem:$0x1D400] =	vst v63  }
0x48: {  	s17 =	simm.s32 $0x14B80  }
0x49: {  	[tilespmem:s17], [sflag:$0x1] =	stream.indirect.gather [hbm4b:s7+s12], $0x1, s11, s12, $0xb8;
	[tilespmem:$0x1D400] =	vst v63  }
0x4a: {  	s19 =	simm.s32 $0x14E00;
	s18 =	simm.s32 $0x200  }
0x4b: {  	[tilespmem:s19], [sflag:$0x2] =	stream.indirect.gather [hbm4b:s4+s12], $0x20, s18, s12, $0xb8;
	[tilespmem:$0x1D400] =	vst v63  }
0x4c: {  	s24 =	simm.s32 $0x18E00;
	s22 =	simm.s32 $0x6600  }
0x4d: {  	[tilespmem:s24], [sflag:$0x2] =	stream.indirect.gather [hbm4b:s5+s12], $0x20, s22, s12, $0xb8;
	[tilespmem:$0x1D400] =	vst v63  }
0x4e: {  	s26 =	simm.s32 $0x1CE00  }
0x4f: {  	[tilespmem:s26], [sflag:$0x2] =	stream.indirect.gather [hbm4b:s6+s12], $0x1, s18, s12, $0xb8;
	[tilespmem:$0x1D400] =	vst v63  }
0x50: {  	s29 =	simm.s32 $0x1D000  }
0x51: {  	[tilespmem:s29], [sflag:$0x2] =	stream.indirect.gather [hbm4b:s7+s12], $0x1, s22, s12, $0xb8;
	[tilespmem:$0x1D400] =	vst v63  }
0x52: {  	s10 =	simm.s32 $0x15E00;
	s31 =	simm.s32 $0x280  }
0x53: {  	[tilespmem:s10], [sflag:$0x2] =	stream.indirect.gather [hbm4b:s4+s12], $0x20, s31, s12, $0xb8;
	[tilespmem:$0x1D400] =	vst v63  }
0x54: {  	s14 =	simm.s32 $0x19E00;
	s11 =	simm.s32 $0x6680  }
0x55: {  	[tilespmem:s14], [sflag:$0x2] =	stream.indirect.gather [hbm4b:s5+s12], $0x20, s11, s12, $0xb8;
	[tilespmem:$0x1D400] =	vst v63  }
0x56: {  	s16 =	simm.s32 $0x1CE80  }
0x57: {  	[tilespmem:s16], [sflag:$0x2] =	stream.indirect.gather [hbm4b:s6+s12], $0x1, s31, s12, $0xb8;
	[tilespmem:$0x1D400] =	vst v63  }
0x58: {  	s17 =	simm.s32 $0x1D080  }
0x59: {  	[tilespmem:s17], [sflag:$0x2] =	stream.indirect.gather [hbm4b:s7+s12], $0x1, s11, s12, $0xb8;
	[tilespmem:$0x1D400] =	vst v63  }
0x5a: {  	s19 =	simm.s32 $0x16E00;
	s18 =	simm.s32 $0x300  }
0x5b: {  	[tilespmem:s19], [sflag:$0x2] =	stream.indirect.gather [hbm4b:s4+s12], $0x20, s18, s12, $0xb8;
	[tilespmem:$0x1D400] =	vst v63  }
0x5c: {  	s24 =	simm.s32 $0x1AE00;
	s22 =	simm.s32 $0x6700  }
0x5d: {  	[tilespmem:s24], [sflag:$0x2] =	stream.indirect.gather [hbm4b:s5+s12], $0x20, s22, s12, $0xb8;
	[tilespmem:$0x1D400] =	vst v63  }
0x5e: {  	s26 =	simm.s32 $0x1CF00  }
0x5f: {  	[tilespmem:s26], [sflag:$0x2] =	stream.indirect.gather [hbm4b:s6+s12], $0x1, s18, s12, $0xb8;
	[tilespmem:$0x1D400] =	vst v63  }
0x60: {  	_ = 	snop  }
0x61: {  	[tilespmem:s28], [sflag:$0x2] =	stream.indirect.gather [hbm4b:s7+s12], $0x1, s22, s12, $0xb8;
	[tilespmem:$0x1D400] =	vst v63  }
0x62: {  	s29 =	simm.s32 $0x380  }
0x63: {  	[tilespmem:s15], [sflag:$0x2] =	stream.indirect.gather [hbm4b:s4+s12], $0x20, s29, s12, $0xb8;
	[tilespmem:$0x1D400] =	vst v63  }
0x64: {  	s31 =	simm.s32 $0x6780  }
0x65: {  	[tilespmem:s23], [sflag:$0x2] =	stream.indirect.gather [hbm4b:s5+s12], $0x20, s31, s12, $0xb8;
	[tilespmem:$0x1D400] =	vst v63  }
0x66: {  	_ = 	snop  }
0x67: {  	[tilespmem:s30], [sflag:$0x2] =	stream.indirect.gather [hbm4b:s6+s12], $0x1, s29, s12, $0xb8;
	[tilespmem:$0x1D400] =	vst v63  }
0x68: {  	s14 =	simm.s32 $0x0  }
0x69: {  	[tilespmem:s0], [sflag:$0x2] =	stream.indirect.gather [hbm4b:s7+s12], $0x1, s31, s12, $0xb8;
	[tilespmem:$0x1D400] =	vst v63  }
.LBB2_2:
0x6a: {  	_ =	swait.ge [sflag:s21], $0x1000  }
0x6b: {  	[sflag:s21] =	ssyncset.done $0x0  }
0x6c: {  	[sflag:s21] =	ssyncadd.s32 $0xFFFFF000  }
0x6d: {  	_ =	swait.ge [sflag:s21], $0x1000  }
0x6e: {  	[sflag:s21] =	ssyncset.done $0x0  }
0x6f: {  	[sflag:s21] =	ssyncadd.s32 $0xFFFFF000  }
0x70: {  	_ =	swait.ge [sflag:s21], $0x80  }
0x71: {  	[sflag:s21] =	ssyncset.done $0x0  }
0x72: {  	[sflag:s21] =	ssyncadd.s32 $0xFFFFFF80  }
0x73: {  	_ =	swait.ge [sflag:s21], $0x80  }
0x74: {  	[sflag:s21] =	ssyncset.done $0x0  }
0x75: {  	[sflag:s21] =	ssyncadd.s32 $0xFFFFFF80  }
0x76: {  	_ =	swait.ge [sflag:s21], $0x1000  }
0x77: {  	[sflag:s21] =	ssyncset.done $0x0  }
0x78: {  	[sflag:s21] =	ssyncadd.s32 $0xFFFFF000  }
0x79: {  	_ =	swait.ge [sflag:s21], $0x1000  }
0x7a: {  	[sflag:s21] =	ssyncset.done $0x0  }
0x7b: {  	[sflag:s21] =	ssyncadd.s32 $0xFFFFF000  }
0x7c: {  	_ =	swait.ge [sflag:s21], $0x80  }
0x7d: {  	[sflag:s21] =	ssyncset.done $0x0  }
0x7e: {  	[sflag:s21] =	ssyncadd.s32 $0xFFFFFF80  }
0x7f: {  	_ =	swait.ge [sflag:s21], $0x80  }
0x80: {  	[sflag:s21] =	ssyncset.done $0x0  }
0x81: {  	[sflag:s21] =	ssyncadd.s32 $0xFFFFFF80  }
0x82: {  	_ =	swait.ge [sflag:s21], $0x1000  }
0x83: {  	[sflag:s21] =	ssyncset.done $0x0  }
0x84: {  	[sflag:s21] =	ssyncadd.s32 $0xFFFFF000  }
0x85: {  	_ =	swait.ge [sflag:s21], $0x1000  }
0x86: {  	[sflag:s21] =	ssyncset.done $0x0  }
0x87: {  	[sflag:s21] =	ssyncadd.s32 $0xFFFFF000  }
0x88: {  	_ =	swait.ge [sflag:s21], $0x80  }
0x89: {  	[sflag:s21] =	ssyncset.done $0x0  }
0x8a: {  	[sflag:s21] =	ssyncadd.s32 $0xFFFFFF80  }
0x8b: {  	_ =	swait.ge [sflag:s21], $0x80  }
0x8c: {  	[sflag:s21] =	ssyncset.done $0x0  }
0x8d: {  	[sflag:s21] =	ssyncadd.s32 $0xFFFFFF80  }
0x8e: {  	_ =	swait.ge [sflag:s21], $0x1000  }
0x8f: {  	[sflag:s21] =	ssyncset.done $0x0  }
0x90: {  	[sflag:s21] =	ssyncadd.s32 $0xFFFFF000  }
0x91: {  	_ =	swait.ge [sflag:s21], $0x1000  }
0x92: {  	[sflag:s21] =	ssyncset.done $0x0  }
0x93: {  	[sflag:s21] =	ssyncadd.s32 $0xFFFFF000  }
0x94: {  	_ =	swait.ge [sflag:s21], $0x80  }
0x95: {  	[sflag:s21] =	ssyncset.done $0x0  }
0x96: {  	[sflag:s21] =	ssyncadd.s32 $0xFFFFFF80  }
0x97: {  	_ =	swait.ge [sflag:s21], $0x80  }
0x98: {  	p0 =	seq.s32 s14, $0x0;
	[sflag:s21] =	ssyncset.done $0x0  }
0x99: {  	s2 =	simm.s32 @!p0 $0x3;
	[sflag:s21] =	ssyncadd.s32 $0xFFFFFF80  }
0x9a: {  	_ =	swait.ge @!p0 [sflag:s2], $0x200  }
0x9b: {  	[sflag:s2] =	ssyncset.done @!p0 $0x0  }
0x9c: {  	s18 =	simm.s32 $0x10900;
	[sflag:s2] =	ssyncadd.s32 @!p0 $0xFFFFFE00  }
0x9d: {  	s16 =	simm.s32 $0xC900;
	v4 =	vld [tilespmem:s18+$0xFFFFFF00]  }
0x9e: {  	v5 =	vld [tilespmem:s16+$0xFFFFFF00]  }
0x9f: {  	v6 =	vld [tilespmem:s16+$0xFFFFFF10]  }
0xa0: {  	v7 =	vld [tilespmem:s18+$0xFFFFFF10]  }
0xa1: {  	v8 =	vld [tilespmem:s16+$0xFFFFFF20]  }
0xa2: {  	v9 =	vld [tilespmem:s18+$0xFFFFFF20]  }
0xa3: {  	v10 =	vld [tilespmem:s16+$0xFFFFFF30]  }
0xa4: {  	v11 =	vld [tilespmem:s18+$0xFFFFFF30]  }
0xa5: {  	v12 =	vld [tilespmem:s16+$0xFFFFFF40]  }
0xa6: {  	v13 =	vld [tilespmem:s18+$0xFFFFFF40]  }
0xa7: {  	v14 =	vld [tilespmem:s16+$0xFFFFFF50]  }
0xa8: {  	v15 =	vld [tilespmem:s18+$0xFFFFFF50]  }
0xa9: {  	v16 =	vld [tilespmem:s16+$0xFFFFFF60]  }
0xaa: {  	v17 =	vld [tilespmem:s18+$0xFFFFFF60]  }
0xab: {  	v18 =	vld [tilespmem:s16+$0xFFFFFF70]  }
0xac: {  	v19 =	vld [tilespmem:s18+$0xFFFFFF70]  }
0xad: {  	v20 =	vld [tilespmem:s16+$0xFFFFFF80]  }
0xae: {  	v21 =	vld [tilespmem:s18+$0xFFFFFF80]  }
0xaf: {  	v22 =	vld [tilespmem:s16+$0xFFFFFF90]  }
0xb0: {  	v23 =	vld [tilespmem:s18+$0xFFFFFF90]  }
0xb1: {  	v24 =	vld [tilespmem:s16+$0xFFFFFFA0]  }
0xb2: {  	v25 =	vld [tilespmem:s18+$0xFFFFFFA0]  }
0xb3: {  	v26 =	vld [tilespmem:s16+$0xFFFFFFB0]  }
0xb4: {  	v27 =	vld [tilespmem:s18+$0xFFFFFFB0]  }
0xb5: {  	v28 =	vld [tilespmem:s16+$0xFFFFFFC0]  }
0xb6: {  	v29 =	vld [tilespmem:s18+$0xFFFFFFC0]  }
0xb7: {  	v30 =	vld [tilespmem:s16+$0xFFFFFFD0]  }
0xb8: {  	v31 =	vld [tilespmem:s18+$0xFFFFFFD0]  }
0xb9: {  	v32 =	vld [tilespmem:s16+$0xFFFFFFE0]  }
0xba: {  	v33 =	vld [tilespmem:s18+$0xFFFFFFE0]  }
0xbb: {  	v34 =	vld [tilespmem:s16+$0xFFFFFFF0]  }
0xbc: {  	v35 =	vld [tilespmem:s18+$0xFFFFFFF0]  }
0xbd: {  	v36 =	vld [tilespmem:s16+$0x0]  }
0xbe: {  	v37 =	vld [tilespmem:s18+$0x0]  }
0xbf: {  	v38 =	vld [tilespmem:s16+$0x10]  }
0xc0: {  	v39 =	vld [tilespmem:s18+$0x10]  }
0xc1: {  	v40 =	vld [tilespmem:s16+$0x20]  }
0xc2: {  	v41 =	vld [tilespmem:s18+$0x20]  }
0xc3: {  	v42 =	vld [tilespmem:s16+$0x30]  }
0xc4: {  	v43 =	vld [tilespmem:s18+$0x30]  }
0xc5: {  	v44 =	vld [tilespmem:s16+$0x40]  }
0xc6: {  	v56 =	vld [tilespmem:s18+$0xC0]  }
0xc7: {  	v58 =	vld [tilespmem:s16+$0xD0]  }
0xc8: {  	v4 =	vmul.f32 v4, v5;
	v5 =	vmul.f32 v7, v6;
	v6 =	vld [tilespmem:s18+$0x40]  }
0xc9: {  	v7 =	vmul.f32 v9, v8;
	v8 =	vmul.f32 v11, v10;
	v9 =	vld [tilespmem:s16+$0x50]  }
0xca: {  	v10 =	vmul.f32 v15, v14;
	v11 =	vld [tilespmem:s18+$0x50];
	v55 =	vmul.f32 v39, v38  }
0xcb: {  	v57 =	vmul.f32 v43, v42;
	v4 =	vadd.f32 v5, v4;
	v5 =	vmul.f32 v13, v12;
	v13 =	vld [tilespmem:s16+$0x60]  }
0xcc: {  	v7 =	vadd.f32 v8, v7;
	v8 =	vmul.f32 v17, v16;
	v12 =	vmul.f32 v19, v18;
	v16 =	vld [tilespmem:s18+$0x70]  }
0xcd: {  	v18 =	vld [tilespmem:s16+$0x80];
	v19 =	vmul.f32 v23, v22;
	v5 =	vadd.f32 v10, v5;
	v14 =	vperm.xlane v4, v0  }
0xce: {  	v22 =	vld [tilespmem:s16+$0x90];
	v8 =	vadd.f32 v12, v8;
	v15 =	vperm.xlane v7, v0;
	v6 =	vmul.f32 v6, v44  }
0xcf: {  	v23 =	vld [tilespmem:s16+$0xB0];
	v9 =	vmul.f32 v11, v9;
	v17 =	vperm.xlane v5, v0;
	v4 =	vadd.f32 v14, v4  }
0xd0: {  	v10 =	vld [tilespmem:s18+$0x60];
	v7 =	vadd.f32 v15, v7;
	v14 =	vperm.xlane v8, v0;
	v15 =	vmul.f32 v21, v20  }
0xd1: {  	v12 =	vld [tilespmem:s16+$0x70];
	v21 =	vmul.f32 v27, v26;
	v26 =	vmul.f32 v29, v28  }
0xd2: {  	v11 =	vld [tilespmem:s18+$0xF0];
	v27 =	vmul.f32 v31, v30;
	v29 =	vmul.f32 v33, v32  }
0xd3: {  	v20 =	vld [tilespmem:s18+$0x80];
	v30 =	vmul.f32 v35, v34;
	v6 =	vadd.f32 v9, v6;
	v5 =	vadd.f32 v17, v5  }
0xd4: {  	v31 =	vld [tilespmem:s16+$0xC0];
	v17 =	vmul.f32 v25, v24;
	v8 =	vadd.f32 v14, v8;
	v4 =	vsel vm0, v4, v7  }
0xd5: {  	v28 =	vld [tilespmem:s18+$0xB0];
	v7 =	vadd.f32 v19, v15;
	v19 =	vperm.xlane v4, v1;
	v10 =	vmul.f32 v10, v13  }
0xd6: {  	v14 =	vld [tilespmem:s18+$0x90];
	v12 =	vmul.f32 v16, v12;
	v15 =	vadd.f32 v21, v17;
	v5 =	vsel vm0, v5, v8  }
0xd7: {  	v17 =	vld [tilespmem:s16+$0xA0];
	v24 =	vperm.xlane v7, v0;
	v21 =	vperm.xlane v5, v1;
	v4 =	vadd.f32 v19, v4  }
0xd8: {  	v8 =	vld [tilespmem:s18+$0xA0];
	v19 =	vadd.f32 v27, v26;
	v26 =	vadd.f32 v30, v29;
	v25 =	vperm.xlane v15, v0  }
0xd9: {  	v27 =	vld [tilespmem:s18+$0xD0];
	v16 =	vmul.f32 v20, v18;
	v9 =	vmul.f32 v56, v31;
	v7 =	vadd.f32 v24, v7  }
0xda: {  	v30 =	vld [tilespmem:s18+$0xE0];
	v24 =	vmul.f32 v37, v36;
	v15 =	vadd.f32 v25, v15;
	v25 =	vmul.f32 v41, v40  }
0xdb: {  	v59 =	vperm.xlane v19, v0;
	v5 =	vadd.f32 v21, v5;
	v21 =	vld [tilespmem:s16+$0xF0];
	v14 =	vmul.f32 v14, v22  }
0xdc: {  	v7 =	vsel vm0, v7, v15;
	v15 =	vadd.f32 v55, v24;
	v24 =	vadd.f32 v57, v25;
	v25 =	vld [tilespmem:s16+$0xE0]  }
0xdd: {  	v10 =	vadd.f32 v12, v10;
	v60 =	vperm.xlane v26, v0;
	v19 =	vadd.f32 v59, v19  }
0xde: {  	v8 =	vmul.f32 v8, v17;
	v14 =	vadd.f32 v14, v16;
	v16 =	vperm.xlane v6, v0  }
0xdf: {  	v13 =	vadd.f32 v60, v26;
	v17 =	vmul.f32 v28, v23;
	v20 =	vmul.f32 v27, v58  }
0xe0: {  	v29 =	vperm.xlane v7, v1;
	v6 =	vadd.f32 v16, v6;
	v16 =	vperm.xlane v14, v0  }
0xe1: {  	v8 =	vadd.f32 v17, v8;
	v11 =	vmul.f32 v11, v21;
	v12 =	vmul.f32 v30, v25  }
0xe2: {  	v61 =	vperm.xlane v15, v0;
	v62 =	vperm.xlane v24, v0;
	v9 =	vadd.f32 v20, v9  }
0xe3: {  	v7 =	vadd.f32 v29, v7;
	v11 =	vadd.f32 v11, v12;
	v12 =	vperm.xlane v10, v0  }
0xe4: {  	v17 =	vperm.xlane v8, v0;
	v15 =	vadd.f32 v61, v15;
	v18 =	vadd.f32 v62, v24  }
0xe5: {  	v10 =	vadd.f32 v12, v10;
	v12 =	vperm.xlane v9, v0;
	v20 =	vperm.xlane v11, v0  }
0xe6: {  	v13 =	vsel vm0, v19, v13;
	v14 =	vadd.f32 v16, v14;
	v8 =	vadd.f32 v17, v8  }
0xe7: {  	v15 =	vsel vm0, v15, v18;
	v9 =	vadd.f32 v12, v9;
	v11 =	vadd.f32 v20, v11  }
0xe8: {  	v8 =	vsel vm0, v14, v8;
	v6 =	vsel vm0, v6, v10;
	v10 =	vperm.xlane v13, v1  }
0xe9: {  	v12 =	vperm.xlane v15, v1;
	v9 =	vsel vm0, v9, v11;
	v11 =	vperm.xlane v6, v1  }
0xea: {  	v10 =	vadd.f32 v10, v13;
	v13 =	vperm.xlane v8, v1;
	v14 =	vperm.xlane v9, v1  }
0xeb: {  	v12 =	vadd.f32 v12, v15;
	v6 =	vadd.f32 v11, v6  }
0xec: {  	v4 =	vsel vm1, v4, v5;
	v5 =	vadd.f32 v13, v8;
	v8 =	vadd.f32 v14, v9  }
0xed: {  	s19 =	simm.s32 $0x0;
	v7 =	vsel vm1, v7, v10;
	v9 =	vperm.xlane v4, v2  }
0xee: {  	s17 =	sshll.u32 s14, $0xA;
	s22 =	simm.s32 $0x0;
	s9 =	sand.u32 $0xFFFFFF80, s19;
	v6 =	vsel vm1, v12, v6;
	v5 =	vsel vm1, v5, v8;
	v8 =	vperm.xlane v7, v2  }
0xef: {  	s10 =	sand.u32 $0x70, s22;
	s9 =	sadd.s32 s17, s9;
	v10 =	vperm.xlane v6, v2;
	v11 =	vperm.xlane v5, v2  }
0xf0: {  	s9 =	sor.u32 s10, s9;
	v4 =	vadd.f32 v9, v4;
	v7 =	vadd.f32 v8, v7  }
0xf1: {  	v9 =	vld [tilespmem:s9+$0x0];
	v6 =	vadd.f32 v10, v6;
	v5 =	vadd.f32 v11, v5  }
0xf2: {  	v8 =	vld [tilespmem:s9+$0x6400]  }
0xf3: {  	s24 =	simm.s32 $0x14800;
	v4 =	vsel vm2, v4, v7;
	v5 =	vsel vm2, v6, v5  }
0xf4: {  	v10 =	vld [tilespmem:s24+$0x0];
	v6 =	vperm.xlane v4, v3;
	v7 =	vperm.xlane v5, v3  }
0xf5: {  	s26 =	simm.s32 $0x14A00  }
0xf6: {  	v4 =	vadd.f32 v6, v4;
	v6 =	vld [tilespmem:s26+$0x0];
	v5 =	vadd.f32 v7, v5  }
0xf7: {  	vm4 =	vne.s32 v9, $0x0;
	vm5 =	vne.s32 v8, $0x0  }
0xf8: {  	vm6 =	vmand vm4, vm5;
	v4 =	vsel vm3, v4, v5  }
0xf9: {  	v5 =	vnsel vm4, $0x0, v10;
	v4 =	vnsel vm6, $0x0, v4  }
0xfa: {  	v4 =	vadd.f32 v4, v5  }
0xfb: {  	v5 =	vnsel vm5, $0x0, v6  }
0xfc: {  	v4 =	vadd.f32 v4, v5;
	_ =	sdelay $0x1  }
0xfd: {  	v4 =	vsub.f32 $0.0e+00, v4;
	_ =	sdelay $0x1  }
0xfe: {  	v4 =	vmul.f32 $1.442695020e+00, v4;
	_ =	sdelay $0x1  }
0xff: {  	(erf) = vpow2.f32 v4;
	_ =	sdelay $0x8  }
0x100: {  	v4 =	vpop (erf)  }
0x101: {  	v4 =	vadd.f32 $1.000000000e+00, v4;
	_ =	sdelay $0x1  }
0x102: {  	(erf) = vrcp.f32 v4;
	_ =	sdelay $0x7  }
0x103: {  	s2 =	sand.u32 $0x3FFFFF80, s19  }
0x104: {  	s2 =	sor.u32 s10, s2;
	v4 =	vpop (erf)  }
0x105: {  	s29 =	simm.s32 $0x10B00;
	[tilespmem:s2+$0x14C00] =	vst v4  }
0x106: {  	s31 =	simm.s32 $0xCB00;
	v4 =	vld [tilespmem:s29+$0xFFFFFF00]  }
0x107: {  	v5 =	vld [tilespmem:s31+$0xFFFFFF00]  }
0x108: {  	v6 =	vld [tilespmem:s31+$0xFFFFFF10]  }
0x109: {  	v7 =	vld [tilespmem:s29+$0xFFFFFF10]  }
0x10a: {  	v8 =	vld [tilespmem:s31+$0xFFFFFF20]  }
0x10b: {  	v9 =	vld [tilespmem:s29+$0xFFFFFF20]  }
0x10c: {  	v10 =	vld [tilespmem:s31+$0xFFFFFF30]  }
0x10d: {  	v11 =	vld [tilespmem:s29+$0xFFFFFF30]  }
0x10e: {  	v12 =	vld [tilespmem:s31+$0xFFFFFF40]  }
0x10f: {  	v13 =	vld [tilespmem:s29+$0xFFFFFF40]  }
0x110: {  	v14 =	vld [tilespmem:s31+$0xFFFFFF50]  }
0x111: {  	v15 =	vld [tilespmem:s29+$0xFFFFFF50]  }
0x112: {  	v16 =	vld [tilespmem:s31+$0xFFFFFF60]  }
0x113: {  	v17 =	vld [tilespmem:s29+$0xFFFFFF60]  }
0x114: {  	v18 =	vld [tilespmem:s31+$0xFFFFFF70]  }
0x115: {  	v19 =	vld [tilespmem:s29+$0xFFFFFF70]  }
0x116: {  	v20 =	vld [tilespmem:s31+$0xFFFFFF80]  }
0x117: {  	v21 =	vld [tilespmem:s29+$0xFFFFFF80]  }
0x118: {  	v22 =	vld [tilespmem:s31+$0xFFFFFF90]  }
0x119: {  	v23 =	vld [tilespmem:s29+$0xFFFFFF90]  }
0x11a: {  	v24 =	vld [tilespmem:s31+$0xFFFFFFA0]  }
0x11b: {  	v25 =	vld [tilespmem:s29+$0xFFFFFFA0]  }
0x11c: {  	v26 =	vld [tilespmem:s31+$0xFFFFFFB0]  }
0x11d: {  	v27 =	vld [tilespmem:s29+$0xFFFFFFB0]  }
0x11e: {  	v28 =	vld [tilespmem:s31+$0xFFFFFFC0]  }
0x11f: {  	v29 =	vld [tilespmem:s29+$0xFFFFFFC0]  }
0x120: {  	v30 =	vld [tilespmem:s31+$0xFFFFFFD0]  }
0x121: {  	v31 =	vld [tilespmem:s29+$0xFFFFFFD0]  }
0x122: {  	v63 =	vld [tilespmem:s31+$0xFFFFFFE0]  }
0x123: {  	v48 =	vld [tilespmem:s29+$0xFFFFFFE0]  }
0x124: {  	v49 =	vld [tilespmem:s31+$0xFFFFFFF0]  }
0x125: {  	v50 =	vld [tilespmem:s29+$0xFFFFFFF0]  }
0x126: {  	v51 =	vld [tilespmem:s31+$0x0]  }
0x127: {  	v52 =	vld [tilespmem:s29+$0x0]  }
0x128: {  	v53 =	vld [tilespmem:s31+$0x10]  }
0x129: {  	v54 =	vld [tilespmem:s29+$0x10]  }
0x12a: {  	v55 =	vld [tilespmem:s31+$0x20]  }
0x12b: {  	v56 =	vld [tilespmem:s29+$0x20]  }
0x12c: {  	v57 =	vld [tilespmem:s31+$0x30]  }
0x12d: {  	v58 =	vld [tilespmem:s29+$0x30]  }
0x12e: {  	v59 =	vld [tilespmem:s31+$0x40]  }
0x12f: {  	v45 =	vld [tilespmem:s29+$0x40];
	v4 =	vmul.f32 v4, v5;
	v5 =	vmul.f32 v7, v6  }
0x130: {  	v46 =	vld [tilespmem:s31+$0x50];
	v6 =	vmul.f32 v9, v8;
	v7 =	vmul.f32 v11, v10  }
0x131: {  	v47 =	vld [tilespmem:s29+$0x50];
	v8 =	vmul.f32 v15, v14;
	v10 =	vadd.f32 v5, v4;
	v5 =	vmul.f32 v13, v12  }
0x132: {  	v9 =	vmul.f32 v19, v18;
	v6 =	vadd.f32 v7, v6;
	v7 =	vmul.f32 v17, v16;
	v4 =	vld [tilespmem:s31+$0x60]  }
0x133: {  	v11 =	vadd.f32 v8, v5;
	v5 =	vld [tilespmem:s29+$0x60]  }
0x134: {  	v12 =	vadd.f32 v9, v7;
	v7 =	vld [tilespmem:s31+$0x70]  }
0x135: {  	v18 =	vmul.f32 v23, v22;
	v17 =	vmul.f32 v21, v20;
	v8 =	vld [tilespmem:s29+$0x70]  }
0x136: {  	v19 =	vmul.f32 v27, v26;
	v9 =	vld [tilespmem:s31+$0x80]  }
0x137: {  	v13 =	vperm.xlane v10, v0;
	v14 =	vperm.xlane v6, v0;
	v20 =	vadd.f32 v18, v17;
	v17 =	vld [tilespmem:s31+$0xB0]  }
0x138: {  	v26 =	vmul.f32 v31, v30;
	v18 =	vld [tilespmem:s29+$0xB0];
	v15 =	vperm.xlane v11, v0  }
0x139: {  	v16 =	vadd.f32 v13, v10;
	v6 =	vadd.f32 v14, v6;
	v14 =	vperm.xlane v12, v0;
	v10 =	vld [tilespmem:s29+$0x80]  }
0x13a: {  	v27 =	vmul.f32 v48, v63;
	v13 =	vld [tilespmem:s31+$0x90];
	v11 =	vadd.f32 v15, v11;
	v15 =	vmul.f32 v25, v24  }
0x13b: {  	v30 =	vmul.f32 v52, v51;
	v22 =	vperm.xlane v20, v0;
	v12 =	vadd.f32 v14, v12;
	v14 =	vld [tilespmem:s29+$0x90]  }
0x13c: {  	v31 =	vmul.f32 v54, v53;
	v6 =	vsel vm0, v16, v6;
	v16 =	vld [tilespmem:s29+$0xA0];
	v21 =	vadd.f32 v19, v15  }
0x13d: {  	v60 =	vmul.f32 v56, v55;
	v25 =	vmul.f32 v29, v28;
	v29 =	vadd.f32 v22, v20;
	v20 =	vld [tilespmem:s29+$0xC0]  }
0x13e: {  	v61 =	vmul.f32 v58, v57;
	v22 =	vld [tilespmem:s29+$0xD0];
	v24 =	vperm.xlane v21, v0  }
0x13f: {  	v32 =	vmul.f32 v45, v59;
	v28 =	vmul.f32 v50, v49;
	v15 =	vld [tilespmem:s31+$0xA0];
	v11 =	vsel vm0, v11, v12  }
0x140: {  	v12 =	vperm.xlane v6, v1;
	v19 =	vld [tilespmem:s31+$0xC0];
	v62 =	vadd.f32 v26, v25;
	v24 =	vadd.f32 v24, v21  }
0x141: {  	v35 =	vmul.f32 v47, v46;
	v28 =	vadd.f32 v28, v27;
	v25 =	vld [tilespmem:s29+$0xE0];
	v23 =	vperm.xlane v11, v1  }
0x142: {  	v27 =	vld [tilespmem:s31+$0xF0];
	v6 =	vadd.f32 v12, v6;
	v63 =	vperm.xlane v62, v0;
	v12 =	vsel vm0, v29, v24  }
0x143: {  	v26 =	vadd.f32 v61, v60;
	v21 =	vld [tilespmem:s31+$0xD0];
	v29 =	vadd.f32 v31, v30;
	v30 =	vperm.xlane v12, v1  }
0x144: {  	v33 =	vperm.xlane v28, v0;
	v11 =	vadd.f32 v23, v11;
	v23 =	vadd.f32 v63, v62;
	v24 =	vld [tilespmem:s31+$0xE0]  }
0x145: {  	s18 =	simm.s32 $0x2;
	s16 =	simm.s32 $0x1;
	s2 =	sshll.u32 s14, $0x1;
	v31 =	vperm.xlane v26, v0;
	v34 =	vperm.xlane v29, v0;
	v12 =	vadd.f32 v30, v12;
	v30 =	vld [tilespmem:s29+$0xF0]  }
.LBB2_3:
0x146: {  	p1 =	sne.s32 s18, $0x1F;
	v4 =	vmul.f32 v5, v4;
	v5 =	vmul.f32 v8, v7;
	v7 =	vadd.f32 v33, v28  }
0x147: {  	v8 =	vmul.f32 v10, v9;
	v9 =	vmul.f32 v14, v13;
	v10 =	vadd.f32 v34, v29  }
0x148: {  	v13 =	vmul.f32 v16, v15;
	v14 =	vmul.f32 v18, v17;
	v15 =	vadd.f32 v31, v26  }
0x149: {  	v17 =	vmul.f32 v20, v19;
	v18 =	vmul.f32 v22, v21;
	v16 =	vadd.f32 v35, v32  }
0x14a: {  	v4 =	vadd.f32 v5, v4;
	v5 =	vmul.f32 v25, v24;
	v19 =	vmul.f32 v30, v27  }
0x14b: {  	v8 =	vadd.f32 v9, v8;
	v9 =	vadd.f32 v14, v13;
	v13 =	vperm.xlane v16, v0  }
0x14c: {  	v14 =	vadd.f32 v18, v17;
	v17 =	vperm.xlane v4, v0;
	v5 =	vadd.f32 v19, v5  }
0x14d: {  	v18 =	vperm.xlane v9, v0;
	v13 =	vadd.f32 v13, v16;
	v16 =	vperm.xlane v8, v0  }
0x14e: {  	v4 =	vadd.f32 v17, v4;
	v17 =	vperm.xlane v14, v0;
	v19 =	vperm.xlane v5, v0  }
0x14f: {  	v7 =	vsel vm0, v23, v7;
	v9 =	vadd.f32 v18, v9;
	v8 =	vadd.f32 v16, v8  }
0x150: {  	v10 =	vsel vm0, v10, v15;
	v14 =	vadd.f32 v17, v14;
	v5 =	vadd.f32 v19, v5  }
0x151: {  	v15 =	vperm.xlane v10, v1;
	v4 =	vsel vm0, v13, v4;
	v13 =	vperm.xlane v7, v1  }
0x152: {  	v8 =	vsel vm0, v8, v9;
	v9 =	vperm.xlane v4, v1;
	v5 =	vsel vm0, v14, v5  }
0x153: {  	v7 =	vadd.f32 v13, v7;
	v13 =	vperm.xlane v8, v1;
	v14 =	vperm.xlane v5, v1  }
0x154: {  	v10 =	vadd.f32 v15, v10;
	v4 =	vadd.f32 v9, v4  }
0x155: {  	v6 =	vsel vm1, v6, v11;
	v8 =	vadd.f32 v13, v8;
	v5 =	vadd.f32 v14, v5  }
0x156: {  	s19 =	sshll.u32 s16, $0x4;
	s16 =	smov.u32 s18;
	v9 =	vperm.xlane v6, v2;
	v7 =	vsel vm1, v12, v7  }
0x157: {  	s22 =	sadd.s32 $0x10, s22;
	s10 =	sand.u32 $0xFFFFFF80, s19;
	v4 =	vsel vm1, v10, v4;
	v5 =	vsel vm1, v8, v5;
	v8 =	vperm.xlane v7, v2  }
0x158: {  	s9 =	sand.u32 $0x70, s22;
	s10 =	sadd.s32 s17, s10;
	v10 =	vperm.xlane v4, v2;
	v11 =	vperm.xlane v5, v2  }
0x159: {  	s10 =	sor.u32 s9, s10;
	v6 =	vadd.f32 v9, v6;
	v7 =	vadd.f32 v8, v7  }
0x15a: {  	v4 =	vadd.f32 v10, v4;
	v5 =	vadd.f32 v11, v5;
	v8 =	vld [tilespmem:s10+$0x6400]  }
0x15b: {  	v9 =	vld [tilespmem:s10+$0x0]  }
0x15c: {  	s24 =	sadd.s32 $0x10, s24;
	v6 =	vsel vm2, v6, v7;
	v4 =	vsel vm2, v4, v5  }
0x15d: {  	v5 =	vperm.xlane v6, v3;
	v7 =	vperm.xlane v4, v3;
	v10 =	vld [tilespmem:s24+$0x0]  }
0x15e: {  	s26 =	sadd.s32 $0x10, s26  }
0x15f: {  	v5 =	vadd.f32 v5, v6;
	v4 =	vadd.f32 v7, v4;
	v6 =	vld [tilespmem:s26+$0x0]  }
0x160: {  	vm5 =	vne.s32 v8, $0x0;
	vm4 =	vne.s32 v9, $0x0  }
0x161: {  	v4 =	vsel vm3, v5, v4;
	vm6 =	vmand vm4, vm5  }
0x162: {  	v4 =	vnsel vm6, $0x0, v4;
	v5 =	vnsel vm4, $0x0, v10  }
0x163: {  	v4 =	vadd.f32 v4, v5  }
0x164: {  	v5 =	vnsel vm5, $0x0, v6  }
0x165: {  	v4 =	vadd.f32 v4, v5;
	_ =	sdelay $0x1  }
0x166: {  	v4 =	vsub.f32 $0.0e+00, v4;
	_ =	sdelay $0x1  }
0x167: {  	v4 =	vmul.f32 $1.442695020e+00, v4;
	_ =	sdelay $0x1  }
0x168: {  	(erf) = vpow2.f32 v4;
	_ =	sdelay $0x8  }
0x169: {  	v4 =	vpop (erf)  }
0x16a: {  	v4 =	vadd.f32 $1.000000000e+00, v4;
	_ =	sdelay $0x1  }
0x16b: {  	(erf) = vrcp.f32 v4;
	_ =	sdelay $0x7  }
0x16c: {  	s10 =	sand.u32 $0x3FFFFF80, s19  }
0x16d: {  	s9 =	sor.u32 s9, s10;
	v4 =	vpop (erf)  }
0x16e: {  	s29 =	sadd.s32 $0x200, s29;
	[tilespmem:s9+$0x14C00] =	vst v4  }
0x16f: {  	s31 =	sadd.s32 $0x200, s31;
	v4 =	vld [tilespmem:s29+$0xFFFFFF00]  }
0x170: {  	v5 =	vld [tilespmem:s31+$0xFFFFFF00]  }
0x171: {  	v6 =	vld [tilespmem:s31+$0xFFFFFF10]  }
0x172: {  	v7 =	vld [tilespmem:s29+$0xFFFFFF10]  }
0x173: {  	v8 =	vld [tilespmem:s31+$0xFFFFFF20]  }
0x174: {  	v9 =	vld [tilespmem:s29+$0xFFFFFF20]  }
0x175: {  	v10 =	vld [tilespmem:s31+$0xFFFFFF30]  }
0x176: {  	v11 =	vld [tilespmem:s29+$0xFFFFFF30]  }
0x177: {  	v12 =	vld [tilespmem:s31+$0xFFFFFF40]  }
0x178: {  	v13 =	vld [tilespmem:s29+$0xFFFFFF40]  }
0x179: {  	v14 =	vld [tilespmem:s31+$0xFFFFFF50]  }
0x17a: {  	v15 =	vld [tilespmem:s29+$0xFFFFFF50]  }
0x17b: {  	v16 =	vld [tilespmem:s31+$0xFFFFFF60]  }
0x17c: {  	v17 =	vld [tilespmem:s29+$0xFFFFFF60]  }
0x17d: {  	v18 =	vld [tilespmem:s31+$0xFFFFFF70]  }
0x17e: {  	v19 =	vld [tilespmem:s29+$0xFFFFFF70]  }
0x17f: {  	v20 =	vld [tilespmem:s31+$0xFFFFFF80]  }
0x180: {  	v21 =	vld [tilespmem:s29+$0xFFFFFF80]  }
0x181: {  	v22 =	vld [tilespmem:s31+$0xFFFFFF90]  }
0x182: {  	v23 =	vld [tilespmem:s29+$0xFFFFFF90]  }
0x183: {  	v24 =	vld [tilespmem:s31+$0xFFFFFFA0]  }
0x184: {  	v25 =	vld [tilespmem:s29+$0xFFFFFFA0]  }
0x185: {  	v26 =	vld [tilespmem:s31+$0xFFFFFFB0]  }
0x186: {  	v27 =	vld [tilespmem:s29+$0xFFFFFFB0]  }
0x187: {  	v28 =	vld [tilespmem:s31+$0xFFFFFFC0]  }
0x188: {  	v29 =	vld [tilespmem:s29+$0xFFFFFFC0]  }
0x189: {  	v30 =	vld [tilespmem:s31+$0xFFFFFFD0]  }
0x18a: {  	v31 =	vld [tilespmem:s29+$0xFFFFFFD0]  }
0x18b: {  	v32 =	vld [tilespmem:s31+$0xFFFFFFE0]  }
0x18c: {  	v33 =	vld [tilespmem:s29+$0xFFFFFFE0]  }
0x18d: {  	v34 =	vld [tilespmem:s31+$0xFFFFFFF0]  }
0x18e: {  	v35 =	vld [tilespmem:s29+$0xFFFFFFF0]  }
0x18f: {  	v36 =	vld [tilespmem:s31+$0x0]  }
0x190: {  	v37 =	vld [tilespmem:s29+$0x0]  }
0x191: {  	v38 =	vld [tilespmem:s31+$0x10]  }
0x192: {  	v39 =	vld [tilespmem:s29+$0x10]  }
0x193: {  	v40 =	vld [tilespmem:s31+$0x20]  }
0x194: {  	v41 =	vld [tilespmem:s29+$0x20]  }
0x195: {  	v42 =	vld [tilespmem:s31+$0x30]  }
0x196: {  	v43 =	vld [tilespmem:s29+$0x30]  }
0x197: {  	v44 =	vld [tilespmem:s31+$0x40]  }
0x198: {  	v4 =	vmul.f32 v4, v5;
	v5 =	vmul.f32 v7, v6;
	v45 =	vld [tilespmem:s29+$0x40]  }
0x199: {  	v6 =	vmul.f32 v9, v8;
	v7 =	vmul.f32 v11, v10;
	v46 =	vld [tilespmem:s31+$0x50]  }
0x19a: {  	v10 =	vadd.f32 v5, v4;
	v5 =	vmul.f32 v13, v12;
	v8 =	vmul.f32 v15, v14;
	v47 =	vld [tilespmem:s29+$0x50]  }
0x19b: {  	v6 =	vadd.f32 v7, v6;
	v7 =	vmul.f32 v17, v16;
	v9 =	vmul.f32 v19, v18;
	v4 =	vld [tilespmem:s31+$0x60]  }
0x19c: {  	v11 =	vadd.f32 v8, v5;
	v5 =	vld [tilespmem:s29+$0x60]  }
0x19d: {  	v13 =	vperm.xlane v10, v0;
	v14 =	vperm.xlane v6, v0;
	v12 =	vadd.f32 v9, v7;
	v7 =	vld [tilespmem:s31+$0x70]  }
0x19e: {  	v15 =	vperm.xlane v11, v0;
	v8 =	vld [tilespmem:s29+$0x70]  }
0x19f: {  	v16 =	vadd.f32 v13, v10;
	v6 =	vadd.f32 v14, v6;
	v14 =	vperm.xlane v12, v0;
	v9 =	vld [tilespmem:s31+$0x80]  }
0x1a0: {  	v17 =	vmul.f32 v21, v20;
	v11 =	vadd.f32 v15, v11;
	v18 =	vmul.f32 v23, v22;
	v10 =	vld [tilespmem:s29+$0x80]  }
0x1a1: {  	v15 =	vmul.f32 v25, v24;
	v12 =	vadd.f32 v14, v12;
	v19 =	vmul.f32 v27, v26;
	v13 =	vld [tilespmem:s31+$0x90]  }
0x1a2: {  	v6 =	vsel vm0, v16, v6;
	v14 =	vld [tilespmem:s29+$0x90]  }
0x1a3: {  	v20 =	vadd.f32 v18, v17;
	v11 =	vsel vm0, v11, v12;
	v21 =	vadd.f32 v19, v15;
	v15 =	vld [tilespmem:s31+$0xA0]  }
0x1a4: {  	v12 =	vperm.xlane v6, v1;
	v23 =	vperm.xlane v11, v1;
	v16 =	vld [tilespmem:s29+$0xA0]  }
0x1a5: {  	v22 =	vperm.xlane v20, v0;
	v24 =	vperm.xlane v21, v0;
	v17 =	vld [tilespmem:s31+$0xB0]  }
0x1a6: {  	v25 =	vmul.f32 v29, v28;
	v26 =	vmul.f32 v31, v30;
	v18 =	vld [tilespmem:s29+$0xB0]  }
0x1a7: {  	v29 =	vadd.f32 v22, v20;
	v27 =	vmul.f32 v33, v32;
	v28 =	vmul.f32 v35, v34;
	v19 =	vld [tilespmem:s31+$0xC0]  }
0x1a8: {  	v24 =	vadd.f32 v24, v21;
	v30 =	vmul.f32 v37, v36;
	v31 =	vmul.f32 v39, v38;
	v20 =	vld [tilespmem:s29+$0xC0]  }
0x1a9: {  	v6 =	vadd.f32 v12, v6;
	v32 =	vmul.f32 v41, v40;
	v33 =	vmul.f32 v43, v42;
	v21 =	vld [tilespmem:s31+$0xD0]  }
.Ltmp2:
0x1aa: {  	v12 =	vsel vm0, v29, v24;
	v36 =	vadd.f32 v26, v25;
	v28 =	vadd.f32 v28, v27;
	v22 =	vld [tilespmem:s29+$0xD0];
	(pc) =	sbr.rel @p1 .LBB2_3-.Ltmp2, $4  }
0x1ab: {  	v29 =	vadd.f32 v31, v30;
	v30 =	vperm.xlane v12, v1;
	v26 =	vadd.f32 v33, v32;
	v24 =	vld [tilespmem:s31+$0xE0]  }
0x1ac: {  	v11 =	vadd.f32 v23, v11;
	v37 =	vperm.xlane v36, v0;
	v33 =	vperm.xlane v28, v0;
	v25 =	vld [tilespmem:s29+$0xE0]  }
0x1ad: {  	v34 =	vperm.xlane v29, v0;
	v12 =	vadd.f32 v30, v12;
	v31 =	vperm.xlane v26, v0;
	v27 =	vld [tilespmem:s31+$0xF0]  }
0x1ae: {  	s18 =	sadd.s32 $0x1, s18;
	v23 =	vadd.f32 v37, v36;
	v32 =	vmul.f32 v45, v44;
	v35 =	vmul.f32 v47, v46;
	v30 =	vld [tilespmem:s29+$0xF0]  }
0x1af: {  	v4 =	vmul.f32 v5, v4;
	v5 =	vmul.f32 v8, v7;
	v7 =	vadd.f32 v33, v28  }
0x1b0: {  	v8 =	vmul.f32 v10, v9;
	v9 =	vmul.f32 v14, v13;
	v10 =	vadd.f32 v34, v29  }
0x1b1: {  	v13 =	vmul.f32 v16, v15;
	v14 =	vmul.f32 v18, v17;
	v15 =	vadd.f32 v31, v26  }
0x1b2: {  	v17 =	vmul.f32 v20, v19;
	v18 =	vmul.f32 v22, v21;
	v16 =	vadd.f32 v35, v32  }
0x1b3: {  	v4 =	vadd.f32 v5, v4;
	v5 =	vmul.f32 v25, v24;
	v19 =	vmul.f32 v30, v27  }
0x1b4: {  	v8 =	vadd.f32 v9, v8;
	v9 =	vadd.f32 v14, v13;
	v13 =	vperm.xlane v16, v0  }
0x1b5: {  	v14 =	vadd.f32 v18, v17;
	v17 =	vperm.xlane v4, v0;
	v5 =	vadd.f32 v19, v5  }
0x1b6: {  	v18 =	vperm.xlane v9, v0;
	v13 =	vadd.f32 v13, v16;
	v16 =	vperm.xlane v8, v0  }
0x1b7: {  	v4 =	vadd.f32 v17, v4;
	v17 =	vperm.xlane v14, v0;
	v19 =	vperm.xlane v5, v0  }
0x1b8: {  	v7 =	vsel vm0, v23, v7;
	v9 =	vadd.f32 v18, v9;
	v8 =	vadd.f32 v16, v8  }
0x1b9: {  	v10 =	vsel vm0, v10, v15;
	v14 =	vadd.f32 v17, v14;
	v5 =	vadd.f32 v19, v5  }
0x1ba: {  	v15 =	vperm.xlane v10, v1;
	v4 =	vsel vm0, v13, v4;
	v13 =	vperm.xlane v7, v1  }
0x1bb: {  	v8 =	vsel vm0, v8, v9;
	v9 =	vperm.xlane v4, v1;
	v5 =	vsel vm0, v14, v5  }
0x1bc: {  	v7 =	vadd.f32 v13, v7;
	v13 =	vperm.xlane v8, v1;
	v14 =	vperm.xlane v5, v1  }
0x1bd: {  	v10 =	vadd.f32 v15, v10;
	v4 =	vadd.f32 v9, v4  }
0x1be: {  	v6 =	vsel vm1, v6, v11;
	v8 =	vadd.f32 v13, v8;
	v5 =	vadd.f32 v14, v5  }
0x1bf: {  	s9 =	sshll.u32 s16, $0x4;
	v9 =	vperm.xlane v6, v2;
	v4 =	vsel vm1, v10, v4  }
0x1c0: {  	s18 =	sadd.s32 $0x10, s22;
	s10 =	sand.u32 $0xFFFFFF80, s9;
	v7 =	vsel vm1, v12, v7;
	v10 =	vperm.xlane v4, v2;
	v5 =	vsel vm1, v8, v5  }
0x1c1: {  	s16 =	sand.u32 $0x70, s18;
	s10 =	sadd.s32 s17, s10;
	v8 =	vperm.xlane v7, v2;
	v11 =	vperm.xlane v5, v2  }
0x1c2: {  	s10 =	sor.u32 s16, s10;
	v6 =	vadd.f32 v9, v6;
	v4 =	vadd.f32 v10, v4  }
0x1c3: {  	v9 =	vld [tilespmem:s10+$0x0];
	v7 =	vadd.f32 v8, v7;
	v5 =	vadd.f32 v11, v5  }
0x1c4: {  	v8 =	vld [tilespmem:s10+$0x6400]  }
0x1c5: {  	s19 =	sadd.s32 $0x10, s24;
	v6 =	vsel vm2, v6, v7;
	v4 =	vsel vm2, v4, v5  }
0x1c6: {  	v10 =	vld [tilespmem:s19+$0x0];
	v5 =	vperm.xlane v6, v3;
	v7 =	vperm.xlane v4, v3  }
0x1c7: {  	s22 =	sadd.s32 $0x10, s26  }
0x1c8: {  	v5 =	vadd.f32 v5, v6;
	v6 =	vld [tilespmem:s22+$0x0];
	v4 =	vadd.f32 v7, v4  }
0x1c9: {  	vm4 =	vne.s32 v9, $0x0;
	vm5 =	vne.s32 v8, $0x0  }
0x1ca: {  	vm6 =	vmand vm4, vm5;
	v4 =	vsel vm3, v5, v4  }
0x1cb: {  	v5 =	vnsel vm4, $0x0, v10;
	v4 =	vnsel vm6, $0x0, v4  }
0x1cc: {  	v4 =	vadd.f32 v4, v5  }
0x1cd: {  	v5 =	vnsel vm5, $0x0, v6  }
0x1ce: {  	v4 =	vadd.f32 v4, v5;
	_ =	sdelay $0x1  }
0x1cf: {  	v4 =	vsub.f32 $0.0e+00, v4;
	_ =	sdelay $0x1  }
0x1d0: {  	v4 =	vmul.f32 $1.442695020e+00, v4;
	_ =	sdelay $0x1  }
0x1d1: {  	(erf) = vpow2.f32 v4;
	_ =	sdelay $0x8  }
0x1d2: {  	v4 =	vpop (erf)  }
0x1d3: {  	v4 =	vadd.f32 $1.000000000e+00, v4;
	_ =	sdelay $0x1  }
0x1d4: {  	(erf) = vrcp.f32 v4;
	_ =	sdelay $0x6  }
0x1d5: {  	s24 =	sshll.u32 s14, $0xF  }
0x1d6: {  	s9 =	sand.u32 $0x3FFFFF80, s9;
	s10 =	sor.u32 s3, s24  }
0x1d7: {  	s9 =	sor.u32 s16, s9;
	s10 =	sshrl.u32 s10, $0x3;
	v4 =	vpop (erf)  }
0x1d8: {  	p1 =	seq.s32 s14, $0x18;
	s26 =	sadd.s32 s8, s10;
	[tilespmem:s9+$0x14C00] =	vst v4  }
0x1d9: {  	[hbm4b:s26+s12] =	stream.strided.scatter [tilespmem:s25], [sflag:$0x3], $0x200, s13, s12, $0x38;
	[tilespmem:$0x1D400] =	vst v63  }
0x1da: {  	s16 =	simm.s32 @!p1 $0xC800;
	s10 =	simm.s32 @!p1 $0x80;
	s9 =	sadd.s32 @!p1 $0x400, s17  }
0x1db: {  	[tilespmem:s16], [sflag:$0x1] =	stream.indirect.gather @!p1 [hbm4b:s4+s10], $0x20, s9, s10, $0xb8;
	[tilespmem:$0x1D400] =	vst v63  }
0x1dc: {  	s18 =	simm.s32 @!p1 $0x10800;
	s16 =	sadd.s32 @!p1 $0x6800, s17  }
0x1dd: {  	[tilespmem:s18], [sflag:$0x1] =	stream.indirect.gather @!p1 [hbm4b:s5+s10], $0x20, s16, s10, $0xb8;
	[tilespmem:$0x1D400] =	vst v63  }
0x1de: {  	s18 =	simm.s32 @!p1 $0x14800  }
0x1df: {  	[tilespmem:s18], [sflag:$0x1] =	stream.indirect.gather @!p1 [hbm4b:s6+s10], $0x1, s9, s10, $0xb8;
	[tilespmem:$0x1D400] =	vst v63  }
0x1e0: {  	s9 =	simm.s32 @!p1 $0x14A00  }
0x1e1: {  	[tilespmem:s9], [sflag:$0x1] =	stream.indirect.gather @!p1 [hbm4b:s7+s10], $0x1, s16, s10, $0xb8;
	[tilespmem:$0x1D400] =	vst v63  }
0x1e2: {  	s9 =	sadd.s32 @!p1 $0x480, s17;
	s16 =	simm.s32 @!p1 $0xD800  }
0x1e3: {  	[tilespmem:s16], [sflag:$0x1] =	stream.indirect.gather @!p1 [hbm4b:s4+s10], $0x20, s9, s10, $0xb8;
	[tilespmem:$0x1D400] =	vst v63  }
0x1e4: {  	s18 =	simm.s32 @!p1 $0x11800;
	s16 =	sadd.s32 @!p1 $0x6880, s17  }
0x1e5: {  	[tilespmem:s18], [sflag:$0x1] =	stream.indirect.gather @!p1 [hbm4b:s5+s10], $0x20, s16, s10, $0xb8;
	[tilespmem:$0x1D400] =	vst v63  }
0x1e6: {  	s18 =	simm.s32 @!p1 $0x14880  }
0x1e7: {  	[tilespmem:s18], [sflag:$0x1] =	stream.indirect.gather @!p1 [hbm4b:s6+s10], $0x1, s9, s10, $0xb8;
	[tilespmem:$0x1D400] =	vst v63  }
0x1e8: {  	s9 =	simm.s32 @!p1 $0x14A80  }
0x1e9: {  	[tilespmem:s9], [sflag:$0x1] =	stream.indirect.gather @!p1 [hbm4b:s7+s10], $0x1, s16, s10, $0xb8;
	[tilespmem:$0x1D400] =	vst v63  }
0x1ea: {  	s9 =	sadd.s32 @!p1 $0x500, s17;
	s16 =	simm.s32 @!p1 $0xE800  }
0x1eb: {  	[tilespmem:s16], [sflag:$0x1] =	stream.indirect.gather @!p1 [hbm4b:s4+s10], $0x20, s9, s10, $0xb8;
	[tilespmem:$0x1D400] =	vst v63  }
0x1ec: {  	s18 =	simm.s32 @!p1 $0x12800;
	s16 =	sadd.s32 @!p1 $0x6900, s17  }
0x1ed: {  	[tilespmem:s18], [sflag:$0x1] =	stream.indirect.gather @!p1 [hbm4b:s5+s10], $0x20, s16, s10, $0xb8;
	[tilespmem:$0x1D400] =	vst v63  }
0x1ee: {  	s18 =	simm.s32 @!p1 $0x14900  }
0x1ef: {  	[tilespmem:s18], [sflag:$0x1] =	stream.indirect.gather @!p1 [hbm4b:s6+s10], $0x1, s9, s10, $0xb8;
	[tilespmem:$0x1D400] =	vst v63  }
0x1f0: {  	s9 =	simm.s32 @!p1 $0x14B00  }
0x1f1: {  	[tilespmem:s9], [sflag:$0x1] =	stream.indirect.gather @!p1 [hbm4b:s7+s10], $0x1, s16, s10, $0xb8;
	[tilespmem:$0x1D400] =	vst v63  }
0x1f2: {  	s9 =	sadd.s32 @!p1 $0x580, s17;
	s16 =	simm.s32 @!p1 $0xF800  }
0x1f3: {  	[tilespmem:s16], [sflag:$0x1] =	stream.indirect.gather @!p1 [hbm4b:s4+s10], $0x20, s9, s10, $0xb8;
	[tilespmem:$0x1D400] =	vst v63  }
0x1f4: {  	s18 =	simm.s32 @!p1 $0x13800;
	s16 =	sadd.s32 @!p1 $0x6980, s17  }
0x1f5: {  	[tilespmem:s18], [sflag:$0x1] =	stream.indirect.gather @!p1 [hbm4b:s5+s10], $0x20, s16, s10, $0xb8;
	[tilespmem:$0x1D400] =	vst v63  }
0x1f6: {  	s18 =	simm.s32 @!p1 $0x14980  }
0x1f7: {  	[tilespmem:s18], [sflag:$0x1] =	stream.indirect.gather @!p1 [hbm4b:s6+s10], $0x1, s9, s10, $0xb8;
	[tilespmem:$0x1D400] =	vst v63  }
0x1f8: {  	s9 =	simm.s32 @!p1 $0x14B80  }
0x1f9: {  	[tilespmem:s9], [sflag:$0x1] =	stream.indirect.gather @!p1 [hbm4b:s7+s10], $0x1, s16, s10, $0xb8;
	[tilespmem:$0x1D400] =	vst v63  }
0x1fa: {  	_ =	swait.ge [sflag:s1], $0x1000  }
0x1fb: {  	[sflag:s1] =	ssyncset.done $0x0  }
0x1fc: {  	[sflag:s1] =	ssyncadd.s32 $0xFFFFF000  }
0x1fd: {  	_ =	swait.ge [sflag:s1], $0x1000  }
0x1fe: {  	[sflag:s1] =	ssyncset.done $0x0  }
0x1ff: {  	[sflag:s1] =	ssyncadd.s32 $0xFFFFF000  }
0x200: {  	_ =	swait.ge [sflag:s1], $0x80  }
0x201: {  	[sflag:s1] =	ssyncset.done $0x0  }
0x202: {  	[sflag:s1] =	ssyncadd.s32 $0xFFFFFF80  }
0x203: {  	_ =	swait.ge [sflag:s1], $0x80  }
0x204: {  	[sflag:s1] =	ssyncset.done $0x0  }
0x205: {  	[sflag:s1] =	ssyncadd.s32 $0xFFFFFF80  }
0x206: {  	_ =	swait.ge [sflag:s1], $0x1000  }
0x207: {  	[sflag:s1] =	ssyncset.done $0x0  }
0x208: {  	[sflag:s1] =	ssyncadd.s32 $0xFFFFF000  }
0x209: {  	_ =	swait.ge [sflag:s1], $0x1000  }
0x20a: {  	[sflag:s1] =	ssyncset.done $0x0  }
0x20b: {  	[sflag:s1] =	ssyncadd.s32 $0xFFFFF000  }
0x20c: {  	_ =	swait.ge [sflag:s1], $0x80  }
0x20d: {  	[sflag:s1] =	ssyncset.done $0x0  }
0x20e: {  	[sflag:s1] =	ssyncadd.s32 $0xFFFFFF80  }
0x20f: {  	_ =	swait.ge [sflag:s1], $0x80  }
0x210: {  	[sflag:s1] =	ssyncset.done $0x0  }
0x211: {  	[sflag:s1] =	ssyncadd.s32 $0xFFFFFF80  }
0x212: {  	_ =	swait.ge [sflag:s1], $0x1000  }
0x213: {  	[sflag:s1] =	ssyncset.done $0x0  }
0x214: {  	[sflag:s1] =	ssyncadd.s32 $0xFFFFF000  }
0x215: {  	_ =	swait.ge [sflag:s1], $0x1000  }
0x216: {  	[sflag:s1] =	ssyncset.done $0x0  }
0x217: {  	[sflag:s1] =	ssyncadd.s32 $0xFFFFF000  }
0x218: {  	_ =	swait.ge [sflag:s1], $0x80  }
0x219: {  	[sflag:s1] =	ssyncset.done $0x0  }
0x21a: {  	[sflag:s1] =	ssyncadd.s32 $0xFFFFFF80  }
0x21b: {  	_ =	swait.ge [sflag:s1], $0x80  }
0x21c: {  	[sflag:s1] =	ssyncset.done $0x0  }
0x21d: {  	[sflag:s1] =	ssyncadd.s32 $0xFFFFFF80  }
0x21e: {  	_ =	swait.ge [sflag:s1], $0x1000  }
0x21f: {  	[sflag:s1] =	ssyncset.done $0x0  }
0x220: {  	[sflag:s1] =	ssyncadd.s32 $0xFFFFF000  }
0x221: {  	_ =	swait.ge [sflag:s1], $0x1000  }
0x222: {  	[sflag:s1] =	ssyncset.done $0x0  }
0x223: {  	[sflag:s1] =	ssyncadd.s32 $0xFFFFF000  }
0x224: {  	_ =	swait.ge [sflag:s1], $0x80  }
0x225: {  	[sflag:s1] =	ssyncset.done $0x0  }
0x226: {  	[sflag:s1] =	ssyncadd.s32 $0xFFFFFF80  }
0x227: {  	_ =	swait.ge [sflag:s1], $0x80  }
0x228: {  	[sflag:s1] =	ssyncset.done $0x0  }
0x229: {  	s9 =	simm.s32 @!p0 $0x4;
	[sflag:s1] =	ssyncadd.s32 $0xFFFFFF80  }
0x22a: {  	_ =	swait.ge @!p0 [sflag:s9], $0x200  }
0x22b: {  	[sflag:s9] =	ssyncset.done @!p0 $0x0  }
0x22c: {  	s10 =	simm.s32 $0x18F00;
	[sflag:s9] =	ssyncadd.s32 @!p0 $0xFFFFFE00  }
0x22d: {  	s11 =	simm.s32 $0x14F00;
	v4 =	vld [tilespmem:s10+$0xFFFFFF00]  }
0x22e: {  	v5 =	vld [tilespmem:s11+$0xFFFFFF00]  }
0x22f: {  	v6 =	vld [tilespmem:s11+$0xFFFFFF10]  }
0x230: {  	v7 =	vld [tilespmem:s10+$0xFFFFFF10]  }
0x231: {  	v8 =	vld [tilespmem:s11+$0xFFFFFF20]  }
0x232: {  	v9 =	vld [tilespmem:s10+$0xFFFFFF20]  }
0x233: {  	v10 =	vld [tilespmem:s11+$0xFFFFFF30]  }
0x234: {  	v11 =	vld [tilespmem:s10+$0xFFFFFF30]  }
0x235: {  	v12 =	vld [tilespmem:s11+$0xFFFFFF40]  }
0x236: {  	v13 =	vld [tilespmem:s10+$0xFFFFFF40]  }
0x237: {  	v14 =	vld [tilespmem:s11+$0xFFFFFF50]  }
0x238: {  	v15 =	vld [tilespmem:s10+$0xFFFFFF50]  }
0x239: {  	v16 =	vld [tilespmem:s11+$0xFFFFFF60]  }
0x23a: {  	v17 =	vld [tilespmem:s10+$0xFFFFFF60]  }
0x23b: {  	v18 =	vld [tilespmem:s11+$0xFFFFFF70]  }
0x23c: {  	v19 =	vld [tilespmem:s10+$0xFFFFFF70]  }
0x23d: {  	v20 =	vld [tilespmem:s11+$0xFFFFFF80]  }
0x23e: {  	v21 =	vld [tilespmem:s10+$0xFFFFFF80]  }
0x23f: {  	v22 =	vld [tilespmem:s11+$0xFFFFFF90]  }
0x240: {  	v23 =	vld [tilespmem:s10+$0xFFFFFF90]  }
0x241: {  	v24 =	vld [tilespmem:s11+$0xFFFFFFA0]  }
0x242: {  	v25 =	vld [tilespmem:s10+$0xFFFFFFA0]  }
0x243: {  	v26 =	vld [tilespmem:s11+$0xFFFFFFB0]  }
0x244: {  	v27 =	vld [tilespmem:s10+$0xFFFFFFB0]  }
0x245: {  	v28 =	vld [tilespmem:s11+$0xFFFFFFC0]  }
0x246: {  	v29 =	vld [tilespmem:s10+$0xFFFFFFC0]  }
0x247: {  	v30 =	vld [tilespmem:s11+$0xFFFFFFD0]  }
0x248: {  	v31 =	vld [tilespmem:s10+$0xFFFFFFD0]  }
0x249: {  	v51 =	vld [tilespmem:s11+$0xFFFFFFE0]  }
0x24a: {  	v52 =	vld [tilespmem:s10+$0xFFFFFFE0]  }
0x24b: {  	v53 =	vld [tilespmem:s11+$0xFFFFFFF0]  }
0x24c: {  	v54 =	vld [tilespmem:s10+$0xFFFFFFF0]  }
0x24d: {  	v36 =	vld [tilespmem:s11+$0x0]  }
0x24e: {  	v37 =	vld [tilespmem:s10+$0x0]  }
0x24f: {  	v38 =	vld [tilespmem:s11+$0x10]  }
0x250: {  	v39 =	vld [tilespmem:s10+$0x10]  }
0x251: {  	v40 =	vld [tilespmem:s11+$0x20]  }
0x252: {  	v41 =	vld [tilespmem:s10+$0x20]  }
0x253: {  	v42 =	vld [tilespmem:s11+$0x30]  }
0x254: {  	v43 =	vld [tilespmem:s10+$0x30]  }
0x255: {  	v44 =	vld [tilespmem:s11+$0x40]  }
0x256: {  	v56 =	vld [tilespmem:s10+$0xC0]  }
0x257: {  	v58 =	vld [tilespmem:s11+$0xD0]  }
0x258: {  	v4 =	vmul.f32 v4, v5;
	v5 =	vmul.f32 v7, v6;
	v6 =	vld [tilespmem:s10+$0x40]  }
0x259: {  	v7 =	vmul.f32 v9, v8;
	v8 =	vmul.f32 v11, v10;
	v9 =	vld [tilespmem:s11+$0x50]  }
0x25a: {  	v10 =	vmul.f32 v15, v14;
	v11 =	vld [tilespmem:s10+$0x50];
	v55 =	vmul.f32 v39, v38  }
0x25b: {  	v57 =	vmul.f32 v43, v42;
	v4 =	vadd.f32 v5, v4;
	v5 =	vmul.f32 v13, v12;
	v13 =	vld [tilespmem:s11+$0x60]  }
0x25c: {  	v7 =	vadd.f32 v8, v7;
	v8 =	vmul.f32 v17, v16;
	v12 =	vmul.f32 v19, v18;
	v16 =	vld [tilespmem:s10+$0x70]  }
0x25d: {  	v18 =	vld [tilespmem:s11+$0x80];
	v19 =	vmul.f32 v23, v22;
	v5 =	vadd.f32 v10, v5;
	v14 =	vperm.xlane v4, v0  }
0x25e: {  	v22 =	vld [tilespmem:s11+$0x90];
	v8 =	vadd.f32 v12, v8;
	v15 =	vperm.xlane v7, v0;
	v6 =	vmul.f32 v6, v44  }
0x25f: {  	v23 =	vld [tilespmem:s11+$0xB0];
	v9 =	vmul.f32 v11, v9;
	v17 =	vperm.xlane v5, v0;
	v4 =	vadd.f32 v14, v4  }
0x260: {  	v10 =	vld [tilespmem:s10+$0x60];
	v7 =	vadd.f32 v15, v7;
	v14 =	vperm.xlane v8, v0;
	v15 =	vmul.f32 v21, v20  }
0x261: {  	v12 =	vld [tilespmem:s11+$0x70];
	v21 =	vmul.f32 v27, v26;
	v26 =	vmul.f32 v29, v28  }
0x262: {  	v11 =	vld [tilespmem:s10+$0xF0];
	v27 =	vmul.f32 v31, v30;
	v29 =	vmul.f32 v52, v51  }
0x263: {  	v20 =	vld [tilespmem:s10+$0x80];
	v30 =	vmul.f32 v54, v53;
	v6 =	vadd.f32 v9, v6;
	v5 =	vadd.f32 v17, v5  }
0x264: {  	v31 =	vld [tilespmem:s11+$0xC0];
	v17 =	vmul.f32 v25, v24;
	v8 =	vadd.f32 v14, v8;
	v4 =	vsel vm0, v4, v7  }
0x265: {  	v28 =	vld [tilespmem:s10+$0xB0];
	v7 =	vadd.f32 v19, v15;
	v19 =	vperm.xlane v4, v1;
	v10 =	vmul.f32 v10, v13  }
0x266: {  	v14 =	vld [tilespmem:s10+$0x90];
	v12 =	vmul.f32 v16, v12;
	v15 =	vadd.f32 v21, v17;
	v5 =	vsel vm0, v5, v8  }
0x267: {  	v17 =	vld [tilespmem:s11+$0xA0];
	v24 =	vperm.xlane v7, v0;
	v21 =	vperm.xlane v5, v1;
	v4 =	vadd.f32 v19, v4  }
0x268: {  	v8 =	vld [tilespmem:s10+$0xA0];
	v19 =	vadd.f32 v27, v26;
	v26 =	vadd.f32 v30, v29;
	v25 =	vperm.xlane v15, v0  }
0x269: {  	v27 =	vld [tilespmem:s10+$0xD0];
	v16 =	vmul.f32 v20, v18;
	v9 =	vmul.f32 v56, v31;
	v7 =	vadd.f32 v24, v7  }
0x26a: {  	v30 =	vld [tilespmem:s10+$0xE0];
	v24 =	vmul.f32 v37, v36;
	v15 =	vadd.f32 v25, v15;
	v25 =	vmul.f32 v41, v40  }
0x26b: {  	v59 =	vperm.xlane v19, v0;
	v5 =	vadd.f32 v21, v5;
	v21 =	vld [tilespmem:s11+$0xF0];
	v14 =	vmul.f32 v14, v22  }
0x26c: {  	v7 =	vsel vm0, v7, v15;
	v15 =	vadd.f32 v55, v24;
	v24 =	vadd.f32 v57, v25;
	v25 =	vld [tilespmem:s11+$0xE0]  }
0x26d: {  	v10 =	vadd.f32 v12, v10;
	v60 =	vperm.xlane v26, v0;
	v19 =	vadd.f32 v59, v19  }
0x26e: {  	v8 =	vmul.f32 v8, v17;
	v14 =	vadd.f32 v14, v16;
	v16 =	vperm.xlane v6, v0  }
0x26f: {  	v13 =	vadd.f32 v60, v26;
	v17 =	vmul.f32 v28, v23;
	v20 =	vmul.f32 v27, v58  }
0x270: {  	v29 =	vperm.xlane v7, v1;
	v6 =	vadd.f32 v16, v6;
	v16 =	vperm.xlane v14, v0  }
0x271: {  	v8 =	vadd.f32 v17, v8;
	v11 =	vmul.f32 v11, v21;
	v12 =	vmul.f32 v30, v25  }
0x272: {  	v61 =	vperm.xlane v15, v0;
	v62 =	vperm.xlane v24, v0;
	v9 =	vadd.f32 v20, v9  }
0x273: {  	v7 =	vadd.f32 v29, v7;
	v11 =	vadd.f32 v11, v12;
	v12 =	vperm.xlane v10, v0  }
0x274: {  	v17 =	vperm.xlane v8, v0;
	v15 =	vadd.f32 v61, v15;
	v18 =	vadd.f32 v62, v24  }
0x275: {  	v10 =	vadd.f32 v12, v10;
	v12 =	vperm.xlane v9, v0;
	v20 =	vperm.xlane v11, v0  }
0x276: {  	v13 =	vsel vm0, v19, v13;
	v14 =	vadd.f32 v16, v14;
	v8 =	vadd.f32 v17, v8  }
0x277: {  	v15 =	vsel vm0, v15, v18;
	v9 =	vadd.f32 v12, v9;
	v11 =	vadd.f32 v20, v11  }
0x278: {  	v8 =	vsel vm0, v14, v8;
	v6 =	vsel vm0, v6, v10;
	v10 =	vperm.xlane v13, v1  }
0x279: {  	v12 =	vperm.xlane v15, v1;
	v9 =	vsel vm0, v9, v11;
	v11 =	vperm.xlane v6, v1  }
0x27a: {  	v10 =	vadd.f32 v10, v13;
	v13 =	vperm.xlane v8, v1;
	v14 =	vperm.xlane v9, v1  }
0x27b: {  	v12 =	vadd.f32 v12, v15;
	v6 =	vadd.f32 v11, v6  }
0x27c: {  	v4 =	vsel vm1, v4, v5;
	v5 =	vadd.f32 v13, v8;
	v8 =	vadd.f32 v14, v9  }
0x27d: {  	s2 =	sor.u32 $0x1, s2;
	s16 =	simm.s32 $0x0;
	v7 =	vsel vm1, v7, v10;
	v9 =	vperm.xlane v4, v2  }
0x27e: {  	s24 =	simm.s32 $0x0;
	s22 =	sshll.u32 s2, $0x9;
	s18 =	sand.u32 $0xFFFFFF80, s16;
	v6 =	vsel vm1, v12, v6;
	v5 =	vsel vm1, v5, v8;
	v8 =	vperm.xlane v7, v2  }
0x27f: {  	s19 =	sand.u32 $0x70, s24;
	s10 =	sadd.s32 s22, s18;
	v10 =	vperm.xlane v6, v2;
	v11 =	vperm.xlane v5, v2  }
0x280: {  	s10 =	sor.u32 s19, s10;
	v4 =	vadd.f32 v9, v4;
	v7 =	vadd.f32 v8, v7  }
0x281: {  	v9 =	vld [tilespmem:s10+$0x0];
	v6 =	vadd.f32 v10, v6;
	v5 =	vadd.f32 v11, v5  }
0x282: {  	v8 =	vld [tilespmem:s10+$0x6400]  }
0x283: {  	s26 =	simm.s32 $0x1CE00;
	v4 =	vsel vm2, v4, v7;
	v5 =	vsel vm2, v6, v5  }
0x284: {  	v10 =	vld [tilespmem:s26+$0x0];
	v6 =	vperm.xlane v4, v3;
	v7 =	vperm.xlane v5, v3  }
0x285: {  	s29 =	simm.s32 $0x1D000  }
0x286: {  	v4 =	vadd.f32 v6, v4;
	v6 =	vld [tilespmem:s29+$0x0];
	v5 =	vadd.f32 v7, v5  }
0x287: {  	vm4 =	vne.s32 v9, $0x0;
	vm5 =	vne.s32 v8, $0x0  }
0x288: {  	vm15 =	vmand vm4, vm5;
	v4 =	vsel vm3, v4, v5  }
0x289: {  	v5 =	vnsel vm4, $0x0, v10;
	v4 =	vnsel vm15, $0x0, v4  }
0x28a: {  	v4 =	vadd.f32 v4, v5  }
0x28b: {  	v5 =	vnsel vm5, $0x0, v6  }
0x28c: {  	v4 =	vadd.f32 v4, v5;
	_ =	sdelay $0x1  }
0x28d: {  	v4 =	vsub.f32 $0.0e+00, v4;
	_ =	sdelay $0x1  }
0x28e: {  	v4 =	vmul.f32 $1.442695020e+00, v4;
	_ =	sdelay $0x1  }
0x28f: {  	(erf) = vpow2.f32 v4;
	_ =	sdelay $0x8  }
0x290: {  	v4 =	vpop (erf)  }
0x291: {  	v4 =	vadd.f32 $1.000000000e+00, v4;
	_ =	sdelay $0x1  }
0x292: {  	(erf) = vrcp.f32 v4;
	_ =	sdelay $0x7  }
0x293: {  	s9 =	sand.u32 $0x3FFFFF80, s16  }
0x294: {  	s9 =	sor.u32 s19, s9;
	v4 =	vpop (erf)  }
0x295: {  	s31 =	simm.s32 $0x19100;
	[tilespmem:s9+$0x1D200] =	vst v4  }
0x296: {  	s16 =	simm.s32 $0x15100;
	v4 =	vld [tilespmem:s31+$0xFFFFFF00]  }
0x297: {  	v5 =	vld [tilespmem:s16+$0xFFFFFF00]  }
0x298: {  	v6 =	vld [tilespmem:s16+$0xFFFFFF10]  }
0x299: {  	v7 =	vld [tilespmem:s31+$0xFFFFFF10]  }
0x29a: {  	v8 =	vld [tilespmem:s16+$0xFFFFFF20]  }
0x29b: {  	v9 =	vld [tilespmem:s31+$0xFFFFFF20]  }
0x29c: {  	v10 =	vld [tilespmem:s16+$0xFFFFFF30]  }
0x29d: {  	v11 =	vld [tilespmem:s31+$0xFFFFFF30]  }
0x29e: {  	v12 =	vld [tilespmem:s16+$0xFFFFFF40]  }
0x29f: {  	v13 =	vld [tilespmem:s31+$0xFFFFFF40]  }
0x2a0: {  	v14 =	vld [tilespmem:s16+$0xFFFFFF50]  }
0x2a1: {  	v15 =	vld [tilespmem:s31+$0xFFFFFF50]  }
0x2a2: {  	v16 =	vld [tilespmem:s16+$0xFFFFFF60]  }
0x2a3: {  	v17 =	vld [tilespmem:s31+$0xFFFFFF60]  }
0x2a4: {  	v18 =	vld [tilespmem:s16+$0xFFFFFF70]  }
0x2a5: {  	v19 =	vld [tilespmem:s31+$0xFFFFFF70]  }
0x2a6: {  	v20 =	vld [tilespmem:s16+$0xFFFFFF80]  }
0x2a7: {  	v21 =	vld [tilespmem:s31+$0xFFFFFF80]  }
0x2a8: {  	v22 =	vld [tilespmem:s16+$0xFFFFFF90]  }
0x2a9: {  	v23 =	vld [tilespmem:s31+$0xFFFFFF90]  }
0x2aa: {  	v24 =	vld [tilespmem:s16+$0xFFFFFFA0]  }
0x2ab: {  	v25 =	vld [tilespmem:s31+$0xFFFFFFA0]  }
0x2ac: {  	v26 =	vld [tilespmem:s16+$0xFFFFFFB0]  }
0x2ad: {  	v27 =	vld [tilespmem:s31+$0xFFFFFFB0]  }
0x2ae: {  	v28 =	vld [tilespmem:s16+$0xFFFFFFC0]  }
0x2af: {  	v29 =	vld [tilespmem:s31+$0xFFFFFFC0]  }
0x2b0: {  	v30 =	vld [tilespmem:s16+$0xFFFFFFD0]  }
0x2b1: {  	v31 =	vld [tilespmem:s31+$0xFFFFFFD0]  }
0x2b2: {  	v63 =	vld [tilespmem:s16+$0xFFFFFFE0]  }
0x2b3: {  	v48 =	vld [tilespmem:s31+$0xFFFFFFE0]  }
0x2b4: {  	v49 =	vld [tilespmem:s16+$0xFFFFFFF0]  }
0x2b5: {  	v50 =	vld [tilespmem:s31+$0xFFFFFFF0]  }
0x2b6: {  	v51 =	vld [tilespmem:s16+$0x0]  }
0x2b7: {  	v52 =	vld [tilespmem:s31+$0x0]  }
0x2b8: {  	v53 =	vld [tilespmem:s16+$0x10]  }
0x2b9: {  	v54 =	vld [tilespmem:s31+$0x10]  }
0x2ba: {  	v55 =	vld [tilespmem:s16+$0x20]  }
0x2bb: {  	v56 =	vld [tilespmem:s31+$0x20]  }
0x2bc: {  	v57 =	vld [tilespmem:s16+$0x30]  }
0x2bd: {  	v58 =	vld [tilespmem:s31+$0x30]  }
0x2be: {  	v59 =	vld [tilespmem:s16+$0x40]  }
0x2bf: {  	v45 =	vld [tilespmem:s31+$0x40];
	v4 =	vmul.f32 v4, v5;
	v5 =	vmul.f32 v7, v6  }
0x2c0: {  	v46 =	vld [tilespmem:s16+$0x50];
	v6 =	vmul.f32 v9, v8;
	v7 =	vmul.f32 v11, v10  }
0x2c1: {  	v47 =	vld [tilespmem:s31+$0x50];
	v8 =	vmul.f32 v15, v14;
	v10 =	vadd.f32 v5, v4;
	v5 =	vmul.f32 v13, v12  }
0x2c2: {  	v9 =	vmul.f32 v19, v18;
	v6 =	vadd.f32 v7, v6;
	v7 =	vmul.f32 v17, v16;
	v4 =	vld [tilespmem:s16+$0x60]  }
0x2c3: {  	v11 =	vadd.f32 v8, v5;
	v5 =	vld [tilespmem:s31+$0x60]  }
0x2c4: {  	v12 =	vadd.f32 v9, v7;
	v7 =	vld [tilespmem:s16+$0x70]  }
0x2c5: {  	v18 =	vmul.f32 v23, v22;
	v17 =	vmul.f32 v21, v20;
	v8 =	vld [tilespmem:s31+$0x70]  }
0x2c6: {  	v19 =	vmul.f32 v27, v26;
	v9 =	vld [tilespmem:s16+$0x80]  }
0x2c7: {  	v13 =	vperm.xlane v10, v0;
	v14 =	vperm.xlane v6, v0;
	v20 =	vadd.f32 v18, v17;
	v17 =	vld [tilespmem:s16+$0xB0]  }
0x2c8: {  	v26 =	vmul.f32 v31, v30;
	v18 =	vld [tilespmem:s31+$0xB0];
	v15 =	vperm.xlane v11, v0  }
0x2c9: {  	v16 =	vadd.f32 v13, v10;
	v6 =	vadd.f32 v14, v6;
	v14 =	vperm.xlane v12, v0;
	v10 =	vld [tilespmem:s31+$0x80]  }
0x2ca: {  	v27 =	vmul.f32 v48, v63;
	v13 =	vld [tilespmem:s16+$0x90];
	v11 =	vadd.f32 v15, v11;
	v15 =	vmul.f32 v25, v24  }
0x2cb: {  	v30 =	vmul.f32 v52, v51;
	v22 =	vperm.xlane v20, v0;
	v12 =	vadd.f32 v14, v12;
	v14 =	vld [tilespmem:s31+$0x90]  }
0x2cc: {  	v31 =	vmul.f32 v54, v53;
	v6 =	vsel vm0, v16, v6;
	v16 =	vld [tilespmem:s31+$0xA0];
	v21 =	vadd.f32 v19, v15  }
0x2cd: {  	v60 =	vmul.f32 v56, v55;
	v25 =	vmul.f32 v29, v28;
	v29 =	vadd.f32 v22, v20;
	v20 =	vld [tilespmem:s31+$0xC0]  }
0x2ce: {  	v61 =	vmul.f32 v58, v57;
	v22 =	vld [tilespmem:s31+$0xD0];
	v24 =	vperm.xlane v21, v0  }
0x2cf: {  	v32 =	vmul.f32 v45, v59;
	v28 =	vmul.f32 v50, v49;
	v15 =	vld [tilespmem:s16+$0xA0];
	v11 =	vsel vm0, v11, v12  }
0x2d0: {  	v12 =	vperm.xlane v6, v1;
	v19 =	vld [tilespmem:s16+$0xC0];
	v62 =	vadd.f32 v26, v25;
	v24 =	vadd.f32 v24, v21  }
0x2d1: {  	v35 =	vmul.f32 v47, v46;
	v28 =	vadd.f32 v28, v27;
	v25 =	vld [tilespmem:s31+$0xE0];
	v23 =	vperm.xlane v11, v1  }
0x2d2: {  	v27 =	vld [tilespmem:s16+$0xF0];
	v6 =	vadd.f32 v12, v6;
	v63 =	vperm.xlane v62, v0;
	v12 =	vsel vm0, v29, v24  }
0x2d3: {  	v26 =	vadd.f32 v61, v60;
	v21 =	vld [tilespmem:s16+$0xD0];
	v29 =	vadd.f32 v31, v30;
	v30 =	vperm.xlane v12, v1  }
0x2d4: {  	v33 =	vperm.xlane v28, v0;
	v11 =	vadd.f32 v23, v11;
	v23 =	vadd.f32 v63, v62;
	v24 =	vld [tilespmem:s16+$0xE0]  }
0x2d5: {  	s18 =	simm.s32 $0x1;
	s19 =	simm.s32 $0x2;
	v31 =	vperm.xlane v26, v0;
	v34 =	vperm.xlane v29, v0;
	v12 =	vadd.f32 v30, v12;
	v30 =	vld [tilespmem:s31+$0xF0]  }
.LBB2_5:
0x2d6: {  	p0 =	sne.s32 s19, $0x1F;
	v4 =	vmul.f32 v5, v4;
	v5 =	vmul.f32 v8, v7;
	v7 =	vadd.f32 v33, v28  }
0x2d7: {  	v8 =	vmul.f32 v10, v9;
	v9 =	vmul.f32 v14, v13;
	v10 =	vadd.f32 v34, v29  }
0x2d8: {  	v13 =	vmul.f32 v16, v15;
	v14 =	vmul.f32 v18, v17;
	v15 =	vadd.f32 v31, v26  }
0x2d9: {  	v17 =	vmul.f32 v20, v19;
	v18 =	vmul.f32 v22, v21;
	v16 =	vadd.f32 v35, v32  }
0x2da: {  	v4 =	vadd.f32 v5, v4;
	v5 =	vmul.f32 v25, v24;
	v19 =	vmul.f32 v30, v27  }
0x2db: {  	v8 =	vadd.f32 v9, v8;
	v9 =	vadd.f32 v14, v13;
	v13 =	vperm.xlane v16, v0  }
0x2dc: {  	v14 =	vadd.f32 v18, v17;
	v17 =	vperm.xlane v4, v0;
	v5 =	vadd.f32 v19, v5  }
0x2dd: {  	v18 =	vperm.xlane v9, v0;
	v13 =	vadd.f32 v13, v16;
	v16 =	vperm.xlane v8, v0  }
0x2de: {  	v4 =	vadd.f32 v17, v4;
	v17 =	vperm.xlane v14, v0;
	v19 =	vperm.xlane v5, v0  }
0x2df: {  	v7 =	vsel vm0, v23, v7;
	v9 =	vadd.f32 v18, v9;
	v8 =	vadd.f32 v16, v8  }
0x2e0: {  	v10 =	vsel vm0, v10, v15;
	v14 =	vadd.f32 v17, v14;
	v5 =	vadd.f32 v19, v5  }
0x2e1: {  	v15 =	vperm.xlane v10, v1;
	v4 =	vsel vm0, v13, v4;
	v13 =	vperm.xlane v7, v1  }
0x2e2: {  	v8 =	vsel vm0, v8, v9;
	v9 =	vperm.xlane v4, v1;
	v5 =	vsel vm0, v14, v5  }
0x2e3: {  	v7 =	vadd.f32 v13, v7;
	v13 =	vperm.xlane v8, v1;
	v14 =	vperm.xlane v5, v1  }
0x2e4: {  	v10 =	vadd.f32 v15, v10;
	v4 =	vadd.f32 v9, v4  }
0x2e5: {  	v6 =	vsel vm1, v6, v11;
	v8 =	vadd.f32 v13, v8;
	v5 =	vadd.f32 v14, v5  }
0x2e6: {  	s9 =	sshll.u32 s18, $0x4;
	s18 =	smov.u32 s19;
	v9 =	vperm.xlane v6, v2;
	v7 =	vsel vm1, v12, v7  }
0x2e7: {  	s24 =	sadd.s32 $0x10, s24;
	s11 =	sand.u32 $0xFFFFFF80, s9;
	v4 =	vsel vm1, v10, v4;
	v5 =	vsel vm1, v8, v5;
	v8 =	vperm.xlane v7, v2  }
0x2e8: {  	s10 =	sand.u32 $0x70, s24;
	s11 =	sadd.s32 s22, s11;
	v10 =	vperm.xlane v4, v2;
	v11 =	vperm.xlane v5, v2  }
0x2e9: {  	s11 =	sor.u32 s10, s11;
	v6 =	vadd.f32 v9, v6;
	v7 =	vadd.f32 v8, v7  }
0x2ea: {  	v4 =	vadd.f32 v10, v4;
	v5 =	vadd.f32 v11, v5;
	v8 =	vld [tilespmem:s11+$0x6400]  }
0x2eb: {  	v9 =	vld [tilespmem:s11+$0x0]  }
0x2ec: {  	s26 =	sadd.s32 $0x10, s26;
	v6 =	vsel vm2, v6, v7;
	v4 =	vsel vm2, v4, v5  }
0x2ed: {  	v5 =	vperm.xlane v6, v3;
	v7 =	vperm.xlane v4, v3;
	v10 =	vld [tilespmem:s26+$0x0]  }
0x2ee: {  	s29 =	sadd.s32 $0x10, s29  }
0x2ef: {  	v5 =	vadd.f32 v5, v6;
	v4 =	vadd.f32 v7, v4;
	v6 =	vld [tilespmem:s29+$0x0]  }
0x2f0: {  	vm5 =	vne.s32 v8, $0x0;
	vm4 =	vne.s32 v9, $0x0  }
0x2f1: {  	v4 =	vsel vm3, v5, v4;
	vm6 =	vmand vm4, vm5  }
0x2f2: {  	v4 =	vnsel vm6, $0x0, v4;
	v5 =	vnsel vm4, $0x0, v10  }
0x2f3: {  	v4 =	vadd.f32 v4, v5  }
0x2f4: {  	v5 =	vnsel vm5, $0x0, v6  }
0x2f5: {  	v4 =	vadd.f32 v4, v5;
	_ =	sdelay $0x1  }
0x2f6: {  	v4 =	vsub.f32 $0.0e+00, v4;
	_ =	sdelay $0x1  }
0x2f7: {  	v4 =	vmul.f32 $1.442695020e+00, v4;
	_ =	sdelay $0x1  }
0x2f8: {  	(erf) = vpow2.f32 v4;
	_ =	sdelay $0x8  }
0x2f9: {  	v4 =	vpop (erf)  }
0x2fa: {  	v4 =	vadd.f32 $1.000000000e+00, v4;
	_ =	sdelay $0x1  }
0x2fb: {  	(erf) = vrcp.f32 v4;
	_ =	sdelay $0x7  }
0x2fc: {  	s9 =	sand.u32 $0x3FFFFF80, s9  }
0x2fd: {  	s9 =	sor.u32 s10, s9;
	v4 =	vpop (erf)  }
0x2fe: {  	s31 =	sadd.s32 $0x200, s31;
	[tilespmem:s9+$0x1D200] =	vst v4  }
0x2ff: {  	s16 =	sadd.s32 $0x200, s16;
	v4 =	vld [tilespmem:s31+$0xFFFFFF00]  }
0x300: {  	v5 =	vld [tilespmem:s16+$0xFFFFFF00]  }
0x301: {  	v6 =	vld [tilespmem:s16+$0xFFFFFF10]  }
0x302: {  	v7 =	vld [tilespmem:s31+$0xFFFFFF10]  }
0x303: {  	v8 =	vld [tilespmem:s16+$0xFFFFFF20]  }
0x304: {  	v9 =	vld [tilespmem:s31+$0xFFFFFF20]  }
0x305: {  	v10 =	vld [tilespmem:s16+$0xFFFFFF30]  }
0x306: {  	v11 =	vld [tilespmem:s31+$0xFFFFFF30]  }
0x307: {  	v12 =	vld [tilespmem:s16+$0xFFFFFF40]  }
0x308: {  	v13 =	vld [tilespmem:s31+$0xFFFFFF40]  }
0x309: {  	v14 =	vld [tilespmem:s16+$0xFFFFFF50]  }
0x30a: {  	v15 =	vld [tilespmem:s31+$0xFFFFFF50]  }
0x30b: {  	v16 =	vld [tilespmem:s16+$0xFFFFFF60]  }
0x30c: {  	v17 =	vld [tilespmem:s31+$0xFFFFFF60]  }
0x30d: {  	v18 =	vld [tilespmem:s16+$0xFFFFFF70]  }
0x30e: {  	v19 =	vld [tilespmem:s31+$0xFFFFFF70]  }
0x30f: {  	v20 =	vld [tilespmem:s16+$0xFFFFFF80]  }
0x310: {  	v21 =	vld [tilespmem:s31+$0xFFFFFF80]  }
0x311: {  	v22 =	vld [tilespmem:s16+$0xFFFFFF90]  }
0x312: {  	v23 =	vld [tilespmem:s31+$0xFFFFFF90]  }
0x313: {  	v24 =	vld [tilespmem:s16+$0xFFFFFFA0]  }
0x314: {  	v25 =	vld [tilespmem:s31+$0xFFFFFFA0]  }
0x315: {  	v26 =	vld [tilespmem:s16+$0xFFFFFFB0]  }
0x316: {  	v27 =	vld [tilespmem:s31+$0xFFFFFFB0]  }
0x317: {  	v28 =	vld [tilespmem:s16+$0xFFFFFFC0]  }
0x318: {  	v29 =	vld [tilespmem:s31+$0xFFFFFFC0]  }
0x319: {  	v30 =	vld [tilespmem:s16+$0xFFFFFFD0]  }
0x31a: {  	v31 =	vld [tilespmem:s31+$0xFFFFFFD0]  }
0x31b: {  	v32 =	vld [tilespmem:s16+$0xFFFFFFE0]  }
0x31c: {  	v33 =	vld [tilespmem:s31+$0xFFFFFFE0]  }
0x31d: {  	v34 =	vld [tilespmem:s16+$0xFFFFFFF0]  }
0x31e: {  	v35 =	vld [tilespmem:s31+$0xFFFFFFF0]  }
0x31f: {  	v36 =	vld [tilespmem:s16+$0x0]  }
0x320: {  	v37 =	vld [tilespmem:s31+$0x0]  }
0x321: {  	v38 =	vld [tilespmem:s16+$0x10]  }
0x322: {  	v39 =	vld [tilespmem:s31+$0x10]  }
0x323: {  	v40 =	vld [tilespmem:s16+$0x20]  }
0x324: {  	v41 =	vld [tilespmem:s31+$0x20]  }
0x325: {  	v42 =	vld [tilespmem:s16+$0x30]  }
0x326: {  	v43 =	vld [tilespmem:s31+$0x30]  }
0x327: {  	v44 =	vld [tilespmem:s16+$0x40]  }
0x328: {  	v4 =	vmul.f32 v4, v5;
	v5 =	vmul.f32 v7, v6;
	v45 =	vld [tilespmem:s31+$0x40]  }
0x329: {  	v6 =	vmul.f32 v9, v8;
	v7 =	vmul.f32 v11, v10;
	v46 =	vld [tilespmem:s16+$0x50]  }
0x32a: {  	v10 =	vadd.f32 v5, v4;
	v5 =	vmul.f32 v13, v12;
	v8 =	vmul.f32 v15, v14;
	v47 =	vld [tilespmem:s31+$0x50]  }
0x32b: {  	v6 =	vadd.f32 v7, v6;
	v7 =	vmul.f32 v17, v16;
	v9 =	vmul.f32 v19, v18;
	v4 =	vld [tilespmem:s16+$0x60]  }
0x32c: {  	v11 =	vadd.f32 v8, v5;
	v5 =	vld [tilespmem:s31+$0x60]  }
0x32d: {  	v13 =	vperm.xlane v10, v0;
	v14 =	vperm.xlane v6, v0;
	v12 =	vadd.f32 v9, v7;
	v7 =	vld [tilespmem:s16+$0x70]  }
0x32e: {  	v15 =	vperm.xlane v11, v0;
	v8 =	vld [tilespmem:s31+$0x70]  }
0x32f: {  	v16 =	vadd.f32 v13, v10;
	v6 =	vadd.f32 v14, v6;
	v14 =	vperm.xlane v12, v0;
	v9 =	vld [tilespmem:s16+$0x80]  }
0x330: {  	v17 =	vmul.f32 v21, v20;
	v11 =	vadd.f32 v15, v11;
	v18 =	vmul.f32 v23, v22;
	v10 =	vld [tilespmem:s31+$0x80]  }
0x331: {  	v15 =	vmul.f32 v25, v24;
	v12 =	vadd.f32 v14, v12;
	v19 =	vmul.f32 v27, v26;
	v13 =	vld [tilespmem:s16+$0x90]  }
0x332: {  	v6 =	vsel vm0, v16, v6;
	v14 =	vld [tilespmem:s31+$0x90]  }
0x333: {  	v20 =	vadd.f32 v18, v17;
	v11 =	vsel vm0, v11, v12;
	v21 =	vadd.f32 v19, v15;
	v15 =	vld [tilespmem:s16+$0xA0]  }
0x334: {  	v12 =	vperm.xlane v6, v1;
	v23 =	vperm.xlane v11, v1;
	v16 =	vld [tilespmem:s31+$0xA0]  }
0x335: {  	v22 =	vperm.xlane v20, v0;
	v24 =	vperm.xlane v21, v0;
	v17 =	vld [tilespmem:s16+$0xB0]  }
0x336: {  	v25 =	vmul.f32 v29, v28;
	v26 =	vmul.f32 v31, v30;
	v18 =	vld [tilespmem:s31+$0xB0]  }
0x337: {  	v29 =	vadd.f32 v22, v20;
	v27 =	vmul.f32 v33, v32;
	v28 =	vmul.f32 v35, v34;
	v19 =	vld [tilespmem:s16+$0xC0]  }
0x338: {  	v24 =	vadd.f32 v24, v21;
	v30 =	vmul.f32 v37, v36;
	v31 =	vmul.f32 v39, v38;
	v20 =	vld [tilespmem:s31+$0xC0]  }
0x339: {  	v6 =	vadd.f32 v12, v6;
	v32 =	vmul.f32 v41, v40;
	v33 =	vmul.f32 v43, v42;
	v21 =	vld [tilespmem:s16+$0xD0]  }
.Ltmp3:
0x33a: {  	v12 =	vsel vm0, v29, v24;
	v36 =	vadd.f32 v26, v25;
	v28 =	vadd.f32 v28, v27;
	v22 =	vld [tilespmem:s31+$0xD0];
	(pc) =	sbr.rel @p0 .LBB2_5-.Ltmp3, $4  }
0x33b: {  	v29 =	vadd.f32 v31, v30;
	v30 =	vperm.xlane v12, v1;
	v26 =	vadd.f32 v33, v32;
	v24 =	vld [tilespmem:s16+$0xE0]  }
0x33c: {  	v11 =	vadd.f32 v23, v11;
	v37 =	vperm.xlane v36, v0;
	v33 =	vperm.xlane v28, v0;
	v25 =	vld [tilespmem:s31+$0xE0]  }
0x33d: {  	v34 =	vperm.xlane v29, v0;
	v12 =	vadd.f32 v30, v12;
	v31 =	vperm.xlane v26, v0;
	v27 =	vld [tilespmem:s16+$0xF0]  }
0x33e: {  	s19 =	sadd.s32 $0x1, s19;
	v23 =	vadd.f32 v37, v36;
	v32 =	vmul.f32 v45, v44;
	v35 =	vmul.f32 v47, v46;
	v30 =	vld [tilespmem:s31+$0xF0]  }
0x33f: {  	v4 =	vmul.f32 v5, v4  }
0x340: {  	v5 =	vmul.f32 v8, v7;
	v36 =	vmul.f32 v10, v9  }
0x341: {  	v33 =	vadd.f32 v33, v28;
	v37 =	vmul.f32 v14, v13;
	v39 =	vmul.f32 v16, v15  }
0x342: {  	v38 =	vadd.f32 v34, v29;
	v40 =	vmul.f32 v18, v17;
	v43 =	vmul.f32 v20, v19  }
0x343: {  	v44 =	vmul.f32 v22, v21;
	v42 =	vadd.f32 v35, v32;
	v4 =	vadd.f32 v5, v4  }
0x344: {  	v5 =	vmul.f32 v25, v24;
	v8 =	vadd.f32 v37, v36;
	v45 =	vmul.f32 v30, v27  }
0x345: {  	v46 =	vadd.f32 v40, v39;
	v48 =	vadd.f32 v44, v43;
	v47 =	vperm.xlane v42, v0  }
0x346: {  	v49 =	vperm.xlane v4, v0;
	v50 =	vperm.xlane v8, v0;
	v5 =	vadd.f32 v45, v5  }
0x347: {  	v41 =	vadd.f32 v31, v26;
	v51 =	vperm.xlane v46, v0;
	v52 =	vperm.xlane v48, v0  }
0x348: {  	v13 =	vadd.f32 v47, v42;
	v4 =	vadd.f32 v49, v4;
	v19 =	vperm.xlane v5, v0  }
0x349: {  	v7 =	vsel vm0, v23, v33;
	v8 =	vadd.f32 v50, v8;
	v9 =	vadd.f32 v51, v46  }
0x34a: {  	v10 =	vsel vm0, v38, v41;
	v14 =	vadd.f32 v52, v48;
	v5 =	vadd.f32 v19, v5  }
0x34b: {  	v53 =	vperm.xlane v7, v1;
	v15 =	vperm.xlane v10, v1;
	v4 =	vsel vm0, v13, v4  }
0x34c: {  	v8 =	vsel vm0, v8, v9;
	v54 =	vperm.xlane v4, v1;
	v5 =	vsel vm0, v14, v5  }
0x34d: {  	v7 =	vadd.f32 v53, v7;
	v55 =	vperm.xlane v8, v1;
	v14 =	vperm.xlane v5, v1  }
0x34e: {  	v10 =	vadd.f32 v15, v10;
	v4 =	vadd.f32 v54, v4  }
0x34f: {  	v6 =	vsel vm1, v6, v11;
	v8 =	vadd.f32 v55, v8;
	v5 =	vadd.f32 v14, v5  }
0x350: {  	s9 =	sshll.u32 s18, $0x4;
	v56 =	vperm.xlane v6, v2;
	v7 =	vsel vm1, v12, v7  }
0x351: {  	s11 =	sadd.s32 $0x10, s24;
	s10 =	sand.u32 $0xFFFFFF80, s9;
	v57 =	vperm.xlane v7, v2;
	v4 =	vsel vm1, v10, v4;
	v5 =	vsel vm1, v8, v5  }
0x352: {  	s11 =	sand.u32 $0x70, s11;
	s10 =	sadd.s32 s22, s10;
	v10 =	vperm.xlane v4, v2;
	v58 =	vperm.xlane v5, v2  }
0x353: {  	v6 =	vadd.f32 v56, v6;
	s10 =	sor.u32 s11, s10;
	v7 =	vadd.f32 v57, v7  }
0x354: {  	v59 =	vld [tilespmem:s10+$0x6400];
	v4 =	vadd.f32 v10, v4;
	v5 =	vadd.f32 v58, v5  }
0x355: {  	v60 =	vld [tilespmem:s10+$0x0]  }
0x356: {  	s26 =	sadd.s32 $0x10, s26;
	v6 =	vsel vm2, v6, v7;
	v4 =	vsel vm2, v4, v5  }
0x357: {  	v62 =	vld [tilespmem:s26+$0x0];
	v5 =	vperm.xlane v6, v3;
	v61 =	vperm.xlane v4, v3  }
0x358: {  	s31 =	sadd.s32 $0x10, s29  }
0x359: {  	v63 =	vld [tilespmem:s31+$0x0];
	v5 =	vadd.f32 v5, v6;
	v4 =	vadd.f32 v61, v4  }
0x35a: {  	vm4 =	vne.s32 v60, $0x0;
	vm5 =	vne.s32 v59, $0x0  }
0x35b: {  	vm6 =	vmand vm4, vm5;
	v4 =	vsel vm3, v5, v4  }
0x35c: {  	v5 =	vnsel vm4, $0x0, v62;
	v4 =	vnsel vm6, $0x0, v4  }
0x35d: {  	v4 =	vadd.f32 v4, v5  }
0x35e: {  	v5 =	vnsel vm5, $0x0, v63  }
0x35f: {  	v4 =	vadd.f32 v4, v5;
	_ =	sdelay $0x1  }
0x360: {  	v4 =	vsub.f32 $0.0e+00, v4;
	_ =	sdelay $0x1  }
0x361: {  	v4 =	vmul.f32 $1.442695020e+00, v4;
	_ =	sdelay $0x1  }
0x362: {  	(erf) = vpow2.f32 v4;
	_ =	sdelay $0x8  }
0x363: {  	v4 =	vpop (erf)  }
0x364: {  	v4 =	vadd.f32 $1.000000000e+00, v4;
	_ =	sdelay $0x1  }
0x365: {  	(erf) = vrcp.f32 v4;
	_ =	sdelay $0x6  }
.Ltmp4:
0x366: {  	s2 =	sshll.u32 s2, $0xE;
	(pc) =	sbr.rel @p1 .LBB2_8-.Ltmp4, $4  }
0x367: {  	s9 =	sand.u32 $0x3FFFFF80, s9;
	s2 =	sor.u32 s3, s2  }
0x368: {  	s9 =	sor.u32 s11, s9;
	s2 =	sshrl.u32 s2, $0x3;
	v4 =	vpop (erf)  }
0x369: {  	s2 =	sadd.s32 s8, s2;
	[tilespmem:s9+$0x1D200] =	vst v4  }
0x36a: {  	[hbm4b:s2+s12] =	stream.strided.scatter [tilespmem:s20], [sflag:$0x4], $0x200, s13, s12, $0x38;
	[tilespmem:$0x1D400] =	vst v63  }
0x36b: {  	s2 =	sadd.s32 $0x600, s17;
	s9 =	simm.s32 $0x14E00  }
0x36c: {  	[tilespmem:s9], [sflag:$0x2] =	stream.indirect.gather [hbm4b:s4+s12], $0x20, s2, s12, $0xb8;
	[tilespmem:$0x1D400] =	vst v63  }
0x36d: {  	s18 =	sadd.s32 $0x6A00, s17;
	s10 =	simm.s32 $0x18E00  }
0x36e: {  	[tilespmem:s10], [sflag:$0x2] =	stream.indirect.gather [hbm4b:s5+s12], $0x20, s18, s12, $0xb8;
	[tilespmem:$0x1D400] =	vst v63  }
0x36f: {  	s19 =	simm.s32 $0x1CE00  }
0x370: {  	[tilespmem:s19], [sflag:$0x2] =	stream.indirect.gather [hbm4b:s6+s12], $0x1, s2, s12, $0xb8;
	[tilespmem:$0x1D400] =	vst v63  }
0x371: {  	s22 =	simm.s32 $0x1D000  }
0x372: {  	[tilespmem:s22], [sflag:$0x2] =	stream.indirect.gather [hbm4b:s7+s12], $0x1, s18, s12, $0xb8;
	[tilespmem:$0x1D400] =	vst v63  }
0x373: {  	s24 =	sadd.s32 $0x680, s17;
	s26 =	simm.s32 $0x15E00  }
0x374: {  	[tilespmem:s26], [sflag:$0x2] =	stream.indirect.gather [hbm4b:s4+s12], $0x20, s24, s12, $0xb8;
	[tilespmem:$0x1D400] =	vst v63  }
0x375: {  	s29 =	sadd.s32 $0x6A80, s17;
	s31 =	simm.s32 $0x19E00  }
0x376: {  	[tilespmem:s31], [sflag:$0x2] =	stream.indirect.gather [hbm4b:s5+s12], $0x20, s29, s12, $0xb8;
	[tilespmem:$0x1D400] =	vst v63  }
0x377: {  	s11 =	simm.s32 $0x1CE80  }
0x378: {  	[tilespmem:s11], [sflag:$0x2] =	stream.indirect.gather [hbm4b:s6+s12], $0x1, s24, s12, $0xb8;
	[tilespmem:$0x1D400] =	vst v63  }
0x379: {  	s16 =	simm.s32 $0x1D080  }
0x37a: {  	[tilespmem:s16], [sflag:$0x2] =	stream.indirect.gather [hbm4b:s7+s12], $0x1, s29, s12, $0xb8;
	[tilespmem:$0x1D400] =	vst v63  }
0x37b: {  	s19 =	simm.s32 $0x16E00;
	s18 =	sadd.s32 $0x700, s17  }
0x37c: {  	[tilespmem:s19], [sflag:$0x2] =	stream.indirect.gather [hbm4b:s4+s12], $0x20, s18, s12, $0xb8;
	[tilespmem:$0x1D400] =	vst v63  }
0x37d: {  	s22 =	sadd.s32 $0x6B00, s17;
	s24 =	simm.s32 $0x1AE00  }
0x37e: {  	[tilespmem:s24], [sflag:$0x2] =	stream.indirect.gather [hbm4b:s5+s12], $0x20, s22, s12, $0xb8;
	[tilespmem:$0x1D400] =	vst v63  }
0x37f: {  	s26 =	simm.s32 $0x1CF00  }
0x380: {  	[tilespmem:s26], [sflag:$0x2] =	stream.indirect.gather [hbm4b:s6+s12], $0x1, s18, s12, $0xb8;
	[tilespmem:$0x1D400] =	vst v63  }
0x381: {  	_ = 	snop  }
0x382: {  	[tilespmem:s28], [sflag:$0x2] =	stream.indirect.gather [hbm4b:s7+s12], $0x1, s22, s12, $0xb8;
	[tilespmem:$0x1D400] =	vst v63  }
0x383: {  	s29 =	sadd.s32 $0x780, s17  }
0x384: {  	[tilespmem:s15], [sflag:$0x2] =	stream.indirect.gather [hbm4b:s4+s12], $0x20, s29, s12, $0xb8;
	[tilespmem:$0x1D400] =	vst v63  }
0x385: {  	s31 =	sadd.s32 $0x6B80, s17  }
0x386: {  	[tilespmem:s23], [sflag:$0x2] =	stream.indirect.gather [hbm4b:s5+s12], $0x20, s31, s12, $0xb8;
	[tilespmem:$0x1D400] =	vst v63  }
.Ltmp5:
0x387: {  	_ = 	snop;
	(pc) =	sbr.rel .LBB2_2-.Ltmp5, $4  }
0x388: {  	_ = 	snop  }
0x389: {  	[tilespmem:s30], [sflag:$0x2] =	stream.indirect.gather [hbm4b:s6+s12], $0x1, s29, s12, $0xb8;
	[tilespmem:$0x1D400] =	vst v63  }
0x38a: {  	s14 =	sadd.s32 $0x1, s14  }
0x38b: {  	[tilespmem:s0], [sflag:$0x2] =	stream.indirect.gather [hbm4b:s7+s12], $0x1, s31, s12, $0xb8;
	[tilespmem:$0x1D400] =	vst v63  }
.LBB2_9:
0x38c: {  	_ =	sfence.sel $0x180000  }
0x38d: {  	[bflag:$0x0] =	sbarrier.arrive $0xFFFF  }
0x38e: {  	_ =	strace $0x90000047  }
0x38f: {  	s0 =	stileid.u32;
	[bflag:$0x2] =	sbarrier.arrive $0xFFFF  }
0x390: {  	p0 =	sne.s32 s0, $0x0;
	s0 =	rddreg [dreg:$0x2]  }
0x391: {  	s0 =	sadd.s32 @!p0 $0x100000, s0  }
0x392: {  	[sflag:s0] =	ssyncadd.tile.s32 @!p0 $0x1;
	_ =	shalt  }
.Lfunc_end2:
_tile_overlayer_lowered:
.L_overlay_start_2:
0x393: {  	(tag) =	ssettag $0x2  }
0x394: {  	s0 =	rddreg [dreg:$0x0];
	s2 =	stileid.u32  }
0x395: {  	s1 =	rddreg [dreg:$0x1];
	p0 =	sne.s32 s2, $0x0  }
0x396: {  	s3 =	rddreg [dreg:$0x2];
	[bflag:$0x3] =	sbarrier.arrive $0xFFFF;
	s2 =	simm.s32 @!p0 $0x1C05  }
0x397: {  	[timem:s3], [sflag:s2] =	dma.local @!p0 [hbm:s0], s1  }
0x398: {  	s0 =	simm.s32 @!p0 $0x5  }
0x399: {  	_ =	swait.ge @!p0 [sflag:s0], s1  }
0x39a: {  	s1 =	ssub.s32 @!p0 $0x0, s1;
	[sflag:s0] =	ssyncset.done @!p0 $0x0  }
0x39b: {  	[sflag:s0] =	ssyncadd.s32 @!p0 s1  }
0x39c: {  	[bflag:$0x3] =	sbarrier.arrive $0xFFFF  }
0x39d: {  	_ =	shalt  }

</sc_bundles>
